<compile_context>
chip_gen: v7x
topology: tpu7x:2x2x1
jax: 0.10.2.dev20260603
libtpu: 0.0.44.dev20260713+nightly
codegen_flags: <defaults>
</compile_context>

<pallas_src>
import functools

import jax
import jax.numpy as jnp
from jax import lax
from jax.experimental import pallas as pl
from jax.experimental.pallas import tpu as pltpu
from jax.experimental.pallas import tpu_sc as plsc

NC = 2
NS = 16
NW = NC * NS
C = 128
NB = 5

_mesh = functools.partial(
    plsc.VectorSubcoreMesh, core_axis_name="c", subcore_axis_name="s")


def _pad_rows(n):
    blk = NS * C
    return ((n + blk - 1) // blk) * blk


def _zero_fill(ref, nrows, ncols):
    zero16 = jnp.zeros((16,), jnp.float32)

    def body(i, carry):
        for c in range(ncols // 16):
            ref[i, pl.ds(c * 16, 16)] = zero16
        return carry

    lax.fori_loop(0, nrows, body, 0)


@functools.lru_cache(maxsize=None)
def _deg_kernel(N, E):
    NP = _pad_rows(N)
    NCH = E // (NW * C)
    DB = NCH // NB
    RPT = NP // NS

    @functools.partial(
        pl.kernel,
        out_type=jax.ShapeDtypeStruct((NC, NP, 128), jnp.float32),
        mesh=_mesh(),
        scratch_types=[
            pltpu.VMEM((DB, C), jnp.int32),
            pltpu.VMEM((C, 128), jnp.float32),
            pltpu.VMEM((C, 128), jnp.float32),
            pltpu.VMEM_SHARED((NP, 128), jnp.float32),
        ],
    )
    def k(dst_hbm, out_hbm, dst_v, ones_v, zb_v, acc_sh):
        cid = lax.axis_index("c")
        sid = lax.axis_index("s")
        wid = cid * NS + sid
        _zero_fill(zb_v, C, 128)
        one16 = jnp.ones((16,), jnp.float32)

        def fill_ones(i, carry):
            for cc in range(8):
                ones_v[i, pl.ds(cc * 16, 16)] = one16
            return carry

        lax.fori_loop(0, C, fill_ones, 0)
        row0 = sid * RPT
        for kk in range(RPT // C):
            pltpu.sync_copy(zb_v, acc_sh.at[pl.ds(row0 + kk * C, C)])
        plsc.subcore_barrier()

        def inner(jj, b):
            pltpu.sync_copy(ones_v, acc_sh.at[dst_v.at[jj]], add=True)
            return b

        def outer(b, carry):
            pltpu.sync_copy(dst_hbm.at[wid, b], dst_v)
            lax.fori_loop(0, DB, inner, b)
            return carry

        lax.fori_loop(0, NB, outer, 0)
        plsc.subcore_barrier()
        pltpu.sync_copy(acc_sh.at[pl.ds(row0, RPT)],
                        out_hbm.at[cid, pl.ds(row0, RPT)])

    return k


@functools.lru_cache(maxsize=None)
def _attr_kernel(N, E, DE):
    NP = _pad_rows(N)
    NCH = E // (NW * C)
    DB = NCH // NB
    EPW = E // NW
    RPT = NP // NS
    DE2 = 2 * DE

    @functools.partial(
        pl.kernel,
        out_type=jax.ShapeDtypeStruct((NC, NP, 128), jnp.float32),
        mesh=_mesh(),
        scratch_types=[
            pltpu.VMEM((DB, C), jnp.int32),
            pltpu.VMEM((DB, C), jnp.int32),
            pltpu.VMEM((C, DE), jnp.float32),
            pltpu.VMEM((C, 128), jnp.float32),
            pltpu.VMEM((N + 16,), jnp.float32),
            pltpu.VMEM_SHARED((NP, 128), jnp.float32),
        ],
    )
    def k(src_hbm, dst_hbm, ea_hbm, dinv_hbm, t_out,
          src_v, dst_v, ea_v, dv_v, dinv_v, tacc):
        cid = lax.axis_index("c")
        sid = lax.axis_index("s")
        wid = cid * NS + sid
        pltpu.sync_copy(dinv_hbm, dinv_v.at[pl.ds(0, N)])
        _zero_fill(dv_v, C, 128)
        row0 = sid * RPT
        for kk in range(RPT // C):
            pltpu.sync_copy(dv_v, tacc.at[pl.ds(row0 + kk * C, C)])
        plsc.subcore_barrier()

        def grp_body(g, jj):
            src16 = src_v[jj, pl.ds(g * 16, 16)]
            for t in range(16):
                v = dinv_v[pl.ds(src16[t], 16)]
                d16 = jnp.full((16,), v[0], jnp.float32)
                e = g * 16 + t
                dv_v[e, pl.ds(0, DE)] = ea_v[e, :] * d16
                dv_v[e, pl.ds(DE, DE)] = d16
            return jj

        def inner(jj, b):
            j = b * DB + jj
            base_e = (wid * NCH + j) * C
            pltpu.sync_copy(ea_hbm.at[pl.ds(base_e, C)], ea_v)
            lax.fori_loop(0, C // 16, grp_body, jj)
            pltpu.sync_copy(dv_v, tacc.at[dst_v.at[jj]], add=True)
            return b

        def outer(b, carry):
            pltpu.sync_copy(src_hbm.at[wid, b], src_v)
            pltpu.sync_copy(dst_hbm.at[wid, b], dst_v)
            lax.fori_loop(0, DB, inner, b)
            return carry

        lax.fori_loop(0, NB, outer, 0)
        plsc.subcore_barrier()
        pltpu.sync_copy(tacc.at[pl.ds(row0, RPT)],
                        t_out.at[cid, pl.ds(row0, RPT)])

    return k


@functools.lru_cache(maxsize=None)
def _gather_kernel(N, E, DN):
    NP = _pad_rows(N)
    NCH = E // (NW * C)
    DB = NCH // NB
    EPW = E // NW
    RPT = NP // NS

    @functools.partial(
        pl.kernel,
        out_type=jax.ShapeDtypeStruct((NC, NP, DN), jnp.float32),
        mesh=_mesh(),
        scratch_types=[
            pltpu.VMEM((NCH, C), jnp.int32),
            pltpu.VMEM((DB, C), jnp.int32),
            pltpu.VMEM((C, DN), jnp.float32),
            pltpu.VMEM((C, DN), jnp.float32),
            pltpu.VMEM_SHARED((NP, DN), jnp.float32),
            pltpu.SemaphoreType.DMA,
            pltpu.SemaphoreType.DMA,
        ],
    )
    def k(src_hbm, dst_hbm, hd_hbm, s_out,
          src_v, dst_v, rows0_v, rows1_v, sacc, sem0, sem1):
        cid = lax.axis_index("c")
        sid = lax.axis_index("s")
        wid = cid * NS + sid
        pltpu.sync_copy(src_hbm.at[wid], src_v)
        _zero_fill(rows0_v, C, DN)
        row0 = sid * RPT
        for kk in range(RPT // C):
            pltpu.sync_copy(rows0_v, sacc.at[pl.ds(row0 + kk * C, C)])
        plsc.subcore_barrier()

        def g_start(j, buf, sem):
            pltpu.make_async_copy(hd_hbm.at[src_v.at[j]], buf, sem).start()

        def g_wait(buf, sem):
            pltpu.make_async_copy(hd_hbm.at[src_v.at[0]], buf, sem).wait()

        g_start(0, rows0_v, sem0)

        def pair(p, b):
            j = b * DB + 2 * p
            g_start(j + 1, rows1_v, sem1)
            g_wait(rows0_v, sem0)
            pltpu.sync_copy(rows0_v, sacc.at[dst_v.at[2 * p]], add=True)
            g_start(jnp.minimum(j + 2, NCH - 1), rows0_v, sem0)
            g_wait(rows1_v, sem1)
            pltpu.sync_copy(rows1_v, sacc.at[dst_v.at[2 * p + 1]], add=True)
            return b

        def outer(b, carry):
            pltpu.sync_copy(dst_hbm.at[wid, b], dst_v)
            lax.fori_loop(0, DB // 2, pair, b)
            return carry

        lax.fori_loop(0, NB, outer, 0)
        g_wait(rows0_v, sem0)
        plsc.subcore_barrier()
        pltpu.sync_copy(sacc.at[pl.ds(row0, RPT)],
                        s_out.at[cid, pl.ds(row0, RPT)])

    return k


def _prep_body(N, d0, d1, x, dinv1, dinv, hd):
    deg = jnp.maximum(d0[...] + d1[...], 1.0)[:, :1]
    dv = lax.rsqrt(deg)
    dinv1[...] = jnp.squeeze(dv[:N], axis=1)
    dinv[...] = dv
    hd[...] = dv[:N] * x[...]


def _mm_body(DE, S_in, T_in, dinv, W, We, b, be, z_ref):
    S = S_in[...]
    Tm = T_in[...]
    hp = lax.Precision.HIGHEST
    z_ref[...] = dinv[...] * (
        jnp.dot(S, W[...], preferred_element_type=jnp.float32, precision=hp)
        + jnp.dot(Tm[:, :DE], We[...],
                  preferred_element_type=jnp.float32, precision=hp)
        + Tm[:, DE:DE + 1] * (b[...] + be[...]))


def _bn_body(N, relu, out_hd, z, dinv, g, beta, *outs):
    zz = z[...][:N]
    mu = jnp.mean(zz, axis=0, keepdims=True)
    cen = zz - mu
    var = jnp.mean(cen * cen, axis=0, keepdims=True)
    h = g[...] * cen * lax.rsqrt(var + 1e-5) + beta[...]
    if relu:
        h = jnp.maximum(h, 0.0)
    outs[0][...] = h
    if out_hd:
        outs[1][...] = dinv[...][:N] * h


def kernel(x, edge_index, edge_attr, W0, b0, We0, be0, g0, beta0,
           W1, b1, We1, be1, g1, beta1):
    N, DN = x.shape
    E, DE = edge_attr.shape
    H = W0.shape[1]
    f32 = jnp.float32
    NPad = _pad_rows(N)

    blk = NW * NB * C
    EP = ((E + blk - 1) // blk) * blk
    npad_e = EP - E
    i32 = jnp.int32
    src_p = jnp.concatenate([edge_index[0], jnp.zeros((npad_e,), i32)])
    dst_p = jnp.concatenate([edge_index[1], jnp.full((npad_e,), N, i32)])
    ea_p = jnp.concatenate([edge_attr, jnp.zeros((npad_e, DE), f32)])
    NCH = EP // (NW * C)
    DB = NCH // NB

    src3 = src_p.reshape(NW, NCH, C)
    src4 = src_p.reshape(NW, NB, DB, C)
    dst4 = dst_p.reshape(NW, NB, DB, C)

    degp = _deg_kernel(N, EP)(dst4)

    dinv1, dinvP, hd0 = pl.pallas_call(
        functools.partial(_prep_body, N),
        out_shape=[jax.ShapeDtypeStruct((N,), f32),
                   jax.ShapeDtypeStruct((NPad, 1), f32),
                   jax.ShapeDtypeStruct((N, DN), f32)],
    )(degp[0], degp[1], x)

    tp = _attr_kernel(N, EP, DE)(src4, dst4, ea_p, dinv1)
    s0p = _gather_kernel(N, EP, DN)(src3, dst4, hd0)

    r2 = lambda v: v.reshape(1, H)
    GB = 8
    BM = NPad // GB

    def dense(relu, out_hd, sp_, tp_, Wl, Wel, bl, bel, gl, betal):
        S_in = sp_[0] + sp_[1]
        T_in = tp_[0] + tp_[1]
        bm = lambda i: (i, 0)
        z0 = lambda i: (0, 0)
        Z = pl.pallas_call(
            functools.partial(_mm_body, DE),
            grid=(GB,),
            in_specs=[pl.BlockSpec((BM, DN), bm),
                      pl.BlockSpec((BM, 128), bm),
                      pl.BlockSpec((BM, 1), bm),
                      pl.BlockSpec((DN, H), z0),
                      pl.BlockSpec((DE, H), z0),
                      pl.BlockSpec((1, H), z0),
                      pl.BlockSpec((1, H), z0)],
            out_specs=pl.BlockSpec((BM, H), bm),
            out_shape=jax.ShapeDtypeStruct((NPad, H), f32),
        )(S_in, T_in, dinvP, Wl, Wel, r2(bl), r2(bel))
        shapes = [jax.ShapeDtypeStruct((N, H), f32)]
        if out_hd:
            shapes.append(jax.ShapeDtypeStruct((N, H), f32))
        return pl.pallas_call(
            functools.partial(_bn_body, N, relu, out_hd),
            out_shape=shapes,
        )(Z, dinvP, r2(gl), r2(betal))

    h1, hd1 = dense(True, True, s0p, tp, W0, We0, b0, be0, g0, beta0)
    s1p = _gather_kernel(N, EP, H)(src3, dst4, hd1)
    (h2,) = dense(False, False, s1p, tp, W1, We1, b1, be1, g1, beta1)
    return h2

# --- scband reference (transcript-rebuilt; emitter-appended) ---
"""Pipeline reference for scband-gnn-85220741087621 (READ-ONLY COPY).

The authoritative reference and input builder live on the scoring server;
editing this copy changes nothing except your own understanding.
"""

import jax, jax.numpy as jnp
import numpy as np

N = 10000
E = 320000
D_NODE = 128
D_EDGE = 16
H = 128
NUM_LAYERS = 2

def setup_inputs(seed: int = 0) -> dict:
    key = jax.random.key(seed)
    ks = jax.random.split(key, 3 + 6 * NUM_LAYERS)
    inp = {}
    inp["x"] = jax.random.normal(ks[0], (N, D_NODE), dtype=jnp.float32)
    inp["edge_index"] = jax.random.randint(ks[1], (2, E), 0, N, dtype=jnp.int32)
    inp["edge_attr"] = jax.random.normal(ks[2], (E, D_EDGE), dtype=jnp.float32)
    in_dims = [D_NODE] + [H] * (NUM_LAYERS - 1)
    for l in range(NUM_LAYERS):
        base = 3 + 6 * l
        inp[f"W{l}"] = jax.random.normal(ks[base], (in_dims[l], H), dtype=jnp.float32) * (1.0 / np.sqrt(in_dims[l]))
        inp[f"b{l}"] = jnp.zeros((H,), dtype=jnp.float32)
        inp[f"We{l}"] = jax.random.normal(ks[base + 2], (D_EDGE, H), dtype=jnp.float32) * (1.0 / np.sqrt(D_EDGE))
        inp[f"be{l}"] = jnp.zeros((H,), dtype=jnp.float32)
        inp[f"g{l}"] = jnp.ones((H,), dtype=jnp.float32)
        inp[f"beta{l}"] = jnp.zeros((H,), dtype=jnp.float32)
    return inp

def _gcn_forward(x, edge_attr, params, edge_index):
    # GCN-style message passing with edge features (pretrain-gnns style):
    # message = norm * (W x_src + W_e e), aggregated by sum at dst, then BatchNorm (batch stats).
    n = x.shape[0]
    src = edge_index[0]
    dst = edge_index[1]
    deg = jax.ops.segment_sum(jnp.ones(dst.shape[0], dtype=x.dtype), dst, num_segments=n)
    deg = jnp.maximum(deg, 1.0)
    dinv = deg ** -0.5
    norm = dinv[src] * dinv[dst]
    h = x
    L = len(params)
    for l, (W, b, We, be, g, beta) in enumerate(params):
        xt = h @ W + b
        e = edge_attr @ We + be
        msg = norm[:, None] * (jnp.take(xt, src, axis=0) + e)
        agg = jax.ops.segment_sum(msg, dst, num_segments=n)
        mu = jnp.mean(agg, axis=0)
        var = jnp.var(agg, axis=0)
        hbn = g * (agg - mu) / jnp.sqrt(var + 1e-5) + beta
        # dropout p=0 -> identity; relu between layers, last layer no relu (JK='last')
        if l < L - 1:
            hbn = jax.nn.relu(hbn)
        h = hbn
    return h

def reference(x, edge_index, edge_attr, W0, b0, We0, be0, g0, beta0, W1, b1, We1, be1, g1, beta1):
    params = [(W0, b0, We0, be0, g0, beta0), (W1, b1, We1, be1, g1, beta1)]
    return _gcn_forward(x, edge_attr, params, edge_index)

if __name__ == "__main__":
    import jax
    _d = setup_inputs()
    print(jax.jit(kernel)(*tuple(_d.values())))

</pallas_src>

<mosaic_0001>
#map = affine_map<(d0, d1) -> (0, 0, 0)>
#map1 = affine_map<(d0, d1) -> (0, 0, 0, 0)>
#map2 = affine_map<(d0, d1) -> (0, 0)>
module attributes {stable_mosaic.version = 14 : i64} {
  func.func @k(%arg0: i32, %arg1: i32, %arg2: memref<32x80x128xi32, #tpu.memory_space<hbm>>, %arg3: memref<32x5x16x128xi32, #tpu.memory_space<hbm>>, %arg4: memref<10000x128xf32, #tpu.memory_space<hbm>>, %arg5: memref<2x10240x128xf32, #tpu.memory_space<hbm>>, %arg6: memref<80x128xi32, #tpu.memory_space<vmem>>, %arg7: memref<16x128xi32, #tpu.memory_space<vmem>>, %arg8: memref<128x128xf32, #tpu.memory_space<vmem>>, %arg9: memref<128x128xf32, #tpu.memory_space<vmem>>, %arg10: memref<10240x128xf32, #tpu.memory_space<vmem_shared>>, %arg11: memref<!tpu.dma_semaphore, #tpu.memory_space<semaphore_mem>>, %arg12: memref<!tpu.dma_semaphore, #tpu.memory_space<semaphore_mem>>) attributes {dimension_semantics = [#tpu.dimension_semantics<core_parallel>, #tpu.dimension_semantics<subcore_parallel>], iteration_bounds = array<i64: 2, 16>, scalar_prefetch = 0 : i64, scratch_operands = 7 : i64, tpu.core_type = #tpu.core_type<sc_vector_subcore>, window_params = [{transform_indices = #map}, {transform_indices = #map1}, {transform_indices = #map2}, {transform_indices = #map}]} {
    %mul3A = arith.constant 16 : i32
    %mul3A_0 = arith.muli %arg0, %mul3A : i32
    %add3A = arith.addi %mul3A_0, %arg1 : i32
    "tpu.region"() ({
      %run_scoped3A = tpu.sem_alloc : memref<!tpu.dma_semaphore, #tpu.memory_space<semaphore_mem>>
      %dma_start3A_38 = arith.constant 0 : i32
      %dma_start3A_39 = arith.constant 0 : i32
      %dma_start3A_40 = tpu.memref_slice %arg2[%add3A, %dma_start3A_38, %dma_start3A_39] : memref<32x80x128xi32, #tpu.memory_space<hbm>> -> memref<1x80x128xi32, #tpu.memory_space<hbm>>
      %dma_start3A_41 = tpu.memref_squeeze %dma_start3A_40 : memref<1x80x128xi32, #tpu.memory_space<hbm>> -> memref<80x128xi32, #tpu.memory_space<hbm>>
      %dma_start3A_42 = arith.constant 0 : i32
      %dma_start3A_43 = arith.constant 0 : i32
      %dma_start3A_44 = tpu.memref_slice %arg2[%add3A, %dma_start3A_42, %dma_start3A_43] : memref<32x80x128xi32, #tpu.memory_space<hbm>> -> memref<1x80x128xi32, #tpu.memory_space<hbm>>
      %dma_start3A_45 = tpu.memref_squeeze %dma_start3A_44 : memref<1x80x128xi32, #tpu.memory_space<hbm>> -> memref<80x128xi32, #tpu.memory_space<hbm>>
      tpu.enqueue_dma source(%dma_start3A_45 : memref<80x128xi32, #tpu.memory_space<hbm>>) target(%arg6 : memref<80x128xi32, #tpu.memory_space<vmem>>) target_semaphore(%run_scoped3A : memref<!tpu.dma_semaphore, #tpu.memory_space<semaphore_mem>>)
      %dma_wait3A_46 = arith.constant 0 : i32
      %dma_wait3A_47 = arith.constant 0 : i32
      %dma_wait3A_48 = tpu.memref_slice %arg2[%add3A, %dma_wait3A_46, %dma_wait3A_47] : memref<32x80x128xi32, #tpu.memory_space<hbm>> -> memref<1x80x128xi32, #tpu.memory_space<hbm>>
      %dma_wait3A_49 = tpu.memref_squeeze %dma_wait3A_48 : memref<1x80x128xi32, #tpu.memory_space<hbm>> -> memref<80x128xi32, #tpu.memory_space<hbm>>
      %dma_wait3A_50 = arith.constant 0 : i32
      %dma_wait3A_51 = arith.constant 0 : i32
      %dma_wait3A_52 = tpu.memref_slice %arg2[%add3A, %dma_wait3A_50, %dma_wait3A_51] : memref<32x80x128xi32, #tpu.memory_space<hbm>> -> memref<1x80x128xi32, #tpu.memory_space<hbm>>
      %dma_wait3A_53 = tpu.memref_squeeze %dma_wait3A_52 : memref<1x80x128xi32, #tpu.memory_space<hbm>> -> memref<80x128xi32, #tpu.memory_space<hbm>>
      tpu.wait_dma2 semaphore(%run_scoped3A : memref<!tpu.dma_semaphore, #tpu.memory_space<semaphore_mem>>) src(%dma_wait3A_53 : memref<80x128xi32, #tpu.memory_space<hbm>>) dst(%arg6 : memref<80x128xi32, #tpu.memory_space<vmem>>)
      tpu.yield
    }) : () -> ()
    %broadcast_in_dim3A = arith.constant 0.000000e+00 : f32
    %broadcast_in_dim3A_1 = vector.broadcast %broadcast_in_dim3A : f32 to vector<16xf32>
    %scan3A = arith.constant 0 : i32
    %scan3A_2 = arith.constant 0 : i32
    %scan3A_3 = arith.constant 128 : i32
    %scan3A_4 = arith.addi %scan3A_2, %scan3A_3 : i32
    %scan3A_5 = arith.constant 1 : i32
    scf.for %scan3A_38 = %scan3A_2 to %scan3A_4 step %scan3A_5  : i32 {
      %swap3A = arith.index_cast %scan3A_38 : i32 to index
      %swap3A_39 = arith.constant 0 : index
      %swap3A_40 = tpu.vector_load %arg8[%swap3A, %swap3A_39] {strides = array<i32>} : memref<128x128xf32, #tpu.memory_space<vmem>>, vector<1x16xf32>,
      %swap3A_41 = vector.shape_cast %swap3A_40 : vector<1x16xf32> to vector<16xf32>
      %swap3A_42 = vector.shape_cast %broadcast_in_dim3A_1 : vector<16xf32> to vector<1x16xf32>
      tpu.vector_store %arg8[%swap3A, %swap3A_39], %swap3A_42 {strides = array<i32>} : memref<128x128xf32, #tpu.memory_space<vmem>>, vector<1x16xf32>,
      %swap3A_43 = arith.index_cast %scan3A_38 : i32 to index
      %swap3A_44 = arith.constant 16 : index
      %swap3A_45 = tpu.vector_load %arg8[%swap3A_43, %swap3A_44] {strides = array<i32>} : memref<128x128xf32, #tpu.memory_space<vmem>>, vector<1x16xf32>,
      %swap3A_46 = vector.shape_cast %swap3A_45 : vector<1x16xf32> to vector<16xf32>
      %swap3A_47 = vector.shape_cast %broadcast_in_dim3A_1 : vector<16xf32> to vector<1x16xf32>
      tpu.vector_store %arg8[%swap3A_43, %swap3A_44], %swap3A_47 {strides = array<i32>} : memref<128x128xf32, #tpu.memory_space<vmem>>, vector<1x16xf32>,
      %swap3A_48 = arith.index_cast %scan3A_38 : i32 to index
      %swap3A_49 = arith.constant 32 : index
      %swap3A_50 = tpu.vector_load %arg8[%swap3A_48, %swap3A_49] {strides = array<i32>} : memref<128x128xf32, #tpu.memory_space<vmem>>, vector<1x16xf32>,
      %swap3A_51 = vector.shape_cast %swap3A_50 : vector<1x16xf32> to vector<16xf32>
      %swap3A_52 = vector.shape_cast %broadcast_in_dim3A_1 : vector<16xf32> to vector<1x16xf32>
      tpu.vector_store %arg8[%swap3A_48, %swap3A_49], %swap3A_52 {strides = array<i32>} : memref<128x128xf32, #tpu.memory_space<vmem>>, vector<1x16xf32>,
      %swap3A_53 = arith.index_cast %scan3A_38 : i32 to index
      %swap3A_54 = arith.constant 48 : index
      %swap3A_55 = tpu.vector_load %arg8[%swap3A_53, %swap3A_54] {strides = array<i32>} : memref<128x128xf32, #tpu.memory_space<vmem>>, vector<1x16xf32>,
      %swap3A_56 = vector.shape_cast %swap3A_55 : vector<1x16xf32> to vector<16xf32>
      %swap3A_57 = vector.shape_cast %broadcast_in_dim3A_1 : vector<16xf32> to vector<1x16xf32>
      tpu.vector_store %arg8[%swap3A_53, %swap3A_54], %swap3A_57 {strides = array<i32>} : memref<128x128xf32, #tpu.memory_space<vmem>>, vector<1x16xf32>,
      %swap3A_58 = arith.index_cast %scan3A_38 : i32 to index
      %swap3A_59 = arith.constant 64 : index
      %swap3A_60 = tpu.vector_load %arg8[%swap3A_58, %swap3A_59] {strides = array<i32>} : memref<128x128xf32, #tpu.memory_space<vmem>>, vector<1x16xf32>,
      %swap3A_61 = vector.shape_cast %swap3A_60 : vector<1x16xf32> to vector<16xf32>
      %swap3A_62 = vector.shape_cast %broadcast_in_dim3A_1 : vector<16xf32> to vector<1x16xf32>
      tpu.vector_store %arg8[%swap3A_58, %swap3A_59], %swap3A_62 {strides = array<i32>} : memref<128x128xf32, #tpu.memory_space<vmem>>, vector<1x16xf32>,
      %swap3A_63 = arith.index_cast %scan3A_38 : i32 to index
      %swap3A_64 = arith.constant 80 : index
      %swap3A_65 = tpu.vector_load %arg8[%swap3A_63, %swap3A_64] {strides = array<i32>} : memref<128x128xf32, #tpu.memory_space<vmem>>, vector<1x16xf32>,
      %swap3A_66 = vector.shape_cast %swap3A_65 : vector<1x16xf32> to vector<16xf32>
      %swap3A_67 = vector.shape_cast %broadcast_in_dim3A_1 : vector<16xf32> to vector<1x16xf32>
      tpu.vector_store %arg8[%swap3A_63, %swap3A_64], %swap3A_67 {strides = array<i32>} : memref<128x128xf32, #tpu.memory_space<vmem>>, vector<1x16xf32>,
      %swap3A_68 = arith.index_cast %scan3A_38 : i32 to index
      %swap3A_69 = arith.constant 96 : index
      %swap3A_70 = tpu.vector_load %arg8[%swap3A_68, %swap3A_69] {strides = array<i32>} : memref<128x128xf32, #tpu.memory_space<vmem>>, vector<1x16xf32>,
      %swap3A_71 = vector.shape_cast %swap3A_70 : vector<1x16xf32> to vector<16xf32>
      %swap3A_72 = vector.shape_cast %broadcast_in_dim3A_1 : vector<16xf32> to vector<1x16xf32>
      tpu.vector_store %arg8[%swap3A_68, %swap3A_69], %swap3A_72 {strides = array<i32>} : memref<128x128xf32, #tpu.memory_space<vmem>>, vector<1x16xf32>,
      %swap3A_73 = arith.index_cast %scan3A_38 : i32 to index
      %swap3A_74 = arith.constant 112 : index
      %swap3A_75 = tpu.vector_load %arg8[%swap3A_73, %swap3A_74] {strides = array<i32>} : memref<128x128xf32, #tpu.memory_space<vmem>>, vector<1x16xf32>,
      %swap3A_76 = vector.shape_cast %swap3A_75 : vector<1x16xf32> to vector<16xf32>
      %swap3A_77 = vector.shape_cast %broadcast_in_dim3A_1 : vector<16xf32> to vector<1x16xf32>
      tpu.vector_store %arg8[%swap3A_73, %swap3A_74], %swap3A_77 {strides = array<i32>} : memref<128x128xf32, #tpu.memory_space<vmem>>, vector<1x16xf32>,
    }
    %scan3A_6 = arith.constant 128 : i32
    %mul3A_7 = arith.constant 640 : i32
    %mul3A_8 = arith.muli %arg1, %mul3A_7 : i32
    %add3A_9 = arith.constant 0 : i32
    %add3A_10 = arith.addi %mul3A_8, %add3A_9 : i32
    "tpu.region"() ({
      %run_scoped3A = tpu.sem_alloc : memref<!tpu.dma_semaphore, #tpu.memory_space<semaphore_mem>>
      %dma_start3A_38 = arith.constant 0 : i32
      %dma_start3A_39 = tpu.memref_slice %arg10[%add3A_10, %dma_start3A_38] : memref<10240x128xf32, #tpu.memory_space<vmem_shared>> -> memref<128x128xf32, #tpu.memory_space<vmem_shared>>
      %dma_start3A_40 = arith.constant 0 : i32
      %dma_start3A_41 = tpu.memref_slice %arg10[%add3A_10, %dma_start3A_40] : memref<10240x128xf32, #tpu.memory_space<vmem_shared>> -> memref<128x128xf32, #tpu.memory_space<vmem_shared>>
      tpu.enqueue_dma source(%arg8 : memref<128x128xf32, #tpu.memory_space<vmem>>) target(%dma_start3A_41 : memref<128x128xf32, #tpu.memory_space<vmem_shared>>) target_semaphore(%run_scoped3A : memref<!tpu.dma_semaphore, #tpu.memory_space<semaphore_mem>>)
      %dma_wait3A_42 = arith.constant 0 : i32
      %dma_wait3A_43 = tpu.memref_slice %arg10[%add3A_10, %dma_wait3A_42] : memref<10240x128xf32, #tpu.memory_space<vmem_shared>> -> memref<128x128xf32, #tpu.memory_space<vmem_shared>>
      %dma_wait3A_44 = arith.constant 0 : i32
      %dma_wait3A_45 = tpu.memref_slice %arg10[%add3A_10, %dma_wait3A_44] : memref<10240x128xf32, #tpu.memory_space<vmem_shared>> -> memref<128x128xf32, #tpu.memory_space<vmem_shared>>
      tpu.wait_dma2 semaphore(%run_scoped3A : memref<!tpu.dma_semaphore, #tpu.memory_space<semaphore_mem>>) src(%arg8 : memref<128x128xf32, #tpu.memory_space<vmem>>) dst(%dma_wait3A_45 : memref<128x128xf32, #tpu.memory_space<vmem_shared>>)
      tpu.yield
    }) : () -> ()
    %add3A_11 = arith.constant 128 : i32
    %add3A_12 = arith.addi %mul3A_8, %add3A_11 : i32
    "tpu.region"() ({
      %run_scoped3A = tpu.sem_alloc : memref<!tpu.dma_semaphore, #tpu.memory_space<semaphore_mem>>
      %dma_start3A_38 = arith.constant 0 : i32
      %dma_start3A_39 = tpu.memref_slice %arg10[%add3A_12, %dma_start3A_38] : memref<10240x128xf32, #tpu.memory_space<vmem_shared>> -> memref<128x128xf32, #tpu.memory_space<vmem_shared>>
      %dma_start3A_40 = arith.constant 0 : i32
      %dma_start3A_41 = tpu.memref_slice %arg10[%add3A_12, %dma_start3A_40] : memref<10240x128xf32, #tpu.memory_space<vmem_shared>> -> memref<128x128xf32, #tpu.memory_space<vmem_shared>>
      tpu.enqueue_dma source(%arg8 : memref<128x128xf32, #tpu.memory_space<vmem>>) target(%dma_start3A_41 : memref<128x128xf32, #tpu.memory_space<vmem_shared>>) target_semaphore(%run_scoped3A : memref<!tpu.dma_semaphore, #tpu.memory_space<semaphore_mem>>)
      %dma_wait3A_42 = arith.constant 0 : i32
      %dma_wait3A_43 = tpu.memref_slice %arg10[%add3A_12, %dma_wait3A_42] : memref<10240x128xf32, #tpu.memory_space<vmem_shared>> -> memref<128x128xf32, #tpu.memory_space<vmem_shared>>
      %dma_wait3A_44 = arith.constant 0 : i32
      %dma_wait3A_45 = tpu.memref_slice %arg10[%add3A_12, %dma_wait3A_44] : memref<10240x128xf32, #tpu.memory_space<vmem_shared>> -> memref<128x128xf32, #tpu.memory_space<vmem_shared>>
      tpu.wait_dma2 semaphore(%run_scoped3A : memref<!tpu.dma_semaphore, #tpu.memory_space<semaphore_mem>>) src(%arg8 : memref<128x128xf32, #tpu.memory_space<vmem>>) dst(%dma_wait3A_45 : memref<128x128xf32, #tpu.memory_space<vmem_shared>>)
      tpu.yield
    }) : () -> ()
    %add3A_13 = arith.constant 256 : i32
    %add3A_14 = arith.addi %mul3A_8, %add3A_13 : i32
    "tpu.region"() ({
      %run_scoped3A = tpu.sem_alloc : memref<!tpu.dma_semaphore, #tpu.memory_space<semaphore_mem>>
      %dma_start3A_38 = arith.constant 0 : i32
      %dma_start3A_39 = tpu.memref_slice %arg10[%add3A_14, %dma_start3A_38] : memref<10240x128xf32, #tpu.memory_space<vmem_shared>> -> memref<128x128xf32, #tpu.memory_space<vmem_shared>>
      %dma_start3A_40 = arith.constant 0 : i32
      %dma_start3A_41 = tpu.memref_slice %arg10[%add3A_14, %dma_start3A_40] : memref<10240x128xf32, #tpu.memory_space<vmem_shared>> -> memref<128x128xf32, #tpu.memory_space<vmem_shared>>
      tpu.enqueue_dma source(%arg8 : memref<128x128xf32, #tpu.memory_space<vmem>>) target(%dma_start3A_41 : memref<128x128xf32, #tpu.memory_space<vmem_shared>>) target_semaphore(%run_scoped3A : memref<!tpu.dma_semaphore, #tpu.memory_space<semaphore_mem>>)
      %dma_wait3A_42 = arith.constant 0 : i32
      %dma_wait3A_43 = tpu.memref_slice %arg10[%add3A_14, %dma_wait3A_42] : memref<10240x128xf32, #tpu.memory_space<vmem_shared>> -> memref<128x128xf32, #tpu.memory_space<vmem_shared>>
      %dma_wait3A_44 = arith.constant 0 : i32
      %dma_wait3A_45 = tpu.memref_slice %arg10[%add3A_14, %dma_wait3A_44] : memref<10240x128xf32, #tpu.memory_space<vmem_shared>> -> memref<128x128xf32, #tpu.memory_space<vmem_shared>>
      tpu.wait_dma2 semaphore(%run_scoped3A : memref<!tpu.dma_semaphore, #tpu.memory_space<semaphore_mem>>) src(%arg8 : memref<128x128xf32, #tpu.memory_space<vmem>>) dst(%dma_wait3A_45 : memref<128x128xf32, #tpu.memory_space<vmem_shared>>)
      tpu.yield
    }) : () -> ()
    %add3A_15 = arith.constant 384 : i32
    %add3A_16 = arith.addi %mul3A_8, %add3A_15 : i32
    "tpu.region"() ({
      %run_scoped3A = tpu.sem_alloc : memref<!tpu.dma_semaphore, #tpu.memory_space<semaphore_mem>>
      %dma_start3A_38 = arith.constant 0 : i32
      %dma_start3A_39 = tpu.memref_slice %arg10[%add3A_16, %dma_start3A_38] : memref<10240x128xf32, #tpu.memory_space<vmem_shared>> -> memref<128x128xf32, #tpu.memory_space<vmem_shared>>
      %dma_start3A_40 = arith.constant 0 : i32
      %dma_start3A_41 = tpu.memref_slice %arg10[%add3A_16, %dma_start3A_40] : memref<10240x128xf32, #tpu.memory_space<vmem_shared>> -> memref<128x128xf32, #tpu.memory_space<vmem_shared>>
      tpu.enqueue_dma source(%arg8 : memref<128x128xf32, #tpu.memory_space<vmem>>) target(%dma_start3A_41 : memref<128x128xf32, #tpu.memory_space<vmem_shared>>) target_semaphore(%run_scoped3A : memref<!tpu.dma_semaphore, #tpu.memory_space<semaphore_mem>>)
      %dma_wait3A_42 = arith.constant 0 : i32
      %dma_wait3A_43 = tpu.memref_slice %arg10[%add3A_16, %dma_wait3A_42] : memref<10240x128xf32, #tpu.memory_space<vmem_shared>> -> memref<128x128xf32, #tpu.memory_space<vmem_shared>>
      %dma_wait3A_44 = arith.constant 0 : i32
      %dma_wait3A_45 = tpu.memref_slice %arg10[%add3A_16, %dma_wait3A_44] : memref<10240x128xf32, #tpu.memory_space<vmem_shared>> -> memref<128x128xf32, #tpu.memory_space<vmem_shared>>
      tpu.wait_dma2 semaphore(%run_scoped3A : memref<!tpu.dma_semaphore, #tpu.memory_space<semaphore_mem>>) src(%arg8 : memref<128x128xf32, #tpu.memory_space<vmem>>) dst(%dma_wait3A_45 : memref<128x128xf32, #tpu.memory_space<vmem_shared>>)
      tpu.yield
    }) : () -> ()
    %add3A_17 = arith.constant 512 : i32
    %add3A_18 = arith.addi %mul3A_8, %add3A_17 : i32
    "tpu.region"() ({
      %run_scoped3A = tpu.sem_alloc : memref<!tpu.dma_semaphore, #tpu.memory_space<semaphore_mem>>
      %dma_start3A_38 = arith.constant 0 : i32
      %dma_start3A_39 = tpu.memref_slice %arg10[%add3A_18, %dma_start3A_38] : memref<10240x128xf32, #tpu.memory_space<vmem_shared>> -> memref<128x128xf32, #tpu.memory_space<vmem_shared>>
      %dma_start3A_40 = arith.constant 0 : i32
      %dma_start3A_41 = tpu.memref_slice %arg10[%add3A_18, %dma_start3A_40] : memref<10240x128xf32, #tpu.memory_space<vmem_shared>> -> memref<128x128xf32, #tpu.memory_space<vmem_shared>>
      tpu.enqueue_dma source(%arg8 : memref<128x128xf32, #tpu.memory_space<vmem>>) target(%dma_start3A_41 : memref<128x128xf32, #tpu.memory_space<vmem_shared>>) target_semaphore(%run_scoped3A : memref<!tpu.dma_semaphore, #tpu.memory_space<semaphore_mem>>)
      %dma_wait3A_42 = arith.constant 0 : i32
      %dma_wait3A_43 = tpu.memref_slice %arg10[%add3A_18, %dma_wait3A_42] : memref<10240x128xf32, #tpu.memory_space<vmem_shared>> -> memref<128x128xf32, #tpu.memory_space<vmem_shared>>
      %dma_wait3A_44 = arith.constant 0 : i32
      %dma_wait3A_45 = tpu.memref_slice %arg10[%add3A_18, %dma_wait3A_44] : memref<10240x128xf32, #tpu.memory_space<vmem_shared>> -> memref<128x128xf32, #tpu.memory_space<vmem_shared>>
      tpu.wait_dma2 semaphore(%run_scoped3A : memref<!tpu.dma_semaphore, #tpu.memory_space<semaphore_mem>>) src(%arg8 : memref<128x128xf32, #tpu.memory_space<vmem>>) dst(%dma_wait3A_45 : memref<128x128xf32, #tpu.memory_space<vmem_shared>>)
      tpu.yield
    }) : () -> ()
    %barrier3A = arith.constant 0 : index
    tpu.barrier barrier_id(%barrier3A)
    %dma_start3A = arith.constant 0 : i32
    %dma_start3A_19 = arith.constant 0 : i32
    %dma_start3A_20 = tpu.memref_slice %arg6[%dma_start3A, %dma_start3A_19] : memref<80x128xi32, #tpu.memory_space<vmem>> -> memref<1x128xi32, #tpu.memory_space<vmem>>
    %dma_start3A_21 = tpu.memref_squeeze %dma_start3A_20 : memref<1x128xi32, #tpu.memory_space<vmem>> -> memref<128xi32, #tpu.memory_space<vmem>>
    %dma_start3A_22 = arith.constant 0 : i32
    %dma_start3A_23 = arith.constant 0 : i32
    %dma_start3A_24 = tpu.memref_slice %arg4[%dma_start3A_22, %dma_start3A_23] : memref<10000x128xf32, #tpu.memory_space<hbm>> -> memref<10000x128xf32, #tpu.memory_space<hbm>>
    tpu.enqueue_indirect_dma source(%dma_start3A_24 : memref<10000x128xf32, #tpu.memory_space<hbm>>) target(%arg8 : memref<128x128xf32, #tpu.memory_space<vmem>>) offsets(%dma_start3A_21 : memref<128xi32, #tpu.memory_space<vmem>>) semaphore(%arg11 : memref<!tpu.dma_semaphore, #tpu.memory_space<semaphore_mem>>)
    %scan3A_25 = arith.constant 0 : i32
    %scan3A_26 = arith.constant 0 : i32
    %scan3A_27 = arith.constant 5 : i32
    %scan3A_28 = arith.addi %scan3A_26, %scan3A_27 : i32
    %scan3A_29 = arith.constant 1 : i32
    scf.for %scan3A_38 = %scan3A_26 to %scan3A_28 step %scan3A_29  : i32 {
      "tpu.region"() ({
        %run_scoped3A = tpu.sem_alloc : memref<!tpu.dma_semaphore, #tpu.memory_space<semaphore_mem>>
        %dma_start3A_44 = arith.constant 0 : i32
        %dma_start3A_45 = arith.constant 0 : i32
        %dma_start3A_46 = tpu.memref_slice %arg3[%add3A, %scan3A_38, %dma_start3A_44, %dma_start3A_45] : memref<32x5x16x128xi32, #tpu.memory_space<hbm>> -> memref<1x1x16x128xi32, #tpu.memory_space<hbm>>
        %dma_start3A_47 = tpu.memref_squeeze %dma_start3A_46 : memref<1x1x16x128xi32, #tpu.memory_space<hbm>> -> memref<16x128xi32, #tpu.memory_space<hbm>>
        %dma_start3A_48 = arith.constant 0 : i32
        %dma_start3A_49 = arith.constant 0 : i32
        %dma_start3A_50 = tpu.memref_slice %arg3[%add3A, %scan3A_38, %dma_start3A_48, %dma_start3A_49] : memref<32x5x16x128xi32, #tpu.memory_space<hbm>> -> memref<1x1x16x128xi32, #tpu.memory_space<hbm>>
        %dma_start3A_51 = tpu.memref_squeeze %dma_start3A_50 : memref<1x1x16x128xi32, #tpu.memory_space<hbm>> -> memref<16x128xi32, #tpu.memory_space<hbm>>
        tpu.enqueue_dma source(%dma_start3A_51 : memref<16x128xi32, #tpu.memory_space<hbm>>) target(%arg7 : memref<16x128xi32, #tpu.memory_space<vmem>>) target_semaphore(%run_scoped3A : memref<!tpu.dma_semaphore, #tpu.memory_space<semaphore_mem>>)
        %dma_wait3A_52 = arith.constant 0 : i32
        %dma_wait3A_53 = arith.constant 0 : i32
        %dma_wait3A_54 = tpu.memref_slice %arg3[%add3A, %scan3A_38, %dma_wait3A_52, %dma_wait3A_53] : memref<32x5x16x128xi32, #tpu.memory_space<hbm>> -> memref<1x1x16x128xi32, #tpu.memory_space<hbm>>
        %dma_wait3A_55 = tpu.memref_squeeze %dma_wait3A_54 : memref<1x1x16x128xi32, #tpu.memory_space<hbm>> -> memref<16x128xi32, #tpu.memory_space<hbm>>
        %dma_wait3A_56 = arith.constant 0 : i32
        %dma_wait3A_57 = arith.constant 0 : i32
        %dma_wait3A_58 = tpu.memref_slice %arg3[%add3A, %scan3A_38, %dma_wait3A_56, %dma_wait3A_57] : memref<32x5x16x128xi32, #tpu.memory_space<hbm>> -> memref<1x1x16x128xi32, #tpu.memory_space<hbm>>
        %dma_wait3A_59 = tpu.memref_squeeze %dma_wait3A_58 : memref<1x1x16x128xi32, #tpu.memory_space<hbm>> -> memref<16x128xi32, #tpu.memory_space<hbm>>
        tpu.wait_dma2 semaphore(%run_scoped3A : memref<!tpu.dma_semaphore, #tpu.memory_space<semaphore_mem>>) src(%dma_wait3A_59 : memref<16x128xi32, #tpu.memory_space<hbm>>) dst(%arg7 : memref<16x128xi32, #tpu.memory_space<vmem>>)
        tpu.yield
      }) : () -> ()
      %scan3A_39 = arith.constant 0 : i32
      %scan3A_40 = arith.constant 8 : i32
      %scan3A_41 = arith.addi %scan3A_39, %scan3A_40 : i32
      %scan3A_42 = arith.constant 1 : i32
      scf.for %scan3A_44 = %scan3A_39 to %scan3A_41 step %scan3A_42  : i32 {
        %mul3A_45 = arith.constant 16 : i32
        %mul3A_46 = arith.muli %scan3A_38, %mul3A_45 : i32
        %mul3A_47 = arith.constant 2 : i32
        %mul3A_48 = arith.muli %mul3A_47, %scan3A_44 : i32
        %add3A_49 = arith.addi %mul3A_46, %mul3A_48 : i32
        %add3A_50 = arith.constant 1 : i32
        %add3A_51 = arith.addi %add3A_49, %add3A_50 : i32
        %dma_start3A_52 = arith.constant 0 : i32
        %dma_start3A_53 = tpu.memref_slice %arg6[%add3A_51, %dma_start3A_52] : memref<80x128xi32, #tpu.memory_space<vmem>> -> memref<1x128xi32, #tpu.memory_space<vmem>>
        %dma_start3A_54 = tpu.memref_squeeze %dma_start3A_53 : memref<1x128xi32, #tpu.memory_space<vmem>> -> memref<128xi32, #tpu.memory_space<vmem>>
        %dma_start3A_55 = arith.constant 0 : i32
        %dma_start3A_56 = arith.constant 0 : i32
        %dma_start3A_57 = tpu.memref_slice %arg4[%dma_start3A_55, %dma_start3A_56] : memref<10000x128xf32, #tpu.memory_space<hbm>> -> memref<10000x128xf32, #tpu.memory_space<hbm>>
        tpu.enqueue_indirect_dma source(%dma_start3A_57 : memref<10000x128xf32, #tpu.memory_space<hbm>>) target(%arg9 : memref<128x128xf32, #tpu.memory_space<vmem>>) offsets(%dma_start3A_54 : memref<128xi32, #tpu.memory_space<vmem>>) semaphore(%arg12 : memref<!tpu.dma_semaphore, #tpu.memory_space<semaphore_mem>>)
        %dma_wait3A_58 = arith.constant 0 : i32
        %dma_wait3A_59 = arith.constant 0 : i32
        %dma_wait3A_60 = tpu.memref_slice %arg6[%dma_wait3A_58, %dma_wait3A_59] : memref<80x128xi32, #tpu.memory_space<vmem>> -> memref<1x128xi32, #tpu.memory_space<vmem>>
        %dma_wait3A_61 = tpu.memref_squeeze %dma_wait3A_60 : memref<1x128xi32, #tpu.memory_space<vmem>> -> memref<128xi32, #tpu.memory_space<vmem>>
        %dma_wait3A_62 = arith.constant 0 : i32
        %dma_wait3A_63 = arith.constant 0 : i32
        %dma_wait3A_64 = tpu.memref_slice %arg4[%dma_wait3A_62, %dma_wait3A_63] : memref<10000x128xf32, #tpu.memory_space<hbm>> -> memref<10000x128xf32, #tpu.memory_space<hbm>>
        tpu.wait_indirect_dma semaphore(%arg11 : memref<!tpu.dma_semaphore, #tpu.memory_space<semaphore_mem>>) src(%dma_wait3A_64 : memref<10000x128xf32, #tpu.memory_space<hbm>>) dst(%arg8 : memref<128x128xf32, #tpu.memory_space<vmem>>)
        %mul3A_65 = arith.constant 2 : i32
        %mul3A_66 = arith.muli %mul3A_65, %scan3A_44 : i32
        "tpu.region"() ({
          %run_scoped3A = tpu.sem_alloc : memref<!tpu.dma_semaphore, #tpu.memory_space<semaphore_mem>>
          %dma_start3A_87 = arith.constant 0 : i32
          %dma_start3A_88 = tpu.memref_slice %arg7[%mul3A_66, %dma_start3A_87] : memref<16x128xi32, #tpu.memory_space<vmem>> -> memref<1x128xi32, #tpu.memory_space<vmem>>
          %dma_start3A_89 = tpu.memref_squeeze %dma_start3A_88 : memref<1x128xi32, #tpu.memory_space<vmem>> -> memref<128xi32, #tpu.memory_space<vmem>>
          %dma_start3A_90 = arith.constant 0 : i32
          %dma_start3A_91 = arith.constant 0 : i32
          %dma_start3A_92 = tpu.memref_slice %arg10[%dma_start3A_90, %dma_start3A_91] : memref<10240x128xf32, #tpu.memory_space<vmem_shared>> -> memref<10240x128xf32, #tpu.memory_space<vmem_shared>>
          tpu.enqueue_indirect_dma source(%arg8 : memref<128x128xf32, #tpu.memory_space<vmem>>) target(%dma_start3A_92 : memref<10240x128xf32, #tpu.memory_space<vmem_shared>>) offsets(%dma_start3A_89 : memref<128xi32, #tpu.memory_space<vmem>>) semaphore(%run_scoped3A : memref<!tpu.dma_semaphore, #tpu.memory_space<semaphore_mem>>) {add = true}
          %dma_wait3A_93 = arith.constant 0 : i32
          %dma_wait3A_94 = tpu.memref_slice %arg7[%mul3A_66, %dma_wait3A_93] : memref<16x128xi32, #tpu.memory_space<vmem>> -> memref<1x128xi32, #tpu.memory_space<vmem>>
          %dma_wait3A_95 = tpu.memref_squeeze %dma_wait3A_94 : memref<1x128xi32, #tpu.memory_space<vmem>> -> memref<128xi32, #tpu.memory_space<vmem>>
          %dma_wait3A_96 = arith.constant 0 : i32
          %dma_wait3A_97 = arith.constant 0 : i32
          %dma_wait3A_98 = tpu.memref_slice %arg10[%dma_wait3A_96, %dma_wait3A_97] : memref<10240x128xf32, #tpu.memory_space<vmem_shared>> -> memref<10240x128xf32, #tpu.memory_space<vmem_shared>>
          tpu.wait_indirect_dma semaphore(%run_scoped3A : memref<!tpu.dma_semaphore, #tpu.memory_space<semaphore_mem>>) src(%arg8 : memref<128x128xf32, #tpu.memory_space<vmem>>) dst(%dma_wait3A_98 : memref<10240x128xf32, #tpu.memory_space<vmem_shared>>)
          tpu.yield
        }) : () -> ()
        %add3A_67 = arith.constant 2 : i32
        %add3A_68 = arith.addi %add3A_49, %add3A_67 : i32
        %min3A = arith.constant 79 : i32
        %min3A_69 = arith.minsi %add3A_68, %min3A : i32
        %dma_start3A_70 = arith.constant 0 : i32
        %dma_start3A_71 = tpu.memref_slice %arg6[%min3A_69, %dma_start3A_70] : memref<80x128xi32, #tpu.memory_space<vmem>> -> memref<1x128xi32, #tpu.memory_space<vmem>>
        %dma_start3A_72 = tpu.memref_squeeze %dma_start3A_71 : memref<1x128xi32, #tpu.memory_space<vmem>> -> memref<128xi32, #tpu.memory_space<vmem>>
        %dma_start3A_73 = arith.constant 0 : i32
        %dma_start3A_74 = arith.constant 0 : i32
        %dma_start3A_75 = tpu.memref_slice %arg4[%dma_start3A_73, %dma_start3A_74] : memref<10000x128xf32, #tpu.memory_space<hbm>> -> memref<10000x128xf32, #tpu.memory_space<hbm>>
        tpu.enqueue_indirect_dma source(%dma_start3A_75 : memref<10000x128xf32, #tpu.memory_space<hbm>>) target(%arg8 : memref<128x128xf32, #tpu.memory_space<vmem>>) offsets(%dma_start3A_72 : memref<128xi32, #tpu.memory_space<vmem>>) semaphore(%arg11 : memref<!tpu.dma_semaphore, #tpu.memory_space<semaphore_mem>>)
        %dma_wait3A_76 = arith.constant 0 : i32
        %dma_wait3A_77 = arith.constant 0 : i32
        %dma_wait3A_78 = tpu.memref_slice %arg6[%dma_wait3A_76, %dma_wait3A_77] : memref<80x128xi32, #tpu.memory_space<vmem>> -> memref<1x128xi32, #tpu.memory_space<vmem>>
        %dma_wait3A_79 = tpu.memref_squeeze %dma_wait3A_78 : memref<1x128xi32, #tpu.memory_space<vmem>> -> memref<128xi32, #tpu.memory_space<vmem>>
        %dma_wait3A_80 = arith.constant 0 : i32
        %dma_wait3A_81 = arith.constant 0 : i32
        %dma_wait3A_82 = tpu.memref_slice %arg4[%dma_wait3A_80, %dma_wait3A_81] : memref<10000x128xf32, #tpu.memory_space<hbm>> -> memref<10000x128xf32, #tpu.memory_space<hbm>>
        tpu.wait_indirect_dma semaphore(%arg12 : memref<!tpu.dma_semaphore, #tpu.memory_space<semaphore_mem>>) src(%dma_wait3A_82 : memref<10000x128xf32, #tpu.memory_space<hbm>>) dst(%arg9 : memref<128x128xf32, #tpu.memory_space<vmem>>)
        %mul3A_83 = arith.constant 2 : i32
        %mul3A_84 = arith.muli %mul3A_83, %scan3A_44 : i32
        %add3A_85 = arith.constant 1 : i32
        %add3A_86 = arith.addi %mul3A_84, %add3A_85 : i32
        "tpu.region"() ({
          %run_scoped3A = tpu.sem_alloc : memref<!tpu.dma_semaphore, #tpu.memory_space<semaphore_mem>>
          %dma_start3A_87 = arith.constant 0 : i32
          %dma_start3A_88 = tpu.memref_slice %arg7[%add3A_86, %dma_start3A_87] : memref<16x128xi32, #tpu.memory_space<vmem>> -> memref<1x128xi32, #tpu.memory_space<vmem>>
          %dma_start3A_89 = tpu.memref_squeeze %dma_start3A_88 : memref<1x128xi32, #tpu.memory_space<vmem>> -> memref<128xi32, #tpu.memory_space<vmem>>
          %dma_start3A_90 = arith.constant 0 : i32
          %dma_start3A_91 = arith.constant 0 : i32
          %dma_start3A_92 = tpu.memref_slice %arg10[%dma_start3A_90, %dma_start3A_91] : memref<10240x128xf32, #tpu.memory_space<vmem_shared>> -> memref<10240x128xf32, #tpu.memory_space<vmem_shared>>
          tpu.enqueue_indirect_dma source(%arg9 : memref<128x128xf32, #tpu.memory_space<vmem>>) target(%dma_start3A_92 : memref<10240x128xf32, #tpu.memory_space<vmem_shared>>) offsets(%dma_start3A_89 : memref<128xi32, #tpu.memory_space<vmem>>) semaphore(%run_scoped3A : memref<!tpu.dma_semaphore, #tpu.memory_space<semaphore_mem>>) {add = true}
          %dma_wait3A_93 = arith.constant 0 : i32
          %dma_wait3A_94 = tpu.memref_slice %arg7[%add3A_86, %dma_wait3A_93] : memref<16x128xi32, #tpu.memory_space<vmem>> -> memref<1x128xi32, #tpu.memory_space<vmem>>
          %dma_wait3A_95 = tpu.memref_squeeze %dma_wait3A_94 : memref<1x128xi32, #tpu.memory_space<vmem>> -> memref<128xi32, #tpu.memory_space<vmem>>
          %dma_wait3A_96 = arith.constant 0 : i32
          %dma_wait3A_97 = arith.constant 0 : i32
          %dma_wait3A_98 = tpu.memref_slice %arg10[%dma_wait3A_96, %dma_wait3A_97] : memref<10240x128xf32, #tpu.memory_space<vmem_shared>> -> memref<10240x128xf32, #tpu.memory_space<vmem_shared>>
          tpu.wait_indirect_dma semaphore(%run_scoped3A : memref<!tpu.dma_semaphore, #tpu.memory_space<semaphore_mem>>) src(%arg9 : memref<128x128xf32, #tpu.memory_space<vmem>>) dst(%dma_wait3A_98 : memref<10240x128xf32, #tpu.memory_space<vmem_shared>>)
          tpu.yield
        }) : () -> ()
      }
      %scan3A_43 = arith.constant 8 : i32
    }
    %scan3A_30 = arith.constant 5 : i32
    %dma_wait3A = arith.constant 0 : i32
    %dma_wait3A_31 = arith.constant 0 : i32
    %dma_wait3A_32 = tpu.memref_slice %arg6[%dma_wait3A, %dma_wait3A_31] : memref<80x128xi32, #tpu.memory_space<vmem>> -> memref<1x128xi32, #tpu.memory_space<vmem>>
    %dma_wait3A_33 = tpu.memref_squeeze %dma_wait3A_32 : memref<1x128xi32, #tpu.memory_space<vmem>> -> memref<128xi32, #tpu.memory_space<vmem>>
    %dma_wait3A_34 = arith.constant 0 : i32
    %dma_wait3A_35 = arith.constant 0 : i32
    %dma_wait3A_36 = tpu.memref_slice %arg4[%dma_wait3A_34, %dma_wait3A_35] : memref<10000x128xf32, #tpu.memory_space<hbm>> -> memref<10000x128xf32, #tpu.memory_space<hbm>>
    tpu.wait_indirect_dma semaphore(%arg11 : memref<!tpu.dma_semaphore, #tpu.memory_space<semaphore_mem>>) src(%dma_wait3A_36 : memref<10000x128xf32, #tpu.memory_space<hbm>>) dst(%arg8 : memref<128x128xf32, #tpu.memory_space<vmem>>)
    %barrier3A_37 = arith.constant 0 : index
    tpu.barrier barrier_id(%barrier3A_37)
    "tpu.region"() ({
      %run_scoped3A = tpu.sem_alloc : memref<!tpu.dma_semaphore, #tpu.memory_space<semaphore_mem>>
      %dma_start3A_38 = arith.constant 0 : i32
      %dma_start3A_39 = tpu.memref_slice %arg5[%arg0, %mul3A_8, %dma_start3A_38] : memref<2x10240x128xf32, #tpu.memory_space<hbm>> -> memref<1x640x128xf32, #tpu.memory_space<hbm>>
      %dma_start3A_40 = tpu.memref_squeeze %dma_start3A_39 : memref<1x640x128xf32, #tpu.memory_space<hbm>> -> memref<640x128xf32, #tpu.memory_space<hbm>>
      %dma_start3A_41 = arith.constant 0 : i32
      %dma_start3A_42 = tpu.memref_slice %arg10[%mul3A_8, %dma_start3A_41] : memref<10240x128xf32, #tpu.memory_space<vmem_shared>> -> memref<640x128xf32, #tpu.memory_space<vmem_shared>>
      tpu.enqueue_dma source(%dma_start3A_42 : memref<640x128xf32, #tpu.memory_space<vmem_shared>>) target(%dma_start3A_40 : memref<640x128xf32, #tpu.memory_space<hbm>>) target_semaphore(%run_scoped3A : memref<!tpu.dma_semaphore, #tpu.memory_space<semaphore_mem>>)
      %dma_wait3A_43 = arith.constant 0 : i32
      %dma_wait3A_44 = tpu.memref_slice %arg5[%arg0, %mul3A_8, %dma_wait3A_43] : memref<2x10240x128xf32, #tpu.memory_space<hbm>> -> memref<1x640x128xf32, #tpu.memory_space<hbm>>
      %dma_wait3A_45 = tpu.memref_squeeze %dma_wait3A_44 : memref<1x640x128xf32, #tpu.memory_space<hbm>> -> memref<640x128xf32, #tpu.memory_space<hbm>>
      %dma_wait3A_46 = arith.constant 0 : i32
      %dma_wait3A_47 = tpu.memref_slice %arg10[%mul3A_8, %dma_wait3A_46] : memref<10240x128xf32, #tpu.memory_space<vmem_shared>> -> memref<640x128xf32, #tpu.memory_space<vmem_shared>>
      tpu.wait_dma2 semaphore(%run_scoped3A : memref<!tpu.dma_semaphore, #tpu.memory_space<semaphore_mem>>) src(%dma_wait3A_47 : memref<640x128xf32, #tpu.memory_space<vmem_shared>>) dst(%dma_wait3A_45 : memref<640x128xf32, #tpu.memory_space<hbm>>)
      tpu.yield
    }) : () -> ()
    return
  }
}

#map = affine_map<(d0, d1) -> (0, 0, 0, 0)>
#map1 = affine_map<(d0, d1) -> (0, 0)>
#map2 = affine_map<(d0, d1) -> (0)>
#map3 = affine_map<(d0, d1) -> (0, 0, 0)>
module attributes {stable_mosaic.version = 14 : i64} {
  func.func @k(%arg0: i32, %arg1: i32, %arg2: memref<32x5x16x128xi32, #tpu.memory_space<hbm>>, %arg3: memref<32x5x16x128xi32, #tpu.memory_space<hbm>>, %arg4: memref<327680x16xf32, #tpu.memory_space<hbm>>, %arg5: memref<10000xf32, #tpu.memory_space<hbm>>, %arg6: memref<2x10240x128xf32, #tpu.memory_space<hbm>>, %arg7: memref<16x128xi32, #tpu.memory_space<vmem>>, %arg8: memref<16x128xi32, #tpu.memory_space<vmem>>, %arg9: memref<128x16xf32, #tpu.memory_space<vmem>>, %arg10: memref<128x128xf32, #tpu.memory_space<vmem>>, %arg11: memref<10016xf32, #tpu.memory_space<vmem>>, %arg12: memref<10240x128xf32, #tpu.memory_space<vmem_shared>>) attributes {dimension_semantics = [#tpu.dimension_semantics<core_parallel>, #tpu.dimension_semantics<subcore_parallel>], iteration_bounds = array<i64: 2, 16>, scalar_prefetch = 0 : i64, scratch_operands = 6 : i64, tpu.core_type = #tpu.core_type<sc_vector_subcore>, window_params = [{transform_indices = #map}, {transform_indices = #map}, {transform_indices = #map1}, {transform_indices = #map2}, {transform_indices = #map3}]} {
    %mul3A = arith.constant 16 : i32
    %mul3A_0 = arith.muli %arg0, %mul3A : i32
    %add3A = arith.addi %mul3A_0, %arg1 : i32
    "tpu.region"() ({
      %run_scoped3A = tpu.sem_alloc : memref<!tpu.dma_semaphore, #tpu.memory_space<semaphore_mem>>
      %dma_start3A = arith.constant 0 : i32
      %dma_start3A_26 = tpu.memref_slice %arg11[%dma_start3A] : memref<10016xf32, #tpu.memory_space<vmem>> -> memref<10000xf32, #tpu.memory_space<vmem>>
      %dma_start3A_27 = arith.constant 0 : i32
      %dma_start3A_28 = tpu.memref_slice %arg11[%dma_start3A_27] : memref<10016xf32, #tpu.memory_space<vmem>> -> memref<10000xf32, #tpu.memory_space<vmem>>
      tpu.enqueue_dma source(%arg5 : memref<10000xf32, #tpu.memory_space<hbm>>) target(%dma_start3A_28 : memref<10000xf32, #tpu.memory_space<vmem>>) target_semaphore(%run_scoped3A : memref<!tpu.dma_semaphore, #tpu.memory_space<semaphore_mem>>)
      %dma_wait3A = arith.constant 0 : i32
      %dma_wait3A_29 = tpu.memref_slice %arg11[%dma_wait3A] : memref<10016xf32, #tpu.memory_space<vmem>> -> memref<10000xf32, #tpu.memory_space<vmem>>
      %dma_wait3A_30 = arith.constant 0 : i32
      %dma_wait3A_31 = tpu.memref_slice %arg11[%dma_wait3A_30] : memref<10016xf32, #tpu.memory_space<vmem>> -> memref<10000xf32, #tpu.memory_space<vmem>>
      tpu.wait_dma2 semaphore(%run_scoped3A : memref<!tpu.dma_semaphore, #tpu.memory_space<semaphore_mem>>) src(%arg5 : memref<10000xf32, #tpu.memory_space<hbm>>) dst(%dma_wait3A_31 : memref<10000xf32, #tpu.memory_space<vmem>>)
      tpu.yield
    }) : () -> ()
    %broadcast_in_dim3A = arith.constant 0.000000e+00 : f32
    %broadcast_in_dim3A_1 = vector.broadcast %broadcast_in_dim3A : f32 to vector<16xf32>
    %scan3A = arith.constant 0 : i32
    %scan3A_2 = arith.constant 0 : i32
    %scan3A_3 = arith.constant 128 : i32
    %scan3A_4 = arith.addi %scan3A_2, %scan3A_3 : i32
    %scan3A_5 = arith.constant 1 : i32
    scf.for %scan3A_26 = %scan3A_2 to %scan3A_4 step %scan3A_5  : i32 {
      %swap3A = arith.index_cast %scan3A_26 : i32 to index
      %swap3A_27 = arith.constant 0 : index
      %swap3A_28 = tpu.vector_load %arg10[%swap3A, %swap3A_27] {strides = array<i32>} : memref<128x128xf32, #tpu.memory_space<vmem>>, vector<1x16xf32>,
      %swap3A_29 = vector.shape_cast %swap3A_28 : vector<1x16xf32> to vector<16xf32>
      %swap3A_30 = vector.shape_cast %broadcast_in_dim3A_1 : vector<16xf32> to vector<1x16xf32>
      tpu.vector_store %arg10[%swap3A, %swap3A_27], %swap3A_30 {strides = array<i32>} : memref<128x128xf32, #tpu.memory_space<vmem>>, vector<1x16xf32>,
      %swap3A_31 = arith.index_cast %scan3A_26 : i32 to index
      %swap3A_32 = arith.constant 16 : index
      %swap3A_33 = tpu.vector_load %arg10[%swap3A_31, %swap3A_32] {strides = array<i32>} : memref<128x128xf32, #tpu.memory_space<vmem>>, vector<1x16xf32>,
      %swap3A_34 = vector.shape_cast %swap3A_33 : vector<1x16xf32> to vector<16xf32>
      %swap3A_35 = vector.shape_cast %broadcast_in_dim3A_1 : vector<16xf32> to vector<1x16xf32>
      tpu.vector_store %arg10[%swap3A_31, %swap3A_32], %swap3A_35 {strides = array<i32>} : memref<128x128xf32, #tpu.memory_space<vmem>>, vector<1x16xf32>,
      %swap3A_36 = arith.index_cast %scan3A_26 : i32 to index
      %swap3A_37 = arith.constant 32 : index
      %swap3A_38 = tpu.vector_load %arg10[%swap3A_36, %swap3A_37] {strides = array<i32>} : memref<128x128xf32, #tpu.memory_space<vmem>>, vector<1x16xf32>,
      %swap3A_39 = vector.shape_cast %swap3A_38 : vector<1x16xf32> to vector<16xf32>
      %swap3A_40 = vector.shape_cast %broadcast_in_dim3A_1 : vector<16xf32> to vector<1x16xf32>
      tpu.vector_store %arg10[%swap3A_36, %swap3A_37], %swap3A_40 {strides = array<i32>} : memref<128x128xf32, #tpu.memory_space<vmem>>, vector<1x16xf32>,
      %swap3A_41 = arith.index_cast %scan3A_26 : i32 to index
      %swap3A_42 = arith.constant 48 : index
      %swap3A_43 = tpu.vector_load %arg10[%swap3A_41, %swap3A_42] {strides = array<i32>} : memref<128x128xf32, #tpu.memory_space<vmem>>, vector<1x16xf32>,
      %swap3A_44 = vector.shape_cast %swap3A_43 : vector<1x16xf32> to vector<16xf32>
      %swap3A_45 = vector.shape_cast %broadcast_in_dim3A_1 : vector<16xf32> to vector<1x16xf32>
      tpu.vector_store %arg10[%swap3A_41, %swap3A_42], %swap3A_45 {strides = array<i32>} : memref<128x128xf32, #tpu.memory_space<vmem>>, vector<1x16xf32>,
      %swap3A_46 = arith.index_cast %scan3A_26 : i32 to index
      %swap3A_47 = arith.constant 64 : index
      %swap3A_48 = tpu.vector_load %arg10[%swap3A_46, %swap3A_47] {strides = array<i32>} : memref<128x128xf32, #tpu.memory_space<vmem>>, vector<1x16xf32>,
      %swap3A_49 = vector.shape_cast %swap3A_48 : vector<1x16xf32> to vector<16xf32>
      %swap3A_50 = vector.shape_cast %broadcast_in_dim3A_1 : vector<16xf32> to vector<1x16xf32>
      tpu.vector_store %arg10[%swap3A_46, %swap3A_47], %swap3A_50 {strides = array<i32>} : memref<128x128xf32, #tpu.memory_space<vmem>>, vector<1x16xf32>,
      %swap3A_51 = arith.index_cast %scan3A_26 : i32 to index
      %swap3A_52 = arith.constant 80 : index
      %swap3A_53 = tpu.vector_load %arg10[%swap3A_51, %swap3A_52] {strides = array<i32>} : memref<128x128xf32, #tpu.memory_space<vmem>>, vector<1x16xf32>,
      %swap3A_54 = vector.shape_cast %swap3A_53 : vector<1x16xf32> to vector<16xf32>
      %swap3A_55 = vector.shape_cast %broadcast_in_dim3A_1 : vector<16xf32> to vector<1x16xf32>
      tpu.vector_store %arg10[%swap3A_51, %swap3A_52], %swap3A_55 {strides = array<i32>} : memref<128x128xf32, #tpu.memory_space<vmem>>, vector<1x16xf32>,
      %swap3A_56 = arith.index_cast %scan3A_26 : i32 to index
      %swap3A_57 = arith.constant 96 : index
      %swap3A_58 = tpu.vector_load %arg10[%swap3A_56, %swap3A_57] {strides = array<i32>} : memref<128x128xf32, #tpu.memory_space<vmem>>, vector<1x16xf32>,
      %swap3A_59 = vector.shape_cast %swap3A_58 : vector<1x16xf32> to vector<16xf32>
      %swap3A_60 = vector.shape_cast %broadcast_in_dim3A_1 : vector<16xf32> to vector<1x16xf32>
      tpu.vector_store %arg10[%swap3A_56, %swap3A_57], %swap3A_60 {strides = array<i32>} : memref<128x128xf32, #tpu.memory_space<vmem>>, vector<1x16xf32>,
      %swap3A_61 = arith.index_cast %scan3A_26 : i32 to index
      %swap3A_62 = arith.constant 112 : index
      %swap3A_63 = tpu.vector_load %arg10[%swap3A_61, %swap3A_62] {strides = array<i32>} : memref<128x128xf32, #tpu.memory_space<vmem>>, vector<1x16xf32>,
      %swap3A_64 = vector.shape_cast %swap3A_63 : vector<1x16xf32> to vector<16xf32>
      %swap3A_65 = vector.shape_cast %broadcast_in_dim3A_1 : vector<16xf32> to vector<1x16xf32>
      tpu.vector_store %arg10[%swap3A_61, %swap3A_62], %swap3A_65 {strides = array<i32>} : memref<128x128xf32, #tpu.memory_space<vmem>>, vector<1x16xf32>,
    }
    %scan3A_6 = arith.constant 128 : i32
    %mul3A_7 = arith.constant 640 : i32
    %mul3A_8 = arith.muli %arg1, %mul3A_7 : i32
    %add3A_9 = arith.constant 0 : i32
    %add3A_10 = arith.addi %mul3A_8, %add3A_9 : i32
    "tpu.region"() ({
      %run_scoped3A = tpu.sem_alloc : memref<!tpu.dma_semaphore, #tpu.memory_space<semaphore_mem>>
      %dma_start3A = arith.constant 0 : i32
      %dma_start3A_26 = tpu.memref_slice %arg12[%add3A_10, %dma_start3A] : memref<10240x128xf32, #tpu.memory_space<vmem_shared>> -> memref<128x128xf32, #tpu.memory_space<vmem_shared>>
      %dma_start3A_27 = arith.constant 0 : i32
      %dma_start3A_28 = tpu.memref_slice %arg12[%add3A_10, %dma_start3A_27] : memref<10240x128xf32, #tpu.memory_space<vmem_shared>> -> memref<128x128xf32, #tpu.memory_space<vmem_shared>>
      tpu.enqueue_dma source(%arg10 : memref<128x128xf32, #tpu.memory_space<vmem>>) target(%dma_start3A_28 : memref<128x128xf32, #tpu.memory_space<vmem_shared>>) target_semaphore(%run_scoped3A : memref<!tpu.dma_semaphore, #tpu.memory_space<semaphore_mem>>)
      %dma_wait3A = arith.constant 0 : i32
      %dma_wait3A_29 = tpu.memref_slice %arg12[%add3A_10, %dma_wait3A] : memref<10240x128xf32, #tpu.memory_space<vmem_shared>> -> memref<128x128xf32, #tpu.memory_space<vmem_shared>>
      %dma_wait3A_30 = arith.constant 0 : i32
      %dma_wait3A_31 = tpu.memref_slice %arg12[%add3A_10, %dma_wait3A_30] : memref<10240x128xf32, #tpu.memory_space<vmem_shared>> -> memref<128x128xf32, #tpu.memory_space<vmem_shared>>
      tpu.wait_dma2 semaphore(%run_scoped3A : memref<!tpu.dma_semaphore, #tpu.memory_space<semaphore_mem>>) src(%arg10 : memref<128x128xf32, #tpu.memory_space<vmem>>) dst(%dma_wait3A_31 : memref<128x128xf32, #tpu.memory_space<vmem_shared>>)
      tpu.yield
    }) : () -> ()
    %add3A_11 = arith.constant 128 : i32
    %add3A_12 = arith.addi %mul3A_8, %add3A_11 : i32
    "tpu.region"() ({
      %run_scoped3A = tpu.sem_alloc : memref<!tpu.dma_semaphore, #tpu.memory_space<semaphore_mem>>
      %dma_start3A = arith.constant 0 : i32
      %dma_start3A_26 = tpu.memref_slice %arg12[%add3A_12, %dma_start3A] : memref<10240x128xf32, #tpu.memory_space<vmem_shared>> -> memref<128x128xf32, #tpu.memory_space<vmem_shared>>
      %dma_start3A_27 = arith.constant 0 : i32
      %dma_start3A_28 = tpu.memref_slice %arg12[%add3A_12, %dma_start3A_27] : memref<10240x128xf32, #tpu.memory_space<vmem_shared>> -> memref<128x128xf32, #tpu.memory_space<vmem_shared>>
      tpu.enqueue_dma source(%arg10 : memref<128x128xf32, #tpu.memory_space<vmem>>) target(%dma_start3A_28 : memref<128x128xf32, #tpu.memory_space<vmem_shared>>) target_semaphore(%run_scoped3A : memref<!tpu.dma_semaphore, #tpu.memory_space<semaphore_mem>>)
      %dma_wait3A = arith.constant 0 : i32
      %dma_wait3A_29 = tpu.memref_slice %arg12[%add3A_12, %dma_wait3A] : memref<10240x128xf32, #tpu.memory_space<vmem_shared>> -> memref<128x128xf32, #tpu.memory_space<vmem_shared>>
      %dma_wait3A_30 = arith.constant 0 : i32
      %dma_wait3A_31 = tpu.memref_slice %arg12[%add3A_12, %dma_wait3A_30] : memref<10240x128xf32, #tpu.memory_space<vmem_shared>> -> memref<128x128xf32, #tpu.memory_space<vmem_shared>>
      tpu.wait_dma2 semaphore(%run_scoped3A : memref<!tpu.dma_semaphore, #tpu.memory_space<semaphore_mem>>) src(%arg10 : memref<128x128xf32, #tpu.memory_space<vmem>>) dst(%dma_wait3A_31 : memref<128x128xf32, #tpu.memory_space<vmem_shared>>)
      tpu.yield
    }) : () -> ()
    %add3A_13 = arith.constant 256 : i32
    %add3A_14 = arith.addi %mul3A_8, %add3A_13 : i32
    "tpu.region"() ({
      %run_scoped3A = tpu.sem_alloc : memref<!tpu.dma_semaphore, #tpu.memory_space<semaphore_mem>>
      %dma_start3A = arith.constant 0 : i32
      %dma_start3A_26 = tpu.memref_slice %arg12[%add3A_14, %dma_start3A] : memref<10240x128xf32, #tpu.memory_space<vmem_shared>> -> memref<128x128xf32, #tpu.memory_space<vmem_shared>>
      %dma_start3A_27 = arith.constant 0 : i32
      %dma_start3A_28 = tpu.memref_slice %arg12[%add3A_14, %dma_start3A_27] : memref<10240x128xf32, #tpu.memory_space<vmem_shared>> -> memref<128x128xf32, #tpu.memory_space<vmem_shared>>
      tpu.enqueue_dma source(%arg10 : memref<128x128xf32, #tpu.memory_space<vmem>>) target(%dma_start3A_28 : memref<128x128xf32, #tpu.memory_space<vmem_shared>>) target_semaphore(%run_scoped3A : memref<!tpu.dma_semaphore, #tpu.memory_space<semaphore_mem>>)
      %dma_wait3A = arith.constant 0 : i32
      %dma_wait3A_29 = tpu.memref_slice %arg12[%add3A_14, %dma_wait3A] : memref<10240x128xf32, #tpu.memory_space<vmem_shared>> -> memref<128x128xf32, #tpu.memory_space<vmem_shared>>
      %dma_wait3A_30 = arith.constant 0 : i32
      %dma_wait3A_31 = tpu.memref_slice %arg12[%add3A_14, %dma_wait3A_30] : memref<10240x128xf32, #tpu.memory_space<vmem_shared>> -> memref<128x128xf32, #tpu.memory_space<vmem_shared>>
      tpu.wait_dma2 semaphore(%run_scoped3A : memref<!tpu.dma_semaphore, #tpu.memory_space<semaphore_mem>>) src(%arg10 : memref<128x128xf32, #tpu.memory_space<vmem>>) dst(%dma_wait3A_31 : memref<128x128xf32, #tpu.memory_space<vmem_shared>>)
      tpu.yield
    }) : () -> ()
    %add3A_15 = arith.constant 384 : i32
    %add3A_16 = arith.addi %mul3A_8, %add3A_15 : i32
    "tpu.region"() ({
      %run_scoped3A = tpu.sem_alloc : memref<!tpu.dma_semaphore, #tpu.memory_space<semaphore_mem>>
      %dma_start3A = arith.constant 0 : i32
      %dma_start3A_26 = tpu.memref_slice %arg12[%add3A_16, %dma_start3A] : memref<10240x128xf32, #tpu.memory_space<vmem_shared>> -> memref<128x128xf32, #tpu.memory_space<vmem_shared>>
      %dma_start3A_27 = arith.constant 0 : i32
      %dma_start3A_28 = tpu.memref_slice %arg12[%add3A_16, %dma_start3A_27] : memref<10240x128xf32, #tpu.memory_space<vmem_shared>> -> memref<128x128xf32, #tpu.memory_space<vmem_shared>>
      tpu.enqueue_dma source(%arg10 : memref<128x128xf32, #tpu.memory_space<vmem>>) target(%dma_start3A_28 : memref<128x128xf32, #tpu.memory_space<vmem_shared>>) target_semaphore(%run_scoped3A : memref<!tpu.dma_semaphore, #tpu.memory_space<semaphore_mem>>)
      %dma_wait3A = arith.constant 0 : i32
      %dma_wait3A_29 = tpu.memref_slice %arg12[%add3A_16, %dma_wait3A] : memref<10240x128xf32, #tpu.memory_space<vmem_shared>> -> memref<128x128xf32, #tpu.memory_space<vmem_shared>>
      %dma_wait3A_30 = arith.constant 0 : i32
      %dma_wait3A_31 = tpu.memref_slice %arg12[%add3A_16, %dma_wait3A_30] : memref<10240x128xf32, #tpu.memory_space<vmem_shared>> -> memref<128x128xf32, #tpu.memory_space<vmem_shared>>
      tpu.wait_dma2 semaphore(%run_scoped3A : memref<!tpu.dma_semaphore, #tpu.memory_space<semaphore_mem>>) src(%arg10 : memref<128x128xf32, #tpu.memory_space<vmem>>) dst(%dma_wait3A_31 : memref<128x128xf32, #tpu.memory_space<vmem_shared>>)
      tpu.yield
    }) : () -> ()
    %add3A_17 = arith.constant 512 : i32
    %add3A_18 = arith.addi %mul3A_8, %add3A_17 : i32
    "tpu.region"() ({
      %run_scoped3A = tpu.sem_alloc : memref<!tpu.dma_semaphore, #tpu.memory_space<semaphore_mem>>
      %dma_start3A = arith.constant 0 : i32
      %dma_start3A_26 = tpu.memref_slice %arg12[%add3A_18, %dma_start3A] : memref<10240x128xf32, #tpu.memory_space<vmem_shared>> -> memref<128x128xf32, #tpu.memory_space<vmem_shared>>
      %dma_start3A_27 = arith.constant 0 : i32
      %dma_start3A_28 = tpu.memref_slice %arg12[%add3A_18, %dma_start3A_27] : memref<10240x128xf32, #tpu.memory_space<vmem_shared>> -> memref<128x128xf32, #tpu.memory_space<vmem_shared>>
      tpu.enqueue_dma source(%arg10 : memref<128x128xf32, #tpu.memory_space<vmem>>) target(%dma_start3A_28 : memref<128x128xf32, #tpu.memory_space<vmem_shared>>) target_semaphore(%run_scoped3A : memref<!tpu.dma_semaphore, #tpu.memory_space<semaphore_mem>>)
      %dma_wait3A = arith.constant 0 : i32
      %dma_wait3A_29 = tpu.memref_slice %arg12[%add3A_18, %dma_wait3A] : memref<10240x128xf32, #tpu.memory_space<vmem_shared>> -> memref<128x128xf32, #tpu.memory_space<vmem_shared>>
      %dma_wait3A_30 = arith.constant 0 : i32
      %dma_wait3A_31 = tpu.memref_slice %arg12[%add3A_18, %dma_wait3A_30] : memref<10240x128xf32, #tpu.memory_space<vmem_shared>> -> memref<128x128xf32, #tpu.memory_space<vmem_shared>>
      tpu.wait_dma2 semaphore(%run_scoped3A : memref<!tpu.dma_semaphore, #tpu.memory_space<semaphore_mem>>) src(%arg10 : memref<128x128xf32, #tpu.memory_space<vmem>>) dst(%dma_wait3A_31 : memref<128x128xf32, #tpu.memory_space<vmem_shared>>)
      tpu.yield
    }) : () -> ()
    %barrier3A = arith.constant 0 : index
    tpu.barrier barrier_id(%barrier3A)
    %scan3A_19 = arith.constant 0 : i32
    %scan3A_20 = arith.constant 0 : i32
    %scan3A_21 = arith.constant 5 : i32
    %scan3A_22 = arith.addi %scan3A_20, %scan3A_21 : i32
    %scan3A_23 = arith.constant 1 : i32
    scf.for %scan3A_26 = %scan3A_20 to %scan3A_22 step %scan3A_23  : i32 {
      "tpu.region"() ({
        %run_scoped3A = tpu.sem_alloc : memref<!tpu.dma_semaphore, #tpu.memory_space<semaphore_mem>>
        %dma_start3A = arith.constant 0 : i32
        %dma_start3A_32 = arith.constant 0 : i32
        %dma_start3A_33 = tpu.memref_slice %arg2[%add3A, %scan3A_26, %dma_start3A, %dma_start3A_32] : memref<32x5x16x128xi32, #tpu.memory_space<hbm>> -> memref<1x1x16x128xi32, #tpu.memory_space<hbm>>
        %dma_start3A_34 = tpu.memref_squeeze %dma_start3A_33 : memref<1x1x16x128xi32, #tpu.memory_space<hbm>> -> memref<16x128xi32, #tpu.memory_space<hbm>>
        %dma_start3A_35 = arith.constant 0 : i32
        %dma_start3A_36 = arith.constant 0 : i32
        %dma_start3A_37 = tpu.memref_slice %arg2[%add3A, %scan3A_26, %dma_start3A_35, %dma_start3A_36] : memref<32x5x16x128xi32, #tpu.memory_space<hbm>> -> memref<1x1x16x128xi32, #tpu.memory_space<hbm>>
        %dma_start3A_38 = tpu.memref_squeeze %dma_start3A_37 : memref<1x1x16x128xi32, #tpu.memory_space<hbm>> -> memref<16x128xi32, #tpu.memory_space<hbm>>
        tpu.enqueue_dma source(%dma_start3A_38 : memref<16x128xi32, #tpu.memory_space<hbm>>) target(%arg7 : memref<16x128xi32, #tpu.memory_space<vmem>>) target_semaphore(%run_scoped3A : memref<!tpu.dma_semaphore, #tpu.memory_space<semaphore_mem>>)
        %dma_wait3A = arith.constant 0 : i32
        %dma_wait3A_39 = arith.constant 0 : i32
        %dma_wait3A_40 = tpu.memref_slice %arg2[%add3A, %scan3A_26, %dma_wait3A, %dma_wait3A_39] : memref<32x5x16x128xi32, #tpu.memory_space<hbm>> -> memref<1x1x16x128xi32, #tpu.memory_space<hbm>>
        %dma_wait3A_41 = tpu.memref_squeeze %dma_wait3A_40 : memref<1x1x16x128xi32, #tpu.memory_space<hbm>> -> memref<16x128xi32, #tpu.memory_space<hbm>>
        %dma_wait3A_42 = arith.constant 0 : i32
        %dma_wait3A_43 = arith.constant 0 : i32
        %dma_wait3A_44 = tpu.memref_slice %arg2[%add3A, %scan3A_26, %dma_wait3A_42, %dma_wait3A_43] : memref<32x5x16x128xi32, #tpu.memory_space<hbm>> -> memref<1x1x16x128xi32, #tpu.memory_space<hbm>>
        %dma_wait3A_45 = tpu.memref_squeeze %dma_wait3A_44 : memref<1x1x16x128xi32, #tpu.memory_space<hbm>> -> memref<16x128xi32, #tpu.memory_space<hbm>>
        tpu.wait_dma2 semaphore(%run_scoped3A : memref<!tpu.dma_semaphore, #tpu.memory_space<semaphore_mem>>) src(%dma_wait3A_45 : memref<16x128xi32, #tpu.memory_space<hbm>>) dst(%arg7 : memref<16x128xi32, #tpu.memory_space<vmem>>)
        tpu.yield
      }) : () -> ()
      "tpu.region"() ({
        %run_scoped3A = tpu.sem_alloc : memref<!tpu.dma_semaphore, #tpu.memory_space<semaphore_mem>>
        %dma_start3A = arith.constant 0 : i32
        %dma_start3A_32 = arith.constant 0 : i32
        %dma_start3A_33 = tpu.memref_slice %arg3[%add3A, %scan3A_26, %dma_start3A, %dma_start3A_32] : memref<32x5x16x128xi32, #tpu.memory_space<hbm>> -> memref<1x1x16x128xi32, #tpu.memory_space<hbm>>
        %dma_start3A_34 = tpu.memref_squeeze %dma_start3A_33 : memref<1x1x16x128xi32, #tpu.memory_space<hbm>> -> memref<16x128xi32, #tpu.memory_space<hbm>>
        %dma_start3A_35 = arith.constant 0 : i32
        %dma_start3A_36 = arith.constant 0 : i32
        %dma_start3A_37 = tpu.memref_slice %arg3[%add3A, %scan3A_26, %dma_start3A_35, %dma_start3A_36] : memref<32x5x16x128xi32, #tpu.memory_space<hbm>> -> memref<1x1x16x128xi32, #tpu.memory_space<hbm>>
        %dma_start3A_38 = tpu.memref_squeeze %dma_start3A_37 : memref<1x1x16x128xi32, #tpu.memory_space<hbm>> -> memref<16x128xi32, #tpu.memory_space<hbm>>
        tpu.enqueue_dma source(%dma_start3A_38 : memref<16x128xi32, #tpu.memory_space<hbm>>) target(%arg8 : memref<16x128xi32, #tpu.memory_space<vmem>>) target_semaphore(%run_scoped3A : memref<!tpu.dma_semaphore, #tpu.memory_space<semaphore_mem>>)
        %dma_wait3A = arith.constant 0 : i32
        %dma_wait3A_39 = arith.constant 0 : i32
        %dma_wait3A_40 = tpu.memref_slice %arg3[%add3A, %scan3A_26, %dma_wait3A, %dma_wait3A_39] : memref<32x5x16x128xi32, #tpu.memory_space<hbm>> -> memref<1x1x16x128xi32, #tpu.memory_space<hbm>>
        %dma_wait3A_41 = tpu.memref_squeeze %dma_wait3A_40 : memref<1x1x16x128xi32, #tpu.memory_space<hbm>> -> memref<16x128xi32, #tpu.memory_space<hbm>>
        %dma_wait3A_42 = arith.constant 0 : i32
        %dma_wait3A_43 = arith.constant 0 : i32
        %dma_wait3A_44 = tpu.memref_slice %arg3[%add3A, %scan3A_26, %dma_wait3A_42, %dma_wait3A_43] : memref<32x5x16x128xi32, #tpu.memory_space<hbm>> -> memref<1x1x16x128xi32, #tpu.memory_space<hbm>>
        %dma_wait3A_45 = tpu.memref_squeeze %dma_wait3A_44 : memref<1x1x16x128xi32, #tpu.memory_space<hbm>> -> memref<16x128xi32, #tpu.memory_space<hbm>>
        tpu.wait_dma2 semaphore(%run_scoped3A : memref<!tpu.dma_semaphore, #tpu.memory_space<semaphore_mem>>) src(%dma_wait3A_45 : memref<16x128xi32, #tpu.memory_space<hbm>>) dst(%arg8 : memref<16x128xi32, #tpu.memory_space<vmem>>)
        tpu.yield
      }) : () -> ()
      %scan3A_27 = arith.constant 0 : i32
      %scan3A_28 = arith.constant 16 : i32
      %scan3A_29 = arith.addi %scan3A_27, %scan3A_28 : i32
      %scan3A_30 = arith.constant 1 : i32
      scf.for %scan3A_32 = %scan3A_27 to %scan3A_29 step %scan3A_30  : i32 {
        %mul3A_33 = arith.constant 16 : i32
        %mul3A_34 = arith.muli %scan3A_26, %mul3A_33 : i32
        %add3A_35 = arith.addi %mul3A_34, %scan3A_32 : i32
        %mul3A_36 = arith.constant 80 : i32
        %mul3A_37 = arith.muli %add3A, %mul3A_36 : i32
        %add3A_38 = arith.addi %mul3A_37, %add3A_35 : i32
        %mul3A_39 = arith.constant 128 : i32
        %mul3A_40 = arith.muli %add3A_38, %mul3A_39 : i32
        "tpu.region"() ({
          %run_scoped3A = tpu.sem_alloc : memref<!tpu.dma_semaphore, #tpu.memory_space<semaphore_mem>>
          %dma_start3A = arith.constant 0 : i32
          %dma_start3A_46 = tpu.memref_slice %arg4[%mul3A_40, %dma_start3A] : memref<327680x16xf32, #tpu.memory_space<hbm>> -> memref<128x16xf32, #tpu.memory_space<hbm>>
          %dma_start3A_47 = arith.constant 0 : i32
          %dma_start3A_48 = tpu.memref_slice %arg4[%mul3A_40, %dma_start3A_47] : memref<327680x16xf32, #tpu.memory_space<hbm>> -> memref<128x16xf32, #tpu.memory_space<hbm>>
          tpu.enqueue_dma source(%dma_start3A_48 : memref<128x16xf32, #tpu.memory_space<hbm>>) target(%arg9 : memref<128x16xf32, #tpu.memory_space<vmem>>) target_semaphore(%run_scoped3A : memref<!tpu.dma_semaphore, #tpu.memory_space<semaphore_mem>>)
          %dma_wait3A = arith.constant 0 : i32
          %dma_wait3A_49 = tpu.memref_slice %arg4[%mul3A_40, %dma_wait3A] : memref<327680x16xf32, #tpu.memory_space<hbm>> -> memref<128x16xf32, #tpu.memory_space<hbm>>
          %dma_wait3A_50 = arith.constant 0 : i32
          %dma_wait3A_51 = tpu.memref_slice %arg4[%mul3A_40, %dma_wait3A_50] : memref<327680x16xf32, #tpu.memory_space<hbm>> -> memref<128x16xf32, #tpu.memory_space<hbm>>
          tpu.wait_dma2 semaphore(%run_scoped3A : memref<!tpu.dma_semaphore, #tpu.memory_space<semaphore_mem>>) src(%dma_wait3A_51 : memref<128x16xf32, #tpu.memory_space<hbm>>) dst(%arg9 : memref<128x16xf32, #tpu.memory_space<vmem>>)
          tpu.yield
        }) : () -> ()
        %scan3A_41 = arith.constant 0 : i32
        %scan3A_42 = arith.constant 8 : i32
        %scan3A_43 = arith.addi %scan3A_41, %scan3A_42 : i32
        %scan3A_44 = arith.constant 1 : i32
        scf.for %scan3A_46 = %scan3A_41 to %scan3A_43 step %scan3A_44  : i32 {
          %mul3A_47 = arith.constant 16 : i32
          %mul3A_48 = arith.muli %scan3A_46, %mul3A_47 : i32
          %get3A = arith.index_cast %scan3A_32 : i32 to index
          %get3A_49 = arith.index_cast %mul3A_48 : i32 to index
          %get3A_50 = tpu.vector_load %arg7[%get3A, %get3A_49] {strides = array<i32>} : memref<16x128xi32, #tpu.memory_space<vmem>>, vector<1x16xi32>,
          %get3A_51 = vector.shape_cast %get3A_50 : vector<1x16xi32> to vector<16xi32>
          %slice3A = vector.extract_strided_slice %get3A_51 {offsets = [0], sizes = [1], strides = [1]} : vector<16xi32> to vector<1xi32>
          %squeeze3A = vector.extract %slice3A[0] : i32 from vector<1xi32>
          %get3A_52 = arith.index_cast %squeeze3A : i32 to index
          %get3A_53 = tpu.vector_load %arg11[%get3A_52] {strides = array<i32>} : memref<10016xf32, #tpu.memory_space<vmem>>, vector<16xf32>,
          %get3A_54 = vector.shape_cast %get3A_53 : vector<16xf32> to vector<16xf32>
          %slice3A_55 = vector.extract_strided_slice %get3A_54 {offsets = [0], sizes = [1], strides = [1]} : vector<16xf32> to vector<1xf32>
          %squeeze3A_56 = vector.extract %slice3A_55[0] : f32 from vector<1xf32>
          %broadcast_in_dim3A_57 = vector.broadcast %squeeze3A_56 : f32 to vector<16xf32>
          %mul3A_58 = arith.constant 16 : i32
          %mul3A_59 = arith.muli %scan3A_46, %mul3A_58 : i32
          %add3A_60 = arith.constant 0 : i32
          %add3A_61 = arith.addi %mul3A_59, %add3A_60 : i32
          %get3A_62 = arith.index_cast %add3A_61 : i32 to index
          %get3A_63 = arith.constant 0 : index
          %get3A_64 = tpu.vector_load %arg9[%get3A_62, %get3A_63] {strides = array<i32>} : memref<128x16xf32, #tpu.memory_space<vmem>>, vector<1x16xf32>,
          %get3A_65 = vector.shape_cast %get3A_64 : vector<1x16xf32> to vector<16xf32>
          %mul3A_66 = arith.mulf %get3A_65, %broadcast_in_dim3A_57 : vector<16xf32>
          %swap3A = arith.index_cast %add3A_61 : i32 to index
          %swap3A_67 = arith.constant 0 : index
          %swap3A_68 = tpu.vector_load %arg10[%swap3A, %swap3A_67] {strides = array<i32>} : memref<128x128xf32, #tpu.memory_space<vmem>>, vector<1x16xf32>,
          %swap3A_69 = vector.shape_cast %swap3A_68 : vector<1x16xf32> to vector<16xf32>
          %swap3A_70 = vector.shape_cast %mul3A_66 : vector<16xf32> to vector<1x16xf32>
          tpu.vector_store %arg10[%swap3A, %swap3A_67], %swap3A_70 {strides = array<i32>} : memref<128x128xf32, #tpu.memory_space<vmem>>, vector<1x16xf32>,
          %swap3A_71 = arith.index_cast %add3A_61 : i32 to index
          %swap3A_72 = arith.constant 16 : index
          %swap3A_73 = tpu.vector_load %arg10[%swap3A_71, %swap3A_72] {strides = array<i32>} : memref<128x128xf32, #tpu.memory_space<vmem>>, vector<1x16xf32>,
          %swap3A_74 = vector.shape_cast %swap3A_73 : vector<1x16xf32> to vector<16xf32>
          %swap3A_75 = vector.shape_cast %broadcast_in_dim3A_57 : vector<16xf32> to vector<1x16xf32>
          tpu.vector_store %arg10[%swap3A_71, %swap3A_72], %swap3A_75 {strides = array<i32>} : memref<128x128xf32, #tpu.memory_space<vmem>>, vector<1x16xf32>,
          %slice3A_76 = vector.extract_strided_slice %get3A_51 {offsets = [1], sizes = [1], strides = [1]} : vector<16xi32> to vector<1xi32>
          %squeeze3A_77 = vector.extract %slice3A_76[0] : i32 from vector<1xi32>
          %get3A_78 = arith.index_cast %squeeze3A_77 : i32 to index
          %get3A_79 = tpu.vector_load %arg11[%get3A_78] {strides = array<i32>} : memref<10016xf32, #tpu.memory_space<vmem>>, vector<16xf32>,
          %get3A_80 = vector.shape_cast %get3A_79 : vector<16xf32> to vector<16xf32>
          %slice3A_81 = vector.extract_strided_slice %get3A_80 {offsets = [0], sizes = [1], strides = [1]} : vector<16xf32> to vector<1xf32>
          %squeeze3A_82 = vector.extract %slice3A_81[0] : f32 from vector<1xf32>
          %broadcast_in_dim3A_83 = vector.broadcast %squeeze3A_82 : f32 to vector<16xf32>
          %mul3A_84 = arith.constant 16 : i32
          %mul3A_85 = arith.muli %scan3A_46, %mul3A_84 : i32
          %add3A_86 = arith.constant 1 : i32
          %add3A_87 = arith.addi %mul3A_85, %add3A_86 : i32
          %get3A_88 = arith.index_cast %add3A_87 : i32 to index
          %get3A_89 = arith.constant 0 : index
          %get3A_90 = tpu.vector_load %arg9[%get3A_88, %get3A_89] {strides = array<i32>} : memref<128x16xf32, #tpu.memory_space<vmem>>, vector<1x16xf32>,
          %get3A_91 = vector.shape_cast %get3A_90 : vector<1x16xf32> to vector<16xf32>
          %mul3A_92 = arith.mulf %get3A_91, %broadcast_in_dim3A_83 : vector<16xf32>
          %swap3A_93 = arith.index_cast %add3A_87 : i32 to index
          %swap3A_94 = arith.constant 0 : index
          %swap3A_95 = tpu.vector_load %arg10[%swap3A_93, %swap3A_94] {strides = array<i32>} : memref<128x128xf32, #tpu.memory_space<vmem>>, vector<1x16xf32>,
          %swap3A_96 = vector.shape_cast %swap3A_95 : vector<1x16xf32> to vector<16xf32>
          %swap3A_97 = vector.shape_cast %mul3A_92 : vector<16xf32> to vector<1x16xf32>
          tpu.vector_store %arg10[%swap3A_93, %swap3A_94], %swap3A_97 {strides = array<i32>} : memref<128x128xf32, #tpu.memory_space<vmem>>, vector<1x16xf32>,
          %swap3A_98 = arith.index_cast %add3A_87 : i32 to index
          %swap3A_99 = arith.constant 16 : index
          %swap3A_100 = tpu.vector_load %arg10[%swap3A_98, %swap3A_99] {strides = array<i32>} : memref<128x128xf32, #tpu.memory_space<vmem>>, vector<1x16xf32>,
          %swap3A_101 = vector.shape_cast %swap3A_100 : vector<1x16xf32> to vector<16xf32>
          %swap3A_102 = vector.shape_cast %broadcast_in_dim3A_83 : vector<16xf32> to vector<1x16xf32>
          tpu.vector_store %arg10[%swap3A_98, %swap3A_99], %swap3A_102 {strides = array<i32>} : memref<128x128xf32, #tpu.memory_space<vmem>>, vector<1x16xf32>,
          %slice3A_103 = vector.extract_strided_slice %get3A_51 {offsets = [2], sizes = [1], strides = [1]} : vector<16xi32> to vector<1xi32>
          %squeeze3A_104 = vector.extract %slice3A_103[0] : i32 from vector<1xi32>
          %get3A_105 = arith.index_cast %squeeze3A_104 : i32 to index
          %get3A_106 = tpu.vector_load %arg11[%get3A_105] {strides = array<i32>} : memref<10016xf32, #tpu.memory_space<vmem>>, vector<16xf32>,
          %get3A_107 = vector.shape_cast %get3A_106 : vector<16xf32> to vector<16xf32>
          %slice3A_108 = vector.extract_strided_slice %get3A_107 {offsets = [0], sizes = [1], strides = [1]} : vector<16xf32> to vector<1xf32>
          %squeeze3A_109 = vector.extract %slice3A_108[0] : f32 from vector<1xf32>
          %broadcast_in_dim3A_110 = vector.broadcast %squeeze3A_109 : f32 to vector<16xf32>
          %mul3A_111 = arith.constant 16 : i32
          %mul3A_112 = arith.muli %scan3A_46, %mul3A_111 : i32
          %add3A_113 = arith.constant 2 : i32
          %add3A_114 = arith.addi %mul3A_112, %add3A_113 : i32
          %get3A_115 = arith.index_cast %add3A_114 : i32 to index
          %get3A_116 = arith.constant 0 : index
          %get3A_117 = tpu.vector_load %arg9[%get3A_115, %get3A_116] {strides = array<i32>} : memref<128x16xf32, #tpu.memory_space<vmem>>, vector<1x16xf32>,
          %get3A_118 = vector.shape_cast %get3A_117 : vector<1x16xf32> to vector<16xf32>
          %mul3A_119 = arith.mulf %get3A_118, %broadcast_in_dim3A_110 : vector<16xf32>
          %swap3A_120 = arith.index_cast %add3A_114 : i32 to index
          %swap3A_121 = arith.constant 0 : index
          %swap3A_122 = tpu.vector_load %arg10[%swap3A_120, %swap3A_121] {strides = array<i32>} : memref<128x128xf32, #tpu.memory_space<vmem>>, vector<1x16xf32>,
          %swap3A_123 = vector.shape_cast %swap3A_122 : vector<1x16xf32> to vector<16xf32>
          %swap3A_124 = vector.shape_cast %mul3A_119 : vector<16xf32> to vector<1x16xf32>
          tpu.vector_store %arg10[%swap3A_120, %swap3A_121], %swap3A_124 {strides = array<i32>} : memref<128x128xf32, #tpu.memory_space<vmem>>, vector<1x16xf32>,
          %swap3A_125 = arith.index_cast %add3A_114 : i32 to index
          %swap3A_126 = arith.constant 16 : index
          %swap3A_127 = tpu.vector_load %arg10[%swap3A_125, %swap3A_126] {strides = array<i32>} : memref<128x128xf32, #tpu.memory_space<vmem>>, vector<1x16xf32>,
          %swap3A_128 = vector.shape_cast %swap3A_127 : vector<1x16xf32> to vector<16xf32>
          %swap3A_129 = vector.shape_cast %broadcast_in_dim3A_110 : vector<16xf32> to vector<1x16xf32>
          tpu.vector_store %arg10[%swap3A_125, %swap3A_126], %swap3A_129 {strides = array<i32>} : memref<128x128xf32, #tpu.memory_space<vmem>>, vector<1x16xf32>,
          %slice3A_130 = vector.extract_strided_slice %get3A_51 {offsets = [3], sizes = [1], strides = [1]} : vector<16xi32> to vector<1xi32>
          %squeeze3A_131 = vector.extract %slice3A_130[0] : i32 from vector<1xi32>
          %get3A_132 = arith.index_cast %squeeze3A_131 : i32 to index
          %get3A_133 = tpu.vector_load %arg11[%get3A_132] {strides = array<i32>} : memref<10016xf32, #tpu.memory_space<vmem>>, vector<16xf32>,
          %get3A_134 = vector.shape_cast %get3A_133 : vector<16xf32> to vector<16xf32>
          %slice3A_135 = vector.extract_strided_slice %get3A_134 {offsets = [0], sizes = [1], strides = [1]} : vector<16xf32> to vector<1xf32>
          %squeeze3A_136 = vector.extract %slice3A_135[0] : f32 from vector<1xf32>
          %broadcast_in_dim3A_137 = vector.broadcast %squeeze3A_136 : f32 to vector<16xf32>
          %mul3A_138 = arith.constant 16 : i32
          %mul3A_139 = arith.muli %scan3A_46, %mul3A_138 : i32
          %add3A_140 = arith.constant 3 : i32
          %add3A_141 = arith.addi %mul3A_139, %add3A_140 : i32
          %get3A_142 = arith.index_cast %add3A_141 : i32 to index
          %get3A_143 = arith.constant 0 : index
          %get3A_144 = tpu.vector_load %arg9[%get3A_142, %get3A_143] {strides = array<i32>} : memref<128x16xf32, #tpu.memory_space<vmem>>, vector<1x16xf32>,
          %get3A_145 = vector.shape_cast %get3A_144 : vector<1x16xf32> to vector<16xf32>
          %mul3A_146 = arith.mulf %get3A_145, %broadcast_in_dim3A_137 : vector<16xf32>
          %swap3A_147 = arith.index_cast %add3A_141 : i32 to index
          %swap3A_148 = arith.constant 0 : index
          %swap3A_149 = tpu.vector_load %arg10[%swap3A_147, %swap3A_148] {strides = array<i32>} : memref<128x128xf32, #tpu.memory_space<vmem>>, vector<1x16xf32>,
          %swap3A_150 = vector.shape_cast %swap3A_149 : vector<1x16xf32> to vector<16xf32>
          %swap3A_151 = vector.shape_cast %mul3A_146 : vector<16xf32> to vector<1x16xf32>
          tpu.vector_store %arg10[%swap3A_147, %swap3A_148], %swap3A_151 {strides = array<i32>} : memref<128x128xf32, #tpu.memory_space<vmem>>, vector<1x16xf32>,
          %swap3A_152 = arith.index_cast %add3A_141 : i32 to index
          %swap3A_153 = arith.constant 16 : index
          %swap3A_154 = tpu.vector_load %arg10[%swap3A_152, %swap3A_153] {strides = array<i32>} : memref<128x128xf32, #tpu.memory_space<vmem>>, vector<1x16xf32>,
          %swap3A_155 = vector.shape_cast %swap3A_154 : vector<1x16xf32> to vector<16xf32>
          %swap3A_156 = vector.shape_cast %broadcast_in_dim3A_137 : vector<16xf32> to vector<1x16xf32>
          tpu.vector_store %arg10[%swap3A_152, %swap3A_153], %swap3A_156 {strides = array<i32>} : memref<128x128xf32, #tpu.memory_space<vmem>>, vector<1x16xf32>,
          %slice3A_157 = vector.extract_strided_slice %get3A_51 {offsets = [4], sizes = [1], strides = [1]} : vector<16xi32> to vector<1xi32>
          %squeeze3A_158 = vector.extract %slice3A_157[0] : i32 from vector<1xi32>
          %get3A_159 = arith.index_cast %squeeze3A_158 : i32 to index
          %get3A_160 = tpu.vector_load %arg11[%get3A_159] {strides = array<i32>} : memref<10016xf32, #tpu.memory_space<vmem>>, vector<16xf32>,
          %get3A_161 = vector.shape_cast %get3A_160 : vector<16xf32> to vector<16xf32>
          %slice3A_162 = vector.extract_strided_slice %get3A_161 {offsets = [0], sizes = [1], strides = [1]} : vector<16xf32> to vector<1xf32>
          %squeeze3A_163 = vector.extract %slice3A_162[0] : f32 from vector<1xf32>
          %broadcast_in_dim3A_164 = vector.broadcast %squeeze3A_163 : f32 to vector<16xf32>
          %mul3A_165 = arith.constant 16 : i32
          %mul3A_166 = arith.muli %scan3A_46, %mul3A_165 : i32
          %add3A_167 = arith.constant 4 : i32
          %add3A_168 = arith.addi %mul3A_166, %add3A_167 : i32
          %get3A_169 = arith.index_cast %add3A_168 : i32 to index
          %get3A_170 = arith.constant 0 : index
          %get3A_171 = tpu.vector_load %arg9[%get3A_169, %get3A_170] {strides = array<i32>} : memref<128x16xf32, #tpu.memory_space<vmem>>, vector<1x16xf32>,
          %get3A_172 = vector.shape_cast %get3A_171 : vector<1x16xf32> to vector<16xf32>
          %mul3A_173 = arith.mulf %get3A_172, %broadcast_in_dim3A_164 : vector<16xf32>
          %swap3A_174 = arith.index_cast %add3A_168 : i32 to index
          %swap3A_175 = arith.constant 0 : index
          %swap3A_176 = tpu.vector_load %arg10[%swap3A_174, %swap3A_175] {strides = array<i32>} : memref<128x128xf32, #tpu.memory_space<vmem>>, vector<1x16xf32>,
          %swap3A_177 = vector.shape_cast %swap3A_176 : vector<1x16xf32> to vector<16xf32>
          %swap3A_178 = vector.shape_cast %mul3A_173 : vector<16xf32> to vector<1x16xf32>
          tpu.vector_store %arg10[%swap3A_174, %swap3A_175], %swap3A_178 {strides = array<i32>} : memref<128x128xf32, #tpu.memory_space<vmem>>, vector<1x16xf32>,
          %swap3A_179 = arith.index_cast %add3A_168 : i32 to index
          %swap3A_180 = arith.constant 16 : index
          %swap3A_181 = tpu.vector_load %arg10[%swap3A_179, %swap3A_180] {strides = array<i32>} : memref<128x128xf32, #tpu.memory_space<vmem>>, vector<1x16xf32>,
          %swap3A_182 = vector.shape_cast %swap3A_181 : vector<1x16xf32> to vector<16xf32>
          %swap3A_183 = vector.shape_cast %broadcast_in_dim3A_164 : vector<16xf32> to vector<1x16xf32>
          tpu.vector_store %arg10[%swap3A_179, %swap3A_180], %swap3A_183 {strides = array<i32>} : memref<128x128xf32, #tpu.memory_space<vmem>>, vector<1x16xf32>,
          %slice3A_184 = vector.extract_strided_slice %get3A_51 {offsets = [5], sizes = [1], strides = [1]} : vector<16xi32> to vector<1xi32>
          %squeeze3A_185 = vector.extract %slice3A_184[0] : i32 from vector<1xi32>
          %get3A_186 = arith.index_cast %squeeze3A_185 : i32 to index
          %get3A_187 = tpu.vector_load %arg11[%get3A_186] {strides = array<i32>} : memref<10016xf32, #tpu.memory_space<vmem>>, vector<16xf32>,
          %get3A_188 = vector.shape_cast %get3A_187 : vector<16xf32> to vector<16xf32>
          %slice3A_189 = vector.extract_strided_slice %get3A_188 {offsets = [0], sizes = [1], strides = [1]} : vector<16xf32> to vector<1xf32>
          %squeeze3A_190 = vector.extract %slice3A_189[0] : f32 from vector<1xf32>
          %broadcast_in_dim3A_191 = vector.broadcast %squeeze3A_190 : f32 to vector<16xf32>
          %mul3A_192 = arith.constant 16 : i32
          %mul3A_193 = arith.muli %scan3A_46, %mul3A_192 : i32
          %add3A_194 = arith.constant 5 : i32
          %add3A_195 = arith.addi %mul3A_193, %add3A_194 : i32
          %get3A_196 = arith.index_cast %add3A_195 : i32 to index
          %get3A_197 = arith.constant 0 : index
          %get3A_198 = tpu.vector_load %arg9[%get3A_196, %get3A_197] {strides = array<i32>} : memref<128x16xf32, #tpu.memory_space<vmem>>, vector<1x16xf32>,
          %get3A_199 = vector.shape_cast %get3A_198 : vector<1x16xf32> to vector<16xf32>
          %mul3A_200 = arith.mulf %get3A_199, %broadcast_in_dim3A_191 : vector<16xf32>
          %swap3A_201 = arith.index_cast %add3A_195 : i32 to index
          %swap3A_202 = arith.constant 0 : index
          %swap3A_203 = tpu.vector_load %arg10[%swap3A_201, %swap3A_202] {strides = array<i32>} : memref<128x128xf32, #tpu.memory_space<vmem>>, vector<1x16xf32>,
          %swap3A_204 = vector.shape_cast %swap3A_203 : vector<1x16xf32> to vector<16xf32>
          %swap3A_205 = vector.shape_cast %mul3A_200 : vector<16xf32> to vector<1x16xf32>
          tpu.vector_store %arg10[%swap3A_201, %swap3A_202], %swap3A_205 {strides = array<i32>} : memref<128x128xf32, #tpu.memory_space<vmem>>, vector<1x16xf32>,
          %swap3A_206 = arith.index_cast %add3A_195 : i32 to index
          %swap3A_207 = arith.constant 16 : index
          %swap3A_208 = tpu.vector_load %arg10[%swap3A_206, %swap3A_207] {strides = array<i32>} : memref<128x128xf32, #tpu.memory_space<vmem>>, vector<1x16xf32>,
          %swap3A_209 = vector.shape_cast %swap3A_208 : vector<1x16xf32> to vector<16xf32>
          %swap3A_210 = vector.shape_cast %broadcast_in_dim3A_191 : vector<16xf32> to vector<1x16xf32>
          tpu.vector_store %arg10[%swap3A_206, %swap3A_207], %swap3A_210 {strides = array<i32>} : memref<128x128xf32, #tpu.memory_space<vmem>>, vector<1x16xf32>,
          %slice3A_211 = vector.extract_strided_slice %get3A_51 {offsets = [6], sizes = [1], strides = [1]} : vector<16xi32> to vector<1xi32>
          %squeeze3A_212 = vector.extract %slice3A_211[0] : i32 from vector<1xi32>
          %get3A_213 = arith.index_cast %squeeze3A_212 : i32 to index
          %get3A_214 = tpu.vector_load %arg11[%get3A_213] {strides = array<i32>} : memref<10016xf32, #tpu.memory_space<vmem>>, vector<16xf32>,
          %get3A_215 = vector.shape_cast %get3A_214 : vector<16xf32> to vector<16xf32>
          %slice3A_216 = vector.extract_strided_slice %get3A_215 {offsets = [0], sizes = [1], strides = [1]} : vector<16xf32> to vector<1xf32>
          %squeeze3A_217 = vector.extract %slice3A_216[0] : f32 from vector<1xf32>
          %broadcast_in_dim3A_218 = vector.broadcast %squeeze3A_217 : f32 to vector<16xf32>
          %mul3A_219 = arith.constant 16 : i32
          %mul3A_220 = arith.muli %scan3A_46, %mul3A_219 : i32
          %add3A_221 = arith.constant 6 : i32
          %add3A_222 = arith.addi %mul3A_220, %add3A_221 : i32
          %get3A_223 = arith.index_cast %add3A_222 : i32 to index
          %get3A_224 = arith.constant 0 : index
          %get3A_225 = tpu.vector_load %arg9[%get3A_223, %get3A_224] {strides = array<i32>} : memref<128x16xf32, #tpu.memory_space<vmem>>, vector<1x16xf32>,
          %get3A_226 = vector.shape_cast %get3A_225 : vector<1x16xf32> to vector<16xf32>
          %mul3A_227 = arith.mulf %get3A_226, %broadcast_in_dim3A_218 : vector<16xf32>
          %swap3A_228 = arith.index_cast %add3A_222 : i32 to index
          %swap3A_229 = arith.constant 0 : index
          %swap3A_230 = tpu.vector_load %arg10[%swap3A_228, %swap3A_229] {strides = array<i32>} : memref<128x128xf32, #tpu.memory_space<vmem>>, vector<1x16xf32>,
          %swap3A_231 = vector.shape_cast %swap3A_230 : vector<1x16xf32> to vector<16xf32>
          %swap3A_232 = vector.shape_cast %mul3A_227 : vector<16xf32> to vector<1x16xf32>
          tpu.vector_store %arg10[%swap3A_228, %swap3A_229], %swap3A_232 {strides = array<i32>} : memref<128x128xf32, #tpu.memory_space<vmem>>, vector<1x16xf32>,
          %swap3A_233 = arith.index_cast %add3A_222 : i32 to index
          %swap3A_234 = arith.constant 16 : index
          %swap3A_235 = tpu.vector_load %arg10[%swap3A_233, %swap3A_234] {strides = array<i32>} : memref<128x128xf32, #tpu.memory_space<vmem>>, vector<1x16xf32>,
          %swap3A_236 = vector.shape_cast %swap3A_235 : vector<1x16xf32> to vector<16xf32>
          %swap3A_237 = vector.shape_cast %broadcast_in_dim3A_218 : vector<16xf32> to vector<1x16xf32>
          tpu.vector_store %arg10[%swap3A_233, %swap3A_234], %swap3A_237 {strides = array<i32>} : memref<128x128xf32, #tpu.memory_space<vmem>>, vector<1x16xf32>,
          %slice3A_238 = vector.extract_strided_slice %get3A_51 {offsets = [7], sizes = [1], strides = [1]} : vector<16xi32> to vector<1xi32>
          %squeeze3A_239 = vector.extract %slice3A_238[0] : i32 from vector<1xi32>
          %get3A_240 = arith.index_cast %squeeze3A_239 : i32 to index
          %get3A_241 = tpu.vector_load %arg11[%get3A_240] {strides = array<i32>} : memref<10016xf32, #tpu.memory_space<vmem>>, vector<16xf32>,
          %get3A_242 = vector.shape_cast %get3A_241 : vector<16xf32> to vector<16xf32>
          %slice3A_243 = vector.extract_strided_slice %get3A_242 {offsets = [0], sizes = [1], strides = [1]} : vector<16xf32> to vector<1xf32>
          %squeeze3A_244 = vector.extract %slice3A_243[0] : f32 from vector<1xf32>
          %broadcast_in_dim3A_245 = vector.broadcast %squeeze3A_244 : f32 to vector<16xf32>
          %mul3A_246 = arith.constant 16 : i32
          %mul3A_247 = arith.muli %scan3A_46, %mul3A_246 : i32
          %add3A_248 = arith.constant 7 : i32
          %add3A_249 = arith.addi %mul3A_247, %add3A_248 : i32
          %get3A_250 = arith.index_cast %add3A_249 : i32 to index
          %get3A_251 = arith.constant 0 : index
          %get3A_252 = tpu.vector_load %arg9[%get3A_250, %get3A_251] {strides = array<i32>} : memref<128x16xf32, #tpu.memory_space<vmem>>, vector<1x16xf32>,
          %get3A_253 = vector.shape_cast %get3A_252 : vector<1x16xf32> to vector<16xf32>
          %mul3A_254 = arith.mulf %get3A_253, %broadcast_in_dim3A_245 : vector<16xf32>
          %swap3A_255 = arith.index_cast %add3A_249 : i32 to index
          %swap3A_256 = arith.constant 0 : index
          %swap3A_257 = tpu.vector_load %arg10[%swap3A_255, %swap3A_256] {strides = array<i32>} : memref<128x128xf32, #tpu.memory_space<vmem>>, vector<1x16xf32>,
          %swap3A_258 = vector.shape_cast %swap3A_257 : vector<1x16xf32> to vector<16xf32>
          %swap3A_259 = vector.shape_cast %mul3A_254 : vector<16xf32> to vector<1x16xf32>
          tpu.vector_store %arg10[%swap3A_255, %swap3A_256], %swap3A_259 {strides = array<i32>} : memref<128x128xf32, #tpu.memory_space<vmem>>, vector<1x16xf32>,
          %swap3A_260 = arith.index_cast %add3A_249 : i32 to index
          %swap3A_261 = arith.constant 16 : index
          %swap3A_262 = tpu.vector_load %arg10[%swap3A_260, %swap3A_261] {strides = array<i32>} : memref<128x128xf32, #tpu.memory_space<vmem>>, vector<1x16xf32>,
          %swap3A_263 = vector.shape_cast %swap3A_262 : vector<1x16xf32> to vector<16xf32>
          %swap3A_264 = vector.shape_cast %broadcast_in_dim3A_245 : vector<16xf32> to vector<1x16xf32>
          tpu.vector_store %arg10[%swap3A_260, %swap3A_261], %swap3A_264 {strides = array<i32>} : memref<128x128xf32, #tpu.memory_space<vmem>>, vector<1x16xf32>,
          %slice3A_265 = vector.extract_strided_slice %get3A_51 {offsets = [8], sizes = [1], strides = [1]} : vector<16xi32> to vector<1xi32>
          %squeeze3A_266 = vector.extract %slice3A_265[0] : i32 from vector<1xi32>
          %get3A_267 = arith.index_cast %squeeze3A_266 : i32 to index
          %get3A_268 = tpu.vector_load %arg11[%get3A_267] {strides = array<i32>} : memref<10016xf32, #tpu.memory_space<vmem>>, vector<16xf32>,
          %get3A_269 = vector.shape_cast %get3A_268 : vector<16xf32> to vector<16xf32>
          %slice3A_270 = vector.extract_strided_slice %get3A_269 {offsets = [0], sizes = [1], strides = [1]} : vector<16xf32> to vector<1xf32>
          %squeeze3A_271 = vector.extract %slice3A_270[0] : f32 from vector<1xf32>
          %broadcast_in_dim3A_272 = vector.broadcast %squeeze3A_271 : f32 to vector<16xf32>
          %mul3A_273 = arith.constant 16 : i32
          %mul3A_274 = arith.muli %scan3A_46, %mul3A_273 : i32
          %add3A_275 = arith.constant 8 : i32
          %add3A_276 = arith.addi %mul3A_274, %add3A_275 : i32
          %get3A_277 = arith.index_cast %add3A_276 : i32 to index
          %get3A_278 = arith.constant 0 : index
          %get3A_279 = tpu.vector_load %arg9[%get3A_277, %get3A_278] {strides = array<i32>} : memref<128x16xf32, #tpu.memory_space<vmem>>, vector<1x16xf32>,
          %get3A_280 = vector.shape_cast %get3A_279 : vector<1x16xf32> to vector<16xf32>
          %mul3A_281 = arith.mulf %get3A_280, %broadcast_in_dim3A_272 : vector<16xf32>
          %swap3A_282 = arith.index_cast %add3A_276 : i32 to index
          %swap3A_283 = arith.constant 0 : index
          %swap3A_284 = tpu.vector_load %arg10[%swap3A_282, %swap3A_283] {strides = array<i32>} : memref<128x128xf32, #tpu.memory_space<vmem>>, vector<1x16xf32>,
          %swap3A_285 = vector.shape_cast %swap3A_284 : vector<1x16xf32> to vector<16xf32>
          %swap3A_286 = vector.shape_cast %mul3A_281 : vector<16xf32> to vector<1x16xf32>
          tpu.vector_store %arg10[%swap3A_282, %swap3A_283], %swap3A_286 {strides = array<i32>} : memref<128x128xf32, #tpu.memory_space<vmem>>, vector<1x16xf32>,
          %swap3A_287 = arith.index_cast %add3A_276 : i32 to index
          %swap3A_288 = arith.constant 16 : index
          %swap3A_289 = tpu.vector_load %arg10[%swap3A_287, %swap3A_288] {strides = array<i32>} : memref<128x128xf32, #tpu.memory_space<vmem>>, vector<1x16xf32>,
          %swap3A_290 = vector.shape_cast %swap3A_289 : vector<1x16xf32> to vector<16xf32>
          %swap3A_291 = vector.shape_cast %broadcast_in_dim3A_272 : vector<16xf32> to vector<1x16xf32>
          tpu.vector_store %arg10[%swap3A_287, %swap3A_288], %swap3A_291 {strides = array<i32>} : memref<128x128xf32, #tpu.memory_space<vmem>>, vector<1x16xf32>,
          %slice3A_292 = vector.extract_strided_slice %get3A_51 {offsets = [9], sizes = [1], strides = [1]} : vector<16xi32> to vector<1xi32>
          %squeeze3A_293 = vector.extract %slice3A_292[0] : i32 from vector<1xi32>
          %get3A_294 = arith.index_cast %squeeze3A_293 : i32 to index
          %get3A_295 = tpu.vector_load %arg11[%get3A_294] {strides = array<i32>} : memref<10016xf32, #tpu.memory_space<vmem>>, vector<16xf32>,
          %get3A_296 = vector.shape_cast %get3A_295 : vector<16xf32> to vector<16xf32>
          %slice3A_297 = vector.extract_strided_slice %get3A_296 {offsets = [0], sizes = [1], strides = [1]} : vector<16xf32> to vector<1xf32>
          %squeeze3A_298 = vector.extract %slice3A_297[0] : f32 from vector<1xf32>
          %broadcast_in_dim3A_299 = vector.broadcast %squeeze3A_298 : f32 to vector<16xf32>
          %mul3A_300 = arith.constant 16 : i32
          %mul3A_301 = arith.muli %scan3A_46, %mul3A_300 : i32
          %add3A_302 = arith.constant 9 : i32
          %add3A_303 = arith.addi %mul3A_301, %add3A_302 : i32
          %get3A_304 = arith.index_cast %add3A_303 : i32 to index
          %get3A_305 = arith.constant 0 : index
          %get3A_306 = tpu.vector_load %arg9[%get3A_304, %get3A_305] {strides = array<i32>} : memref<128x16xf32, #tpu.memory_space<vmem>>, vector<1x16xf32>,
          %get3A_307 = vector.shape_cast %get3A_306 : vector<1x16xf32> to vector<16xf32>
          %mul3A_308 = arith.mulf %get3A_307, %broadcast_in_dim3A_299 : vector<16xf32>
          %swap3A_309 = arith.index_cast %add3A_303 : i32 to index
          %swap3A_310 = arith.constant 0 : index
          %swap3A_311 = tpu.vector_load %arg10[%swap3A_309, %swap3A_310] {strides = array<i32>} : memref<128x128xf32, #tpu.memory_space<vmem>>, vector<1x16xf32>,
          %swap3A_312 = vector.shape_cast %swap3A_311 : vector<1x16xf32> to vector<16xf32>
          %swap3A_313 = vector.shape_cast %mul3A_308 : vector<16xf32> to vector<1x16xf32>
          tpu.vector_store %arg10[%swap3A_309, %swap3A_310], %swap3A_313 {strides = array<i32>} : memref<128x128xf32, #tpu.memory_space<vmem>>, vector<1x16xf32>,
          %swap3A_314 = arith.index_cast %add3A_303 : i32 to index
          %swap3A_315 = arith.constant 16 : index
          %swap3A_316 = tpu.vector_load %arg10[%swap3A_314, %swap3A_315] {strides = array<i32>} : memref<128x128xf32, #tpu.memory_space<vmem>>, vector<1x16xf32>,
          %swap3A_317 = vector.shape_cast %swap3A_316 : vector<1x16xf32> to vector<16xf32>
          %swap3A_318 = vector.shape_cast %broadcast_in_dim3A_299 : vector<16xf32> to vector<1x16xf32>
          tpu.vector_store %arg10[%swap3A_314, %swap3A_315], %swap3A_318 {strides = array<i32>} : memref<128x128xf32, #tpu.memory_space<vmem>>, vector<1x16xf32>,
          %slice3A_319 = vector.extract_strided_slice %get3A_51 {offsets = [10], sizes = [1], strides = [1]} : vector<16xi32> to vector<1xi32>
          %squeeze3A_320 = vector.extract %slice3A_319[0] : i32 from vector<1xi32>
          %get3A_321 = arith.index_cast %squeeze3A_320 : i32 to index
          %get3A_322 = tpu.vector_load %arg11[%get3A_321] {strides = array<i32>} : memref<10016xf32, #tpu.memory_space<vmem>>, vector<16xf32>,
          %get3A_323 = vector.shape_cast %get3A_322 : vector<16xf32> to vector<16xf32>
          %slice3A_324 = vector.extract_strided_slice %get3A_323 {offsets = [0], sizes = [1], strides = [1]} : vector<16xf32> to vector<1xf32>
          %squeeze3A_325 = vector.extract %slice3A_324[0] : f32 from vector<1xf32>
          %broadcast_in_dim3A_326 = vector.broadcast %squeeze3A_325 : f32 to vector<16xf32>
          %mul3A_327 = arith.constant 16 : i32
          %mul3A_328 = arith.muli %scan3A_46, %mul3A_327 : i32
          %add3A_329 = arith.constant 10 : i32
          %add3A_330 = arith.addi %mul3A_328, %add3A_329 : i32
          %get3A_331 = arith.index_cast %add3A_330 : i32 to index
          %get3A_332 = arith.constant 0 : index
          %get3A_333 = tpu.vector_load %arg9[%get3A_331, %get3A_332] {strides = array<i32>} : memref<128x16xf32, #tpu.memory_space<vmem>>, vector<1x16xf32>,
          %get3A_334 = vector.shape_cast %get3A_333 : vector<1x16xf32> to vector<16xf32>
          %mul3A_335 = arith.mulf %get3A_334, %broadcast_in_dim3A_326 : vector<16xf32>
          %swap3A_336 = arith.index_cast %add3A_330 : i32 to index
          %swap3A_337 = arith.constant 0 : index
          %swap3A_338 = tpu.vector_load %arg10[%swap3A_336, %swap3A_337] {strides = array<i32>} : memref<128x128xf32, #tpu.memory_space<vmem>>, vector<1x16xf32>,
          %swap3A_339 = vector.shape_cast %swap3A_338 : vector<1x16xf32> to vector<16xf32>
          %swap3A_340 = vector.shape_cast %mul3A_335 : vector<16xf32> to vector<1x16xf32>
          tpu.vector_store %arg10[%swap3A_336, %swap3A_337], %swap3A_340 {strides = array<i32>} : memref<128x128xf32, #tpu.memory_space<vmem>>, vector<1x16xf32>,
          %swap3A_341 = arith.index_cast %add3A_330 : i32 to index
          %swap3A_342 = arith.constant 16 : index
          %swap3A_343 = tpu.vector_load %arg10[%swap3A_341, %swap3A_342] {strides = array<i32>} : memref<128x128xf32, #tpu.memory_space<vmem>>, vector<1x16xf32>,
          %swap3A_344 = vector.shape_cast %swap3A_343 : vector<1x16xf32> to vector<16xf32>
          %swap3A_345 = vector.shape_cast %broadcast_in_dim3A_326 : vector<16xf32> to vector<1x16xf32>
          tpu.vector_store %arg10[%swap3A_341, %swap3A_342], %swap3A_345 {strides = array<i32>} : memref<128x128xf32, #tpu.memory_space<vmem>>, vector<1x16xf32>,
          %slice3A_346 = vector.extract_strided_slice %get3A_51 {offsets = [11], sizes = [1], strides = [1]} : vector<16xi32> to vector<1xi32>
          %squeeze3A_347 = vector.extract %slice3A_346[0] : i32 from vector<1xi32>
          %get3A_348 = arith.index_cast %squeeze3A_347 : i32 to index
          %get3A_349 = tpu.vector_load %arg11[%get3A_348] {strides = array<i32>} : memref<10016xf32, #tpu.memory_space<vmem>>, vector<16xf32>,
          %get3A_350 = vector.shape_cast %get3A_349 : vector<16xf32> to vector<16xf32>
          %slice3A_351 = vector.extract_strided_slice %get3A_350 {offsets = [0], sizes = [1], strides = [1]} : vector<16xf32> to vector<1xf32>
          %squeeze3A_352 = vector.extract %slice3A_351[0] : f32 from vector<1xf32>
          %broadcast_in_dim3A_353 = vector.broadcast %squeeze3A_352 : f32 to vector<16xf32>
          %mul3A_354 = arith.constant 16 : i32
          %mul3A_355 = arith.muli %scan3A_46, %mul3A_354 : i32
          %add3A_356 = arith.constant 11 : i32
          %add3A_357 = arith.addi %mul3A_355, %add3A_356 : i32
          %get3A_358 = arith.index_cast %add3A_357 : i32 to index
          %get3A_359 = arith.constant 0 : index
          %get3A_360 = tpu.vector_load %arg9[%get3A_358, %get3A_359] {strides = array<i32>} : memref<128x16xf32, #tpu.memory_space<vmem>>, vector<1x16xf32>,
          %get3A_361 = vector.shape_cast %get3A_360 : vector<1x16xf32> to vector<16xf32>
          %mul3A_362 = arith.mulf %get3A_361, %broadcast_in_dim3A_353 : vector<16xf32>
          %swap3A_363 = arith.index_cast %add3A_357 : i32 to index
          %swap3A_364 = arith.constant 0 : index
          %swap3A_365 = tpu.vector_load %arg10[%swap3A_363, %swap3A_364] {strides = array<i32>} : memref<128x128xf32, #tpu.memory_space<vmem>>, vector<1x16xf32>,
          %swap3A_366 = vector.shape_cast %swap3A_365 : vector<1x16xf32> to vector<16xf32>
          %swap3A_367 = vector.shape_cast %mul3A_362 : vector<16xf32> to vector<1x16xf32>
          tpu.vector_store %arg10[%swap3A_363, %swap3A_364], %swap3A_367 {strides = array<i32>} : memref<128x128xf32, #tpu.memory_space<vmem>>, vector<1x16xf32>,
          %swap3A_368 = arith.index_cast %add3A_357 : i32 to index
          %swap3A_369 = arith.constant 16 : index
          %swap3A_370 = tpu.vector_load %arg10[%swap3A_368, %swap3A_369] {strides = array<i32>} : memref<128x128xf32, #tpu.memory_space<vmem>>, vector<1x16xf32>,
          %swap3A_371 = vector.shape_cast %swap3A_370 : vector<1x16xf32> to vector<16xf32>
          %swap3A_372 = vector.shape_cast %broadcast_in_dim3A_353 : vector<16xf32> to vector<1x16xf32>
          tpu.vector_store %arg10[%swap3A_368, %swap3A_369], %swap3A_372 {strides = array<i32>} : memref<128x128xf32, #tpu.memory_space<vmem>>, vector<1x16xf32>,
          %slice3A_373 = vector.extract_strided_slice %get3A_51 {offsets = [12], sizes = [1], strides = [1]} : vector<16xi32> to vector<1xi32>
          %squeeze3A_374 = vector.extract %slice3A_373[0] : i32 from vector<1xi32>
          %get3A_375 = arith.index_cast %squeeze3A_374 : i32 to index
          %get3A_376 = tpu.vector_load %arg11[%get3A_375] {strides = array<i32>} : memref<10016xf32, #tpu.memory_space<vmem>>, vector<16xf32>,
          %get3A_377 = vector.shape_cast %get3A_376 : vector<16xf32> to vector<16xf32>
          %slice3A_378 = vector.extract_strided_slice %get3A_377 {offsets = [0], sizes = [1], strides = [1]} : vector<16xf32> to vector<1xf32>
          %squeeze3A_379 = vector.extract %slice3A_378[0] : f32 from vector<1xf32>
          %broadcast_in_dim3A_380 = vector.broadcast %squeeze3A_379 : f32 to vector<16xf32>
          %mul3A_381 = arith.constant 16 : i32
          %mul3A_382 = arith.muli %scan3A_46, %mul3A_381 : i32
          %add3A_383 = arith.constant 12 : i32
          %add3A_384 = arith.addi %mul3A_382, %add3A_383 : i32
          %get3A_385 = arith.index_cast %add3A_384 : i32 to index
          %get3A_386 = arith.constant 0 : index
          %get3A_387 = tpu.vector_load %arg9[%get3A_385, %get3A_386] {strides = array<i32>} : memref<128x16xf32, #tpu.memory_space<vmem>>, vector<1x16xf32>,
          %get3A_388 = vector.shape_cast %get3A_387 : vector<1x16xf32> to vector<16xf32>
          %mul3A_389 = arith.mulf %get3A_388, %broadcast_in_dim3A_380 : vector<16xf32>
          %swap3A_390 = arith.index_cast %add3A_384 : i32 to index
          %swap3A_391 = arith.constant 0 : index
          %swap3A_392 = tpu.vector_load %arg10[%swap3A_390, %swap3A_391] {strides = array<i32>} : memref<128x128xf32, #tpu.memory_space<vmem>>, vector<1x16xf32>,
          %swap3A_393 = vector.shape_cast %swap3A_392 : vector<1x16xf32> to vector<16xf32>
          %swap3A_394 = vector.shape_cast %mul3A_389 : vector<16xf32> to vector<1x16xf32>
          tpu.vector_store %arg10[%swap3A_390, %swap3A_391], %swap3A_394 {strides = array<i32>} : memref<128x128xf32, #tpu.memory_space<vmem>>, vector<1x16xf32>,
          %swap3A_395 = arith.index_cast %add3A_384 : i32 to index
          %swap3A_396 = arith.constant 16 : index
          %swap3A_397 = tpu.vector_load %arg10[%swap3A_395, %swap3A_396] {strides = array<i32>} : memref<128x128xf32, #tpu.memory_space<vmem>>, vector<1x16xf32>,
          %swap3A_398 = vector.shape_cast %swap3A_397 : vector<1x16xf32> to vector<16xf32>
          %swap3A_399 = vector.shape_cast %broadcast_in_dim3A_380 : vector<16xf32> to vector<1x16xf32>
          tpu.vector_store %arg10[%swap3A_395, %swap3A_396], %swap3A_399 {strides = array<i32>} : memref<128x128xf32, #tpu.memory_space<vmem>>, vector<1x16xf32>,
          %slice3A_400 = vector.extract_strided_slice %get3A_51 {offsets = [13], sizes = [1], strides = [1]} : vector<16xi32> to vector<1xi32>
          %squeeze3A_401 = vector.extract %slice3A_400[0] : i32 from vector<1xi32>
          %get3A_402 = arith.index_cast %squeeze3A_401 : i32 to index
          %get3A_403 = tpu.vector_load %arg11[%get3A_402] {strides = array<i32>} : memref<10016xf32, #tpu.memory_space<vmem>>, vector<16xf32>,
          %get3A_404 = vector.shape_cast %get3A_403 : vector<16xf32> to vector<16xf32>
          %slice3A_405 = vector.extract_strided_slice %get3A_404 {offsets = [0], sizes = [1], strides = [1]} : vector<16xf32> to vector<1xf32>
          %squeeze3A_406 = vector.extract %slice3A_405[0] : f32 from vector<1xf32>
          %broadcast_in_dim3A_407 = vector.broadcast %squeeze3A_406 : f32 to vector<16xf32>
          %mul3A_408 = arith.constant 16 : i32
          %mul3A_409 = arith.muli %scan3A_46, %mul3A_408 : i32
          %add3A_410 = arith.constant 13 : i32
          %add3A_411 = arith.addi %mul3A_409, %add3A_410 : i32
          %get3A_412 = arith.index_cast %add3A_411 : i32 to index
          %get3A_413 = arith.constant 0 : index
          %get3A_414 = tpu.vector_load %arg9[%get3A_412, %get3A_413] {strides = array<i32>} : memref<128x16xf32, #tpu.memory_space<vmem>>, vector<1x16xf32>,
          %get3A_415 = vector.shape_cast %get3A_414 : vector<1x16xf32> to vector<16xf32>
          %mul3A_416 = arith.mulf %get3A_415, %broadcast_in_dim3A_407 : vector<16xf32>
          %swap3A_417 = arith.index_cast %add3A_411 : i32 to index
          %swap3A_418 = arith.constant 0 : index
          %swap3A_419 = tpu.vector_load %arg10[%swap3A_417, %swap3A_418] {strides = array<i32>} : memref<128x128xf32, #tpu.memory_space<vmem>>, vector<1x16xf32>,
          %swap3A_420 = vector.shape_cast %swap3A_419 : vector<1x16xf32> to vector<16xf32>
          %swap3A_421 = vector.shape_cast %mul3A_416 : vector<16xf32> to vector<1x16xf32>
          tpu.vector_store %arg10[%swap3A_417, %swap3A_418], %swap3A_421 {strides = array<i32>} : memref<128x128xf32, #tpu.memory_space<vmem>>, vector<1x16xf32>,
          %swap3A_422 = arith.index_cast %add3A_411 : i32 to index
          %swap3A_423 = arith.constant 16 : index
          %swap3A_424 = tpu.vector_load %arg10[%swap3A_422, %swap3A_423] {strides = array<i32>} : memref<128x128xf32, #tpu.memory_space<vmem>>, vector<1x16xf32>,
          %swap3A_425 = vector.shape_cast %swap3A_424 : vector<1x16xf32> to vector<16xf32>
          %swap3A_426 = vector.shape_cast %broadcast_in_dim3A_407 : vector<16xf32> to vector<1x16xf32>
          tpu.vector_store %arg10[%swap3A_422, %swap3A_423], %swap3A_426 {strides = array<i32>} : memref<128x128xf32, #tpu.memory_space<vmem>>, vector<1x16xf32>,
          %slice3A_427 = vector.extract_strided_slice %get3A_51 {offsets = [14], sizes = [1], strides = [1]} : vector<16xi32> to vector<1xi32>
          %squeeze3A_428 = vector.extract %slice3A_427[0] : i32 from vector<1xi32>
          %get3A_429 = arith.index_cast %squeeze3A_428 : i32 to index
          %get3A_430 = tpu.vector_load %arg11[%get3A_429] {strides = array<i32>} : memref<10016xf32, #tpu.memory_space<vmem>>, vector<16xf32>,
          %get3A_431 = vector.shape_cast %get3A_430 : vector<16xf32> to vector<16xf32>
          %slice3A_432 = vector.extract_strided_slice %get3A_431 {offsets = [0], sizes = [1], strides = [1]} : vector<16xf32> to vector<1xf32>
          %squeeze3A_433 = vector.extract %slice3A_432[0] : f32 from vector<1xf32>
          %broadcast_in_dim3A_434 = vector.broadcast %squeeze3A_433 : f32 to vector<16xf32>
          %mul3A_435 = arith.constant 16 : i32
          %mul3A_436 = arith.muli %scan3A_46, %mul3A_435 : i32
          %add3A_437 = arith.constant 14 : i32
          %add3A_438 = arith.addi %mul3A_436, %add3A_437 : i32
          %get3A_439 = arith.index_cast %add3A_438 : i32 to index
          %get3A_440 = arith.constant 0 : index
          %get3A_441 = tpu.vector_load %arg9[%get3A_439, %get3A_440] {strides = array<i32>} : memref<128x16xf32, #tpu.memory_space<vmem>>, vector<1x16xf32>,
          %get3A_442 = vector.shape_cast %get3A_441 : vector<1x16xf32> to vector<16xf32>
          %mul3A_443 = arith.mulf %get3A_442, %broadcast_in_dim3A_434 : vector<16xf32>
          %swap3A_444 = arith.index_cast %add3A_438 : i32 to index
          %swap3A_445 = arith.constant 0 : index
          %swap3A_446 = tpu.vector_load %arg10[%swap3A_444, %swap3A_445] {strides = array<i32>} : memref<128x128xf32, #tpu.memory_space<vmem>>, vector<1x16xf32>,
          %swap3A_447 = vector.shape_cast %swap3A_446 : vector<1x16xf32> to vector<16xf32>
          %swap3A_448 = vector.shape_cast %mul3A_443 : vector<16xf32> to vector<1x16xf32>
          tpu.vector_store %arg10[%swap3A_444, %swap3A_445], %swap3A_448 {strides = array<i32>} : memref<128x128xf32, #tpu.memory_space<vmem>>, vector<1x16xf32>,
          %swap3A_449 = arith.index_cast %add3A_438 : i32 to index
          %swap3A_450 = arith.constant 16 : index
          %swap3A_451 = tpu.vector_load %arg10[%swap3A_449, %swap3A_450] {strides = array<i32>} : memref<128x128xf32, #tpu.memory_space<vmem>>, vector<1x16xf32>,
          %swap3A_452 = vector.shape_cast %swap3A_451 : vector<1x16xf32> to vector<16xf32>
          %swap3A_453 = vector.shape_cast %broadcast_in_dim3A_434 : vector<16xf32> to vector<1x16xf32>
          tpu.vector_store %arg10[%swap3A_449, %swap3A_450], %swap3A_453 {strides = array<i32>} : memref<128x128xf32, #tpu.memory_space<vmem>>, vector<1x16xf32>,
          %slice3A_454 = vector.extract_strided_slice %get3A_51 {offsets = [15], sizes = [1], strides = [1]} : vector<16xi32> to vector<1xi32>
          %squeeze3A_455 = vector.extract %slice3A_454[0] : i32 from vector<1xi32>
          %get3A_456 = arith.index_cast %squeeze3A_455 : i32 to index
          %get3A_457 = tpu.vector_load %arg11[%get3A_456] {strides = array<i32>} : memref<10016xf32, #tpu.memory_space<vmem>>, vector<16xf32>,
          %get3A_458 = vector.shape_cast %get3A_457 : vector<16xf32> to vector<16xf32>
          %slice3A_459 = vector.extract_strided_slice %get3A_458 {offsets = [0], sizes = [1], strides = [1]} : vector<16xf32> to vector<1xf32>
          %squeeze3A_460 = vector.extract %slice3A_459[0] : f32 from vector<1xf32>
          %broadcast_in_dim3A_461 = vector.broadcast %squeeze3A_460 : f32 to vector<16xf32>
          %mul3A_462 = arith.constant 16 : i32
          %mul3A_463 = arith.muli %scan3A_46, %mul3A_462 : i32
          %add3A_464 = arith.constant 15 : i32
          %add3A_465 = arith.addi %mul3A_463, %add3A_464 : i32
          %get3A_466 = arith.index_cast %add3A_465 : i32 to index
          %get3A_467 = arith.constant 0 : index
          %get3A_468 = tpu.vector_load %arg9[%get3A_466, %get3A_467] {strides = array<i32>} : memref<128x16xf32, #tpu.memory_space<vmem>>, vector<1x16xf32>,
          %get3A_469 = vector.shape_cast %get3A_468 : vector<1x16xf32> to vector<16xf32>
          %mul3A_470 = arith.mulf %get3A_469, %broadcast_in_dim3A_461 : vector<16xf32>
          %swap3A_471 = arith.index_cast %add3A_465 : i32 to index
          %swap3A_472 = arith.constant 0 : index
          %swap3A_473 = tpu.vector_load %arg10[%swap3A_471, %swap3A_472] {strides = array<i32>} : memref<128x128xf32, #tpu.memory_space<vmem>>, vector<1x16xf32>,
          %swap3A_474 = vector.shape_cast %swap3A_473 : vector<1x16xf32> to vector<16xf32>
          %swap3A_475 = vector.shape_cast %mul3A_470 : vector<16xf32> to vector<1x16xf32>
          tpu.vector_store %arg10[%swap3A_471, %swap3A_472], %swap3A_475 {strides = array<i32>} : memref<128x128xf32, #tpu.memory_space<vmem>>, vector<1x16xf32>,
          %swap3A_476 = arith.index_cast %add3A_465 : i32 to index
          %swap3A_477 = arith.constant 16 : index
          %swap3A_478 = tpu.vector_load %arg10[%swap3A_476, %swap3A_477] {strides = array<i32>} : memref<128x128xf32, #tpu.memory_space<vmem>>, vector<1x16xf32>,
          %swap3A_479 = vector.shape_cast %swap3A_478 : vector<1x16xf32> to vector<16xf32>
          %swap3A_480 = vector.shape_cast %broadcast_in_dim3A_461 : vector<16xf32> to vector<1x16xf32>
          tpu.vector_store %arg10[%swap3A_476, %swap3A_477], %swap3A_480 {strides = array<i32>} : memref<128x128xf32, #tpu.memory_space<vmem>>, vector<1x16xf32>,
        }
        %scan3A_45 = arith.constant 8 : i32
        "tpu.region"() ({
          %run_scoped3A = tpu.sem_alloc : memref<!tpu.dma_semaphore, #tpu.memory_space<semaphore_mem>>
          %dma_start3A = arith.constant 0 : i32
          %dma_start3A_46 = tpu.memref_slice %arg8[%scan3A_32, %dma_start3A] : memref<16x128xi32, #tpu.memory_space<vmem>> -> memref<1x128xi32, #tpu.memory_space<vmem>>
          %dma_start3A_47 = tpu.memref_squeeze %dma_start3A_46 : memref<1x128xi32, #tpu.memory_space<vmem>> -> memref<128xi32, #tpu.memory_space<vmem>>
          %dma_start3A_48 = arith.constant 0 : i32
          %dma_start3A_49 = arith.constant 0 : i32
          %dma_start3A_50 = tpu.memref_slice %arg12[%dma_start3A_48, %dma_start3A_49] : memref<10240x128xf32, #tpu.memory_space<vmem_shared>> -> memref<10240x128xf32, #tpu.memory_space<vmem_shared>>
          tpu.enqueue_indirect_dma source(%arg10 : memref<128x128xf32, #tpu.memory_space<vmem>>) target(%dma_start3A_50 : memref<10240x128xf32, #tpu.memory_space<vmem_shared>>) offsets(%dma_start3A_47 : memref<128xi32, #tpu.memory_space<vmem>>) semaphore(%run_scoped3A : memref<!tpu.dma_semaphore, #tpu.memory_space<semaphore_mem>>) {add = true}
          %dma_wait3A = arith.constant 0 : i32
          %dma_wait3A_51 = tpu.memref_slice %arg8[%scan3A_32, %dma_wait3A] : memref<16x128xi32, #tpu.memory_space<vmem>> -> memref<1x128xi32, #tpu.memory_space<vmem>>
          %dma_wait3A_52 = tpu.memref_squeeze %dma_wait3A_51 : memref<1x128xi32, #tpu.memory_space<vmem>> -> memref<128xi32, #tpu.memory_space<vmem>>
          %dma_wait3A_53 = arith.constant 0 : i32
          %dma_wait3A_54 = arith.constant 0 : i32
          %dma_wait3A_55 = tpu.memref_slice %arg12[%dma_wait3A_53, %dma_wait3A_54] : memref<10240x128xf32, #tpu.memory_space<vmem_shared>> -> memref<10240x128xf32, #tpu.memory_space<vmem_shared>>
          tpu.wait_indirect_dma semaphore(%run_scoped3A : memref<!tpu.dma_semaphore, #tpu.memory_space<semaphore_mem>>) src(%arg10 : memref<128x128xf32, #tpu.memory_space<vmem>>) dst(%dma_wait3A_55 : memref<10240x128xf32, #tpu.memory_space<vmem_shared>>)
          tpu.yield
        }) : () -> ()
      }
      %scan3A_31 = arith.constant 16 : i32
    }
    %scan3A_24 = arith.constant 5 : i32
    %barrier3A_25 = arith.constant 0 : index
    tpu.barrier barrier_id(%barrier3A_25)
    "tpu.region"() ({
      %run_scoped3A = tpu.sem_alloc : memref<!tpu.dma_semaphore, #tpu.memory_space<semaphore_mem>>
      %dma_start3A = arith.constant 0 : i32
      %dma_start3A_26 = tpu.memref_slice %arg6[%arg0, %mul3A_8, %dma_start3A] : memref<2x10240x128xf32, #tpu.memory_space<hbm>> -> memref<1x640x128xf32, #tpu.memory_space<hbm>>
      %dma_start3A_27 = tpu.memref_squeeze %dma_start3A_26 : memref<1x640x128xf32, #tpu.memory_space<hbm>> -> memref<640x128xf32, #tpu.memory_space<hbm>>
      %dma_start3A_28 = arith.constant 0 : i32
      %dma_start3A_29 = tpu.memref_slice %arg12[%mul3A_8, %dma_start3A_28] : memref<10240x128xf32, #tpu.memory_space<vmem_shared>> -> memref<640x128xf32, #tpu.memory_space<vmem_shared>>
      tpu.enqueue_dma source(%dma_start3A_29 : memref<640x128xf32, #tpu.memory_space<vmem_shared>>) target(%dma_start3A_27 : memref<640x128xf32, #tpu.memory_space<hbm>>) target_semaphore(%run_scoped3A : memref<!tpu.dma_semaphore, #tpu.memory_space<semaphore_mem>>)
      %dma_wait3A = arith.constant 0 : i32
      %dma_wait3A_30 = tpu.memref_slice %arg6[%arg0, %mul3A_8, %dma_wait3A] : memref<2x10240x128xf32, #tpu.memory_space<hbm>> -> memref<1x640x128xf32, #tpu.memory_space<hbm>>
      %dma_wait3A_31 = tpu.memref_squeeze %dma_wait3A_30 : memref<1x640x128xf32, #tpu.memory_space<hbm>> -> memref<640x128xf32, #tpu.memory_space<hbm>>
      %dma_wait3A_32 = arith.constant 0 : i32
      %dma_wait3A_33 = tpu.memref_slice %arg12[%mul3A_8, %dma_wait3A_32] : memref<10240x128xf32, #tpu.memory_space<vmem_shared>> -> memref<640x128xf32, #tpu.memory_space<vmem_shared>>
      tpu.wait_dma2 semaphore(%run_scoped3A : memref<!tpu.dma_semaphore, #tpu.memory_space<semaphore_mem>>) src(%dma_wait3A_33 : memref<640x128xf32, #tpu.memory_space<vmem_shared>>) dst(%dma_wait3A_31 : memref<640x128xf32, #tpu.memory_space<hbm>>)
      tpu.yield
    }) : () -> ()
    return
  }
}

#map = affine_map<(d0, d1) -> (0, 0, 0, 0)>
#map1 = affine_map<(d0, d1) -> (0, 0, 0)>
module attributes {stable_mosaic.version = 14 : i64} {
  func.func @k(%arg0: i32, %arg1: i32, %arg2: memref<32x5x16x128xi32, #tpu.memory_space<hbm>>, %arg3: memref<2x10240x128xf32, #tpu.memory_space<hbm>>, %arg4: memref<16x128xi32, #tpu.memory_space<vmem>>, %arg5: memref<128x128xf32, #tpu.memory_space<vmem>>, %arg6: memref<128x128xf32, #tpu.memory_space<vmem>>, %arg7: memref<10240x128xf32, #tpu.memory_space<vmem_shared>>) attributes {dimension_semantics = [#tpu.dimension_semantics<core_parallel>, #tpu.dimension_semantics<subcore_parallel>], iteration_bounds = array<i64: 2, 16>, scalar_prefetch = 0 : i64, scratch_operands = 4 : i64, tpu.core_type = #tpu.core_type<sc_vector_subcore>, window_params = [{transform_indices = #map}, {transform_indices = #map1}]} {
    %mul3A = arith.constant 16 : i32
    %mul3A_0 = arith.muli %arg0, %mul3A : i32
    %add3A = arith.addi %mul3A_0, %arg1 : i32
    %broadcast_in_dim3A = arith.constant 0.000000e+00 : f32
    %broadcast_in_dim3A_1 = vector.broadcast %broadcast_in_dim3A : f32 to vector<16xf32>
    %scan3A = arith.constant 0 : i32
    %scan3A_2 = arith.constant 0 : i32
    %scan3A_3 = arith.constant 128 : i32
    %scan3A_4 = arith.addi %scan3A_2, %scan3A_3 : i32
    %scan3A_5 = arith.constant 1 : i32
    scf.for %scan3A_34 = %scan3A_2 to %scan3A_4 step %scan3A_5  : i32 {
      %swap3A = arith.index_cast %scan3A_34 : i32 to index
      %swap3A_35 = arith.constant 0 : index
      %swap3A_36 = tpu.vector_load %arg6[%swap3A, %swap3A_35] {strides = array<i32>} : memref<128x128xf32, #tpu.memory_space<vmem>>, vector<1x16xf32>,
      %swap3A_37 = vector.shape_cast %swap3A_36 : vector<1x16xf32> to vector<16xf32>
      %swap3A_38 = vector.shape_cast %broadcast_in_dim3A_1 : vector<16xf32> to vector<1x16xf32>
      tpu.vector_store %arg6[%swap3A, %swap3A_35], %swap3A_38 {strides = array<i32>} : memref<128x128xf32, #tpu.memory_space<vmem>>, vector<1x16xf32>,
      %swap3A_39 = arith.index_cast %scan3A_34 : i32 to index
      %swap3A_40 = arith.constant 16 : index
      %swap3A_41 = tpu.vector_load %arg6[%swap3A_39, %swap3A_40] {strides = array<i32>} : memref<128x128xf32, #tpu.memory_space<vmem>>, vector<1x16xf32>,
      %swap3A_42 = vector.shape_cast %swap3A_41 : vector<1x16xf32> to vector<16xf32>
      %swap3A_43 = vector.shape_cast %broadcast_in_dim3A_1 : vector<16xf32> to vector<1x16xf32>
      tpu.vector_store %arg6[%swap3A_39, %swap3A_40], %swap3A_43 {strides = array<i32>} : memref<128x128xf32, #tpu.memory_space<vmem>>, vector<1x16xf32>,
      %swap3A_44 = arith.index_cast %scan3A_34 : i32 to index
      %swap3A_45 = arith.constant 32 : index
      %swap3A_46 = tpu.vector_load %arg6[%swap3A_44, %swap3A_45] {strides = array<i32>} : memref<128x128xf32, #tpu.memory_space<vmem>>, vector<1x16xf32>,
      %swap3A_47 = vector.shape_cast %swap3A_46 : vector<1x16xf32> to vector<16xf32>
      %swap3A_48 = vector.shape_cast %broadcast_in_dim3A_1 : vector<16xf32> to vector<1x16xf32>
      tpu.vector_store %arg6[%swap3A_44, %swap3A_45], %swap3A_48 {strides = array<i32>} : memref<128x128xf32, #tpu.memory_space<vmem>>, vector<1x16xf32>,
      %swap3A_49 = arith.index_cast %scan3A_34 : i32 to index
      %swap3A_50 = arith.constant 48 : index
      %swap3A_51 = tpu.vector_load %arg6[%swap3A_49, %swap3A_50] {strides = array<i32>} : memref<128x128xf32, #tpu.memory_space<vmem>>, vector<1x16xf32>,
      %swap3A_52 = vector.shape_cast %swap3A_51 : vector<1x16xf32> to vector<16xf32>
      %swap3A_53 = vector.shape_cast %broadcast_in_dim3A_1 : vector<16xf32> to vector<1x16xf32>
      tpu.vector_store %arg6[%swap3A_49, %swap3A_50], %swap3A_53 {strides = array<i32>} : memref<128x128xf32, #tpu.memory_space<vmem>>, vector<1x16xf32>,
      %swap3A_54 = arith.index_cast %scan3A_34 : i32 to index
      %swap3A_55 = arith.constant 64 : index
      %swap3A_56 = tpu.vector_load %arg6[%swap3A_54, %swap3A_55] {strides = array<i32>} : memref<128x128xf32, #tpu.memory_space<vmem>>, vector<1x16xf32>,
      %swap3A_57 = vector.shape_cast %swap3A_56 : vector<1x16xf32> to vector<16xf32>
      %swap3A_58 = vector.shape_cast %broadcast_in_dim3A_1 : vector<16xf32> to vector<1x16xf32>
      tpu.vector_store %arg6[%swap3A_54, %swap3A_55], %swap3A_58 {strides = array<i32>} : memref<128x128xf32, #tpu.memory_space<vmem>>, vector<1x16xf32>,
      %swap3A_59 = arith.index_cast %scan3A_34 : i32 to index
      %swap3A_60 = arith.constant 80 : index
      %swap3A_61 = tpu.vector_load %arg6[%swap3A_59, %swap3A_60] {strides = array<i32>} : memref<128x128xf32, #tpu.memory_space<vmem>>, vector<1x16xf32>,
      %swap3A_62 = vector.shape_cast %swap3A_61 : vector<1x16xf32> to vector<16xf32>
      %swap3A_63 = vector.shape_cast %broadcast_in_dim3A_1 : vector<16xf32> to vector<1x16xf32>
      tpu.vector_store %arg6[%swap3A_59, %swap3A_60], %swap3A_63 {strides = array<i32>} : memref<128x128xf32, #tpu.memory_space<vmem>>, vector<1x16xf32>,
      %swap3A_64 = arith.index_cast %scan3A_34 : i32 to index
      %swap3A_65 = arith.constant 96 : index
      %swap3A_66 = tpu.vector_load %arg6[%swap3A_64, %swap3A_65] {strides = array<i32>} : memref<128x128xf32, #tpu.memory_space<vmem>>, vector<1x16xf32>,
      %swap3A_67 = vector.shape_cast %swap3A_66 : vector<1x16xf32> to vector<16xf32>
      %swap3A_68 = vector.shape_cast %broadcast_in_dim3A_1 : vector<16xf32> to vector<1x16xf32>
      tpu.vector_store %arg6[%swap3A_64, %swap3A_65], %swap3A_68 {strides = array<i32>} : memref<128x128xf32, #tpu.memory_space<vmem>>, vector<1x16xf32>,
      %swap3A_69 = arith.index_cast %scan3A_34 : i32 to index
      %swap3A_70 = arith.constant 112 : index
      %swap3A_71 = tpu.vector_load %arg6[%swap3A_69, %swap3A_70] {strides = array<i32>} : memref<128x128xf32, #tpu.memory_space<vmem>>, vector<1x16xf32>,
      %swap3A_72 = vector.shape_cast %swap3A_71 : vector<1x16xf32> to vector<16xf32>
      %swap3A_73 = vector.shape_cast %broadcast_in_dim3A_1 : vector<16xf32> to vector<1x16xf32>
      tpu.vector_store %arg6[%swap3A_69, %swap3A_70], %swap3A_73 {strides = array<i32>} : memref<128x128xf32, #tpu.memory_space<vmem>>, vector<1x16xf32>,
    }
    %scan3A_6 = arith.constant 128 : i32
    %broadcast_in_dim3A_7 = arith.constant 1.000000e+00 : f32
    %broadcast_in_dim3A_8 = vector.broadcast %broadcast_in_dim3A_7 : f32 to vector<16xf32>
    %scan3A_9 = arith.constant 0 : i32
    %scan3A_10 = arith.constant 0 : i32
    %scan3A_11 = arith.constant 128 : i32
    %scan3A_12 = arith.addi %scan3A_10, %scan3A_11 : i32
    %scan3A_13 = arith.constant 1 : i32
    scf.for %scan3A_34 = %scan3A_10 to %scan3A_12 step %scan3A_13  : i32 {
      %swap3A = arith.index_cast %scan3A_34 : i32 to index
      %swap3A_35 = arith.constant 0 : index
      %swap3A_36 = tpu.vector_load %arg5[%swap3A, %swap3A_35] {strides = array<i32>} : memref<128x128xf32, #tpu.memory_space<vmem>>, vector<1x16xf32>,
      %swap3A_37 = vector.shape_cast %swap3A_36 : vector<1x16xf32> to vector<16xf32>
      %swap3A_38 = vector.shape_cast %broadcast_in_dim3A_8 : vector<16xf32> to vector<1x16xf32>
      tpu.vector_store %arg5[%swap3A, %swap3A_35], %swap3A_38 {strides = array<i32>} : memref<128x128xf32, #tpu.memory_space<vmem>>, vector<1x16xf32>,
      %swap3A_39 = arith.index_cast %scan3A_34 : i32 to index
      %swap3A_40 = arith.constant 16 : index
      %swap3A_41 = tpu.vector_load %arg5[%swap3A_39, %swap3A_40] {strides = array<i32>} : memref<128x128xf32, #tpu.memory_space<vmem>>, vector<1x16xf32>,
      %swap3A_42 = vector.shape_cast %swap3A_41 : vector<1x16xf32> to vector<16xf32>
      %swap3A_43 = vector.shape_cast %broadcast_in_dim3A_8 : vector<16xf32> to vector<1x16xf32>
      tpu.vector_store %arg5[%swap3A_39, %swap3A_40], %swap3A_43 {strides = array<i32>} : memref<128x128xf32, #tpu.memory_space<vmem>>, vector<1x16xf32>,
      %swap3A_44 = arith.index_cast %scan3A_34 : i32 to index
      %swap3A_45 = arith.constant 32 : index
      %swap3A_46 = tpu.vector_load %arg5[%swap3A_44, %swap3A_45] {strides = array<i32>} : memref<128x128xf32, #tpu.memory_space<vmem>>, vector<1x16xf32>,
      %swap3A_47 = vector.shape_cast %swap3A_46 : vector<1x16xf32> to vector<16xf32>
      %swap3A_48 = vector.shape_cast %broadcast_in_dim3A_8 : vector<16xf32> to vector<1x16xf32>
      tpu.vector_store %arg5[%swap3A_44, %swap3A_45], %swap3A_48 {strides = array<i32>} : memref<128x128xf32, #tpu.memory_space<vmem>>, vector<1x16xf32>,
      %swap3A_49 = arith.index_cast %scan3A_34 : i32 to index
      %swap3A_50 = arith.constant 48 : index
      %swap3A_51 = tpu.vector_load %arg5[%swap3A_49, %swap3A_50] {strides = array<i32>} : memref<128x128xf32, #tpu.memory_space<vmem>>, vector<1x16xf32>,
      %swap3A_52 = vector.shape_cast %swap3A_51 : vector<1x16xf32> to vector<16xf32>
      %swap3A_53 = vector.shape_cast %broadcast_in_dim3A_8 : vector<16xf32> to vector<1x16xf32>
      tpu.vector_store %arg5[%swap3A_49, %swap3A_50], %swap3A_53 {strides = array<i32>} : memref<128x128xf32, #tpu.memory_space<vmem>>, vector<1x16xf32>,
      %swap3A_54 = arith.index_cast %scan3A_34 : i32 to index
      %swap3A_55 = arith.constant 64 : index
      %swap3A_56 = tpu.vector_load %arg5[%swap3A_54, %swap3A_55] {strides = array<i32>} : memref<128x128xf32, #tpu.memory_space<vmem>>, vector<1x16xf32>,
      %swap3A_57 = vector.shape_cast %swap3A_56 : vector<1x16xf32> to vector<16xf32>
      %swap3A_58 = vector.shape_cast %broadcast_in_dim3A_8 : vector<16xf32> to vector<1x16xf32>
      tpu.vector_store %arg5[%swap3A_54, %swap3A_55], %swap3A_58 {strides = array<i32>} : memref<128x128xf32, #tpu.memory_space<vmem>>, vector<1x16xf32>,
      %swap3A_59 = arith.index_cast %scan3A_34 : i32 to index
      %swap3A_60 = arith.constant 80 : index
      %swap3A_61 = tpu.vector_load %arg5[%swap3A_59, %swap3A_60] {strides = array<i32>} : memref<128x128xf32, #tpu.memory_space<vmem>>, vector<1x16xf32>,
      %swap3A_62 = vector.shape_cast %swap3A_61 : vector<1x16xf32> to vector<16xf32>
      %swap3A_63 = vector.shape_cast %broadcast_in_dim3A_8 : vector<16xf32> to vector<1x16xf32>
      tpu.vector_store %arg5[%swap3A_59, %swap3A_60], %swap3A_63 {strides = array<i32>} : memref<128x128xf32, #tpu.memory_space<vmem>>, vector<1x16xf32>,
      %swap3A_64 = arith.index_cast %scan3A_34 : i32 to index
      %swap3A_65 = arith.constant 96 : index
      %swap3A_66 = tpu.vector_load %arg5[%swap3A_64, %swap3A_65] {strides = array<i32>} : memref<128x128xf32, #tpu.memory_space<vmem>>, vector<1x16xf32>,
      %swap3A_67 = vector.shape_cast %swap3A_66 : vector<1x16xf32> to vector<16xf32>
      %swap3A_68 = vector.shape_cast %broadcast_in_dim3A_8 : vector<16xf32> to vector<1x16xf32>
      tpu.vector_store %arg5[%swap3A_64, %swap3A_65], %swap3A_68 {strides = array<i32>} : memref<128x128xf32, #tpu.memory_space<vmem>>, vector<1x16xf32>,
      %swap3A_69 = arith.index_cast %scan3A_34 : i32 to index
      %swap3A_70 = arith.constant 112 : index
      %swap3A_71 = tpu.vector_load %arg5[%swap3A_69, %swap3A_70] {strides = array<i32>} : memref<128x128xf32, #tpu.memory_space<vmem>>, vector<1x16xf32>,
      %swap3A_72 = vector.shape_cast %swap3A_71 : vector<1x16xf32> to vector<16xf32>
      %swap3A_73 = vector.shape_cast %broadcast_in_dim3A_8 : vector<16xf32> to vector<1x16xf32>
      tpu.vector_store %arg5[%swap3A_69, %swap3A_70], %swap3A_73 {strides = array<i32>} : memref<128x128xf32, #tpu.memory_space<vmem>>, vector<1x16xf32>,
    }
    %scan3A_14 = arith.constant 128 : i32
    %mul3A_15 = arith.constant 640 : i32
    %mul3A_16 = arith.muli %arg1, %mul3A_15 : i32
    %add3A_17 = arith.constant 0 : i32
    %add3A_18 = arith.addi %mul3A_16, %add3A_17 : i32
    "tpu.region"() ({
      %run_scoped3A = tpu.sem_alloc : memref<!tpu.dma_semaphore, #tpu.memory_space<semaphore_mem>>
      %dma_start3A = arith.constant 0 : i32
      %dma_start3A_34 = tpu.memref_slice %arg7[%add3A_18, %dma_start3A] : memref<10240x128xf32, #tpu.memory_space<vmem_shared>> -> memref<128x128xf32, #tpu.memory_space<vmem_shared>>
      %dma_start3A_35 = arith.constant 0 : i32
      %dma_start3A_36 = tpu.memref_slice %arg7[%add3A_18, %dma_start3A_35] : memref<10240x128xf32, #tpu.memory_space<vmem_shared>> -> memref<128x128xf32, #tpu.memory_space<vmem_shared>>
      tpu.enqueue_dma source(%arg6 : memref<128x128xf32, #tpu.memory_space<vmem>>) target(%dma_start3A_36 : memref<128x128xf32, #tpu.memory_space<vmem_shared>>) target_semaphore(%run_scoped3A : memref<!tpu.dma_semaphore, #tpu.memory_space<semaphore_mem>>)
      %dma_wait3A = arith.constant 0 : i32
      %dma_wait3A_37 = tpu.memref_slice %arg7[%add3A_18, %dma_wait3A] : memref<10240x128xf32, #tpu.memory_space<vmem_shared>> -> memref<128x128xf32, #tpu.memory_space<vmem_shared>>
      %dma_wait3A_38 = arith.constant 0 : i32
      %dma_wait3A_39 = tpu.memref_slice %arg7[%add3A_18, %dma_wait3A_38] : memref<10240x128xf32, #tpu.memory_space<vmem_shared>> -> memref<128x128xf32, #tpu.memory_space<vmem_shared>>
      tpu.wait_dma2 semaphore(%run_scoped3A : memref<!tpu.dma_semaphore, #tpu.memory_space<semaphore_mem>>) src(%arg6 : memref<128x128xf32, #tpu.memory_space<vmem>>) dst(%dma_wait3A_39 : memref<128x128xf32, #tpu.memory_space<vmem_shared>>)
      tpu.yield
    }) : () -> ()
    %add3A_19 = arith.constant 128 : i32
    %add3A_20 = arith.addi %mul3A_16, %add3A_19 : i32
    "tpu.region"() ({
      %run_scoped3A = tpu.sem_alloc : memref<!tpu.dma_semaphore, #tpu.memory_space<semaphore_mem>>
      %dma_start3A = arith.constant 0 : i32
      %dma_start3A_34 = tpu.memref_slice %arg7[%add3A_20, %dma_start3A] : memref<10240x128xf32, #tpu.memory_space<vmem_shared>> -> memref<128x128xf32, #tpu.memory_space<vmem_shared>>
      %dma_start3A_35 = arith.constant 0 : i32
      %dma_start3A_36 = tpu.memref_slice %arg7[%add3A_20, %dma_start3A_35] : memref<10240x128xf32, #tpu.memory_space<vmem_shared>> -> memref<128x128xf32, #tpu.memory_space<vmem_shared>>
      tpu.enqueue_dma source(%arg6 : memref<128x128xf32, #tpu.memory_space<vmem>>) target(%dma_start3A_36 : memref<128x128xf32, #tpu.memory_space<vmem_shared>>) target_semaphore(%run_scoped3A : memref<!tpu.dma_semaphore, #tpu.memory_space<semaphore_mem>>)
      %dma_wait3A = arith.constant 0 : i32
      %dma_wait3A_37 = tpu.memref_slice %arg7[%add3A_20, %dma_wait3A] : memref<10240x128xf32, #tpu.memory_space<vmem_shared>> -> memref<128x128xf32, #tpu.memory_space<vmem_shared>>
      %dma_wait3A_38 = arith.constant 0 : i32
      %dma_wait3A_39 = tpu.memref_slice %arg7[%add3A_20, %dma_wait3A_38] : memref<10240x128xf32, #tpu.memory_space<vmem_shared>> -> memref<128x128xf32, #tpu.memory_space<vmem_shared>>
      tpu.wait_dma2 semaphore(%run_scoped3A : memref<!tpu.dma_semaphore, #tpu.memory_space<semaphore_mem>>) src(%arg6 : memref<128x128xf32, #tpu.memory_space<vmem>>) dst(%dma_wait3A_39 : memref<128x128xf32, #tpu.memory_space<vmem_shared>>)
      tpu.yield
    }) : () -> ()
    %add3A_21 = arith.constant 256 : i32
    %add3A_22 = arith.addi %mul3A_16, %add3A_21 : i32
    "tpu.region"() ({
      %run_scoped3A = tpu.sem_alloc : memref<!tpu.dma_semaphore, #tpu.memory_space<semaphore_mem>>
      %dma_start3A = arith.constant 0 : i32
      %dma_start3A_34 = tpu.memref_slice %arg7[%add3A_22, %dma_start3A] : memref<10240x128xf32, #tpu.memory_space<vmem_shared>> -> memref<128x128xf32, #tpu.memory_space<vmem_shared>>
      %dma_start3A_35 = arith.constant 0 : i32
      %dma_start3A_36 = tpu.memref_slice %arg7[%add3A_22, %dma_start3A_35] : memref<10240x128xf32, #tpu.memory_space<vmem_shared>> -> memref<128x128xf32, #tpu.memory_space<vmem_shared>>
      tpu.enqueue_dma source(%arg6 : memref<128x128xf32, #tpu.memory_space<vmem>>) target(%dma_start3A_36 : memref<128x128xf32, #tpu.memory_space<vmem_shared>>) target_semaphore(%run_scoped3A : memref<!tpu.dma_semaphore, #tpu.memory_space<semaphore_mem>>)
      %dma_wait3A = arith.constant 0 : i32
      %dma_wait3A_37 = tpu.memref_slice %arg7[%add3A_22, %dma_wait3A] : memref<10240x128xf32, #tpu.memory_space<vmem_shared>> -> memref<128x128xf32, #tpu.memory_space<vmem_shared>>
      %dma_wait3A_38 = arith.constant 0 : i32
      %dma_wait3A_39 = tpu.memref_slice %arg7[%add3A_22, %dma_wait3A_38] : memref<10240x128xf32, #tpu.memory_space<vmem_shared>> -> memref<128x128xf32, #tpu.memory_space<vmem_shared>>
      tpu.wait_dma2 semaphore(%run_scoped3A : memref<!tpu.dma_semaphore, #tpu.memory_space<semaphore_mem>>) src(%arg6 : memref<128x128xf32, #tpu.memory_space<vmem>>) dst(%dma_wait3A_39 : memref<128x128xf32, #tpu.memory_space<vmem_shared>>)
      tpu.yield
    }) : () -> ()
    %add3A_23 = arith.constant 384 : i32
    %add3A_24 = arith.addi %mul3A_16, %add3A_23 : i32
    "tpu.region"() ({
      %run_scoped3A = tpu.sem_alloc : memref<!tpu.dma_semaphore, #tpu.memory_space<semaphore_mem>>
      %dma_start3A = arith.constant 0 : i32
      %dma_start3A_34 = tpu.memref_slice %arg7[%add3A_24, %dma_start3A] : memref<10240x128xf32, #tpu.memory_space<vmem_shared>> -> memref<128x128xf32, #tpu.memory_space<vmem_shared>>
      %dma_start3A_35 = arith.constant 0 : i32
      %dma_start3A_36 = tpu.memref_slice %arg7[%add3A_24, %dma_start3A_35] : memref<10240x128xf32, #tpu.memory_space<vmem_shared>> -> memref<128x128xf32, #tpu.memory_space<vmem_shared>>
      tpu.enqueue_dma source(%arg6 : memref<128x128xf32, #tpu.memory_space<vmem>>) target(%dma_start3A_36 : memref<128x128xf32, #tpu.memory_space<vmem_shared>>) target_semaphore(%run_scoped3A : memref<!tpu.dma_semaphore, #tpu.memory_space<semaphore_mem>>)
      %dma_wait3A = arith.constant 0 : i32
      %dma_wait3A_37 = tpu.memref_slice %arg7[%add3A_24, %dma_wait3A] : memref<10240x128xf32, #tpu.memory_space<vmem_shared>> -> memref<128x128xf32, #tpu.memory_space<vmem_shared>>
      %dma_wait3A_38 = arith.constant 0 : i32
      %dma_wait3A_39 = tpu.memref_slice %arg7[%add3A_24, %dma_wait3A_38] : memref<10240x128xf32, #tpu.memory_space<vmem_shared>> -> memref<128x128xf32, #tpu.memory_space<vmem_shared>>
      tpu.wait_dma2 semaphore(%run_scoped3A : memref<!tpu.dma_semaphore, #tpu.memory_space<semaphore_mem>>) src(%arg6 : memref<128x128xf32, #tpu.memory_space<vmem>>) dst(%dma_wait3A_39 : memref<128x128xf32, #tpu.memory_space<vmem_shared>>)
      tpu.yield
    }) : () -> ()
    %add3A_25 = arith.constant 512 : i32
    %add3A_26 = arith.addi %mul3A_16, %add3A_25 : i32
    "tpu.region"() ({
      %run_scoped3A = tpu.sem_alloc : memref<!tpu.dma_semaphore, #tpu.memory_space<semaphore_mem>>
      %dma_start3A = arith.constant 0 : i32
      %dma_start3A_34 = tpu.memref_slice %arg7[%add3A_26, %dma_start3A] : memref<10240x128xf32, #tpu.memory_space<vmem_shared>> -> memref<128x128xf32, #tpu.memory_space<vmem_shared>>
      %dma_start3A_35 = arith.constant 0 : i32
      %dma_start3A_36 = tpu.memref_slice %arg7[%add3A_26, %dma_start3A_35] : memref<10240x128xf32, #tpu.memory_space<vmem_shared>> -> memref<128x128xf32, #tpu.memory_space<vmem_shared>>
      tpu.enqueue_dma source(%arg6 : memref<128x128xf32, #tpu.memory_space<vmem>>) target(%dma_start3A_36 : memref<128x128xf32, #tpu.memory_space<vmem_shared>>) target_semaphore(%run_scoped3A : memref<!tpu.dma_semaphore, #tpu.memory_space<semaphore_mem>>)
      %dma_wait3A = arith.constant 0 : i32
      %dma_wait3A_37 = tpu.memref_slice %arg7[%add3A_26, %dma_wait3A] : memref<10240x128xf32, #tpu.memory_space<vmem_shared>> -> memref<128x128xf32, #tpu.memory_space<vmem_shared>>
      %dma_wait3A_38 = arith.constant 0 : i32
      %dma_wait3A_39 = tpu.memref_slice %arg7[%add3A_26, %dma_wait3A_38] : memref<10240x128xf32, #tpu.memory_space<vmem_shared>> -> memref<128x128xf32, #tpu.memory_space<vmem_shared>>
      tpu.wait_dma2 semaphore(%run_scoped3A : memref<!tpu.dma_semaphore, #tpu.memory_space<semaphore_mem>>) src(%arg6 : memref<128x128xf32, #tpu.memory_space<vmem>>) dst(%dma_wait3A_39 : memref<128x128xf32, #tpu.memory_space<vmem_shared>>)
      tpu.yield
    }) : () -> ()
    %barrier3A = arith.constant 0 : index
    tpu.barrier barrier_id(%barrier3A)
    %scan3A_27 = arith.constant 0 : i32
    %scan3A_28 = arith.constant 0 : i32
    %scan3A_29 = arith.constant 5 : i32
    %scan3A_30 = arith.addi %scan3A_28, %scan3A_29 : i32
    %scan3A_31 = arith.constant 1 : i32
    scf.for %scan3A_34 = %scan3A_28 to %scan3A_30 step %scan3A_31  : i32 {
      "tpu.region"() ({
        %run_scoped3A = tpu.sem_alloc : memref<!tpu.dma_semaphore, #tpu.memory_space<semaphore_mem>>
        %dma_start3A = arith.constant 0 : i32
        %dma_start3A_40 = arith.constant 0 : i32
        %dma_start3A_41 = tpu.memref_slice %arg2[%add3A, %scan3A_34, %dma_start3A, %dma_start3A_40] : memref<32x5x16x128xi32, #tpu.memory_space<hbm>> -> memref<1x1x16x128xi32, #tpu.memory_space<hbm>>
        %dma_start3A_42 = tpu.memref_squeeze %dma_start3A_41 : memref<1x1x16x128xi32, #tpu.memory_space<hbm>> -> memref<16x128xi32, #tpu.memory_space<hbm>>
        %dma_start3A_43 = arith.constant 0 : i32
        %dma_start3A_44 = arith.constant 0 : i32
        %dma_start3A_45 = tpu.memref_slice %arg2[%add3A, %scan3A_34, %dma_start3A_43, %dma_start3A_44] : memref<32x5x16x128xi32, #tpu.memory_space<hbm>> -> memref<1x1x16x128xi32, #tpu.memory_space<hbm>>
        %dma_start3A_46 = tpu.memref_squeeze %dma_start3A_45 : memref<1x1x16x128xi32, #tpu.memory_space<hbm>> -> memref<16x128xi32, #tpu.memory_space<hbm>>
        tpu.enqueue_dma source(%dma_start3A_46 : memref<16x128xi32, #tpu.memory_space<hbm>>) target(%arg4 : memref<16x128xi32, #tpu.memory_space<vmem>>) target_semaphore(%run_scoped3A : memref<!tpu.dma_semaphore, #tpu.memory_space<semaphore_mem>>)
        %dma_wait3A = arith.constant 0 : i32
        %dma_wait3A_47 = arith.constant 0 : i32
        %dma_wait3A_48 = tpu.memref_slice %arg2[%add3A, %scan3A_34, %dma_wait3A, %dma_wait3A_47] : memref<32x5x16x128xi32, #tpu.memory_space<hbm>> -> memref<1x1x16x128xi32, #tpu.memory_space<hbm>>
        %dma_wait3A_49 = tpu.memref_squeeze %dma_wait3A_48 : memref<1x1x16x128xi32, #tpu.memory_space<hbm>> -> memref<16x128xi32, #tpu.memory_space<hbm>>
        %dma_wait3A_50 = arith.constant 0 : i32
        %dma_wait3A_51 = arith.constant 0 : i32
        %dma_wait3A_52 = tpu.memref_slice %arg2[%add3A, %scan3A_34, %dma_wait3A_50, %dma_wait3A_51] : memref<32x5x16x128xi32, #tpu.memory_space<hbm>> -> memref<1x1x16x128xi32, #tpu.memory_space<hbm>>
        %dma_wait3A_53 = tpu.memref_squeeze %dma_wait3A_52 : memref<1x1x16x128xi32, #tpu.memory_space<hbm>> -> memref<16x128xi32, #tpu.memory_space<hbm>>
        tpu.wait_dma2 semaphore(%run_scoped3A : memref<!tpu.dma_semaphore, #tpu.memory_space<semaphore_mem>>) src(%dma_wait3A_53 : memref<16x128xi32, #tpu.memory_space<hbm>>) dst(%arg4 : memref<16x128xi32, #tpu.memory_space<vmem>>)
        tpu.yield
      }) : () -> ()
      %scan3A_35 = arith.constant 0 : i32
      %scan3A_36 = arith.constant 16 : i32
      %scan3A_37 = arith.addi %scan3A_35, %scan3A_36 : i32
      %scan3A_38 = arith.constant 1 : i32
      scf.for %scan3A_40 = %scan3A_35 to %scan3A_37 step %scan3A_38  : i32 {
        "tpu.region"() ({
          %run_scoped3A = tpu.sem_alloc : memref<!tpu.dma_semaphore, #tpu.memory_space<semaphore_mem>>
          %dma_start3A = arith.constant 0 : i32
          %dma_start3A_41 = tpu.memref_slice %arg4[%scan3A_40, %dma_start3A] : memref<16x128xi32, #tpu.memory_space<vmem>> -> memref<1x128xi32, #tpu.memory_space<vmem>>
          %dma_start3A_42 = tpu.memref_squeeze %dma_start3A_41 : memref<1x128xi32, #tpu.memory_space<vmem>> -> memref<128xi32, #tpu.memory_space<vmem>>
          %dma_start3A_43 = arith.constant 0 : i32
          %dma_start3A_44 = arith.constant 0 : i32
          %dma_start3A_45 = tpu.memref_slice %arg7[%dma_start3A_43, %dma_start3A_44] : memref<10240x128xf32, #tpu.memory_space<vmem_shared>> -> memref<10240x128xf32, #tpu.memory_space<vmem_shared>>
          tpu.enqueue_indirect_dma source(%arg5 : memref<128x128xf32, #tpu.memory_space<vmem>>) target(%dma_start3A_45 : memref<10240x128xf32, #tpu.memory_space<vmem_shared>>) offsets(%dma_start3A_42 : memref<128xi32, #tpu.memory_space<vmem>>) semaphore(%run_scoped3A : memref<!tpu.dma_semaphore, #tpu.memory_space<semaphore_mem>>) {add = true}
          %dma_wait3A = arith.constant 0 : i32
          %dma_wait3A_46 = tpu.memref_slice %arg4[%scan3A_40, %dma_wait3A] : memref<16x128xi32, #tpu.memory_space<vmem>> -> memref<1x128xi32, #tpu.memory_space<vmem>>
          %dma_wait3A_47 = tpu.memref_squeeze %dma_wait3A_46 : memref<1x128xi32, #tpu.memory_space<vmem>> -> memref<128xi32, #tpu.memory_space<vmem>>
          %dma_wait3A_48 = arith.constant 0 : i32
          %dma_wait3A_49 = arith.constant 0 : i32
          %dma_wait3A_50 = tpu.memref_slice %arg7[%dma_wait3A_48, %dma_wait3A_49] : memref<10240x128xf32, #tpu.memory_space<vmem_shared>> -> memref<10240x128xf32, #tpu.memory_space<vmem_shared>>
          tpu.wait_indirect_dma semaphore(%run_scoped3A : memref<!tpu.dma_semaphore, #tpu.memory_space<semaphore_mem>>) src(%arg5 : memref<128x128xf32, #tpu.memory_space<vmem>>) dst(%dma_wait3A_50 : memref<10240x128xf32, #tpu.memory_space<vmem_shared>>)
          tpu.yield
        }) : () -> ()
      }
      %scan3A_39 = arith.constant 16 : i32
    }
    %scan3A_32 = arith.constant 5 : i32
    %barrier3A_33 = arith.constant 0 : index
    tpu.barrier barrier_id(%barrier3A_33)
    "tpu.region"() ({
      %run_scoped3A = tpu.sem_alloc : memref<!tpu.dma_semaphore, #tpu.memory_space<semaphore_mem>>
      %dma_start3A = arith.constant 0 : i32
      %dma_start3A_34 = tpu.memref_slice %arg3[%arg0, %mul3A_16, %dma_start3A] : memref<2x10240x128xf32, #tpu.memory_space<hbm>> -> memref<1x640x128xf32, #tpu.memory_space<hbm>>
      %dma_start3A_35 = tpu.memref_squeeze %dma_start3A_34 : memref<1x640x128xf32, #tpu.memory_space<hbm>> -> memref<640x128xf32, #tpu.memory_space<hbm>>
      %dma_start3A_36 = arith.constant 0 : i32
      %dma_start3A_37 = tpu.memref_slice %arg7[%mul3A_16, %dma_start3A_36] : memref<10240x128xf32, #tpu.memory_space<vmem_shared>> -> memref<640x128xf32, #tpu.memory_space<vmem_shared>>
      tpu.enqueue_dma source(%dma_start3A_37 : memref<640x128xf32, #tpu.memory_space<vmem_shared>>) target(%dma_start3A_35 : memref<640x128xf32, #tpu.memory_space<hbm>>) target_semaphore(%run_scoped3A : memref<!tpu.dma_semaphore, #tpu.memory_space<semaphore_mem>>)
      %dma_wait3A = arith.constant 0 : i32
      %dma_wait3A_38 = tpu.memref_slice %arg3[%arg0, %mul3A_16, %dma_wait3A] : memref<2x10240x128xf32, #tpu.memory_space<hbm>> -> memref<1x640x128xf32, #tpu.memory_space<hbm>>
      %dma_wait3A_39 = tpu.memref_squeeze %dma_wait3A_38 : memref<1x640x128xf32, #tpu.memory_space<hbm>> -> memref<640x128xf32, #tpu.memory_space<hbm>>
      %dma_wait3A_40 = arith.constant 0 : i32
      %dma_wait3A_41 = tpu.memref_slice %arg7[%mul3A_16, %dma_wait3A_40] : memref<10240x128xf32, #tpu.memory_space<vmem_shared>> -> memref<640x128xf32, #tpu.memory_space<vmem_shared>>
      tpu.wait_dma2 semaphore(%run_scoped3A : memref<!tpu.dma_semaphore, #tpu.memory_space<semaphore_mem>>) src(%dma_wait3A_41 : memref<640x128xf32, #tpu.memory_space<vmem_shared>>) dst(%dma_wait3A_39 : memref<640x128xf32, #tpu.memory_space<hbm>>)
      tpu.yield
    }) : () -> ()
    return
  }
}

#map = affine_map<(d0, d1) -> (0, 0, 0)>
#map1 = affine_map<(d0, d1) -> (0, 0, 0, 0)>
#map2 = affine_map<(d0, d1) -> (0, 0)>
module attributes {stable_mosaic.version = 14 : i64} {
  func.func @k(%arg0: i32, %arg1: i32, %arg2: memref<32x80x128xi32, #tpu.memory_space<hbm>>, %arg3: memref<32x5x16x128xi32, #tpu.memory_space<hbm>>, %arg4: memref<10000x128xf32, #tpu.memory_space<hbm>>, %arg5: memref<2x10240x128xf32, #tpu.memory_space<hbm>>, %arg6: memref<80x128xi32, #tpu.memory_space<vmem>>, %arg7: memref<16x128xi32, #tpu.memory_space<vmem>>, %arg8: memref<128x128xf32, #tpu.memory_space<vmem>>, %arg9: memref<128x128xf32, #tpu.memory_space<vmem>>, %arg10: memref<10240x128xf32, #tpu.memory_space<vmem_shared>>, %arg11: memref<!tpu.dma_semaphore, #tpu.memory_space<semaphore_mem>>, %arg12: memref<!tpu.dma_semaphore, #tpu.memory_space<semaphore_mem>>) attributes {dimension_semantics = [#tpu.dimension_semantics<core_parallel>, #tpu.dimension_semantics<subcore_parallel>], iteration_bounds = array<i64: 2, 16>, scalar_prefetch = 0 : i64, scratch_operands = 7 : i64, tpu.core_type = #tpu.core_type<sc_vector_subcore>, window_params = [{transform_indices = #map}, {transform_indices = #map1}, {transform_indices = #map2}, {transform_indices = #map}]} {
    %mul3A = arith.constant 16 : i32
    %mul3A_0 = arith.muli %arg0, %mul3A : i32
    %add3A = arith.addi %mul3A_0, %arg1 : i32
    "tpu.region"() ({
      %run_scoped3A = tpu.sem_alloc : memref<!tpu.dma_semaphore, #tpu.memory_space<semaphore_mem>>
      %dma_start3A_38 = arith.constant 0 : i32
      %dma_start3A_39 = arith.constant 0 : i32
      %dma_start3A_40 = tpu.memref_slice %arg2[%add3A, %dma_start3A_38, %dma_start3A_39] : memref<32x80x128xi32, #tpu.memory_space<hbm>> -> memref<1x80x128xi32, #tpu.memory_space<hbm>>
      %dma_start3A_41 = tpu.memref_squeeze %dma_start3A_40 : memref<1x80x128xi32, #tpu.memory_space<hbm>> -> memref<80x128xi32, #tpu.memory_space<hbm>>
      %dma_start3A_42 = arith.constant 0 : i32
      %dma_start3A_43 = arith.constant 0 : i32
      %dma_start3A_44 = tpu.memref_slice %arg2[%add3A, %dma_start3A_42, %dma_start3A_43] : memref<32x80x128xi32, #tpu.memory_space<hbm>> -> memref<1x80x128xi32, #tpu.memory_space<hbm>>
      %dma_start3A_45 = tpu.memref_squeeze %dma_start3A_44 : memref<1x80x128xi32, #tpu.memory_space<hbm>> -> memref<80x128xi32, #tpu.memory_space<hbm>>
      tpu.enqueue_dma source(%dma_start3A_45 : memref<80x128xi32, #tpu.memory_space<hbm>>) target(%arg6 : memref<80x128xi32, #tpu.memory_space<vmem>>) target_semaphore(%run_scoped3A : memref<!tpu.dma_semaphore, #tpu.memory_space<semaphore_mem>>)
      %dma_wait3A_46 = arith.constant 0 : i32
      %dma_wait3A_47 = arith.constant 0 : i32
      %dma_wait3A_48 = tpu.memref_slice %arg2[%add3A, %dma_wait3A_46, %dma_wait3A_47] : memref<32x80x128xi32, #tpu.memory_space<hbm>> -> memref<1x80x128xi32, #tpu.memory_space<hbm>>
      %dma_wait3A_49 = tpu.memref_squeeze %dma_wait3A_48 : memref<1x80x128xi32, #tpu.memory_space<hbm>> -> memref<80x128xi32, #tpu.memory_space<hbm>>
      %dma_wait3A_50 = arith.constant 0 : i32
      %dma_wait3A_51 = arith.constant 0 : i32
      %dma_wait3A_52 = tpu.memref_slice %arg2[%add3A, %dma_wait3A_50, %dma_wait3A_51] : memref<32x80x128xi32, #tpu.memory_space<hbm>> -> memref<1x80x128xi32, #tpu.memory_space<hbm>>
      %dma_wait3A_53 = tpu.memref_squeeze %dma_wait3A_52 : memref<1x80x128xi32, #tpu.memory_space<hbm>> -> memref<80x128xi32, #tpu.memory_space<hbm>>
      tpu.wait_dma2 semaphore(%run_scoped3A : memref<!tpu.dma_semaphore, #tpu.memory_space<semaphore_mem>>) src(%dma_wait3A_53 : memref<80x128xi32, #tpu.memory_space<hbm>>) dst(%arg6 : memref<80x128xi32, #tpu.memory_space<vmem>>)
      tpu.yield
    }) : () -> ()
    %broadcast_in_dim3A = arith.constant 0.000000e+00 : f32
    %broadcast_in_dim3A_1 = vector.broadcast %broadcast_in_dim3A : f32 to vector<16xf32>
    %scan3A = arith.constant 0 : i32
    %scan3A_2 = arith.constant 0 : i32
    %scan3A_3 = arith.constant 128 : i32
    %scan3A_4 = arith.addi %scan3A_2, %scan3A_3 : i32
    %scan3A_5 = arith.constant 1 : i32
    scf.for %scan3A_38 = %scan3A_2 to %scan3A_4 step %scan3A_5  : i32 {
      %swap3A = arith.index_cast %scan3A_38 : i32 to index
      %swap3A_39 = arith.constant 0 : index
      %swap3A_40 = tpu.vector_load %arg8[%swap3A, %swap3A_39] {strides = array<i32>} : memref<128x128xf32, #tpu.memory_space<vmem>>, vector<1x16xf32>,
      %swap3A_41 = vector.shape_cast %swap3A_40 : vector<1x16xf32> to vector<16xf32>
      %swap3A_42 = vector.shape_cast %broadcast_in_dim3A_1 : vector<16xf32> to vector<1x16xf32>
      tpu.vector_store %arg8[%swap3A, %swap3A_39], %swap3A_42 {strides = array<i32>} : memref<128x128xf32, #tpu.memory_space<vmem>>, vector<1x16xf32>,
      %swap3A_43 = arith.index_cast %scan3A_38 : i32 to index
      %swap3A_44 = arith.constant 16 : index
      %swap3A_45 = tpu.vector_load %arg8[%swap3A_43, %swap3A_44] {strides = array<i32>} : memref<128x128xf32, #tpu.memory_space<vmem>>, vector<1x16xf32>,
      %swap3A_46 = vector.shape_cast %swap3A_45 : vector<1x16xf32> to vector<16xf32>
      %swap3A_47 = vector.shape_cast %broadcast_in_dim3A_1 : vector<16xf32> to vector<1x16xf32>
      tpu.vector_store %arg8[%swap3A_43, %swap3A_44], %swap3A_47 {strides = array<i32>} : memref<128x128xf32, #tpu.memory_space<vmem>>, vector<1x16xf32>,
      %swap3A_48 = arith.index_cast %scan3A_38 : i32 to index
      %swap3A_49 = arith.constant 32 : index
      %swap3A_50 = tpu.vector_load %arg8[%swap3A_48, %swap3A_49] {strides = array<i32>} : memref<128x128xf32, #tpu.memory_space<vmem>>, vector<1x16xf32>,
      %swap3A_51 = vector.shape_cast %swap3A_50 : vector<1x16xf32> to vector<16xf32>
      %swap3A_52 = vector.shape_cast %broadcast_in_dim3A_1 : vector<16xf32> to vector<1x16xf32>
      tpu.vector_store %arg8[%swap3A_48, %swap3A_49], %swap3A_52 {strides = array<i32>} : memref<128x128xf32, #tpu.memory_space<vmem>>, vector<1x16xf32>,
      %swap3A_53 = arith.index_cast %scan3A_38 : i32 to index
      %swap3A_54 = arith.constant 48 : index
      %swap3A_55 = tpu.vector_load %arg8[%swap3A_53, %swap3A_54] {strides = array<i32>} : memref<128x128xf32, #tpu.memory_space<vmem>>, vector<1x16xf32>,
      %swap3A_56 = vector.shape_cast %swap3A_55 : vector<1x16xf32> to vector<16xf32>
      %swap3A_57 = vector.shape_cast %broadcast_in_dim3A_1 : vector<16xf32> to vector<1x16xf32>
      tpu.vector_store %arg8[%swap3A_53, %swap3A_54], %swap3A_57 {strides = array<i32>} : memref<128x128xf32, #tpu.memory_space<vmem>>, vector<1x16xf32>,
      %swap3A_58 = arith.index_cast %scan3A_38 : i32 to index
      %swap3A_59 = arith.constant 64 : index
      %swap3A_60 = tpu.vector_load %arg8[%swap3A_58, %swap3A_59] {strides = array<i32>} : memref<128x128xf32, #tpu.memory_space<vmem>>, vector<1x16xf32>,
      %swap3A_61 = vector.shape_cast %swap3A_60 : vector<1x16xf32> to vector<16xf32>
      %swap3A_62 = vector.shape_cast %broadcast_in_dim3A_1 : vector<16xf32> to vector<1x16xf32>
      tpu.vector_store %arg8[%swap3A_58, %swap3A_59], %swap3A_62 {strides = array<i32>} : memref<128x128xf32, #tpu.memory_space<vmem>>, vector<1x16xf32>,
      %swap3A_63 = arith.index_cast %scan3A_38 : i32 to index
      %swap3A_64 = arith.constant 80 : index
      %swap3A_65 = tpu.vector_load %arg8[%swap3A_63, %swap3A_64] {strides = array<i32>} : memref<128x128xf32, #tpu.memory_space<vmem>>, vector<1x16xf32>,
      %swap3A_66 = vector.shape_cast %swap3A_65 : vector<1x16xf32> to vector<16xf32>
      %swap3A_67 = vector.shape_cast %broadcast_in_dim3A_1 : vector<16xf32> to vector<1x16xf32>
      tpu.vector_store %arg8[%swap3A_63, %swap3A_64], %swap3A_67 {strides = array<i32>} : memref<128x128xf32, #tpu.memory_space<vmem>>, vector<1x16xf32>,
      %swap3A_68 = arith.index_cast %scan3A_38 : i32 to index
      %swap3A_69 = arith.constant 96 : index
      %swap3A_70 = tpu.vector_load %arg8[%swap3A_68, %swap3A_69] {strides = array<i32>} : memref<128x128xf32, #tpu.memory_space<vmem>>, vector<1x16xf32>,
      %swap3A_71 = vector.shape_cast %swap3A_70 : vector<1x16xf32> to vector<16xf32>
      %swap3A_72 = vector.shape_cast %broadcast_in_dim3A_1 : vector<16xf32> to vector<1x16xf32>
      tpu.vector_store %arg8[%swap3A_68, %swap3A_69], %swap3A_72 {strides = array<i32>} : memref<128x128xf32, #tpu.memory_space<vmem>>, vector<1x16xf32>,
      %swap3A_73 = arith.index_cast %scan3A_38 : i32 to index
      %swap3A_74 = arith.constant 112 : index
      %swap3A_75 = tpu.vector_load %arg8[%swap3A_73, %swap3A_74] {strides = array<i32>} : memref<128x128xf32, #tpu.memory_space<vmem>>, vector<1x16xf32>,
      %swap3A_76 = vector.shape_cast %swap3A_75 : vector<1x16xf32> to vector<16xf32>
      %swap3A_77 = vector.shape_cast %broadcast_in_dim3A_1 : vector<16xf32> to vector<1x16xf32>
      tpu.vector_store %arg8[%swap3A_73, %swap3A_74], %swap3A_77 {strides = array<i32>} : memref<128x128xf32, #tpu.memory_space<vmem>>, vector<1x16xf32>,
    }
    %scan3A_6 = arith.constant 128 : i32
    %mul3A_7 = arith.constant 640 : i32
    %mul3A_8 = arith.muli %arg1, %mul3A_7 : i32
    %add3A_9 = arith.constant 0 : i32
    %add3A_10 = arith.addi %mul3A_8, %add3A_9 : i32
    "tpu.region"() ({
      %run_scoped3A = tpu.sem_alloc : memref<!tpu.dma_semaphore, #tpu.memory_space<semaphore_mem>>
      %dma_start3A_38 = arith.constant 0 : i32
      %dma_start3A_39 = tpu.memref_slice %arg10[%add3A_10, %dma_start3A_38] : memref<10240x128xf32, #tpu.memory_space<vmem_shared>> -> memref<128x128xf32, #tpu.memory_space<vmem_shared>>
      %dma_start3A_40 = arith.constant 0 : i32
      %dma_start3A_41 = tpu.memref_slice %arg10[%add3A_10, %dma_start3A_40] : memref<10240x128xf32, #tpu.memory_space<vmem_shared>> -> memref<128x128xf32, #tpu.memory_space<vmem_shared>>
      tpu.enqueue_dma source(%arg8 : memref<128x128xf32, #tpu.memory_space<vmem>>) target(%dma_start3A_41 : memref<128x128xf32, #tpu.memory_space<vmem_shared>>) target_semaphore(%run_scoped3A : memref<!tpu.dma_semaphore, #tpu.memory_space<semaphore_mem>>)
      %dma_wait3A_42 = arith.constant 0 : i32
      %dma_wait3A_43 = tpu.memref_slice %arg10[%add3A_10, %dma_wait3A_42] : memref<10240x128xf32, #tpu.memory_space<vmem_shared>> -> memref<128x128xf32, #tpu.memory_space<vmem_shared>>
      %dma_wait3A_44 = arith.constant 0 : i32
      %dma_wait3A_45 = tpu.memref_slice %arg10[%add3A_10, %dma_wait3A_44] : memref<10240x128xf32, #tpu.memory_space<vmem_shared>> -> memref<128x128xf32, #tpu.memory_space<vmem_shared>>
      tpu.wait_dma2 semaphore(%run_scoped3A : memref<!tpu.dma_semaphore, #tpu.memory_space<semaphore_mem>>) src(%arg8 : memref<128x128xf32, #tpu.memory_space<vmem>>) dst(%dma_wait3A_45 : memref<128x128xf32, #tpu.memory_space<vmem_shared>>)
      tpu.yield
    }) : () -> ()
    %add3A_11 = arith.constant 128 : i32
    %add3A_12 = arith.addi %mul3A_8, %add3A_11 : i32
    "tpu.region"() ({
      %run_scoped3A = tpu.sem_alloc : memref<!tpu.dma_semaphore, #tpu.memory_space<semaphore_mem>>
      %dma_start3A_38 = arith.constant 0 : i32
      %dma_start3A_39 = tpu.memref_slice %arg10[%add3A_12, %dma_start3A_38] : memref<10240x128xf32, #tpu.memory_space<vmem_shared>> -> memref<128x128xf32, #tpu.memory_space<vmem_shared>>
      %dma_start3A_40 = arith.constant 0 : i32
      %dma_start3A_41 = tpu.memref_slice %arg10[%add3A_12, %dma_start3A_40] : memref<10240x128xf32, #tpu.memory_space<vmem_shared>> -> memref<128x128xf32, #tpu.memory_space<vmem_shared>>
      tpu.enqueue_dma source(%arg8 : memref<128x128xf32, #tpu.memory_space<vmem>>) target(%dma_start3A_41 : memref<128x128xf32, #tpu.memory_space<vmem_shared>>) target_semaphore(%run_scoped3A : memref<!tpu.dma_semaphore, #tpu.memory_space<semaphore_mem>>)
      %dma_wait3A_42 = arith.constant 0 : i32
      %dma_wait3A_43 = tpu.memref_slice %arg10[%add3A_12, %dma_wait3A_42] : memref<10240x128xf32, #tpu.memory_space<vmem_shared>> -> memref<128x128xf32, #tpu.memory_space<vmem_shared>>
      %dma_wait3A_44 = arith.constant 0 : i32
      %dma_wait3A_45 = tpu.memref_slice %arg10[%add3A_12, %dma_wait3A_44] : memref<10240x128xf32, #tpu.memory_space<vmem_shared>> -> memref<128x128xf32, #tpu.memory_space<vmem_shared>>
      tpu.wait_dma2 semaphore(%run_scoped3A : memref<!tpu.dma_semaphore, #tpu.memory_space<semaphore_mem>>) src(%arg8 : memref<128x128xf32, #tpu.memory_space<vmem>>) dst(%dma_wait3A_45 : memref<128x128xf32, #tpu.memory_space<vmem_shared>>)
      tpu.yield
    }) : () -> ()
    %add3A_13 = arith.constant 256 : i32
    %add3A_14 = arith.addi %mul3A_8, %add3A_13 : i32
    "tpu.region"() ({
      %run_scoped3A = tpu.sem_alloc : memref<!tpu.dma_semaphore, #tpu.memory_space<semaphore_mem>>
      %dma_start3A_38 = arith.constant 0 : i32
      %dma_start3A_39 = tpu.memref_slice %arg10[%add3A_14, %dma_start3A_38] : memref<10240x128xf32, #tpu.memory_space<vmem_shared>> -> memref<128x128xf32, #tpu.memory_space<vmem_shared>>
      %dma_start3A_40 = arith.constant 0 : i32
      %dma_start3A_41 = tpu.memref_slice %arg10[%add3A_14, %dma_start3A_40] : memref<10240x128xf32, #tpu.memory_space<vmem_shared>> -> memref<128x128xf32, #tpu.memory_space<vmem_shared>>
      tpu.enqueue_dma source(%arg8 : memref<128x128xf32, #tpu.memory_space<vmem>>) target(%dma_start3A_41 : memref<128x128xf32, #tpu.memory_space<vmem_shared>>) target_semaphore(%run_scoped3A : memref<!tpu.dma_semaphore, #tpu.memory_space<semaphore_mem>>)
      %dma_wait3A_42 = arith.constant 0 : i32
      %dma_wait3A_43 = tpu.memref_slice %arg10[%add3A_14, %dma_wait3A_42] : memref<10240x128xf32, #tpu.memory_space<vmem_shared>> -> memref<128x128xf32, #tpu.memory_space<vmem_shared>>
      %dma_wait3A_44 = arith.constant 0 : i32
      %dma_wait3A_45 = tpu.memref_slice %arg10[%add3A_14, %dma_wait3A_44] : memref<10240x128xf32, #tpu.memory_space<vmem_shared>> -> memref<128x128xf32, #tpu.memory_space<vmem_shared>>
      tpu.wait_dma2 semaphore(%run_scoped3A : memref<!tpu.dma_semaphore, #tpu.memory_space<semaphore_mem>>) src(%arg8 : memref<128x128xf32, #tpu.memory_space<vmem>>) dst(%dma_wait3A_45 : memref<128x128xf32, #tpu.memory_space<vmem_shared>>)
      tpu.yield
    }) : () -> ()
    %add3A_15 = arith.constant 384 : i32
    %add3A_16 = arith.addi %mul3A_8, %add3A_15 : i32
    "tpu.region"() ({
      %run_scoped3A = tpu.sem_alloc : memref<!tpu.dma_semaphore, #tpu.memory_space<semaphore_mem>>
      %dma_start3A_38 = arith.constant 0 : i32
      %dma_start3A_39 = tpu.memref_slice %arg10[%add3A_16, %dma_start3A_38] : memref<10240x128xf32, #tpu.memory_space<vmem_shared>> -> memref<128x128xf32, #tpu.memory_space<vmem_shared>>
      %dma_start3A_40 = arith.constant 0 : i32
      %dma_start3A_41 = tpu.memref_slice %arg10[%add3A_16, %dma_start3A_40] : memref<10240x128xf32, #tpu.memory_space<vmem_shared>> -> memref<128x128xf32, #tpu.memory_space<vmem_shared>>
      tpu.enqueue_dma source(%arg8 : memref<128x128xf32, #tpu.memory_space<vmem>>) target(%dma_start3A_41 : memref<128x128xf32, #tpu.memory_space<vmem_shared>>) target_semaphore(%run_scoped3A : memref<!tpu.dma_semaphore, #tpu.memory_space<semaphore_mem>>)
      %dma_wait3A_42 = arith.constant 0 : i32
      %dma_wait3A_43 = tpu.memref_slice %arg10[%add3A_16, %dma_wait3A_42] : memref<10240x128xf32, #tpu.memory_space<vmem_shared>> -> memref<128x128xf32, #tpu.memory_space<vmem_shared>>
      %dma_wait3A_44 = arith.constant 0 : i32
      %dma_wait3A_45 = tpu.memref_slice %arg10[%add3A_16, %dma_wait3A_44] : memref<10240x128xf32, #tpu.memory_space<vmem_shared>> -> memref<128x128xf32, #tpu.memory_space<vmem_shared>>
      tpu.wait_dma2 semaphore(%run_scoped3A : memref<!tpu.dma_semaphore, #tpu.memory_space<semaphore_mem>>) src(%arg8 : memref<128x128xf32, #tpu.memory_space<vmem>>) dst(%dma_wait3A_45 : memref<128x128xf32, #tpu.memory_space<vmem_shared>>)
      tpu.yield
    }) : () -> ()
    %add3A_17 = arith.constant 512 : i32
    %add3A_18 = arith.addi %mul3A_8, %add3A_17 : i32
    "tpu.region"() ({
      %run_scoped3A = tpu.sem_alloc : memref<!tpu.dma_semaphore, #tpu.memory_space<semaphore_mem>>
      %dma_start3A_38 = arith.constant 0 : i32
      %dma_start3A_39 = tpu.memref_slice %arg10[%add3A_18, %dma_start3A_38] : memref<10240x128xf32, #tpu.memory_space<vmem_shared>> -> memref<128x128xf32, #tpu.memory_space<vmem_shared>>
      %dma_start3A_40 = arith.constant 0 : i32
      %dma_start3A_41 = tpu.memref_slice %arg10[%add3A_18, %dma_start3A_40] : memref<10240x128xf32, #tpu.memory_space<vmem_shared>> -> memref<128x128xf32, #tpu.memory_space<vmem_shared>>
      tpu.enqueue_dma source(%arg8 : memref<128x128xf32, #tpu.memory_space<vmem>>) target(%dma_start3A_41 : memref<128x128xf32, #tpu.memory_space<vmem_shared>>) target_semaphore(%run_scoped3A : memref<!tpu.dma_semaphore, #tpu.memory_space<semaphore_mem>>)
      %dma_wait3A_42 = arith.constant 0 : i32
      %dma_wait3A_43 = tpu.memref_slice %arg10[%add3A_18, %dma_wait3A_42] : memref<10240x128xf32, #tpu.memory_space<vmem_shared>> -> memref<128x128xf32, #tpu.memory_space<vmem_shared>>
      %dma_wait3A_44 = arith.constant 0 : i32
      %dma_wait3A_45 = tpu.memref_slice %arg10[%add3A_18, %dma_wait3A_44] : memref<10240x128xf32, #tpu.memory_space<vmem_shared>> -> memref<128x128xf32, #tpu.memory_space<vmem_shared>>
      tpu.wait_dma2 semaphore(%run_scoped3A : memref<!tpu.dma_semaphore, #tpu.memory_space<semaphore_mem>>) src(%arg8 : memref<128x128xf32, #tpu.memory_space<vmem>>) dst(%dma_wait3A_45 : memref<128x128xf32, #tpu.memory_space<vmem_shared>>)
      tpu.yield
    }) : () -> ()
    %barrier3A = arith.constant 0 : index
    tpu.barrier barrier_id(%barrier3A)
    %dma_start3A = arith.constant 0 : i32
    %dma_start3A_19 = arith.constant 0 : i32
    %dma_start3A_20 = tpu.memref_slice %arg6[%dma_start3A, %dma_start3A_19] : memref<80x128xi32, #tpu.memory_space<vmem>> -> memref<1x128xi32, #tpu.memory_space<vmem>>
    %dma_start3A_21 = tpu.memref_squeeze %dma_start3A_20 : memref<1x128xi32, #tpu.memory_space<vmem>> -> memref<128xi32, #tpu.memory_space<vmem>>
    %dma_start3A_22 = arith.constant 0 : i32
    %dma_start3A_23 = arith.constant 0 : i32
    %dma_start3A_24 = tpu.memref_slice %arg4[%dma_start3A_22, %dma_start3A_23] : memref<10000x128xf32, #tpu.memory_space<hbm>> -> memref<10000x128xf32, #tpu.memory_space<hbm>>
    tpu.enqueue_indirect_dma source(%dma_start3A_24 : memref<10000x128xf32, #tpu.memory_space<hbm>>) target(%arg8 : memref<128x128xf32, #tpu.memory_space<vmem>>) offsets(%dma_start3A_21 : memref<128xi32, #tpu.memory_space<vmem>>) semaphore(%arg11 : memref<!tpu.dma_semaphore, #tpu.memory_space<semaphore_mem>>)
    %scan3A_25 = arith.constant 0 : i32
    %scan3A_26 = arith.constant 0 : i32
    %scan3A_27 = arith.constant 5 : i32
    %scan3A_28 = arith.addi %scan3A_26, %scan3A_27 : i32
    %scan3A_29 = arith.constant 1 : i32
    scf.for %scan3A_38 = %scan3A_26 to %scan3A_28 step %scan3A_29  : i32 {
      "tpu.region"() ({
        %run_scoped3A = tpu.sem_alloc : memref<!tpu.dma_semaphore, #tpu.memory_space<semaphore_mem>>
        %dma_start3A_44 = arith.constant 0 : i32
        %dma_start3A_45 = arith.constant 0 : i32
        %dma_start3A_46 = tpu.memref_slice %arg3[%add3A, %scan3A_38, %dma_start3A_44, %dma_start3A_45] : memref<32x5x16x128xi32, #tpu.memory_space<hbm>> -> memref<1x1x16x128xi32, #tpu.memory_space<hbm>>
        %dma_start3A_47 = tpu.memref_squeeze %dma_start3A_46 : memref<1x1x16x128xi32, #tpu.memory_space<hbm>> -> memref<16x128xi32, #tpu.memory_space<hbm>>
        %dma_start3A_48 = arith.constant 0 : i32
        %dma_start3A_49 = arith.constant 0 : i32
        %dma_start3A_50 = tpu.memref_slice %arg3[%add3A, %scan3A_38, %dma_start3A_48, %dma_start3A_49] : memref<32x5x16x128xi32, #tpu.memory_space<hbm>> -> memref<1x1x16x128xi32, #tpu.memory_space<hbm>>
        %dma_start3A_51 = tpu.memref_squeeze %dma_start3A_50 : memref<1x1x16x128xi32, #tpu.memory_space<hbm>> -> memref<16x128xi32, #tpu.memory_space<hbm>>
        tpu.enqueue_dma source(%dma_start3A_51 : memref<16x128xi32, #tpu.memory_space<hbm>>) target(%arg7 : memref<16x128xi32, #tpu.memory_space<vmem>>) target_semaphore(%run_scoped3A : memref<!tpu.dma_semaphore, #tpu.memory_space<semaphore_mem>>)
        %dma_wait3A_52 = arith.constant 0 : i32
        %dma_wait3A_53 = arith.constant 0 : i32
        %dma_wait3A_54 = tpu.memref_slice %arg3[%add3A, %scan3A_38, %dma_wait3A_52, %dma_wait3A_53] : memref<32x5x16x128xi32, #tpu.memory_space<hbm>> -> memref<1x1x16x128xi32, #tpu.memory_space<hbm>>
        %dma_wait3A_55 = tpu.memref_squeeze %dma_wait3A_54 : memref<1x1x16x128xi32, #tpu.memory_space<hbm>> -> memref<16x128xi32, #tpu.memory_space<hbm>>
        %dma_wait3A_56 = arith.constant 0 : i32
        %dma_wait3A_57 = arith.constant 0 : i32
        %dma_wait3A_58 = tpu.memref_slice %arg3[%add3A, %scan3A_38, %dma_wait3A_56, %dma_wait3A_57] : memref<32x5x16x128xi32, #tpu.memory_space<hbm>> -> memref<1x1x16x128xi32, #tpu.memory_space<hbm>>
        %dma_wait3A_59 = tpu.memref_squeeze %dma_wait3A_58 : memref<1x1x16x128xi32, #tpu.memory_space<hbm>> -> memref<16x128xi32, #tpu.memory_space<hbm>>
        tpu.wait_dma2 semaphore(%run_scoped3A : memref<!tpu.dma_semaphore, #tpu.memory_space<semaphore_mem>>) src(%dma_wait3A_59 : memref<16x128xi32, #tpu.memory_space<hbm>>) dst(%arg7 : memref<16x128xi32, #tpu.memory_space<vmem>>)
        tpu.yield
      }) : () -> ()
      %scan3A_39 = arith.constant 0 : i32
      %scan3A_40 = arith.constant 8 : i32
      %scan3A_41 = arith.addi %scan3A_39, %scan3A_40 : i32
      %scan3A_42 = arith.constant 1 : i32
      scf.for %scan3A_44 = %scan3A_39 to %scan3A_41 step %scan3A_42  : i32 {
        %mul3A_45 = arith.constant 16 : i32
        %mul3A_46 = arith.muli %scan3A_38, %mul3A_45 : i32
        %mul3A_47 = arith.constant 2 : i32
        %mul3A_48 = arith.muli %mul3A_47, %scan3A_44 : i32
        %add3A_49 = arith.addi %mul3A_46, %mul3A_48 : i32
        %add3A_50 = arith.constant 1 : i32
        %add3A_51 = arith.addi %add3A_49, %add3A_50 : i32
        %dma_start3A_52 = arith.constant 0 : i32
        %dma_start3A_53 = tpu.memref_slice %arg6[%add3A_51, %dma_start3A_52] : memref<80x128xi32, #tpu.memory_space<vmem>> -> memref<1x128xi32, #tpu.memory_space<vmem>>
        %dma_start3A_54 = tpu.memref_squeeze %dma_start3A_53 : memref<1x128xi32, #tpu.memory_space<vmem>> -> memref<128xi32, #tpu.memory_space<vmem>>
        %dma_start3A_55 = arith.constant 0 : i32
        %dma_start3A_56 = arith.constant 0 : i32
        %dma_start3A_57 = tpu.memref_slice %arg4[%dma_start3A_55, %dma_start3A_56] : memref<10000x128xf32, #tpu.memory_space<hbm>> -> memref<10000x128xf32, #tpu.memory_space<hbm>>
        tpu.enqueue_indirect_dma source(%dma_start3A_57 : memref<10000x128xf32, #tpu.memory_space<hbm>>) target(%arg9 : memref<128x128xf32, #tpu.memory_space<vmem>>) offsets(%dma_start3A_54 : memref<128xi32, #tpu.memory_space<vmem>>) semaphore(%arg12 : memref<!tpu.dma_semaphore, #tpu.memory_space<semaphore_mem>>)
        %dma_wait3A_58 = arith.constant 0 : i32
        %dma_wait3A_59 = arith.constant 0 : i32
        %dma_wait3A_60 = tpu.memref_slice %arg6[%dma_wait3A_58, %dma_wait3A_59] : memref<80x128xi32, #tpu.memory_space<vmem>> -> memref<1x128xi32, #tpu.memory_space<vmem>>
        %dma_wait3A_61 = tpu.memref_squeeze %dma_wait3A_60 : memref<1x128xi32, #tpu.memory_space<vmem>> -> memref<128xi32, #tpu.memory_space<vmem>>
        %dma_wait3A_62 = arith.constant 0 : i32
        %dma_wait3A_63 = arith.constant 0 : i32
        %dma_wait3A_64 = tpu.memref_slice %arg4[%dma_wait3A_62, %dma_wait3A_63] : memref<10000x128xf32, #tpu.memory_space<hbm>> -> memref<10000x128xf32, #tpu.memory_space<hbm>>
        tpu.wait_indirect_dma semaphore(%arg11 : memref<!tpu.dma_semaphore, #tpu.memory_space<semaphore_mem>>) src(%dma_wait3A_64 : memref<10000x128xf32, #tpu.memory_space<hbm>>) dst(%arg8 : memref<128x128xf32, #tpu.memory_space<vmem>>)
        %mul3A_65 = arith.constant 2 : i32
        %mul3A_66 = arith.muli %mul3A_65, %scan3A_44 : i32
        "tpu.region"() ({
          %run_scoped3A = tpu.sem_alloc : memref<!tpu.dma_semaphore, #tpu.memory_space<semaphore_mem>>
          %dma_start3A_87 = arith.constant 0 : i32
          %dma_start3A_88 = tpu.memref_slice %arg7[%mul3A_66, %dma_start3A_87] : memref<16x128xi32, #tpu.memory_space<vmem>> -> memref<1x128xi32, #tpu.memory_space<vmem>>
          %dma_start3A_89 = tpu.memref_squeeze %dma_start3A_88 : memref<1x128xi32, #tpu.memory_space<vmem>> -> memref<128xi32, #tpu.memory_space<vmem>>
          %dma_start3A_90 = arith.constant 0 : i32
          %dma_start3A_91 = arith.constant 0 : i32
          %dma_start3A_92 = tpu.memref_slice %arg10[%dma_start3A_90, %dma_start3A_91] : memref<10240x128xf32, #tpu.memory_space<vmem_shared>> -> memref<10240x128xf32, #tpu.memory_space<vmem_shared>>
          tpu.enqueue_indirect_dma source(%arg8 : memref<128x128xf32, #tpu.memory_space<vmem>>) target(%dma_start3A_92 : memref<10240x128xf32, #tpu.memory_space<vmem_shared>>) offsets(%dma_start3A_89 : memref<128xi32, #tpu.memory_space<vmem>>) semaphore(%run_scoped3A : memref<!tpu.dma_semaphore, #tpu.memory_space<semaphore_mem>>) {add = true}
          %dma_wait3A_93 = arith.constant 0 : i32
          %dma_wait3A_94 = tpu.memref_slice %arg7[%mul3A_66, %dma_wait3A_93] : memref<16x128xi32, #tpu.memory_space<vmem>> -> memref<1x128xi32, #tpu.memory_space<vmem>>
          %dma_wait3A_95 = tpu.memref_squeeze %dma_wait3A_94 : memref<1x128xi32, #tpu.memory_space<vmem>> -> memref<128xi32, #tpu.memory_space<vmem>>
          %dma_wait3A_96 = arith.constant 0 : i32
          %dma_wait3A_97 = arith.constant 0 : i32
          %dma_wait3A_98 = tpu.memref_slice %arg10[%dma_wait3A_96, %dma_wait3A_97] : memref<10240x128xf32, #tpu.memory_space<vmem_shared>> -> memref<10240x128xf32, #tpu.memory_space<vmem_shared>>
          tpu.wait_indirect_dma semaphore(%run_scoped3A : memref<!tpu.dma_semaphore, #tpu.memory_space<semaphore_mem>>) src(%arg8 : memref<128x128xf32, #tpu.memory_space<vmem>>) dst(%dma_wait3A_98 : memref<10240x128xf32, #tpu.memory_space<vmem_shared>>)
          tpu.yield
        }) : () -> ()
        %add3A_67 = arith.constant 2 : i32
        %add3A_68 = arith.addi %add3A_49, %add3A_67 : i32
        %min3A = arith.constant 79 : i32
        %min3A_69 = arith.minsi %add3A_68, %min3A : i32
        %dma_start3A_70 = arith.constant 0 : i32
        %dma_start3A_71 = tpu.memref_slice %arg6[%min3A_69, %dma_start3A_70] : memref<80x128xi32, #tpu.memory_space<vmem>> -> memref<1x128xi32, #tpu.memory_space<vmem>>
        %dma_start3A_72 = tpu.memref_squeeze %dma_start3A_71 : memref<1x128xi32, #tpu.memory_space<vmem>> -> memref<128xi32, #tpu.memory_space<vmem>>
        %dma_start3A_73 = arith.constant 0 : i32
        %dma_start3A_74 = arith.constant 0 : i32
        %dma_start3A_75 = tpu.memref_slice %arg4[%dma_start3A_73, %dma_start3A_74] : memref<10000x128xf32, #tpu.memory_space<hbm>> -> memref<10000x128xf32, #tpu.memory_space<hbm>>
        tpu.enqueue_indirect_dma source(%dma_start3A_75 : memref<10000x128xf32, #tpu.memory_space<hbm>>) target(%arg8 : memref<128x128xf32, #tpu.memory_space<vmem>>) offsets(%dma_start3A_72 : memref<128xi32, #tpu.memory_space<vmem>>) semaphore(%arg11 : memref<!tpu.dma_semaphore, #tpu.memory_space<semaphore_mem>>)
        %dma_wait3A_76 = arith.constant 0 : i32
        %dma_wait3A_77 = arith.constant 0 : i32
        %dma_wait3A_78 = tpu.memref_slice %arg6[%dma_wait3A_76, %dma_wait3A_77] : memref<80x128xi32, #tpu.memory_space<vmem>> -> memref<1x128xi32, #tpu.memory_space<vmem>>
        %dma_wait3A_79 = tpu.memref_squeeze %dma_wait3A_78 : memref<1x128xi32, #tpu.memory_space<vmem>> -> memref<128xi32, #tpu.memory_space<vmem>>
        %dma_wait3A_80 = arith.constant 0 : i32
        %dma_wait3A_81 = arith.constant 0 : i32
        %dma_wait3A_82 = tpu.memref_slice %arg4[%dma_wait3A_80, %dma_wait3A_81] : memref<10000x128xf32, #tpu.memory_space<hbm>> -> memref<10000x128xf32, #tpu.memory_space<hbm>>
        tpu.wait_indirect_dma semaphore(%arg12 : memref<!tpu.dma_semaphore, #tpu.memory_space<semaphore_mem>>) src(%dma_wait3A_82 : memref<10000x128xf32, #tpu.memory_space<hbm>>) dst(%arg9 : memref<128x128xf32, #tpu.memory_space<vmem>>)
        %mul3A_83 = arith.constant 2 : i32
        %mul3A_84 = arith.muli %mul3A_83, %scan3A_44 : i32
        %add3A_85 = arith.constant 1 : i32
        %add3A_86 = arith.addi %mul3A_84, %add3A_85 : i32
        "tpu.region"() ({
          %run_scoped3A = tpu.sem_alloc : memref<!tpu.dma_semaphore, #tpu.memory_space<semaphore_mem>>
          %dma_start3A_87 = arith.constant 0 : i32
          %dma_start3A_88 = tpu.memref_slice %arg7[%add3A_86, %dma_start3A_87] : memref<16x128xi32, #tpu.memory_space<vmem>> -> memref<1x128xi32, #tpu.memory_space<vmem>>
          %dma_start3A_89 = tpu.memref_squeeze %dma_start3A_88 : memref<1x128xi32, #tpu.memory_space<vmem>> -> memref<128xi32, #tpu.memory_space<vmem>>
          %dma_start3A_90 = arith.constant 0 : i32
          %dma_start3A_91 = arith.constant 0 : i32
          %dma_start3A_92 = tpu.memref_slice %arg10[%dma_start3A_90, %dma_start3A_91] : memref<10240x128xf32, #tpu.memory_space<vmem_shared>> -> memref<10240x128xf32, #tpu.memory_space<vmem_shared>>
          tpu.enqueue_indirect_dma source(%arg9 : memref<128x128xf32, #tpu.memory_space<vmem>>) target(%dma_start3A_92 : memref<10240x128xf32, #tpu.memory_space<vmem_shared>>) offsets(%dma_start3A_89 : memref<128xi32, #tpu.memory_space<vmem>>) semaphore(%run_scoped3A : memref<!tpu.dma_semaphore, #tpu.memory_space<semaphore_mem>>) {add = true}
          %dma_wait3A_93 = arith.constant 0 : i32
          %dma_wait3A_94 = tpu.memref_slice %arg7[%add3A_86, %dma_wait3A_93] : memref<16x128xi32, #tpu.memory_space<vmem>> -> memref<1x128xi32, #tpu.memory_space<vmem>>
          %dma_wait3A_95 = tpu.memref_squeeze %dma_wait3A_94 : memref<1x128xi32, #tpu.memory_space<vmem>> -> memref<128xi32, #tpu.memory_space<vmem>>
          %dma_wait3A_96 = arith.constant 0 : i32
          %dma_wait3A_97 = arith.constant 0 : i32
          %dma_wait3A_98 = tpu.memref_slice %arg10[%dma_wait3A_96, %dma_wait3A_97] : memref<10240x128xf32, #tpu.memory_space<vmem_shared>> -> memref<10240x128xf32, #tpu.memory_space<vmem_shared>>
          tpu.wait_indirect_dma semaphore(%run_scoped3A : memref<!tpu.dma_semaphore, #tpu.memory_space<semaphore_mem>>) src(%arg9 : memref<128x128xf32, #tpu.memory_space<vmem>>) dst(%dma_wait3A_98 : memref<10240x128xf32, #tpu.memory_space<vmem_shared>>)
          tpu.yield
        }) : () -> ()
      }
      %scan3A_43 = arith.constant 8 : i32
    }
    %scan3A_30 = arith.constant 5 : i32
    %dma_wait3A = arith.constant 0 : i32
    %dma_wait3A_31 = arith.constant 0 : i32
    %dma_wait3A_32 = tpu.memref_slice %arg6[%dma_wait3A, %dma_wait3A_31] : memref<80x128xi32, #tpu.memory_space<vmem>> -> memref<1x128xi32, #tpu.memory_space<vmem>>
    %dma_wait3A_33 = tpu.memref_squeeze %dma_wait3A_32 : memref<1x128xi32, #tpu.memory_space<vmem>> -> memref<128xi32, #tpu.memory_space<vmem>>
    %dma_wait3A_34 = arith.constant 0 : i32
    %dma_wait3A_35 = arith.constant 0 : i32
    %dma_wait3A_36 = tpu.memref_slice %arg4[%dma_wait3A_34, %dma_wait3A_35] : memref<10000x128xf32, #tpu.memory_space<hbm>> -> memref<10000x128xf32, #tpu.memory_space<hbm>>
    tpu.wait_indirect_dma semaphore(%arg11 : memref<!tpu.dma_semaphore, #tpu.memory_space<semaphore_mem>>) src(%dma_wait3A_36 : memref<10000x128xf32, #tpu.memory_space<hbm>>) dst(%arg8 : memref<128x128xf32, #tpu.memory_space<vmem>>)
    %barrier3A_37 = arith.constant 0 : index
    tpu.barrier barrier_id(%barrier3A_37)
    "tpu.region"() ({
      %run_scoped3A = tpu.sem_alloc : memref<!tpu.dma_semaphore, #tpu.memory_space<semaphore_mem>>
      %dma_start3A_38 = arith.constant 0 : i32
      %dma_start3A_39 = tpu.memref_slice %arg5[%arg0, %mul3A_8, %dma_start3A_38] : memref<2x10240x128xf32, #tpu.memory_space<hbm>> -> memref<1x640x128xf32, #tpu.memory_space<hbm>>
      %dma_start3A_40 = tpu.memref_squeeze %dma_start3A_39 : memref<1x640x128xf32, #tpu.memory_space<hbm>> -> memref<640x128xf32, #tpu.memory_space<hbm>>
      %dma_start3A_41 = arith.constant 0 : i32
      %dma_start3A_42 = tpu.memref_slice %arg10[%mul3A_8, %dma_start3A_41] : memref<10240x128xf32, #tpu.memory_space<vmem_shared>> -> memref<640x128xf32, #tpu.memory_space<vmem_shared>>
      tpu.enqueue_dma source(%dma_start3A_42 : memref<640x128xf32, #tpu.memory_space<vmem_shared>>) target(%dma_start3A_40 : memref<640x128xf32, #tpu.memory_space<hbm>>) target_semaphore(%run_scoped3A : memref<!tpu.dma_semaphore, #tpu.memory_space<semaphore_mem>>)
      %dma_wait3A_43 = arith.constant 0 : i32
      %dma_wait3A_44 = tpu.memref_slice %arg5[%arg0, %mul3A_8, %dma_wait3A_43] : memref<2x10240x128xf32, #tpu.memory_space<hbm>> -> memref<1x640x128xf32, #tpu.memory_space<hbm>>
      %dma_wait3A_45 = tpu.memref_squeeze %dma_wait3A_44 : memref<1x640x128xf32, #tpu.memory_space<hbm>> -> memref<640x128xf32, #tpu.memory_space<hbm>>
      %dma_wait3A_46 = arith.constant 0 : i32
      %dma_wait3A_47 = tpu.memref_slice %arg10[%mul3A_8, %dma_wait3A_46] : memref<10240x128xf32, #tpu.memory_space<vmem_shared>> -> memref<640x128xf32, #tpu.memory_space<vmem_shared>>
      tpu.wait_dma2 semaphore(%run_scoped3A : memref<!tpu.dma_semaphore, #tpu.memory_space<semaphore_mem>>) src(%dma_wait3A_47 : memref<640x128xf32, #tpu.memory_space<vmem_shared>>) dst(%dma_wait3A_45 : memref<640x128xf32, #tpu.memory_space<hbm>>)
      tpu.yield
    }) : () -> ()
    return
  }
}

module attributes {stable_mosaic.version = 14 : i64} {
  func.func @_prep_body(%arg0: memref<10240x128xf32, #tpu.memory_space<vmem>>, %arg1: memref<10240x128xf32, #tpu.memory_space<vmem>>, %arg2: memref<10000x128xf32, #tpu.memory_space<vmem>>, %arg3: memref<10000xf32, #tpu.memory_space<vmem>>, %arg4: memref<10240x1xf32, #tpu.memory_space<vmem>>, %arg5: memref<10000x128xf32, #tpu.memory_space<vmem>>) attributes {dimension_semantics = [], scalar_prefetch = 0 : i64, scratch_operands = 0 : i64, tpu.core_type = #tpu.core_type<tc>} {
    %get3A = arith.constant 0 : index
    %get3A_0 = arith.constant 0 : index
    %get3A_1 = vector.load %arg0[%get3A, %get3A_0] : memref<10240x128xf32, #tpu.memory_space<vmem>>, vector<10240x128xf32>
    %get3A_2 = arith.constant 0 : index
    %get3A_3 = arith.constant 0 : index
    %get3A_4 = vector.load %arg1[%get3A_2, %get3A_3] : memref<10240x128xf32, #tpu.memory_space<vmem>>, vector<10240x128xf32>
    %add3A = arith.addf %get3A_1, %get3A_4 : vector<10240x128xf32>
    %max3A = arith.constant 1.000000e+00 : f32
    %max3A_5 = vector.broadcast %max3A : f32 to vector<10240x128xf32>
    %max3A_6 = arith.maximumf %add3A, %max3A_5 : vector<10240x128xf32>
    %slice3A = vector.extract_strided_slice %max3A_6 {offsets = [0, 0], sizes = [10240, 1], strides = [1, 1]} : vector<10240x128xf32> to vector<10240x1xf32>
    %rsqrt3A = math.rsqrt %slice3A : vector<10240x1xf32>
    %slice3A_7 = vector.extract_strided_slice %rsqrt3A {offsets = [0, 0], sizes = [10000, 1], strides = [1, 1]} : vector<10240x1xf32> to vector<10000x1xf32>
    %squeeze3A = vector.shape_cast %slice3A_7 : vector<10000x1xf32> to vector<10000xf32>
    %swap3A = arith.constant 0 : index
    %swap3A_8 = vector.load %arg3[%swap3A] : memref<10000xf32, #tpu.memory_space<vmem>>, vector<10000xf32>
    tpu.vector_store %arg3[%swap3A], %squeeze3A {strides = array<i32>} : memref<10000xf32, #tpu.memory_space<vmem>>, vector<10000xf32>,
    %swap3A_9 = arith.constant 0 : index
    %swap3A_10 = arith.constant 0 : index
    %swap3A_11 = vector.load %arg4[%swap3A_9, %swap3A_10] : memref<10240x1xf32, #tpu.memory_space<vmem>>, vector<10240x1xf32>
    tpu.vector_store %arg4[%swap3A_9, %swap3A_10], %rsqrt3A {strides = array<i32>} : memref<10240x1xf32, #tpu.memory_space<vmem>>, vector<10240x1xf32>,
    %slice3A_12 = vector.extract_strided_slice %rsqrt3A {offsets = [0, 0], sizes = [10000, 1], strides = [1, 1]} : vector<10240x1xf32> to vector<10000x1xf32>
    %get3A_13 = arith.constant 0 : index
    %get3A_14 = arith.constant 0 : index
    %get3A_15 = vector.load %arg2[%get3A_13, %get3A_14] : memref<10000x128xf32, #tpu.memory_space<vmem>>, vector<10000x128xf32>
    %mul3A = vector.broadcast %slice3A_12 : vector<10000x1xf32> to vector<10000x128xf32>
    %mul3A_16 = arith.mulf %mul3A, %get3A_15 : vector<10000x128xf32>
    %swap3A_17 = arith.constant 0 : index
    %swap3A_18 = arith.constant 0 : index
    %swap3A_19 = vector.load %arg5[%swap3A_17, %swap3A_18] : memref<10000x128xf32, #tpu.memory_space<vmem>>, vector<10000x128xf32>
    tpu.vector_store %arg5[%swap3A_17, %swap3A_18], %mul3A_16 {strides = array<i32>} : memref<10000x128xf32, #tpu.memory_space<vmem>>, vector<10000x128xf32>,
    return
  }
}

module attributes {stable_mosaic.version = 14 : i64} {
  func.func @_mm_body(%arg0: i32, %arg1: memref<1280x128xf32, #tpu.memory_space<vmem>>, %arg2: memref<1280x128xf32, #tpu.memory_space<vmem>>, %arg3: memref<1280x1xf32, #tpu.memory_space<vmem>>, %arg4: memref<128x128xf32, #tpu.memory_space<vmem>>, %arg5: memref<16x128xf32, #tpu.memory_space<vmem>>, %arg6: memref<1x128xf32, #tpu.memory_space<vmem>>, %arg7: memref<1x128xf32, #tpu.memory_space<vmem>>, %arg8: memref<1280x128xf32, #tpu.memory_space<vmem>>) attributes {dimension_semantics = [#tpu.dimension_semantics<arbitrary>], iteration_bounds = array<i64: 8>, scalar_prefetch = 0 : i64, scratch_operands = 0 : i64, tpu.core_type = #tpu.core_type<tc>, window_params = [{transform_indices = @transform_0, window_bounds = array<i64: 1280, 128>}, {transform_indices = @transform_1, window_bounds = array<i64: 1280, 128>}, {transform_indices = @transform_2, window_bounds = array<i64: 1280, 1>}, {pipeline_mode = #tpu.pipeline_mode<synchronous>, transform_indices = @transform_3, window_bounds = array<i64: 128, 128>}, {pipeline_mode = #tpu.pipeline_mode<synchronous>, transform_indices = @transform_4, window_bounds = array<i64: 16, 128>}, {pipeline_mode = #tpu.pipeline_mode<synchronous>, transform_indices = @transform_5, window_bounds = array<i64: 1, 128>}, {pipeline_mode = #tpu.pipeline_mode<synchronous>, transform_indices = @transform_6, window_bounds = array<i64: 1, 128>}, {transform_indices = @transform_7, window_bounds = array<i64: 1280, 128>}]} {
    %get3A = arith.constant 0 : index
    %get3A_0 = arith.constant 0 : index
    %get3A_1 = vector.load %arg1[%get3A, %get3A_0] : memref<1280x128xf32, #tpu.memory_space<vmem>>, vector<1280x128xf32>
    %get3A_2 = arith.constant 0 : index
    %get3A_3 = arith.constant 0 : index
    %get3A_4 = vector.load %arg2[%get3A_2, %get3A_3] : memref<1280x128xf32, #tpu.memory_space<vmem>>, vector<1280x128xf32>
    %get3A_5 = arith.constant 0 : index
    %get3A_6 = arith.constant 0 : index
    %get3A_7 = vector.load %arg3[%get3A_5, %get3A_6] : memref<1280x1xf32, #tpu.memory_space<vmem>>, vector<1280x1xf32>
    %get3A_8 = arith.constant 0 : index
    %get3A_9 = arith.constant 0 : index
    %get3A_10 = vector.load %arg4[%get3A_8, %get3A_9] : memref<128x128xf32, #tpu.memory_space<vmem>>, vector<128x128xf32>
    %dot_general3A = arith.constant dense<0.000000e+00> : vector<1280x128xf32>
    %dot_general3A_11 = tpu.matmul %get3A_1, %get3A_10, %dot_general3A {dimension_numbers = #tpu.dot_dimension_numbers<[1], [0], [0], [1], [0, 0, 1, 1], [], []>, precision = #tpu.contract_precision<fp32>, transpose_lhs_hint = false} : vector<1280x128xf32>, vector<128x128xf32>, vector<1280x128xf32> -> vector<1280x128xf32>
    %slice3A = vector.extract_strided_slice %get3A_4 {offsets = [0, 0], sizes = [1280, 16], strides = [1, 1]} : vector<1280x128xf32> to vector<1280x16xf32>
    %get3A_12 = arith.constant 0 : index
    %get3A_13 = arith.constant 0 : index
    %get3A_14 = vector.load %arg5[%get3A_12, %get3A_13] : memref<16x128xf32, #tpu.memory_space<vmem>>, vector<16x128xf32>
    %dot_general3A_15 = arith.constant dense<0.000000e+00> : vector<1280x128xf32>
    %dot_general3A_16 = tpu.matmul %slice3A, %get3A_14, %dot_general3A_15 {dimension_numbers = #tpu.dot_dimension_numbers<[1], [0], [0], [1], [0, 0, 1, 1], [], []>, precision = #tpu.contract_precision<fp32>, transpose_lhs_hint = false} : vector<1280x16xf32>, vector<16x128xf32>, vector<1280x128xf32> -> vector<1280x128xf32>
    %add3A = arith.addf %dot_general3A_11, %dot_general3A_16 : vector<1280x128xf32>
    %slice3A_17 = vector.extract_strided_slice %get3A_4 {offsets = [0, 16], sizes = [1280, 1], strides = [1, 1]} : vector<1280x128xf32> to vector<1280x1xf32>
    %get3A_18 = arith.constant 0 : index
    %get3A_19 = arith.constant 0 : index
    %get3A_20 = vector.load %arg6[%get3A_18, %get3A_19] : memref<1x128xf32, #tpu.memory_space<vmem>>, vector<1x128xf32>
    %get3A_21 = arith.constant 0 : index
    %get3A_22 = arith.constant 0 : index
    %get3A_23 = vector.load %arg7[%get3A_21, %get3A_22] : memref<1x128xf32, #tpu.memory_space<vmem>>, vector<1x128xf32>
    %add3A_24 = arith.addf %get3A_20, %get3A_23 : vector<1x128xf32>
    %mul3A = vector.broadcast %slice3A_17 : vector<1280x1xf32> to vector<1280x128xf32>
    %mul3A_25 = vector.broadcast %add3A_24 : vector<1x128xf32> to vector<1280x128xf32>
    %mul3A_26 = arith.mulf %mul3A, %mul3A_25 : vector<1280x128xf32>
    %add3A_27 = arith.addf %add3A, %mul3A_26 : vector<1280x128xf32>
    %mul3A_28 = vector.broadcast %get3A_7 : vector<1280x1xf32> to vector<1280x128xf32>
    %mul3A_29 = arith.mulf %mul3A_28, %add3A_27 : vector<1280x128xf32>
    %swap3A = arith.constant 0 : index
    %swap3A_30 = arith.constant 0 : index
    %swap3A_31 = vector.load %arg8[%swap3A, %swap3A_30] : memref<1280x128xf32, #tpu.memory_space<vmem>>, vector<1280x128xf32>
    tpu.vector_store %arg8[%swap3A, %swap3A_30], %mul3A_29 {strides = array<i32>} : memref<1280x128xf32, #tpu.memory_space<vmem>>, vector<1280x128xf32>,
    return
  }
  func.func @transform_0(%arg0: i32) -> (i32, i32) {
    %c0_i32 = arith.constant 0 : i32
    %c0_i32_0 = arith.constant 0 : i32
    return %arg0, %c0_i32 : i32, i32
  }
  func.func @transform_1(%arg0: i32) -> (i32, i32) {
    %c0_i32 = arith.constant 0 : i32
    %c0_i32_0 = arith.constant 0 : i32
    return %arg0, %c0_i32 : i32, i32
  }
  func.func @transform_2(%arg0: i32) -> (i32, i32) {
    %c0_i32 = arith.constant 0 : i32
    %c0_i32_0 = arith.constant 0 : i32
    return %arg0, %c0_i32 : i32, i32
  }
  func.func @transform_3(%arg0: i32) -> (i32, i32) {
    %c0_i32 = arith.constant 0 : i32
    %c0_i32_0 = arith.constant 0 : i32
    %c0_i32_1 = arith.constant 0 : i32
    return %c0_i32, %c0_i32_0 : i32, i32
  }
  func.func @transform_4(%arg0: i32) -> (i32, i32) {
    %c0_i32 = arith.constant 0 : i32
    %c0_i32_0 = arith.constant 0 : i32
    %c0_i32_1 = arith.constant 0 : i32
    return %c0_i32, %c0_i32_0 : i32, i32
  }
  func.func @transform_5(%arg0: i32) -> (i32, i32) {
    %c0_i32 = arith.constant 0 : i32
    %c0_i32_0 = arith.constant 0 : i32
    %c0_i32_1 = arith.constant 0 : i32
    return %c0_i32, %c0_i32_0 : i32, i32
  }
  func.func @transform_6(%arg0: i32) -> (i32, i32) {
    %c0_i32 = arith.constant 0 : i32
    %c0_i32_0 = arith.constant 0 : i32
    %c0_i32_1 = arith.constant 0 : i32
    return %c0_i32, %c0_i32_0 : i32, i32
  }
  func.func @transform_7(%arg0: i32) -> (i32, i32) {
    %c0_i32 = arith.constant 0 : i32
    %c0_i32_0 = arith.constant 0 : i32
    return %arg0, %c0_i32 : i32, i32
  }
}

module attributes {stable_mosaic.version = 14 : i64} {
  func.func @_bn_body(%arg0: memref<10240x128xf32, #tpu.memory_space<vmem>>, %arg1: memref<10240x1xf32, #tpu.memory_space<vmem>>, %arg2: memref<1x128xf32, #tpu.memory_space<vmem>>, %arg3: memref<1x128xf32, #tpu.memory_space<vmem>>, %arg4: memref<10000x128xf32, #tpu.memory_space<vmem>>, %arg5: memref<10000x128xf32, #tpu.memory_space<vmem>>) attributes {dimension_semantics = [], scalar_prefetch = 0 : i64, scratch_operands = 0 : i64, tpu.core_type = #tpu.core_type<tc>} {
    %get3A = arith.constant 0 : index
    %get3A_0 = arith.constant 0 : index
    %get3A_1 = vector.load %arg0[%get3A, %get3A_0] : memref<10240x128xf32, #tpu.memory_space<vmem>>, vector<10240x128xf32>
    %slice3A = vector.extract_strided_slice %get3A_1 {offsets = [0, 0], sizes = [10000, 128], strides = [1, 1]} : vector<10240x128xf32> to vector<10000x128xf32>
    %reduce_sum3A = arith.constant dense<0.000000e+00> : vector<128xf32>
    %reduce_sum3A_2 = vector.multi_reduction <add>, %slice3A, %reduce_sum3A [0] : vector<10000x128xf32> to vector<128xf32>
    %broadcast_in_dim3A = vector.shape_cast %reduce_sum3A_2 : vector<128xf32> to vector<1x128xf32>
    %div3A = arith.constant 1.000000e+04 : f32
    %div3A_3 = vector.broadcast %div3A : f32 to vector<1x128xf32>
    %div3A_4 = arith.divf %broadcast_in_dim3A, %div3A_3 : vector<1x128xf32>
    %sub3A = vector.broadcast %div3A_4 : vector<1x128xf32> to vector<10000x128xf32>
    %sub3A_5 = arith.subf %slice3A, %sub3A : vector<10000x128xf32>
    %mul3A = arith.mulf %sub3A_5, %sub3A_5 : vector<10000x128xf32>
    %reduce_sum3A_6 = arith.constant dense<0.000000e+00> : vector<128xf32>
    %reduce_sum3A_7 = vector.multi_reduction <add>, %mul3A, %reduce_sum3A_6 [0] : vector<10000x128xf32> to vector<128xf32>
    %broadcast_in_dim3A_8 = vector.shape_cast %reduce_sum3A_7 : vector<128xf32> to vector<1x128xf32>
    %div3A_9 = arith.constant 1.000000e+04 : f32
    %div3A_10 = vector.broadcast %div3A_9 : f32 to vector<1x128xf32>
    %div3A_11 = arith.divf %broadcast_in_dim3A_8, %div3A_10 : vector<1x128xf32>
    %get3A_12 = arith.constant 0 : index
    %get3A_13 = arith.constant 0 : index
    %get3A_14 = vector.load %arg2[%get3A_12, %get3A_13] : memref<1x128xf32, #tpu.memory_space<vmem>>, vector<1x128xf32>
    %mul3A_15 = vector.broadcast %get3A_14 : vector<1x128xf32> to vector<10000x128xf32>
    %mul3A_16 = arith.mulf %mul3A_15, %sub3A_5 : vector<10000x128xf32>
    %add3A = arith.constant 9.99999974E-6 : f32
    %add3A_17 = vector.broadcast %add3A : f32 to vector<1x128xf32>
    %add3A_18 = arith.addf %div3A_11, %add3A_17 : vector<1x128xf32>
    %rsqrt3A = math.rsqrt %add3A_18 : vector<1x128xf32>
    %mul3A_19 = vector.broadcast %rsqrt3A : vector<1x128xf32> to vector<10000x128xf32>
    %mul3A_20 = arith.mulf %mul3A_16, %mul3A_19 : vector<10000x128xf32>
    %get3A_21 = arith.constant 0 : index
    %get3A_22 = arith.constant 0 : index
    %get3A_23 = vector.load %arg3[%get3A_21, %get3A_22] : memref<1x128xf32, #tpu.memory_space<vmem>>, vector<1x128xf32>
    %add3A_24 = vector.broadcast %get3A_23 : vector<1x128xf32> to vector<10000x128xf32>
    %add3A_25 = arith.addf %mul3A_20, %add3A_24 : vector<10000x128xf32>
    %max3A = arith.constant 0.000000e+00 : f32
    %max3A_26 = vector.broadcast %max3A : f32 to vector<10000x128xf32>
    %max3A_27 = arith.maximumf %add3A_25, %max3A_26 : vector<10000x128xf32>
    %swap3A = arith.constant 0 : index
    %swap3A_28 = arith.constant 0 : index
    %swap3A_29 = vector.load %arg4[%swap3A, %swap3A_28] : memref<10000x128xf32, #tpu.memory_space<vmem>>, vector<10000x128xf32>
    tpu.vector_store %arg4[%swap3A, %swap3A_28], %max3A_27 {strides = array<i32>} : memref<10000x128xf32, #tpu.memory_space<vmem>>, vector<10000x128xf32>,
    %get3A_30 = arith.constant 0 : index
    %get3A_31 = arith.constant 0 : index
    %get3A_32 = vector.load %arg1[%get3A_30, %get3A_31] : memref<10240x1xf32, #tpu.memory_space<vmem>>, vector<10240x1xf32>
    %slice3A_33 = vector.extract_strided_slice %get3A_32 {offsets = [0, 0], sizes = [10000, 1], strides = [1, 1]} : vector<10240x1xf32> to vector<10000x1xf32>
    %mul3A_34 = vector.broadcast %slice3A_33 : vector<10000x1xf32> to vector<10000x128xf32>
    %mul3A_35 = arith.mulf %mul3A_34, %max3A_27 : vector<10000x128xf32>
    %swap3A_36 = arith.constant 0 : index
    %swap3A_37 = arith.constant 0 : index
    %swap3A_38 = vector.load %arg5[%swap3A_36, %swap3A_37] : memref<10000x128xf32, #tpu.memory_space<vmem>>, vector<10000x128xf32>
    tpu.vector_store %arg5[%swap3A_36, %swap3A_37], %mul3A_35 {strides = array<i32>} : memref<10000x128xf32, #tpu.memory_space<vmem>>, vector<10000x128xf32>,
    return
  }
}

module attributes {stable_mosaic.version = 14 : i64} {
  func.func @_bn_body(%arg0: memref<10240x128xf32, #tpu.memory_space<vmem>>, %arg1: memref<10240x1xf32, #tpu.memory_space<vmem>>, %arg2: memref<1x128xf32, #tpu.memory_space<vmem>>, %arg3: memref<1x128xf32, #tpu.memory_space<vmem>>, %arg4: memref<10000x128xf32, #tpu.memory_space<vmem>>) attributes {dimension_semantics = [], scalar_prefetch = 0 : i64, scratch_operands = 0 : i64, tpu.core_type = #tpu.core_type<tc>} {
    %get3A = arith.constant 0 : index
    %get3A_0 = arith.constant 0 : index
    %get3A_1 = vector.load %arg0[%get3A, %get3A_0] : memref<10240x128xf32, #tpu.memory_space<vmem>>, vector<10240x128xf32>
    %slice3A = vector.extract_strided_slice %get3A_1 {offsets = [0, 0], sizes = [10000, 128], strides = [1, 1]} : vector<10240x128xf32> to vector<10000x128xf32>
    %reduce_sum3A = arith.constant dense<0.000000e+00> : vector<128xf32>
    %reduce_sum3A_2 = vector.multi_reduction <add>, %slice3A, %reduce_sum3A [0] : vector<10000x128xf32> to vector<128xf32>
    %broadcast_in_dim3A = vector.shape_cast %reduce_sum3A_2 : vector<128xf32> to vector<1x128xf32>
    %div3A = arith.constant 1.000000e+04 : f32
    %div3A_3 = vector.broadcast %div3A : f32 to vector<1x128xf32>
    %div3A_4 = arith.divf %broadcast_in_dim3A, %div3A_3 : vector<1x128xf32>
    %sub3A = vector.broadcast %div3A_4 : vector<1x128xf32> to vector<10000x128xf32>
    %sub3A_5 = arith.subf %slice3A, %sub3A : vector<10000x128xf32>
    %mul3A = arith.mulf %sub3A_5, %sub3A_5 : vector<10000x128xf32>
    %reduce_sum3A_6 = arith.constant dense<0.000000e+00> : vector<128xf32>
    %reduce_sum3A_7 = vector.multi_reduction <add>, %mul3A, %reduce_sum3A_6 [0] : vector<10000x128xf32> to vector<128xf32>
    %broadcast_in_dim3A_8 = vector.shape_cast %reduce_sum3A_7 : vector<128xf32> to vector<1x128xf32>
    %div3A_9 = arith.constant 1.000000e+04 : f32
    %div3A_10 = vector.broadcast %div3A_9 : f32 to vector<1x128xf32>
    %div3A_11 = arith.divf %broadcast_in_dim3A_8, %div3A_10 : vector<1x128xf32>
    %get3A_12 = arith.constant 0 : index
    %get3A_13 = arith.constant 0 : index
    %get3A_14 = vector.load %arg2[%get3A_12, %get3A_13] : memref<1x128xf32, #tpu.memory_space<vmem>>, vector<1x128xf32>
    %mul3A_15 = vector.broadcast %get3A_14 : vector<1x128xf32> to vector<10000x128xf32>
    %mul3A_16 = arith.mulf %mul3A_15, %sub3A_5 : vector<10000x128xf32>
    %add3A = arith.constant 9.99999974E-6 : f32
    %add3A_17 = vector.broadcast %add3A : f32 to vector<1x128xf32>
    %add3A_18 = arith.addf %div3A_11, %add3A_17 : vector<1x128xf32>
    %rsqrt3A = math.rsqrt %add3A_18 : vector<1x128xf32>
    %mul3A_19 = vector.broadcast %rsqrt3A : vector<1x128xf32> to vector<10000x128xf32>
    %mul3A_20 = arith.mulf %mul3A_16, %mul3A_19 : vector<10000x128xf32>
    %get3A_21 = arith.constant 0 : index
    %get3A_22 = arith.constant 0 : index
    %get3A_23 = vector.load %arg3[%get3A_21, %get3A_22] : memref<1x128xf32, #tpu.memory_space<vmem>>, vector<1x128xf32>
    %add3A_24 = vector.broadcast %get3A_23 : vector<1x128xf32> to vector<10000x128xf32>
    %add3A_25 = arith.addf %mul3A_20, %add3A_24 : vector<10000x128xf32>
    %swap3A = arith.constant 0 : index
    %swap3A_26 = arith.constant 0 : index
    %swap3A_27 = vector.load %arg4[%swap3A, %swap3A_26] : memref<10000x128xf32, #tpu.memory_space<vmem>>, vector<10000x128xf32>
    tpu.vector_store %arg4[%swap3A, %swap3A_26], %add3A_25 {strides = array<i32>} : memref<10000x128xf32, #tpu.memory_space<vmem>>, vector<10000x128xf32>,
    return
  }
}

</mosaic_0001>

<sc_bundles>
// kernel: kernel.11.cloned.1.call-start
scs
__scs_entry_jumppad:
0x0: {  	(pc) =	sbr.rel $0x88, $3  }
0x1: {  	(tag) =	ssettag $0x0;
	lr =	simm.s32 $0x1  }
0x2: {  	[smem:$0x3F92] =	sst lr;
	_ =	strace $0xD0000000  }
0x3: {  	_ = 	snop  }
0x4: {  	_ = 	snop  }
0x5: {  	_ = 	snop  }
0x6: {  	_ = 	snop  }
0x7: {  	_ = 	snop  }
__scs_overlays_trampoline_lowered:
0x8: {  	[smem:$0x3FA1] =	sst s0  }
0x9: {  	[smem:$0x3FA2] =	sst s1  }
0xa: {  	[smem:$0x3FA3] =	sst s2  }
0xb: {  	[smem:$0x3FA4] =	sst s3  }
0xc: {  	[smem:$0x3FA5] =	sst s4  }
0xd: {  	[smem:$0x3FA6] =	sst s5  }
0xe: {  	[smem:$0x3FA7] =	sst s6  }
0xf: {  	[smem:$0x3FA8] =	sst s7  }
0x10: {  	[smem:$0x3FA9] =	sst s8  }
0x11: {  	[smem:$0x3FAA] =	sst s9;
	s0 =	simm.s32 @!p0 $0x0  }
0x12: {  	s1 =	sld [smem:$0x3F90];
	s0 =	simm.s32 @p0 $0x1  }
0x13: {  	[smem:$0x3FAB] =	sst s0;
	s0 =	simm.s32 @!p1 $0x0  }
0x14: {  	s2 =	sld [smem:$0x3F8F];
	s0 =	simm.s32 @p1 $0x1  }
0x15: {  	[smem:$0x3FAC] =	sst s0;
	s0 =	simm.s32 @!p2 $0x0  }
0x16: {  	s3 =	sld [smem:$0x3FDB];
	s0 =	simm.s32 @p2 $0x1  }
0x17: {  	s4 =	simm.s32 $0x1BF5;
	[smem:$0x3FAE] =	sst s0  }
0x18: {  	s0 =	sld [smem:$0x3F91];
	_ =	swait.ge [sflag:s4], $0x0  }
0x19: {  	s7 =	sld [smem:$0x3F92]  }
0x1a: {  	s8 =	sadd.s32 $0xFFFFE003, lr  }
0x1b: {  	s9 =	sadd.s32 $0xFFFFFEF7, lr;
	s5 =	simm.s32 $0xFFFFFFFF;
	p2 =	slt.u32 s8, $0xFFFFF086  }
0x1c: {  	p1 =	slt.u32 s9, $0xF7A;
	s5 =	simm.s32 @!p2 $0x0  }
0x1d: {  	s5 =	simm.s32 @p1 $0x1;
	p0 =	seq.s32 s7, s2  }
0x1e: {  	s7 =	smul.u32 @!p0 $0xF7A, s2;
	p2 =	seq.s32 @!p0 s5, $0x0  }
0x1f: {  	s9 =	smul.u32 $0xF7A, s1;
	s8 =	simm.s32 @!p0 $0x1BF5;
	p2 =	por !p2, p0  }
0x20: {  	[sflag:s8] =	ssyncset.s32 @!p0 $0xFFFFF086;
	s6 =	sadd.s32 @!p0 s3, s7;
	s7 =	simm.s32 @!p0 $0x108  }
0x21: {  	s3 =	sadd.s32 s3, s9;
	s6 =	sadd.s32 @!p0 $0x88, s6;
	s7 =	simm.s32 @p2 $0x1082  }
0x22: {  	[simem:s7], [sflag:s8] =	dma.local @!p0 [hbm:s6], $0xF7A  }
0x23: {  	s9 =	sor.u32 $0xD0000000, s2;
	s6 =	simm.s32 $0x108;
	_ =	swait.ge @!p0 [sflag:s8], $0x0  }
0x24: {  	s3 =	sadd.s32 $0x88, s3;
	s6 =	simm.s32 @!p1 $0x1082;
	[sflag:s4] =	ssyncset.s32 $0xFFFFF086  }
0x25: {  	[simem:s6], [sflag:s4] =	dma.local [hbm:s3], $0xF7A  }
0x26: {  	[smem:$0x3F92] =	sst s1;
	(tag) =	ssettag s2;
	_ =	strace s9  }
0x27: {  	s1 =	sld [smem:$0x3FA2]  }
0x28: {  	s2 =	sld [smem:$0x3FA3]  }
0x29: {  	s4 =	sld [smem:$0x3FA5]  }
0x2a: {  	p0 =	seq.s32 s5, $0x0;
	s5 =	sld [smem:$0x3FA6]  }
0x2b: {  	s6 =	sld [smem:$0x3FA7]  }
0x2c: {  	s7 =	sld [smem:$0x3FA8]  }
0x2d: {  	s3 =	simm.s32 $0x108;
	s8 =	sld [smem:$0x3FA9]  }
0x2e: {  	s3 =	simm.s32 @!p0 $0x1082;
	s9 =	sld [smem:$0x3FAA]  }
0x2f: {  	lr =	sadd.s32 s0, s3;
	s0 =	sld [smem:$0x3FA1]  }
0x30: {  	s3 =	sld [smem:$0x3FA4]  }
0x31: {  	[smem:$0x3FAD] =	sst s10  }
0x32: {  	s10 =	sld [smem:$0x3FAB];
	_ =	sdelay $0x3  }
0x33: {  	p0 =	seq.s32 s10, $0x1;
	s10 =	sld [smem:$0x3FAD];
	_ =	sdelay $0x3  }
0x34: {  	[smem:$0x3FAD] =	sst s10  }
0x35: {  	s10 =	sld [smem:$0x3FAC];
	_ =	sdelay $0x3  }
0x36: {  	p1 =	seq.s32 s10, $0x1;
	s10 =	sld [smem:$0x3FAD];
	_ =	sdelay $0x3  }
0x37: {  	[smem:$0x3FAD] =	sst s10  }
0x38: {  	s10 =	sld [smem:$0x3FAE]  }
0x39: {  	_ = 	snop;
	(pc) =	sbr.ind lr, $3  }
0x3a: {  	_ = 	snop  }
0x3b: {  	_ = 	snop  }
0x3c: {  	p2 =	seq.s32 s10, $0x1;
	s10 =	sld [smem:$0x3FAD]  }
0x3d: {  	_ =	shalt  }
0x3e: {  	_ =	shalt  }
0x3f: {  	_ =	shalt  }
0x40: {  	_ =	shalt  }
0x41: {  	_ =	shalt  }
0x42: {  	_ =	shalt  }
0x43: {  	_ =	shalt  }
0x44: {  	_ =	shalt  }
0x45: {  	_ =	shalt  }
0x46: {  	_ =	shalt  }
0x47: {  	_ =	shalt  }
0x48: {  	_ =	shalt  }
0x49: {  	_ =	shalt  }
0x4a: {  	_ =	shalt  }
0x4b: {  	_ =	shalt  }
0x4c: {  	_ =	shalt  }
0x4d: {  	_ =	shalt  }
0x4e: {  	_ =	shalt  }
0x4f: {  	_ =	shalt  }
0x50: {  	_ =	shalt  }
0x51: {  	_ =	shalt  }
0x52: {  	_ =	shalt  }
0x53: {  	_ =	shalt  }
0x54: {  	_ =	shalt  }
0x55: {  	_ =	shalt  }
0x56: {  	_ =	shalt  }
0x57: {  	_ =	shalt  }
0x58: {  	_ =	shalt  }
0x59: {  	_ =	shalt  }
0x5a: {  	_ =	shalt  }
0x5b: {  	_ =	shalt  }
0x5c: {  	_ =	shalt  }
0x5d: {  	_ =	shalt  }
0x5e: {  	_ =	shalt  }
0x5f: {  	_ =	shalt  }
0x60: {  	_ =	shalt  }
0x61: {  	_ =	shalt  }
0x62: {  	_ =	shalt  }
0x63: {  	_ =	shalt  }
0x64: {  	_ =	shalt  }
0x65: {  	_ =	shalt  }
0x66: {  	_ =	shalt  }
0x67: {  	_ =	shalt  }
0x68: {  	_ =	shalt  }
0x69: {  	_ =	shalt  }
0x6a: {  	_ =	shalt  }
0x6b: {  	_ =	shalt  }
0x6c: {  	_ =	shalt  }
0x6d: {  	_ =	shalt  }
0x6e: {  	_ =	shalt  }
0x6f: {  	_ =	shalt  }
0x70: {  	_ =	shalt  }
0x71: {  	_ =	shalt  }
0x72: {  	_ =	shalt  }
0x73: {  	_ =	shalt  }
0x74: {  	_ =	shalt  }
0x75: {  	_ =	shalt  }
0x76: {  	_ =	shalt  }
0x77: {  	_ =	shalt  }
0x78: {  	_ =	shalt  }
0x79: {  	_ =	shalt  }
0x7a: {  	_ =	shalt  }
0x7b: {  	_ =	shalt  }
0x7c: {  	_ =	shalt  }
0x7d: {  	_ =	shalt  }
0x7e: {  	_ =	shalt  }
0x7f: {  	_ =	shalt  }
0x80: {  	_ =	shalt  }
0x81: {  	_ =	shalt  }
0x82: {  	_ =	shalt  }
0x83: {  	_ =	shalt  }
0x84: {  	_ =	shalt  }
0x85: {  	_ =	shalt  }
0x86: {  	_ =	shalt  }
0x87: {  	_ =	shalt  }
.Lfunc_end0:
.L_simem_size_0:
called_computation_lowered:
.L_overlay_start_0:
0x88: {  	s2 =	sld [smem:$0x3FD9]  }
0x89: {  	s3 =	sld [smem:$0x3FFE];
	_ =	sdelay $0x1  }
0x8a: {  	s1 =	srdreg.scid  }
0x8b: {  	s0 =	sand.u32 $0x1, s1  }
0x8c: {  	s16 =	sshll.u32 s0, $0xA;
	s2 =	sadd.s32 s3, s2  }
0x8d: {  	s2 =	sadd.s32 s2, s16  }
0x8e: {  	[smem:$0x3FB9] =	sst s2  }
0x8f: {  	_ = 	snop  }
0x90: {  	(tm) =	ssettm $0x1  }
0x91: {  	s17 =	sld [smem:$0x3FFB];
	_ =	sdelay $0x3  }
0x92: {  	_ =	strace s17  }
0x93: {  	s2 =	sld [smem:$0x3FFC];
	_ =	sdelay $0x3  }
0x94: {  	_ =	strace s2  }
0x95: {  	s2 =	sld [smem:$0x3FFD];
	_ =	sdelay $0x3  }
0x96: {  	_ =	strace s2  }
0x97: {  	_ =	strace $0x8FFFFFFF  }
0x98: {  	s18 =	sld [smem:$0x3FDB];
	_ =	sdelay $0x1  }
0x99: {  	s19 =	simm.s32 $_scs_section_size  }
0x9a: {  	s4 =	simm.s32 $_size__tile_overlayer_lowered;
	s5 =	simm.s32 $_tile_overlayer_lowered  }
0x9b: {  	s22 =	simm.s32 $0x1BFF;
	s21 =	sshll.u32 s5, $0x1;
	s2 =	sadd.s32 s19, s18  }
0x9c: {  	s6 =	simm.s32 $0x0;
	s20 =	sshll.u32 s4, $0x1;
	s4 =	sadd.s32 s21, s2  }
0x9d: {  	[timem:s6], [sflag:s22] =	dma.local [hbm:s4], s20  }
0x9e: {  	_ =	swait.ge [sflag:s22], s20  }
0x9f: {  	s3 =	ssub.s32 $0x0, s20;
	[sflag:s22] =	ssyncset.done $0x0  }
0xa0: {  	[sflag:s22] =	ssyncadd.s32 s3;
	_ =	sdelay $0x1  }
0xa1: {  	s23 =	simm.s32 $0x1B8B  }
0xa2: {  	_ =	swait.ge [sflag:s23], $0x1  }
0xa3: {  	[sflag:s23] =	ssyncset.done $0x0  }
0xa4: {  	s25 =	simm.s32 $0x1B8E;
	s24 =	sld [smem:$0x3FFE];
	[sflag:s23] =	ssyncadd.s32 $0xFFFFFFFF  }
0xa5: {  	s26 =	simm.s32 $execute0_lowered;
	[smem:$0x3FD2] =	sst s25  }
0xa6: {  	s4 =	sshll.u32 s26, $0x1;
	_ =	strace $0x80000046;
	[dreg:$0x1] =	wrdreg $0xFFFFFFFF  }
0xa7: {  	s28 =	simm.s32 $_size_execute0_lowered;
	s2 =	sadd.s32 s2, s4;
	[dreg:$0x0] =	wrdreg $0x0  }
0xa8: {  	s4 =	sshll.u32 s28, $0x1;
	[dreg:$0x2] =	wrdreg s2  }
0xa9: {  	[dreg:$0x3] =	wrdreg s4  }
0xaa: {  	[dreg:$0x4] =	wrdreg $0xC0  }
0xab: {  	_ =	task [dreg:s6], $0x5FFFF  }
0xac: {  	[dreg:$0x1] =	wrdreg $0xFFFFFFFF  }
0xad: {  	[dreg:$0x0] =	wrdreg $0x60  }
0xae: {  	[dreg:$0x2] =	wrdreg s24  }
0xaf: {  	[dreg:$0x3] =	wrdreg $0x88000  }
0xb0: {  	[dreg:$0x4] =	wrdreg $0x9  }
0xb1: {  	_ =	task.clear_ibuf [dreg:s6], $0x5FFFF;
	_ =	strace $0x90000046  }
0xb2: {  	s29 =	simm.s32 $0x9;
	_ =	strace $0x80000048  }
0xb3: {  	_ =	swait.ge [sflag:s29], $0x1  }
0xb4: {  	[sflag:s29] =	ssyncadd.s32 $0xFFFFFFFF  }
0xb5: {  	_ =	strace $0x90000048  }
0xb6: {  	_ =	sfence  }
0xb7: {  	s30 =	sld [smem:$0x0];
	_ =	sdelay $0x2  }
0xb8: {  	s31 =	sshll.u32 s1, $0xD;
	s1 =	sshrl.u32 s1, $0x2  }
0xb9: {  	s3 =	sand.u32 $0x4000, s31;
	s1 =	sadd.s32 s1, s30  }
0xba: {  	s0 =	sor.u32 s3, s0;
	s1 =	sshll.u32 s1, $0x11  }
0xbb: {  	s0 =	sor.u32 s1, s0  }
0xbc: {  	s0 =	sadd.s32 $0x8F2B, s0  }
0xbd: {  	[sflag:s0] =	ssyncadd.remote.s32 $0x1  }
0xbe: {  	_ =	sfence.sel $0xFFFF  }
0xbf: {  	[dreg:$0x0] =	wrdreg $0xFFFFFFFF;
	(pc) =	sbr.abs _section_cstart, $3  }
0xc0: {  	[dreg:$0x1] =	wrdreg $0xFFFFFFFF  }
0xc1: {  	_ =	task.clear_ibuf [dreg:s6], $0x2FFFF;
	_ =	strace $0x9FFFFFFF  }
0xc2: {  	(tm) =	ssettm $0x7FFFFFFF  }
0xc3: {  	_ =	shalt  }
tec
execute0_lowered:
.L_overlay_start_1:
0x0: {  	(tag) =	ssettag $0x1  }
0x1: {  	s0 =	srdreg.scid;
	s1 =	rddreg [dreg:$0x0]  }
0x2: {  	s7 =	stileid.u32;
	s2 =	rddreg [dreg:$0x1]  }
0x3: {  	s3 =	simm.s32 $0x0;
	s12 =	simm.s32 $0x4800;
	s13 =	simm.s32 $0x1  }
0x4: {  	s14 =	simm.s32 $0x80;
	s15 =	simm.s32 $0x800;
	s16 =	simm.s32 $0x100  }
0x5: {  	s17 =	simm.s32 $0x180;
	s18 =	simm.s32 $0x200;
	s19 =	simm.s32 $0x280  }
0x6: {  	s20 =	simm.s32 $0x300;
	s21 =	simm.s32 $0x380;
	s5 =	smul.u32 $0x2800, s7  }
0x7: {  	s28 =	simm.s32 $0x680;
	s29 =	simm.s32 $0x700;
	s22 =	smul.u32 $0x14000, s7  }
0x8: {  	s30 =	simm.s32 $0x780;
	s0 =	sand.u32 $0x1, s0;
	s7 =	smul.u32 $0x50000, s7  }
0x9: {  	s31 =	simm.s32 $0x0;
	[smem:$0x7FF] =	sst s3;
	s4 =	smul.u32 $0x28000, s0  }
0xa: {  	s6 =	smul.u32 $0x140000, s0;
	_ =	strace $0x80000047;
	s0 =	ssub.s32 $0x2, s0  }
0xb: {  	s24 =	sshrl.u32 s7, $0x2;
	s25 =	sshrl.u32 s0, $0x1;
	s4 =	sadd.s32 s5, s4  }
0xc: {  	s23 =	sadd.s32 s22, s6;
	s0 =	ssub.s32 s0, s25;
	s22 =	simm.s32 $0x400  }
0xd: {  	s25 =	simm.s32 $0x580;
	s4 =	sshrl.u32 s4, $0x3;
	s10 =	smax.u32 s0, $0x1  }
0xe: {  	s11 =	sadd.s32 s4, s1;
	s4 =	sshrl.u32 s23, $0x3;
	s23 =	simm.s32 $0x480  }
0xf: {  	s1 =	sadd.s32 s4, s1;
	s4 =	sadd.s32 s24, s2;
	s11 =	sadd.s32 $0x5200, s11  }
0x10: {  	s24 =	simm.s32 $0x500;
	s5 =	sadd.s32 $0x4000, s4;
	s26 =	sadd.s32 $0x8000, s4  }
0x11: {  	s7 =	sadd.s32 $0xC000, s4;
	s8 =	sadd.s32 $0x10000, s4;
	[dreg:$0x3] =	wrdreg s5  }
0x12: {  	v0 =	vimm.f32 $0.0e+00;
	v1 =	vimm.f32 $1.000000000e+00;
	s9 =	sadd.s32 $0xF200, s1;
	[dreg:$0x4] =	wrdreg s26;
	s26 =	simm.s32 $0x600  }
.LBB2_1:
0x13: {  	s0 =	simm.s32 $0x0;
	s1 =	simm.s32 $0x200  }
.LBB2_2:
0x14: {  	p0 =	sne.s32 s1, $0xFE00;
	[tilespmem:s0+$0x4870] =	vst v0  }
0x15: {  	[tilespmem:s0+$0x4800] =	vst v0  }
0x16: {  	[tilespmem:s0+$0x4810] =	vst v0  }
.Ltmp0:
0x17: {  	[tilespmem:s0+$0x4820] =	vst v0;
	(pc) =	sbr.rel @p0 .LBB2_2-.Ltmp0, $4  }
0x18: {  	[tilespmem:s0+$0x4830] =	vst v0  }
0x19: {  	[tilespmem:s0+$0x4840] =	vst v0  }
0x1a: {  	[tilespmem:s0+$0x4850] =	vst v0  }
0x1b: {  	[tilespmem:s0+$0x4860] =	vst v0;
	s0 =	sshra.s32 s1, $0x2;
	s1 =	sadd.s32 $0x200, s1  }
0x1c: {  	[tilespmem:s0+$0x4870] =	vst v0  }
0x1d: {  	[tilespmem:s0+$0x4800] =	vst v0  }
0x1e: {  	[tilespmem:s0+$0x4810] =	vst v0  }
0x1f: {  	[tilespmem:s0+$0x4820] =	vst v0  }
0x20: {  	[tilespmem:s0+$0x4830] =	vst v0  }
0x21: {  	[tilespmem:s0+$0x4840] =	vst v0  }
0x22: {  	[tilespmem:s0+$0x4850] =	vst v0  }
0x23: {  	[tilespmem:s0+$0x4860] =	vst v0;
	s0 =	simm.s32 $0x0;
	s1 =	simm.s32 $0x200  }
.LBB2_4:
0x24: {  	p0 =	sne.s32 s1, $0xFE00;
	[tilespmem:s0+$0x870] =	vst v1  }
0x25: {  	[tilespmem:s0+$0x800] =	vst v1  }
0x26: {  	[tilespmem:s0+$0x810] =	vst v1  }
.Ltmp1:
0x27: {  	[tilespmem:s0+$0x820] =	vst v1;
	(pc) =	sbr.rel @p0 .LBB2_4-.Ltmp1, $4  }
0x28: {  	[tilespmem:s0+$0x830] =	vst v1  }
0x29: {  	[tilespmem:s0+$0x840] =	vst v1  }
0x2a: {  	[tilespmem:s0+$0x850] =	vst v1  }
0x2b: {  	[tilespmem:s0+$0x860] =	vst v1;
	s0 =	sshra.s32 s1, $0x2;
	s1 =	sadd.s32 $0x200, s1  }
0x2c: {  	[tilespmem:s0+$0x870] =	vst v1  }
0x2d: {  	[tilespmem:s0+$0x800] =	vst v1  }
0x2e: {  	[tilespmem:s0+$0x810] =	vst v1  }
0x2f: {  	[tilespmem:s0+$0x820] =	vst v1  }
0x30: {  	[tilespmem:s0+$0x830] =	vst v1  }
0x31: {  	[tilespmem:s0+$0x840] =	vst v1  }
0x32: {  	[tilespmem:s0+$0x850] =	vst v1  }
0x33: {  	[tilespmem:s0+$0x860] =	vst v1  }
0x34: {  	[spmem:s4] =	stream.linear.scatter [tilespmem:s12], [sflag:$0x1], $0x4000, $0x38;
	[tilespmem:$0x1C800] =	vst v63  }
0x35: {  	_ =	swait.ge [sflag:s13], $0x4000  }
0x36: {  	[sflag:s13] =	ssyncset.done $0x0  }
0x37: {  	s1 =	rddreg [dreg:$0x3];
	[sflag:s13] =	ssyncadd.s32 $0xFFFFC000  }
0x38: {  	[spmem:s1] =	stream.linear.scatter [tilespmem:s12], [sflag:$0x1], $0x4000, $0x38;
	[tilespmem:$0x1C800] =	vst v63  }
0x39: {  	_ =	swait.ge [sflag:s13], $0x4000  }
0x3a: {  	[sflag:s13] =	ssyncset.done $0x0  }
0x3b: {  	s5 =	rddreg [dreg:$0x4];
	[sflag:s13] =	ssyncadd.s32 $0xFFFFC000  }
0x3c: {  	[spmem:s5] =	stream.linear.scatter [tilespmem:s12], [sflag:$0x1], $0x4000, $0x38;
	[tilespmem:$0x1C800] =	vst v63  }
0x3d: {  	_ =	swait.ge [sflag:s13], $0x4000  }
0x3e: {  	[sflag:s13] =	ssyncset.done $0x0  }
0x3f: {  	[sflag:s13] =	ssyncadd.s32 $0xFFFFC000  }
0x40: {  	[spmem:s7] =	stream.linear.scatter [tilespmem:s12], [sflag:$0x1], $0x4000, $0x38;
	[tilespmem:$0x1C800] =	vst v63  }
0x41: {  	_ =	swait.ge [sflag:s13], $0x4000  }
0x42: {  	[sflag:s13] =	ssyncset.done $0x0  }
0x43: {  	[sflag:s13] =	ssyncadd.s32 $0xFFFFC000  }
0x44: {  	[spmem:s8] =	stream.linear.scatter [tilespmem:s12], [sflag:$0x1], $0x4000, $0x38;
	[tilespmem:$0x1C800] =	vst v63  }
0x45: {  	_ =	swait.ge [sflag:s13], $0x4000  }
0x46: {  	[sflag:s13] =	ssyncset.done $0x0  }
0x47: {  	[sflag:s13] =	ssyncadd.s32 $0xFFFFC000  }
0x48: {  	s6 =	sadd.s32 $0x0, s11;
	[bflag:$0x0] =	sbarrier.arrive $0xFFFF  }
0x49: {  	[tilespmem:s3], [sflag:$0x1] =	stream.linear.gather [hbm4b:s6+s3], $0x800, $0x38;
	[tilespmem:$0x1C800] =	vst v63  }
0x4a: {  	_ =	swait.ge [sflag:s13], $0x800  }
0x4b: {  	[sflag:s13] =	ssyncset.done $0x0  }
0x4c: {  	[sflag:s13] =	ssyncadd.s32 $0xFFFFF800  }
0x4d: {  	[spmem:s2] =	stream.indirect.scatter.add.f32 [tilespmem:s15], [sflag:$0x1], $0x80, s3, s14, $0xb8;
	[tilespmem:$0x1C800] =	vst v63  }
0x4e: {  	_ =	swait.ge [sflag:s13], $0x4000  }
0x4f: {  	[sflag:s13] =	ssyncset.done $0x0  }
0x50: {  	[sflag:s13] =	ssyncadd.s32 $0xFFFFC000  }
0x51: {  	[spmem:s2] =	stream.indirect.scatter.add.f32 [tilespmem:s15], [sflag:$0x1], $0x80, s14, s14, $0xb8;
	[tilespmem:$0x1C800] =	vst v63  }
0x52: {  	_ =	swait.ge [sflag:s13], $0x4000  }
0x53: {  	[sflag:s13] =	ssyncset.done $0x0  }
0x54: {  	[sflag:s13] =	ssyncadd.s32 $0xFFFFC000  }
0x55: {  	[spmem:s2] =	stream.indirect.scatter.add.f32 [tilespmem:s15], [sflag:$0x1], $0x80, s16, s14, $0xb8;
	[tilespmem:$0x1C800] =	vst v63  }
0x56: {  	_ =	swait.ge [sflag:s13], $0x4000  }
0x57: {  	[sflag:s13] =	ssyncset.done $0x0  }
0x58: {  	[sflag:s13] =	ssyncadd.s32 $0xFFFFC000  }
0x59: {  	[spmem:s2] =	stream.indirect.scatter.add.f32 [tilespmem:s15], [sflag:$0x1], $0x80, s17, s14, $0xb8;
	[tilespmem:$0x1C800] =	vst v63  }
0x5a: {  	_ =	swait.ge [sflag:s13], $0x4000  }
0x5b: {  	[sflag:s13] =	ssyncset.done $0x0  }
0x5c: {  	[sflag:s13] =	ssyncadd.s32 $0xFFFFC000  }
0x5d: {  	[spmem:s2] =	stream.indirect.scatter.add.f32 [tilespmem:s15], [sflag:$0x1], $0x80, s18, s14, $0xb8;
	[tilespmem:$0x1C800] =	vst v63  }
0x5e: {  	_ =	swait.ge [sflag:s13], $0x4000  }
0x5f: {  	[sflag:s13] =	ssyncset.done $0x0  }
0x60: {  	[sflag:s13] =	ssyncadd.s32 $0xFFFFC000  }
0x61: {  	[spmem:s2] =	stream.indirect.scatter.add.f32 [tilespmem:s15], [sflag:$0x1], $0x80, s19, s14, $0xb8;
	[tilespmem:$0x1C800] =	vst v63  }
0x62: {  	_ =	swait.ge [sflag:s13], $0x4000  }
0x63: {  	[sflag:s13] =	ssyncset.done $0x0  }
0x64: {  	[sflag:s13] =	ssyncadd.s32 $0xFFFFC000  }
0x65: {  	[spmem:s2] =	stream.indirect.scatter.add.f32 [tilespmem:s15], [sflag:$0x1], $0x80, s20, s14, $0xb8;
	[tilespmem:$0x1C800] =	vst v63  }
0x66: {  	_ =	swait.ge [sflag:s13], $0x4000  }
0x67: {  	[sflag:s13] =	ssyncset.done $0x0  }
0x68: {  	[sflag:s13] =	ssyncadd.s32 $0xFFFFC000  }
0x69: {  	[spmem:s2] =	stream.indirect.scatter.add.f32 [tilespmem:s15], [sflag:$0x1], $0x80, s21, s14, $0xb8;
	[tilespmem:$0x1C800] =	vst v63  }
0x6a: {  	_ =	swait.ge [sflag:s13], $0x4000  }
0x6b: {  	[sflag:s13] =	ssyncset.done $0x0  }
0x6c: {  	[sflag:s13] =	ssyncadd.s32 $0xFFFFC000  }
0x6d: {  	[spmem:s2] =	stream.indirect.scatter.add.f32 [tilespmem:s15], [sflag:$0x1], $0x80, s22, s14, $0xb8;
	[tilespmem:$0x1C800] =	vst v63  }
0x6e: {  	_ =	swait.ge [sflag:s13], $0x4000  }
0x6f: {  	[sflag:s13] =	ssyncset.done $0x0  }
0x70: {  	[sflag:s13] =	ssyncadd.s32 $0xFFFFC000  }
0x71: {  	[spmem:s2] =	stream.indirect.scatter.add.f32 [tilespmem:s15], [sflag:$0x1], $0x80, s23, s14, $0xb8;
	[tilespmem:$0x1C800] =	vst v63  }
0x72: {  	_ =	swait.ge [sflag:s13], $0x4000  }
0x73: {  	[sflag:s13] =	ssyncset.done $0x0  }
0x74: {  	[sflag:s13] =	ssyncadd.s32 $0xFFFFC000  }
0x75: {  	[spmem:s2] =	stream.indirect.scatter.add.f32 [tilespmem:s15], [sflag:$0x1], $0x80, s24, s14, $0xb8;
	[tilespmem:$0x1C800] =	vst v63  }
0x76: {  	_ =	swait.ge [sflag:s13], $0x4000  }
0x77: {  	[sflag:s13] =	ssyncset.done $0x0  }
0x78: {  	[sflag:s13] =	ssyncadd.s32 $0xFFFFC000  }
0x79: {  	[spmem:s2] =	stream.indirect.scatter.add.f32 [tilespmem:s15], [sflag:$0x1], $0x80, s25, s14, $0xb8;
	[tilespmem:$0x1C800] =	vst v63  }
0x7a: {  	_ =	swait.ge [sflag:s13], $0x4000  }
0x7b: {  	[sflag:s13] =	ssyncset.done $0x0  }
0x7c: {  	[sflag:s13] =	ssyncadd.s32 $0xFFFFC000  }
0x7d: {  	[spmem:s2] =	stream.indirect.scatter.add.f32 [tilespmem:s15], [sflag:$0x1], $0x80, s26, s14, $0xb8;
	[tilespmem:$0x1C800] =	vst v63  }
0x7e: {  	_ =	swait.ge [sflag:s13], $0x4000  }
0x7f: {  	[sflag:s13] =	ssyncset.done $0x0  }
0x80: {  	[sflag:s13] =	ssyncadd.s32 $0xFFFFC000  }
0x81: {  	[spmem:s2] =	stream.indirect.scatter.add.f32 [tilespmem:s15], [sflag:$0x1], $0x80, s28, s14, $0xb8;
	[tilespmem:$0x1C800] =	vst v63  }
0x82: {  	_ =	swait.ge [sflag:s13], $0x4000  }
0x83: {  	[sflag:s13] =	ssyncset.done $0x0  }
0x84: {  	[sflag:s13] =	ssyncadd.s32 $0xFFFFC000  }
0x85: {  	[spmem:s2] =	stream.indirect.scatter.add.f32 [tilespmem:s15], [sflag:$0x1], $0x80, s29, s14, $0xb8;
	[tilespmem:$0x1C800] =	vst v63  }
0x86: {  	_ =	swait.ge [sflag:s13], $0x4000  }
0x87: {  	[sflag:s13] =	ssyncset.done $0x0  }
0x88: {  	[sflag:s13] =	ssyncadd.s32 $0xFFFFC000  }
0x89: {  	[spmem:s2] =	stream.indirect.scatter.add.f32 [tilespmem:s15], [sflag:$0x1], $0x80, s30, s14, $0xb8;
	[tilespmem:$0x1C800] =	vst v63  }
0x8a: {  	_ =	swait.ge [sflag:s13], $0x4000  }
0x8b: {  	s0 =	simm.s32 $0x200;
	s1 =	simm.s32 $0x100;
	[sflag:s13] =	ssyncset.done $0x0  }
.LBB2_6:
0x8c: {  	s6 =	sadd.s32 s1, s11  }
0x8d: {  	[sflag:s13] =	ssyncadd.s32 $0xFFFFC000;
	s1 =	smov.u32 s0;
	s5 =	sadd.s32 $0x100, s0  }
0x8e: {  	[tilespmem:s3], [sflag:$0x1] =	stream.linear.gather [hbm4b:s6+s3], $0x800, $0x38;
	[tilespmem:$0x1C800] =	vst v63  }
0x8f: {  	p0 =	sne.s32 s0, $0x400;
	_ =	swait.ge [sflag:s13], $0x800  }
0x90: {  	[sflag:s13] =	ssyncset.done $0x0  }
0x91: {  	[sflag:s13] =	ssyncadd.s32 $0xFFFFF800  }
0x92: {  	[spmem:s2] =	stream.indirect.scatter.add.f32 [tilespmem:s15], [sflag:$0x1], $0x80, s3, s14, $0xb8;
	[tilespmem:$0x1C800] =	vst v63  }
0x93: {  	_ =	swait.ge [sflag:s13], $0x4000  }
0x94: {  	[sflag:s13] =	ssyncset.done $0x0  }
0x95: {  	[sflag:s13] =	ssyncadd.s32 $0xFFFFC000  }
0x96: {  	[spmem:s2] =	stream.indirect.scatter.add.f32 [tilespmem:s15], [sflag:$0x1], $0x80, s14, s14, $0xb8;
	[tilespmem:$0x1C800] =	vst v63  }
0x97: {  	_ =	swait.ge [sflag:s13], $0x4000  }
0x98: {  	[sflag:s13] =	ssyncset.done $0x0  }
0x99: {  	[sflag:s13] =	ssyncadd.s32 $0xFFFFC000  }
0x9a: {  	[spmem:s2] =	stream.indirect.scatter.add.f32 [tilespmem:s15], [sflag:$0x1], $0x80, s16, s14, $0xb8;
	[tilespmem:$0x1C800] =	vst v63  }
0x9b: {  	_ =	swait.ge [sflag:s13], $0x4000  }
0x9c: {  	[sflag:s13] =	ssyncset.done $0x0  }
0x9d: {  	[sflag:s13] =	ssyncadd.s32 $0xFFFFC000  }
0x9e: {  	[spmem:s2] =	stream.indirect.scatter.add.f32 [tilespmem:s15], [sflag:$0x1], $0x80, s17, s14, $0xb8;
	[tilespmem:$0x1C800] =	vst v63  }
0x9f: {  	_ =	swait.ge [sflag:s13], $0x4000  }
0xa0: {  	[sflag:s13] =	ssyncset.done $0x0  }
0xa1: {  	[sflag:s13] =	ssyncadd.s32 $0xFFFFC000  }
0xa2: {  	[spmem:s2] =	stream.indirect.scatter.add.f32 [tilespmem:s15], [sflag:$0x1], $0x80, s18, s14, $0xb8;
	[tilespmem:$0x1C800] =	vst v63  }
0xa3: {  	_ =	swait.ge [sflag:s13], $0x4000  }
0xa4: {  	[sflag:s13] =	ssyncset.done $0x0  }
0xa5: {  	[sflag:s13] =	ssyncadd.s32 $0xFFFFC000  }
0xa6: {  	[spmem:s2] =	stream.indirect.scatter.add.f32 [tilespmem:s15], [sflag:$0x1], $0x80, s19, s14, $0xb8;
	[tilespmem:$0x1C800] =	vst v63  }
0xa7: {  	_ =	swait.ge [sflag:s13], $0x4000  }
0xa8: {  	[sflag:s13] =	ssyncset.done $0x0  }
0xa9: {  	[sflag:s13] =	ssyncadd.s32 $0xFFFFC000  }
0xaa: {  	[spmem:s2] =	stream.indirect.scatter.add.f32 [tilespmem:s15], [sflag:$0x1], $0x80, s20, s14, $0xb8;
	[tilespmem:$0x1C800] =	vst v63  }
0xab: {  	_ =	swait.ge [sflag:s13], $0x4000  }
0xac: {  	[sflag:s13] =	ssyncset.done $0x0  }
0xad: {  	[sflag:s13] =	ssyncadd.s32 $0xFFFFC000  }
0xae: {  	[spmem:s2] =	stream.indirect.scatter.add.f32 [tilespmem:s15], [sflag:$0x1], $0x80, s21, s14, $0xb8;
	[tilespmem:$0x1C800] =	vst v63  }
0xaf: {  	_ =	swait.ge [sflag:s13], $0x4000  }
0xb0: {  	[sflag:s13] =	ssyncset.done $0x0  }
0xb1: {  	[sflag:s13] =	ssyncadd.s32 $0xFFFFC000  }
0xb2: {  	[spmem:s2] =	stream.indirect.scatter.add.f32 [tilespmem:s15], [sflag:$0x1], $0x80, s22, s14, $0xb8;
	[tilespmem:$0x1C800] =	vst v63  }
0xb3: {  	_ =	swait.ge [sflag:s13], $0x4000  }
0xb4: {  	[sflag:s13] =	ssyncset.done $0x0  }
0xb5: {  	[sflag:s13] =	ssyncadd.s32 $0xFFFFC000  }
0xb6: {  	[spmem:s2] =	stream.indirect.scatter.add.f32 [tilespmem:s15], [sflag:$0x1], $0x80, s23, s14, $0xb8;
	[tilespmem:$0x1C800] =	vst v63  }
0xb7: {  	_ =	swait.ge [sflag:s13], $0x4000  }
0xb8: {  	[sflag:s13] =	ssyncset.done $0x0  }
0xb9: {  	[sflag:s13] =	ssyncadd.s32 $0xFFFFC000  }
0xba: {  	[spmem:s2] =	stream.indirect.scatter.add.f32 [tilespmem:s15], [sflag:$0x1], $0x80, s24, s14, $0xb8;
	[tilespmem:$0x1C800] =	vst v63  }
0xbb: {  	_ =	swait.ge [sflag:s13], $0x4000  }
0xbc: {  	[sflag:s13] =	ssyncset.done $0x0  }
0xbd: {  	[sflag:s13] =	ssyncadd.s32 $0xFFFFC000  }
0xbe: {  	[spmem:s2] =	stream.indirect.scatter.add.f32 [tilespmem:s15], [sflag:$0x1], $0x80, s25, s14, $0xb8;
	[tilespmem:$0x1C800] =	vst v63  }
0xbf: {  	_ =	swait.ge [sflag:s13], $0x4000  }
0xc0: {  	[sflag:s13] =	ssyncset.done $0x0  }
0xc1: {  	[sflag:s13] =	ssyncadd.s32 $0xFFFFC000  }
0xc2: {  	[spmem:s2] =	stream.indirect.scatter.add.f32 [tilespmem:s15], [sflag:$0x1], $0x80, s26, s14, $0xb8;
	[tilespmem:$0x1C800] =	vst v63  }
0xc3: {  	_ =	swait.ge [sflag:s13], $0x4000  }
0xc4: {  	[sflag:s13] =	ssyncset.done $0x0  }
0xc5: {  	[sflag:s13] =	ssyncadd.s32 $0xFFFFC000  }
0xc6: {  	[spmem:s2] =	stream.indirect.scatter.add.f32 [tilespmem:s15], [sflag:$0x1], $0x80, s28, s14, $0xb8;
	[tilespmem:$0x1C800] =	vst v63  }
0xc7: {  	_ =	swait.ge [sflag:s13], $0x4000  }
0xc8: {  	[sflag:s13] =	ssyncset.done $0x0  }
0xc9: {  	[sflag:s13] =	ssyncadd.s32 $0xFFFFC000  }
0xca: {  	[spmem:s2] =	stream.indirect.scatter.add.f32 [tilespmem:s15], [sflag:$0x1], $0x80, s29, s14, $0xb8;
	[tilespmem:$0x1C800] =	vst v63  }
0xcb: {  	_ =	swait.ge [sflag:s13], $0x4000  }
.Ltmp2:
0xcc: {  	[sflag:s13] =	ssyncset.done $0x0;
	(pc) =	sbr.rel @p0 .LBB2_6-.Ltmp2, $4  }
0xcd: {  	[sflag:s13] =	ssyncadd.s32 $0xFFFFC000  }
0xce: {  	[spmem:s2] =	stream.indirect.scatter.add.f32 [tilespmem:s15], [sflag:$0x1], $0x80, s30, s14, $0xb8;
	[tilespmem:$0x1C800] =	vst v63  }
0xcf: {  	_ =	swait.ge [sflag:s13], $0x4000  }
0xd0: {  	s0 =	smov.u32 s5;
	[sflag:s13] =	ssyncset.done $0x0  }
0xd1: {  	s0 =	sadd.s32 s1, s11;
	[sflag:s13] =	ssyncadd.s32 $0xFFFFC000  }
0xd2: {  	[tilespmem:s3], [sflag:$0x1] =	stream.linear.gather [hbm4b:s0+s3], $0x800, $0x38;
	[tilespmem:$0x1C800] =	vst v63  }
0xd3: {  	_ =	swait.ge [sflag:s13], $0x800  }
0xd4: {  	[sflag:s13] =	ssyncset.done $0x0  }
0xd5: {  	[sflag:s13] =	ssyncadd.s32 $0xFFFFF800  }
0xd6: {  	[spmem:s2] =	stream.indirect.scatter.add.f32 [tilespmem:s15], [sflag:$0x1], $0x80, s3, s14, $0xb8;
	[tilespmem:$0x1C800] =	vst v63  }
0xd7: {  	_ =	swait.ge [sflag:s13], $0x4000  }
0xd8: {  	[sflag:s13] =	ssyncset.done $0x0  }
0xd9: {  	[sflag:s13] =	ssyncadd.s32 $0xFFFFC000  }
0xda: {  	[spmem:s2] =	stream.indirect.scatter.add.f32 [tilespmem:s15], [sflag:$0x1], $0x80, s14, s14, $0xb8;
	[tilespmem:$0x1C800] =	vst v63  }
0xdb: {  	_ =	swait.ge [sflag:s13], $0x4000  }
0xdc: {  	[sflag:s13] =	ssyncset.done $0x0  }
0xdd: {  	[sflag:s13] =	ssyncadd.s32 $0xFFFFC000  }
0xde: {  	[spmem:s2] =	stream.indirect.scatter.add.f32 [tilespmem:s15], [sflag:$0x1], $0x80, s16, s14, $0xb8;
	[tilespmem:$0x1C800] =	vst v63  }
0xdf: {  	_ =	swait.ge [sflag:s13], $0x4000  }
0xe0: {  	[sflag:s13] =	ssyncset.done $0x0  }
0xe1: {  	[sflag:s13] =	ssyncadd.s32 $0xFFFFC000  }
0xe2: {  	[spmem:s2] =	stream.indirect.scatter.add.f32 [tilespmem:s15], [sflag:$0x1], $0x80, s17, s14, $0xb8;
	[tilespmem:$0x1C800] =	vst v63  }
0xe3: {  	_ =	swait.ge [sflag:s13], $0x4000  }
0xe4: {  	[sflag:s13] =	ssyncset.done $0x0  }
0xe5: {  	[sflag:s13] =	ssyncadd.s32 $0xFFFFC000  }
0xe6: {  	[spmem:s2] =	stream.indirect.scatter.add.f32 [tilespmem:s15], [sflag:$0x1], $0x80, s18, s14, $0xb8;
	[tilespmem:$0x1C800] =	vst v63  }
0xe7: {  	_ =	swait.ge [sflag:s13], $0x4000  }
0xe8: {  	[sflag:s13] =	ssyncset.done $0x0  }
0xe9: {  	[sflag:s13] =	ssyncadd.s32 $0xFFFFC000  }
0xea: {  	[spmem:s2] =	stream.indirect.scatter.add.f32 [tilespmem:s15], [sflag:$0x1], $0x80, s19, s14, $0xb8;
	[tilespmem:$0x1C800] =	vst v63  }
0xeb: {  	_ =	swait.ge [sflag:s13], $0x4000  }
0xec: {  	[sflag:s13] =	ssyncset.done $0x0  }
0xed: {  	[sflag:s13] =	ssyncadd.s32 $0xFFFFC000  }
0xee: {  	[spmem:s2] =	stream.indirect.scatter.add.f32 [tilespmem:s15], [sflag:$0x1], $0x80, s20, s14, $0xb8;
	[tilespmem:$0x1C800] =	vst v63  }
0xef: {  	_ =	swait.ge [sflag:s13], $0x4000  }
0xf0: {  	[sflag:s13] =	ssyncset.done $0x0  }
0xf1: {  	[sflag:s13] =	ssyncadd.s32 $0xFFFFC000  }
0xf2: {  	[spmem:s2] =	stream.indirect.scatter.add.f32 [tilespmem:s15], [sflag:$0x1], $0x80, s21, s14, $0xb8;
	[tilespmem:$0x1C800] =	vst v63  }
0xf3: {  	_ =	swait.ge [sflag:s13], $0x4000  }
0xf4: {  	[sflag:s13] =	ssyncset.done $0x0  }
0xf5: {  	[sflag:s13] =	ssyncadd.s32 $0xFFFFC000  }
0xf6: {  	[spmem:s2] =	stream.indirect.scatter.add.f32 [tilespmem:s15], [sflag:$0x1], $0x80, s22, s14, $0xb8;
	[tilespmem:$0x1C800] =	vst v63  }
0xf7: {  	_ =	swait.ge [sflag:s13], $0x4000  }
0xf8: {  	[sflag:s13] =	ssyncset.done $0x0  }
0xf9: {  	[sflag:s13] =	ssyncadd.s32 $0xFFFFC000  }
0xfa: {  	[spmem:s2] =	stream.indirect.scatter.add.f32 [tilespmem:s15], [sflag:$0x1], $0x80, s23, s14, $0xb8;
	[tilespmem:$0x1C800] =	vst v63  }
0xfb: {  	_ =	swait.ge [sflag:s13], $0x4000  }
0xfc: {  	[sflag:s13] =	ssyncset.done $0x0  }
0xfd: {  	[sflag:s13] =	ssyncadd.s32 $0xFFFFC000  }
0xfe: {  	[spmem:s2] =	stream.indirect.scatter.add.f32 [tilespmem:s15], [sflag:$0x1], $0x80, s24, s14, $0xb8;
	[tilespmem:$0x1C800] =	vst v63  }
0xff: {  	_ =	swait.ge [sflag:s13], $0x4000  }
0x100: {  	[sflag:s13] =	ssyncset.done $0x0  }
0x101: {  	[sflag:s13] =	ssyncadd.s32 $0xFFFFC000  }
0x102: {  	[spmem:s2] =	stream.indirect.scatter.add.f32 [tilespmem:s15], [sflag:$0x1], $0x80, s25, s14, $0xb8;
	[tilespmem:$0x1C800] =	vst v63  }
0x103: {  	_ =	swait.ge [sflag:s13], $0x4000  }
0x104: {  	[sflag:s13] =	ssyncset.done $0x0  }
0x105: {  	[sflag:s13] =	ssyncadd.s32 $0xFFFFC000  }
0x106: {  	[spmem:s2] =	stream.indirect.scatter.add.f32 [tilespmem:s15], [sflag:$0x1], $0x80, s26, s14, $0xb8;
	[tilespmem:$0x1C800] =	vst v63  }
0x107: {  	_ =	swait.ge [sflag:s13], $0x4000  }
0x108: {  	[sflag:s13] =	ssyncset.done $0x0  }
0x109: {  	[sflag:s13] =	ssyncadd.s32 $0xFFFFC000  }
0x10a: {  	[spmem:s2] =	stream.indirect.scatter.add.f32 [tilespmem:s15], [sflag:$0x1], $0x80, s28, s14, $0xb8;
	[tilespmem:$0x1C800] =	vst v63  }
0x10b: {  	_ =	swait.ge [sflag:s13], $0x4000  }
0x10c: {  	[sflag:s13] =	ssyncset.done $0x0  }
0x10d: {  	[sflag:s13] =	ssyncadd.s32 $0xFFFFC000  }
0x10e: {  	[spmem:s2] =	stream.indirect.scatter.add.f32 [tilespmem:s15], [sflag:$0x1], $0x80, s29, s14, $0xb8;
	[tilespmem:$0x1C800] =	vst v63  }
0x10f: {  	_ =	swait.ge [sflag:s13], $0x4000  }
0x110: {  	[sflag:s13] =	ssyncset.done $0x0  }
0x111: {  	[sflag:s13] =	ssyncadd.s32 $0xFFFFC000  }
0x112: {  	[spmem:s2] =	stream.indirect.scatter.add.f32 [tilespmem:s15], [sflag:$0x1], $0x80, s30, s14, $0xb8;
	[tilespmem:$0x1C800] =	vst v63  }
0x113: {  	s5 =	stileid.u32;
	_ =	swait.ge [sflag:s13], $0x4000  }
0x114: {  	s6 =	sshrl.u32 s4, $0x3;
	s31 =	sadd.s32 $0x1, s31;
	[sflag:s13] =	ssyncset.done $0x0  }
0x115: {  	s0 =	sshll.u32 s5, $0x6;
	p0 =	sne.s32 s31, s10;
	[sflag:s13] =	ssyncadd.s32 $0xFFFFC000  }
.Ltmp3:
0x116: {  	s0 =	sor.u32 $0x1C01, s0;
	[bflag:$0x0] =	sbarrier.arrive $0xFFFF;
	(pc) =	sbr.rel @p0 .LBB2_1-.Ltmp3, $4  }
0x117: {  	[hbm:s9], [sflag:s0] =	dma.local [spmem:s6], $0x2800  }
0x118: {  	_ =	swait.ge [sflag:s13], $0x2800  }
0x119: {  	[sflag:s13] =	ssyncset.done $0x0  }
0x11a: {  	[sflag:s13] =	ssyncadd.s32 $0xFFFFD800  }
0x11b: {  	_ =	sfence.sel $0x180000  }
0x11c: {  	[bflag:$0x0] =	sbarrier.arrive $0xFFFF  }
0x11d: {  	_ =	strace $0x90000047  }
0x11e: {  	s0 =	stileid.u32;
	[bflag:$0x2] =	sbarrier.arrive $0xFFFF  }
0x11f: {  	p0 =	sne.s32 s0, $0x0;
	s0 =	rddreg [dreg:$0x2]  }
0x120: {  	s0 =	sadd.s32 @!p0 $0x100000, s0  }
0x121: {  	[sflag:s0] =	ssyncadd.tile.s32 @!p0 $0x1;
	_ =	shalt  }
.Lfunc_end2:
_tile_overlayer_lowered:
.L_overlay_start_2:
0x122: {  	(tag) =	ssettag $0x2  }
0x123: {  	s0 =	rddreg [dreg:$0x0];
	s2 =	stileid.u32  }
0x124: {  	s1 =	rddreg [dreg:$0x1];
	p0 =	sne.s32 s2, $0x0  }
0x125: {  	s3 =	rddreg [dreg:$0x2];
	[bflag:$0x3] =	sbarrier.arrive $0xFFFF;
	s2 =	simm.s32 @!p0 $0x1C01  }
0x126: {  	[timem:s3], [sflag:s2] =	dma.local @!p0 [hbm:s0], s1  }
0x127: {  	s0 =	simm.s32 @!p0 $0x1  }
0x128: {  	_ =	swait.ge @!p0 [sflag:s0], s1  }
0x129: {  	s1 =	ssub.s32 @!p0 $0x0, s1;
	[sflag:s0] =	ssyncset.done @!p0 $0x0  }
0x12a: {  	[sflag:s0] =	ssyncadd.s32 @!p0 s1  }
0x12b: {  	[bflag:$0x3] =	sbarrier.arrive $0xFFFF  }
0x12c: {  	_ =	shalt  }

// kernel: kernel.14.cloned.1.call-start
scs
__scs_entry_jumppad:
0x0: {  	(pc) =	sbr.rel $0x88, $3  }
0x1: {  	(tag) =	ssettag $0x0;
	lr =	simm.s32 $0x1  }
0x2: {  	[smem:$0x3F92] =	sst lr;
	_ =	strace $0xD0000000  }
0x3: {  	_ = 	snop  }
0x4: {  	_ = 	snop  }
0x5: {  	_ = 	snop  }
0x6: {  	_ = 	snop  }
0x7: {  	_ = 	snop  }
__scs_overlays_trampoline_lowered:
0x8: {  	[smem:$0x3FA1] =	sst s0  }
0x9: {  	[smem:$0x3FA2] =	sst s1  }
0xa: {  	[smem:$0x3FA3] =	sst s2  }
0xb: {  	[smem:$0x3FA4] =	sst s3  }
0xc: {  	[smem:$0x3FA5] =	sst s4  }
0xd: {  	[smem:$0x3FA6] =	sst s5  }
0xe: {  	[smem:$0x3FA7] =	sst s6  }
0xf: {  	[smem:$0x3FA8] =	sst s7  }
0x10: {  	[smem:$0x3FA9] =	sst s8  }
0x11: {  	[smem:$0x3FAA] =	sst s9;
	s0 =	simm.s32 @!p0 $0x0  }
0x12: {  	s1 =	sld [smem:$0x3F90];
	s0 =	simm.s32 @p0 $0x1  }
0x13: {  	[smem:$0x3FAB] =	sst s0;
	s0 =	simm.s32 @!p1 $0x0  }
0x14: {  	s2 =	sld [smem:$0x3F8F];
	s0 =	simm.s32 @p1 $0x1  }
0x15: {  	[smem:$0x3FAC] =	sst s0;
	s0 =	simm.s32 @!p2 $0x0  }
0x16: {  	s3 =	sld [smem:$0x3FDB];
	s0 =	simm.s32 @p2 $0x1  }
0x17: {  	s4 =	simm.s32 $0x1BF5;
	[smem:$0x3FAE] =	sst s0  }
0x18: {  	s0 =	sld [smem:$0x3F91];
	_ =	swait.ge [sflag:s4], $0x0  }
0x19: {  	s7 =	sld [smem:$0x3F92]  }
0x1a: {  	s8 =	sadd.s32 $0xFFFFE003, lr  }
0x1b: {  	s9 =	sadd.s32 $0xFFFFFEF7, lr;
	s5 =	simm.s32 $0xFFFFFFFF;
	p2 =	slt.u32 s8, $0xFFFFF086  }
0x1c: {  	p1 =	slt.u32 s9, $0xF7A;
	s5 =	simm.s32 @!p2 $0x0  }
0x1d: {  	s5 =	simm.s32 @p1 $0x1;
	p0 =	seq.s32 s7, s2  }
0x1e: {  	s7 =	smul.u32 @!p0 $0xF7A, s2;
	p2 =	seq.s32 @!p0 s5, $0x0  }
0x1f: {  	s9 =	smul.u32 $0xF7A, s1;
	s8 =	simm.s32 @!p0 $0x1BF5;
	p2 =	por !p2, p0  }
0x20: {  	[sflag:s8] =	ssyncset.s32 @!p0 $0xFFFFF086;
	s6 =	sadd.s32 @!p0 s3, s7;
	s7 =	simm.s32 @!p0 $0x108  }
0x21: {  	s3 =	sadd.s32 s3, s9;
	s6 =	sadd.s32 @!p0 $0x88, s6;
	s7 =	simm.s32 @p2 $0x1082  }
0x22: {  	[simem:s7], [sflag:s8] =	dma.local @!p0 [hbm:s6], $0xF7A  }
0x23: {  	s9 =	sor.u32 $0xD0000000, s2;
	s6 =	simm.s32 $0x108;
	_ =	swait.ge @!p0 [sflag:s8], $0x0  }
0x24: {  	s3 =	sadd.s32 $0x88, s3;
	s6 =	simm.s32 @!p1 $0x1082;
	[sflag:s4] =	ssyncset.s32 $0xFFFFF086  }
0x25: {  	[simem:s6], [sflag:s4] =	dma.local [hbm:s3], $0xF7A  }
0x26: {  	[smem:$0x3F92] =	sst s1;
	(tag) =	ssettag s2;
	_ =	strace s9  }
0x27: {  	s1 =	sld [smem:$0x3FA2]  }
0x28: {  	s2 =	sld [smem:$0x3FA3]  }
0x29: {  	s4 =	sld [smem:$0x3FA5]  }
0x2a: {  	p0 =	seq.s32 s5, $0x0;
	s5 =	sld [smem:$0x3FA6]  }
0x2b: {  	s6 =	sld [smem:$0x3FA7]  }
0x2c: {  	s7 =	sld [smem:$0x3FA8]  }
0x2d: {  	s3 =	simm.s32 $0x108;
	s8 =	sld [smem:$0x3FA9]  }
0x2e: {  	s3 =	simm.s32 @!p0 $0x1082;
	s9 =	sld [smem:$0x3FAA]  }
0x2f: {  	lr =	sadd.s32 s0, s3;
	s0 =	sld [smem:$0x3FA1]  }
0x30: {  	s3 =	sld [smem:$0x3FA4]  }
0x31: {  	[smem:$0x3FAD] =	sst s10  }
0x32: {  	s10 =	sld [smem:$0x3FAB];
	_ =	sdelay $0x3  }
0x33: {  	p0 =	seq.s32 s10, $0x1;
	s10 =	sld [smem:$0x3FAD];
	_ =	sdelay $0x3  }
0x34: {  	[smem:$0x3FAD] =	sst s10  }
0x35: {  	s10 =	sld [smem:$0x3FAC];
	_ =	sdelay $0x3  }
0x36: {  	p1 =	seq.s32 s10, $0x1;
	s10 =	sld [smem:$0x3FAD];
	_ =	sdelay $0x3  }
0x37: {  	[smem:$0x3FAD] =	sst s10  }
0x38: {  	s10 =	sld [smem:$0x3FAE]  }
0x39: {  	_ = 	snop;
	(pc) =	sbr.ind lr, $3  }
0x3a: {  	_ = 	snop  }
0x3b: {  	_ = 	snop  }
0x3c: {  	p2 =	seq.s32 s10, $0x1;
	s10 =	sld [smem:$0x3FAD]  }
0x3d: {  	_ =	shalt  }
0x3e: {  	_ =	shalt  }
0x3f: {  	_ =	shalt  }
0x40: {  	_ =	shalt  }
0x41: {  	_ =	shalt  }
0x42: {  	_ =	shalt  }
0x43: {  	_ =	shalt  }
0x44: {  	_ =	shalt  }
0x45: {  	_ =	shalt  }
0x46: {  	_ =	shalt  }
0x47: {  	_ =	shalt  }
0x48: {  	_ =	shalt  }
0x49: {  	_ =	shalt  }
0x4a: {  	_ =	shalt  }
0x4b: {  	_ =	shalt  }
0x4c: {  	_ =	shalt  }
0x4d: {  	_ =	shalt  }
0x4e: {  	_ =	shalt  }
0x4f: {  	_ =	shalt  }
0x50: {  	_ =	shalt  }
0x51: {  	_ =	shalt  }
0x52: {  	_ =	shalt  }
0x53: {  	_ =	shalt  }
0x54: {  	_ =	shalt  }
0x55: {  	_ =	shalt  }
0x56: {  	_ =	shalt  }
0x57: {  	_ =	shalt  }
0x58: {  	_ =	shalt  }
0x59: {  	_ =	shalt  }
0x5a: {  	_ =	shalt  }
0x5b: {  	_ =	shalt  }
0x5c: {  	_ =	shalt  }
0x5d: {  	_ =	shalt  }
0x5e: {  	_ =	shalt  }
0x5f: {  	_ =	shalt  }
0x60: {  	_ =	shalt  }
0x61: {  	_ =	shalt  }
0x62: {  	_ =	shalt  }
0x63: {  	_ =	shalt  }
0x64: {  	_ =	shalt  }
0x65: {  	_ =	shalt  }
0x66: {  	_ =	shalt  }
0x67: {  	_ =	shalt  }
0x68: {  	_ =	shalt  }
0x69: {  	_ =	shalt  }
0x6a: {  	_ =	shalt  }
0x6b: {  	_ =	shalt  }
0x6c: {  	_ =	shalt  }
0x6d: {  	_ =	shalt  }
0x6e: {  	_ =	shalt  }
0x6f: {  	_ =	shalt  }
0x70: {  	_ =	shalt  }
0x71: {  	_ =	shalt  }
0x72: {  	_ =	shalt  }
0x73: {  	_ =	shalt  }
0x74: {  	_ =	shalt  }
0x75: {  	_ =	shalt  }
0x76: {  	_ =	shalt  }
0x77: {  	_ =	shalt  }
0x78: {  	_ =	shalt  }
0x79: {  	_ =	shalt  }
0x7a: {  	_ =	shalt  }
0x7b: {  	_ =	shalt  }
0x7c: {  	_ =	shalt  }
0x7d: {  	_ =	shalt  }
0x7e: {  	_ =	shalt  }
0x7f: {  	_ =	shalt  }
0x80: {  	_ =	shalt  }
0x81: {  	_ =	shalt  }
0x82: {  	_ =	shalt  }
0x83: {  	_ =	shalt  }
0x84: {  	_ =	shalt  }
0x85: {  	_ =	shalt  }
0x86: {  	_ =	shalt  }
0x87: {  	_ =	shalt  }
.Lfunc_end0:
.L_simem_size_0:
called_computation.1_lowered:
.L_overlay_start_0:
0x88: {  	s2 =	sld [smem:$0x3FD9]  }
0x89: {  	s3 =	sld [smem:$0x3FFE];
	_ =	sdelay $0x1  }
0x8a: {  	s1 =	srdreg.scid  }
0x8b: {  	s0 =	sand.u32 $0x1, s1  }
0x8c: {  	s16 =	sshll.u32 s0, $0xA;
	s2 =	sadd.s32 s3, s2  }
0x8d: {  	s2 =	sadd.s32 s2, s16  }
0x8e: {  	[smem:$0x3FB9] =	sst s2  }
0x8f: {  	_ = 	snop  }
0x90: {  	(tm) =	ssettm $0x1  }
0x91: {  	s17 =	sld [smem:$0x3FFB];
	_ =	sdelay $0x3  }
0x92: {  	_ =	strace s17  }
0x93: {  	s2 =	sld [smem:$0x3FFC];
	_ =	sdelay $0x3  }
0x94: {  	_ =	strace s2  }
0x95: {  	s2 =	sld [smem:$0x3FFD];
	_ =	sdelay $0x3  }
0x96: {  	_ =	strace s2  }
0x97: {  	_ =	strace $0x8FFFFFFF  }
0x98: {  	s18 =	sld [smem:$0x3FDB];
	_ =	sdelay $0x1  }
0x99: {  	s19 =	simm.s32 $_scs_section_size  }
0x9a: {  	s4 =	simm.s32 $_size__tile_overlayer_lowered;
	s5 =	simm.s32 $_tile_overlayer_lowered  }
0x9b: {  	s22 =	simm.s32 $0x1BFF;
	s21 =	sshll.u32 s5, $0x1;
	s2 =	sadd.s32 s19, s18  }
0x9c: {  	s6 =	simm.s32 $0x0;
	s20 =	sshll.u32 s4, $0x1;
	s4 =	sadd.s32 s21, s2  }
0x9d: {  	[timem:s6], [sflag:s22] =	dma.local [hbm:s4], s20  }
0x9e: {  	_ =	swait.ge [sflag:s22], s20  }
0x9f: {  	s3 =	ssub.s32 $0x0, s20;
	[sflag:s22] =	ssyncset.done $0x0  }
0xa0: {  	[sflag:s22] =	ssyncadd.s32 s3;
	_ =	sdelay $0x1  }
0xa1: {  	s23 =	simm.s32 $0x1B8B  }
0xa2: {  	_ =	swait.ge [sflag:s23], $0x1  }
0xa3: {  	[sflag:s23] =	ssyncset.done $0x0  }
0xa4: {  	s25 =	simm.s32 $0x1B8E;
	s24 =	sld [smem:$0x3FFE];
	[sflag:s23] =	ssyncadd.s32 $0xFFFFFFFF  }
0xa5: {  	s26 =	simm.s32 $execute0_lowered;
	[smem:$0x3FD2] =	sst s25  }
0xa6: {  	s4 =	sshll.u32 s26, $0x1;
	_ =	strace $0x80000049;
	[dreg:$0x1] =	wrdreg $0xFFFFFFFF  }
0xa7: {  	s28 =	simm.s32 $_size_execute0_lowered;
	s2 =	sadd.s32 s2, s4;
	[dreg:$0x0] =	wrdreg $0x0  }
0xa8: {  	s4 =	sshll.u32 s28, $0x1;
	[dreg:$0x2] =	wrdreg s2  }
0xa9: {  	[dreg:$0x3] =	wrdreg s4  }
0xaa: {  	[dreg:$0x4] =	wrdreg $0xC0  }
0xab: {  	_ =	task [dreg:s6], $0x5FFFF  }
0xac: {  	[dreg:$0x1] =	wrdreg $0xFFFFFFFF  }
0xad: {  	[dreg:$0x0] =	wrdreg $0x60  }
0xae: {  	[dreg:$0x2] =	wrdreg s24  }
0xaf: {  	[dreg:$0x3] =	wrdreg $0xB7800  }
0xb0: {  	[dreg:$0x4] =	wrdreg $0x9  }
0xb1: {  	_ =	task.clear_ibuf [dreg:s6], $0x5FFFF;
	_ =	strace $0x90000049  }
0xb2: {  	s29 =	simm.s32 $0x9;
	_ =	strace $0x8000004B  }
0xb3: {  	_ =	swait.ge [sflag:s29], $0x1  }
0xb4: {  	[sflag:s29] =	ssyncadd.s32 $0xFFFFFFFF  }
0xb5: {  	_ =	strace $0x9000004B  }
0xb6: {  	_ =	sfence  }
0xb7: {  	s30 =	sld [smem:$0x0];
	_ =	sdelay $0x2  }
0xb8: {  	s31 =	sshll.u32 s1, $0xD;
	s1 =	sshrl.u32 s1, $0x2  }
0xb9: {  	s3 =	sand.u32 $0x4000, s31;
	s1 =	sadd.s32 s1, s30  }
0xba: {  	s0 =	sor.u32 s3, s0;
	s1 =	sshll.u32 s1, $0x11  }
0xbb: {  	s0 =	sor.u32 s1, s0  }
0xbc: {  	s0 =	sadd.s32 $0x8F2B, s0  }
0xbd: {  	[sflag:s0] =	ssyncadd.remote.s32 $0x1  }
0xbe: {  	_ =	sfence.sel $0xFFFF  }
0xbf: {  	[dreg:$0x0] =	wrdreg $0xFFFFFFFF;
	(pc) =	sbr.abs _section_cstart, $3  }
0xc0: {  	[dreg:$0x1] =	wrdreg $0xFFFFFFFF  }
0xc1: {  	_ =	task.clear_ibuf [dreg:s6], $0x2FFFF;
	_ =	strace $0x9FFFFFFF  }
0xc2: {  	(tm) =	ssettm $0x7FFFFFFF  }
0xc3: {  	_ =	shalt  }
tec
execute0_lowered:
.L_overlay_start_1:
0x0: {  	(tag) =	ssettag $0x1  }
0x1: {  	s0 =	rddreg [dreg:$0x0]  }
0x2: {  	s1 =	rddreg [dreg:$0x1];
	s2 =	srdreg.scid;
	s4 =	simm.s32 $0x0  }
0x3: {  	s18 =	simm.s32 $0x1;
	s19 =	simm.s32 $0x5000;
	s20 =	simm.s32 $0x800  }
0x4: {  	s21 =	simm.s32 $0x1000;
	s22 =	simm.s32 $0x80;
	s23 =	simm.s32 $0x0  }
0x5: {  	s24 =	simm.s32 $0x0;
	s3 =	sand.u32 $0x1, s2;
	s2 =	stileid.u32  }
0x6: {  	[smem:$0x7FF] =	sst s4;
	s4 =	sadd.s32 $0x541200, s0;
	s6 =	smul.u32 $0x140000, s3  }
0x7: {  	s5 =	sadd.s32 $0x5200, s0;
	s7 =	smul.u32 $0x14000, s2;
	_ =	strace $0x8000004A  }
0x8: {  	s9 =	smul.u32 $0x50000, s2;
	s31 =	ssub.s32 $0x2, s3;
	s3 =	sshll.u32 s3, $0x4  }
0x9: {  	s10 =	sshrl.u32 s31, $0x1;
	s3 =	sor.u32 s2, s3;
	s7 =	sadd.s32 s7, s6  }
0xa: {  	s6 =	sadd.s32 $0x54B200, s0;
	s9 =	sshrl.u32 s9, $0x2;
	s11 =	smul.u32 $0x2800, s3  }
0xb: {  	s16 =	ssub.s32 s31, s10;
	s14 =	smul.u32 $0x50, s3;
	s8 =	sshrl.u32 s7, $0x3  }
0xc: {  	s7 =	sadd.s32 $0xF200, s0;
	s0 =	sadd.s32 s8, s0;
	s8 =	sadd.s32 s9, s1  }
0xd: {  	s16 =	smax.u32 s16, $0x1;
	s9 =	sadd.s32 $0x4000, s8;
	s10 =	sadd.s32 $0x8000, s8  }
0xe: {  	v0 =	vimm.f32 $0.0e+00;
	s12 =	sadd.s32 $0xC000, s8;
	s13 =	sadd.s32 $0x10000, s8;
	s15 =	sadd.s32 $0x37800, s0  }
.LBB2_1:
0xf: {  	s0 =	simm.s32 $0x0;
	s3 =	simm.s32 $0x9000  }
0x10: {  	[tilespmem:s3], [sflag:$0x1] =	stream.linear.gather [hbm4b:s7+s0], $0x2710, $0x38;
	[tilespmem:$0x1F780] =	vst v63  }
0x11: {  	_ =	swait.ge [sflag:s18], $0x2710  }
0x12: {  	[sflag:s18] =	ssyncset.done $0x0  }
0x13: {  	s0 =	simm.s32 $0x0;
	s3 =	simm.s32 $0x200;
	[sflag:s18] =	ssyncadd.s32 $0xFFFFD8F0  }
.LBB2_2:
0x14: {  	p0 =	sne.s32 s3, $0xFE00;
	[tilespmem:s0+$0x5070] =	vst v0  }
0x15: {  	[tilespmem:s0+$0x5000] =	vst v0  }
0x16: {  	[tilespmem:s0+$0x5010] =	vst v0  }
.Ltmp0:
0x17: {  	[tilespmem:s0+$0x5020] =	vst v0;
	(pc) =	sbr.rel @p0 .LBB2_2-.Ltmp0, $4  }
0x18: {  	[tilespmem:s0+$0x5030] =	vst v0  }
0x19: {  	[tilespmem:s0+$0x5040] =	vst v0  }
0x1a: {  	[tilespmem:s0+$0x5050] =	vst v0  }
0x1b: {  	[tilespmem:s0+$0x5060] =	vst v0;
	s0 =	sshra.s32 s3, $0x2;
	s3 =	sadd.s32 $0x200, s3  }
0x1c: {  	[tilespmem:s0+$0x5070] =	vst v0  }
0x1d: {  	[tilespmem:s0+$0x5000] =	vst v0  }
0x1e: {  	[tilespmem:s0+$0x5010] =	vst v0  }
0x1f: {  	[tilespmem:s0+$0x5020] =	vst v0  }
0x20: {  	[tilespmem:s0+$0x5030] =	vst v0  }
0x21: {  	[tilespmem:s0+$0x5040] =	vst v0  }
0x22: {  	[tilespmem:s0+$0x5050] =	vst v0  }
0x23: {  	[tilespmem:s0+$0x5060] =	vst v0  }
0x24: {  	[spmem:s8] =	stream.linear.scatter [tilespmem:s19], [sflag:$0x1], $0x4000, $0x38;
	[tilespmem:$0x1F780] =	vst v63  }
0x25: {  	_ =	swait.ge [sflag:s18], $0x4000  }
0x26: {  	[sflag:s18] =	ssyncset.done $0x0  }
0x27: {  	[sflag:s18] =	ssyncadd.s32 $0xFFFFC000  }
0x28: {  	[spmem:s9] =	stream.linear.scatter [tilespmem:s19], [sflag:$0x1], $0x4000, $0x38;
	[tilespmem:$0x1F780] =	vst v63  }
0x29: {  	_ =	swait.ge [sflag:s18], $0x4000  }
0x2a: {  	[sflag:s18] =	ssyncset.done $0x0  }
0x2b: {  	[sflag:s18] =	ssyncadd.s32 $0xFFFFC000  }
0x2c: {  	[spmem:s10] =	stream.linear.scatter [tilespmem:s19], [sflag:$0x1], $0x4000, $0x38;
	[tilespmem:$0x1F780] =	vst v63  }
0x2d: {  	_ =	swait.ge [sflag:s18], $0x4000  }
0x2e: {  	[sflag:s18] =	ssyncset.done $0x0  }
0x2f: {  	[sflag:s18] =	ssyncadd.s32 $0xFFFFC000  }
0x30: {  	[spmem:s12] =	stream.linear.scatter [tilespmem:s19], [sflag:$0x1], $0x4000, $0x38;
	[tilespmem:$0x1F780] =	vst v63  }
0x31: {  	_ =	swait.ge [sflag:s18], $0x4000  }
0x32: {  	[sflag:s18] =	ssyncset.done $0x0  }
0x33: {  	[sflag:s18] =	ssyncadd.s32 $0xFFFFC000  }
0x34: {  	[spmem:s13] =	stream.linear.scatter [tilespmem:s19], [sflag:$0x1], $0x4000, $0x38;
	[tilespmem:$0x1F780] =	vst v63  }
0x35: {  	_ =	swait.ge [sflag:s18], $0x4000  }
0x36: {  	[sflag:s18] =	ssyncset.done $0x0  }
0x37: {  	[sflag:s18] =	ssyncadd.s32 $0xFFFFC000  }
0x38: {  	s25 =	simm.s32 $0x0;
	[bflag:$0x0] =	sbarrier.arrive $0xFFFF  }
.LBB2_4:
0x39: {  	s0 =	sshll.u32 s25, $0xB  }
0x3a: {  	s0 =	sadd.s32 s11, s0  }
0x3b: {  	s0 =	sshrl.u32 s0, $0x3  }
0x3c: {  	s3 =	sadd.s32 s4, s0  }
0x3d: {  	[tilespmem:s24], [sflag:$0x1] =	stream.linear.gather [hbm4b:s3+s24], $0x800, $0x38;
	[tilespmem:$0x1F780] =	vst v63  }
0x3e: {  	_ =	swait.ge [sflag:s18], $0x800  }
0x3f: {  	[sflag:s18] =	ssyncset.done $0x0  }
0x40: {  	s0 =	sadd.s32 s5, s0;
	[sflag:s18] =	ssyncadd.s32 $0xFFFFF800  }
0x41: {  	[tilespmem:s20], [sflag:$0x1] =	stream.linear.gather [hbm4b:s0+s24], $0x800, $0x38;
	[tilespmem:$0x1F780] =	vst v63  }
0x42: {  	_ =	swait.ge [sflag:s18], $0x800  }
0x43: {  	s31 =	sshll.u32 s25, $0x4;
	s29 =	simm.s32 $0x0;
	[sflag:s18] =	ssyncset.done $0x0  }
0x44: {  	s26 =	sadd.s32 s14, s31;
	s3 =	simm.s32 $0x0;
	[sflag:s18] =	ssyncadd.s32 $0xFFFFF800  }
.LBB2_5:
0x45: {  	s0 =	sadd.s32 s29, s26  }
0x46: {  	s0 =	sshll.u32 s0, $0xB  }
0x47: {  	s28 =	simm.s32 $0x0;
	s0 =	sadd.s32 s6, s0  }
0x48: {  	[tilespmem:s21], [sflag:$0x1] =	stream.linear.gather [hbm4b:s0+s28], $0x4000, $0x38;
	[tilespmem:$0x1F780] =	vst v63  }
0x49: {  	_ =	swait.ge [sflag:s18], $0x4000  }
0x4a: {  	[sflag:s18] =	ssyncset.done $0x0  }
0x4b: {  	[sflag:s18] =	ssyncadd.s32 $0xFFFFC000  }
0x4c: {  	v1 =	vld [tilespmem:s3+$0x0];
	_ =	sdelay $0x4  }
0x4d: {  	v1 =	vadd.s32 $0x9000, v1  }
0x4e: {  	(v2sf) =	vpush v1, $0x0;
	_ =	sdelay $0x7  }
0x4f: {  	(v2sf) =	vpush v1, $0x1;
	_ =	sdelay $0x5  }
0x50: {  	s30 =	simm.s32 $0x0  }
0x51: {  	v3 =	vld [tilespmem:s30+$0x1000];
	s17 =	spop (v2sf)  }
0x52: {  	(v2sf) =	vpush v1, $0x2;
	v2 =	vld.msk [tilespmem:s17+$0x0 ss:$0x0], $0xffff;
	_ =	sdelay $0x4  }
0x53: {  	v3 =	vmul.f32 v2, v3  }
0x54: {  	[tilespmem:s30+$0x5010] =	vst v2  }
0x55: {  	s17 =	spop (v2sf);
	[tilespmem:s30+$0x5000] =	vst v3;
	v3 =	vld [tilespmem:s30+$0x1080]  }
0x56: {  	(v2sf) =	vpush v1, $0x3;
	v2 =	vld.msk [tilespmem:s17+$0x0 ss:$0x0], $0xffff;
	_ =	sdelay $0x4  }
0x57: {  	v3 =	vmul.f32 v2, v3  }
0x58: {  	[tilespmem:s30+$0x5090] =	vst v2  }
0x59: {  	s17 =	spop (v2sf);
	[tilespmem:s30+$0x5080] =	vst v3;
	v3 =	vld [tilespmem:s30+$0x1100]  }
0x5a: {  	(v2sf) =	vpush v1, $0x4;
	v2 =	vld.msk [tilespmem:s17+$0x0 ss:$0x0], $0xffff;
	_ =	sdelay $0x4  }
0x5b: {  	v3 =	vmul.f32 v2, v3  }
0x5c: {  	[tilespmem:s30+$0x5110] =	vst v2  }
0x5d: {  	s17 =	spop (v2sf);
	[tilespmem:s30+$0x5100] =	vst v3;
	v3 =	vld [tilespmem:s30+$0x1180]  }
0x5e: {  	(v2sf) =	vpush v1, $0x5;
	v2 =	vld.msk [tilespmem:s17+$0x0 ss:$0x0], $0xffff;
	_ =	sdelay $0x4  }
0x5f: {  	v3 =	vmul.f32 v2, v3  }
0x60: {  	[tilespmem:s30+$0x5190] =	vst v2  }
0x61: {  	s17 =	spop (v2sf);
	[tilespmem:s30+$0x5180] =	vst v3;
	v3 =	vld [tilespmem:s30+$0x1200]  }
0x62: {  	(v2sf) =	vpush v1, $0x6;
	v2 =	vld.msk [tilespmem:s17+$0x0 ss:$0x0], $0xffff;
	_ =	sdelay $0x4  }
0x63: {  	v3 =	vmul.f32 v2, v3  }
0x64: {  	[tilespmem:s30+$0x5210] =	vst v2  }
0x65: {  	s17 =	spop (v2sf);
	[tilespmem:s30+$0x5200] =	vst v3;
	v3 =	vld [tilespmem:s30+$0x1280]  }
0x66: {  	(v2sf) =	vpush v1, $0x7;
	v2 =	vld.msk [tilespmem:s17+$0x0 ss:$0x0], $0xffff;
	_ =	sdelay $0x4  }
0x67: {  	v3 =	vmul.f32 v2, v3  }
0x68: {  	[tilespmem:s30+$0x5290] =	vst v2  }
0x69: {  	s17 =	spop (v2sf);
	[tilespmem:s30+$0x5280] =	vst v3;
	v3 =	vld [tilespmem:s30+$0x1300]  }
0x6a: {  	(v2sf) =	vpush v1, $0x8;
	v2 =	vld.msk [tilespmem:s17+$0x0 ss:$0x0], $0xffff;
	_ =	sdelay $0x4  }
0x6b: {  	v3 =	vmul.f32 v2, v3  }
0x6c: {  	[tilespmem:s30+$0x5310] =	vst v2  }
0x6d: {  	s17 =	spop (v2sf);
	[tilespmem:s30+$0x5300] =	vst v3;
	v3 =	vld [tilespmem:s30+$0x1380]  }
0x6e: {  	(v2sf) =	vpush v1, $0x9;
	v2 =	vld.msk [tilespmem:s17+$0x0 ss:$0x0], $0xffff;
	_ =	sdelay $0x4  }
0x6f: {  	v3 =	vmul.f32 v2, v3  }
0x70: {  	[tilespmem:s30+$0x5390] =	vst v2  }
0x71: {  	s17 =	spop (v2sf);
	[tilespmem:s30+$0x5380] =	vst v3;
	v3 =	vld [tilespmem:s30+$0x1400]  }
0x72: {  	(v2sf) =	vpush v1, $0xA;
	v2 =	vld.msk [tilespmem:s17+$0x0 ss:$0x0], $0xffff;
	_ =	sdelay $0x4  }
0x73: {  	v3 =	vmul.f32 v2, v3  }
0x74: {  	[tilespmem:s30+$0x5410] =	vst v2  }
0x75: {  	s17 =	spop (v2sf);
	[tilespmem:s30+$0x5400] =	vst v3;
	v3 =	vld [tilespmem:s30+$0x1480]  }
0x76: {  	(v2sf) =	vpush v1, $0xB;
	v2 =	vld.msk [tilespmem:s17+$0x0 ss:$0x0], $0xffff;
	_ =	sdelay $0x4  }
0x77: {  	v3 =	vmul.f32 v2, v3  }
0x78: {  	[tilespmem:s30+$0x5490] =	vst v2  }
0x79: {  	s17 =	spop (v2sf);
	[tilespmem:s30+$0x5480] =	vst v3;
	v3 =	vld [tilespmem:s30+$0x1500]  }
0x7a: {  	(v2sf) =	vpush v1, $0xC;
	v2 =	vld.msk [tilespmem:s17+$0x0 ss:$0x0], $0xffff;
	_ =	sdelay $0x4  }
0x7b: {  	v3 =	vmul.f32 v2, v3  }
0x7c: {  	[tilespmem:s30+$0x5510] =	vst v2  }
0x7d: {  	s17 =	spop (v2sf);
	[tilespmem:s30+$0x5500] =	vst v3;
	v3 =	vld [tilespmem:s30+$0x1580]  }
0x7e: {  	(v2sf) =	vpush v1, $0xD;
	v2 =	vld.msk [tilespmem:s17+$0x0 ss:$0x0], $0xffff;
	_ =	sdelay $0x4  }
0x7f: {  	v3 =	vmul.f32 v2, v3  }
0x80: {  	[tilespmem:s30+$0x5590] =	vst v2  }
0x81: {  	s17 =	spop (v2sf);
	[tilespmem:s30+$0x5580] =	vst v3;
	v3 =	vld [tilespmem:s30+$0x1600]  }
0x82: {  	(v2sf) =	vpush v1, $0xE;
	v2 =	vld.msk [tilespmem:s17+$0x0 ss:$0x0], $0xffff;
	_ =	sdelay $0x4  }
0x83: {  	v3 =	vmul.f32 v2, v3  }
0x84: {  	[tilespmem:s30+$0x5610] =	vst v2  }
0x85: {  	s17 =	spop (v2sf);
	[tilespmem:s30+$0x5600] =	vst v3;
	v3 =	vld [tilespmem:s30+$0x1680]  }
0x86: {  	(v2sf) =	vpush v1, $0xF;
	v2 =	vld.msk [tilespmem:s17+$0x0 ss:$0x0], $0xffff;
	_ =	sdelay $0x4  }
0x87: {  	v1 =	vmul.f32 v2, v3  }
0x88: {  	[tilespmem:s30+$0x5690] =	vst v2  }
0x89: {  	s17 =	spop (v2sf);
	v2 =	vld [tilespmem:s30+$0x1700];
	[tilespmem:s30+$0x5680] =	vst v1  }
0x8a: {  	v1 =	vld.msk [tilespmem:s17+$0x0 ss:$0x0], $0xffff;
	_ =	sdelay $0x4  }
0x8b: {  	v2 =	vmul.f32 v1, v2  }
0x8c: {  	[tilespmem:s30+$0x5710] =	vst v1  }
0x8d: {  	s17 =	spop (v2sf);
	v1 =	vld [tilespmem:s30+$0x1780];
	[tilespmem:s30+$0x5700] =	vst v2  }
0x8e: {  	v2 =	vld.msk [tilespmem:s17+$0x0 ss:$0x0], $0xffff;
	_ =	sdelay $0x4  }
0x8f: {  	s31 =	sshll.u32 s29, $0x9;
	s0 =	simm.s32 $0x2000;
	s28 =	smov.u32 s3;
	v1 =	vmul.f32 v2, v1;
	[tilespmem:s30+$0x5790] =	vst v2  }
.LBB2_6:
0x90: {  	p0 =	sne.s32 s0, $0xE000  }
0x91: {  	s28 =	sadd.s32 $0x10, s28;
	[tilespmem:s30+$0x5780] =	vst v1;
	s30 =	smov.u32 s0;
	s0 =	sadd.s32 $0x2000, s0  }
0x92: {  	v1 =	vld [tilespmem:s28+$0x0];
	_ =	sdelay $0x4  }
0x93: {  	v1 =	vadd.s32 $0x9000, v1  }
0x94: {  	(v2sf) =	vpush v1, $0x0;
	_ =	sdelay $0x8  }
0x95: {  	(v2sf) =	vpush v1, $0x1;
	_ =	sdelay $0x5  }
0x96: {  	s17 =	spop (v2sf)  }
0x97: {  	s30 =	sshra.s32 s30, $0x2;
	v2 =	vld.msk [tilespmem:s17+$0x0 ss:$0x0], $0xffff  }
0x98: {  	v3 =	vld [tilespmem:s30+$0x1000]  }
0x99: {  	(v2sf) =	vpush v1, $0x2;
	_ =	sdelay $0x3  }
0x9a: {  	v3 =	vmul.f32 v2, v3  }
0x9b: {  	[tilespmem:s30+$0x5010] =	vst v2  }
0x9c: {  	[tilespmem:s30+$0x5000] =	vst v3;
	s17 =	spop (v2sf)  }
0x9d: {  	v2 =	vld.msk [tilespmem:s17+$0x0 ss:$0x0], $0xffff  }
0x9e: {  	v3 =	vld [tilespmem:s30+$0x1080]  }
0x9f: {  	(v2sf) =	vpush v1, $0x3;
	_ =	sdelay $0x3  }
0xa0: {  	v3 =	vmul.f32 v2, v3  }
0xa1: {  	[tilespmem:s30+$0x5090] =	vst v2  }
0xa2: {  	[tilespmem:s30+$0x5080] =	vst v3;
	s17 =	spop (v2sf)  }
0xa3: {  	v2 =	vld.msk [tilespmem:s17+$0x0 ss:$0x0], $0xffff  }
0xa4: {  	v3 =	vld [tilespmem:s30+$0x1100]  }
0xa5: {  	(v2sf) =	vpush v1, $0x4;
	_ =	sdelay $0x3  }
0xa6: {  	v3 =	vmul.f32 v2, v3  }
0xa7: {  	[tilespmem:s30+$0x5110] =	vst v2  }
0xa8: {  	[tilespmem:s30+$0x5100] =	vst v3;
	s17 =	spop (v2sf)  }
0xa9: {  	v2 =	vld.msk [tilespmem:s17+$0x0 ss:$0x0], $0xffff  }
0xaa: {  	v3 =	vld [tilespmem:s30+$0x1180]  }
0xab: {  	(v2sf) =	vpush v1, $0x5;
	_ =	sdelay $0x3  }
0xac: {  	v3 =	vmul.f32 v2, v3  }
0xad: {  	[tilespmem:s30+$0x5190] =	vst v2  }
0xae: {  	[tilespmem:s30+$0x5180] =	vst v3;
	s17 =	spop (v2sf)  }
0xaf: {  	v2 =	vld.msk [tilespmem:s17+$0x0 ss:$0x0], $0xffff  }
0xb0: {  	v3 =	vld [tilespmem:s30+$0x1200]  }
0xb1: {  	(v2sf) =	vpush v1, $0x6;
	_ =	sdelay $0x3  }
0xb2: {  	v3 =	vmul.f32 v2, v3  }
0xb3: {  	[tilespmem:s30+$0x5210] =	vst v2  }
0xb4: {  	[tilespmem:s30+$0x5200] =	vst v3;
	s17 =	spop (v2sf)  }
0xb5: {  	v2 =	vld.msk [tilespmem:s17+$0x0 ss:$0x0], $0xffff  }
0xb6: {  	v3 =	vld [tilespmem:s30+$0x1280]  }
0xb7: {  	(v2sf) =	vpush v1, $0x7;
	_ =	sdelay $0x3  }
0xb8: {  	v3 =	vmul.f32 v2, v3  }
0xb9: {  	[tilespmem:s30+$0x5290] =	vst v2  }
0xba: {  	[tilespmem:s30+$0x5280] =	vst v3;
	s17 =	spop (v2sf)  }
0xbb: {  	v2 =	vld.msk [tilespmem:s17+$0x0 ss:$0x0], $0xffff  }
0xbc: {  	v3 =	vld [tilespmem:s30+$0x1300]  }
0xbd: {  	(v2sf) =	vpush v1, $0x8;
	_ =	sdelay $0x3  }
0xbe: {  	v3 =	vmul.f32 v2, v3  }
0xbf: {  	[tilespmem:s30+$0x5310] =	vst v2  }
0xc0: {  	[tilespmem:s30+$0x5300] =	vst v3;
	s17 =	spop (v2sf)  }
0xc1: {  	v2 =	vld.msk [tilespmem:s17+$0x0 ss:$0x0], $0xffff  }
0xc2: {  	v3 =	vld [tilespmem:s30+$0x1380]  }
0xc3: {  	(v2sf) =	vpush v1, $0x9;
	_ =	sdelay $0x3  }
0xc4: {  	v3 =	vmul.f32 v2, v3;
	[tilespmem:s30+$0x5390] =	vst v2;
	_ =	sdelay $0x1  }
0xc5: {  	[tilespmem:s30+$0x5380] =	vst v3;
	s17 =	spop (v2sf)  }
0xc6: {  	v2 =	vld.msk [tilespmem:s17+$0x0 ss:$0x0], $0xffff  }
0xc7: {  	v3 =	vld [tilespmem:s30+$0x1400]  }
0xc8: {  	(v2sf) =	vpush v1, $0xA;
	_ =	sdelay $0x3  }
0xc9: {  	v3 =	vmul.f32 v2, v3;
	[tilespmem:s30+$0x5410] =	vst v2;
	_ =	sdelay $0x1  }
0xca: {  	[tilespmem:s30+$0x5400] =	vst v3;
	s17 =	spop (v2sf)  }
0xcb: {  	v2 =	vld.msk [tilespmem:s17+$0x0 ss:$0x0], $0xffff  }
0xcc: {  	v3 =	vld [tilespmem:s30+$0x1480]  }
0xcd: {  	(v2sf) =	vpush v1, $0xB;
	_ =	sdelay $0x3  }
0xce: {  	v3 =	vmul.f32 v2, v3;
	[tilespmem:s30+$0x5490] =	vst v2;
	_ =	sdelay $0x1  }
0xcf: {  	[tilespmem:s30+$0x5480] =	vst v3;
	s17 =	spop (v2sf)  }
0xd0: {  	v2 =	vld.msk [tilespmem:s17+$0x0 ss:$0x0], $0xffff  }
0xd1: {  	v3 =	vld [tilespmem:s30+$0x1500]  }
0xd2: {  	(v2sf) =	vpush v1, $0xC;
	_ =	sdelay $0x3  }
0xd3: {  	v3 =	vmul.f32 v2, v3;
	[tilespmem:s30+$0x5510] =	vst v2;
	_ =	sdelay $0x1  }
0xd4: {  	[tilespmem:s30+$0x5500] =	vst v3;
	s17 =	spop (v2sf)  }
0xd5: {  	v2 =	vld.msk [tilespmem:s17+$0x0 ss:$0x0], $0xffff  }
0xd6: {  	v3 =	vld [tilespmem:s30+$0x1580]  }
0xd7: {  	(v2sf) =	vpush v1, $0xD;
	_ =	sdelay $0x3  }
0xd8: {  	v3 =	vmul.f32 v2, v3;
	[tilespmem:s30+$0x5590] =	vst v2;
	_ =	sdelay $0x1  }
0xd9: {  	[tilespmem:s30+$0x5580] =	vst v3;
	s17 =	spop (v2sf)  }
0xda: {  	v2 =	vld.msk [tilespmem:s17+$0x0 ss:$0x0], $0xffff  }
0xdb: {  	v3 =	vld [tilespmem:s30+$0x1600]  }
0xdc: {  	(v2sf) =	vpush v1, $0xE;
	_ =	sdelay $0x3  }
0xdd: {  	v3 =	vmul.f32 v2, v3;
	[tilespmem:s30+$0x5610] =	vst v2;
	_ =	sdelay $0x1  }
0xde: {  	[tilespmem:s30+$0x5600] =	vst v3;
	s17 =	spop (v2sf)  }
0xdf: {  	v2 =	vld.msk [tilespmem:s17+$0x0 ss:$0x0], $0xffff  }
0xe0: {  	v3 =	vld [tilespmem:s30+$0x1680]  }
0xe1: {  	(v2sf) =	vpush v1, $0xF;
	_ =	sdelay $0x3  }
0xe2: {  	v1 =	vmul.f32 v2, v3;
	[tilespmem:s30+$0x5690] =	vst v2;
	_ =	sdelay $0x1  }
0xe3: {  	[tilespmem:s30+$0x5680] =	vst v1;
	s17 =	spop (v2sf)  }
0xe4: {  	v1 =	vld.msk [tilespmem:s17+$0x0 ss:$0x0], $0xffff  }
0xe5: {  	v2 =	vld [tilespmem:s30+$0x1700];
	_ =	sdelay $0x4  }
0xe6: {  	v2 =	vmul.f32 v1, v2;
	[tilespmem:s30+$0x5710] =	vst v1;
	_ =	sdelay $0x1  }
0xe7: {  	[tilespmem:s30+$0x5700] =	vst v2;
	s17 =	spop (v2sf)  }
0xe8: {  	v2 =	vld.msk [tilespmem:s17+$0x0 ss:$0x0], $0xffff  }
0xe9: {  	v1 =	vld [tilespmem:s30+$0x1780]  }
.Ltmp1:
0xea: {  	(pc) =	sbr.rel @p0 .LBB2_6-.Ltmp1, $2  }
0xeb: {  	_ =	sdelay $0x2  }
0xec: {  	v1 =	vmul.f32 v2, v1;
	[tilespmem:s30+$0x5790] =	vst v2  }
0xed: {  	s29 =	sadd.s32 $0x1, s29  }
0xee: {  	s0 =	sshrl.u32 s31, $0x2;
	p0 =	sne.s32 s29, $0x10  }
.Ltmp2:
0xef: {  	[tilespmem:s30+$0x5780] =	vst v1;
	s0 =	sadd.s32 $0x800, s0;
	(pc) =	sbr.rel @p0 .LBB2_5-.Ltmp2, $4  }
0xf0: {  	[spmem:s1] =	stream.indirect.scatter.add.f32 [tilespmem:s19], [sflag:$0x1], $0x80, s0, s22, $0xb8;
	[tilespmem:$0x1F780] =	vst v63  }
0xf1: {  	_ =	swait.ge [sflag:s18], $0x4000  }
0xf2: {  	[sflag:s18] =	ssyncset.done $0x0  }
0xf3: {  	s3 =	sadd.s32 $0x80, s3;
	[sflag:s18] =	ssyncadd.s32 $0xFFFFC000  }
0xf4: {  	s25 =	sadd.s32 $0x1, s25  }
0xf5: {  	p0 =	sne.s32 s25, $0x5  }
.Ltmp3:
0xf6: {  	_ = 	snop;
	(pc) =	sbr.rel @p0 .LBB2_4-.Ltmp3, $1  }
0xf7: {  	_ =	sdelay $0x3  }
0xf8: {  	s23 =	sadd.s32 $0x1, s23  }
0xf9: {  	s0 =	sshll.u32 s2, $0x6;
	[bflag:$0x0] =	sbarrier.arrive $0xFFFF;
	p0 =	sne.s32 s23, s16  }
.Ltmp4:
0xfa: {  	s3 =	sshrl.u32 s8, $0x3;
	s0 =	sor.u32 $0x1C01, s0;
	(pc) =	sbr.rel @p0 .LBB2_1-.Ltmp4, $4  }
0xfb: {  	[hbm:s15], [sflag:s0] =	dma.local [spmem:s3], $0x2800  }
0xfc: {  	_ =	swait.ge [sflag:s18], $0x2800  }
0xfd: {  	[sflag:s18] =	ssyncset.done $0x0  }
0xfe: {  	[sflag:s18] =	ssyncadd.s32 $0xFFFFD800  }
0xff: {  	_ =	sfence.sel $0x180000  }
0x100: {  	[bflag:$0x0] =	sbarrier.arrive $0xFFFF  }
0x101: {  	_ =	strace $0x9000004A  }
0x102: {  	[bflag:$0x2] =	sbarrier.arrive $0xFFFF  }
0x103: {  	p0 =	sne.s32 s2, $0x0;
	s0 =	rddreg [dreg:$0x2]  }
0x104: {  	s0 =	sadd.s32 @!p0 $0x100000, s0  }
0x105: {  	[sflag:s0] =	ssyncadd.tile.s32 @!p0 $0x1;
	_ =	shalt  }
.Lfunc_end2:
_tile_overlayer_lowered:
.L_overlay_start_2:
0x106: {  	(tag) =	ssettag $0x2  }
0x107: {  	s0 =	rddreg [dreg:$0x0];
	s2 =	stileid.u32  }
0x108: {  	s1 =	rddreg [dreg:$0x1];
	p0 =	sne.s32 s2, $0x0  }
0x109: {  	s3 =	rddreg [dreg:$0x2];
	[bflag:$0x3] =	sbarrier.arrive $0xFFFF;
	s2 =	simm.s32 @!p0 $0x1C01  }
0x10a: {  	[timem:s3], [sflag:s2] =	dma.local @!p0 [hbm:s0], s1  }
0x10b: {  	s0 =	simm.s32 @!p0 $0x1  }
0x10c: {  	_ =	swait.ge @!p0 [sflag:s0], s1  }
0x10d: {  	s1 =	ssub.s32 @!p0 $0x0, s1;
	[sflag:s0] =	ssyncset.done @!p0 $0x0  }
0x10e: {  	[sflag:s0] =	ssyncadd.s32 @!p0 s1  }
0x10f: {  	[bflag:$0x3] =	sbarrier.arrive $0xFFFF  }
0x110: {  	_ =	shalt  }

// kernel: kernel.17.cloned.1.call-start
scs
__scs_entry_jumppad:
0x0: {  	(pc) =	sbr.rel $0x88, $3  }
0x1: {  	(tag) =	ssettag $0x0;
	lr =	simm.s32 $0x1  }
0x2: {  	[smem:$0x3F92] =	sst lr;
	_ =	strace $0xD0000000  }
0x3: {  	_ = 	snop  }
0x4: {  	_ = 	snop  }
0x5: {  	_ = 	snop  }
0x6: {  	_ = 	snop  }
0x7: {  	_ = 	snop  }
__scs_overlays_trampoline_lowered:
0x8: {  	[smem:$0x3FA1] =	sst s0  }
0x9: {  	[smem:$0x3FA2] =	sst s1  }
0xa: {  	[smem:$0x3FA3] =	sst s2  }
0xb: {  	[smem:$0x3FA4] =	sst s3  }
0xc: {  	[smem:$0x3FA5] =	sst s4  }
0xd: {  	[smem:$0x3FA6] =	sst s5  }
0xe: {  	[smem:$0x3FA7] =	sst s6  }
0xf: {  	[smem:$0x3FA8] =	sst s7  }
0x10: {  	[smem:$0x3FA9] =	sst s8  }
0x11: {  	[smem:$0x3FAA] =	sst s9;
	s0 =	simm.s32 @!p0 $0x0  }
0x12: {  	s1 =	sld [smem:$0x3F90];
	s0 =	simm.s32 @p0 $0x1  }
0x13: {  	[smem:$0x3FAB] =	sst s0;
	s0 =	simm.s32 @!p1 $0x0  }
0x14: {  	s2 =	sld [smem:$0x3F8F];
	s0 =	simm.s32 @p1 $0x1  }
0x15: {  	[smem:$0x3FAC] =	sst s0;
	s0 =	simm.s32 @!p2 $0x0  }
0x16: {  	s3 =	sld [smem:$0x3FDB];
	s0 =	simm.s32 @p2 $0x1  }
0x17: {  	s4 =	simm.s32 $0x1BF5;
	[smem:$0x3FAE] =	sst s0  }
0x18: {  	s0 =	sld [smem:$0x3F91];
	_ =	swait.ge [sflag:s4], $0x0  }
0x19: {  	s7 =	sld [smem:$0x3F92]  }
0x1a: {  	s8 =	sadd.s32 $0xFFFFE003, lr  }
0x1b: {  	s9 =	sadd.s32 $0xFFFFFEF7, lr;
	s5 =	simm.s32 $0xFFFFFFFF;
	p2 =	slt.u32 s8, $0xFFFFF086  }
0x1c: {  	p1 =	slt.u32 s9, $0xF7A;
	s5 =	simm.s32 @!p2 $0x0  }
0x1d: {  	s5 =	simm.s32 @p1 $0x1;
	p0 =	seq.s32 s7, s2  }
0x1e: {  	s7 =	smul.u32 @!p0 $0xF7A, s2;
	p2 =	seq.s32 @!p0 s5, $0x0  }
0x1f: {  	s9 =	smul.u32 $0xF7A, s1;
	s8 =	simm.s32 @!p0 $0x1BF5;
	p2 =	por !p2, p0  }
0x20: {  	[sflag:s8] =	ssyncset.s32 @!p0 $0xFFFFF086;
	s6 =	sadd.s32 @!p0 s3, s7;
	s7 =	simm.s32 @!p0 $0x108  }
0x21: {  	s3 =	sadd.s32 s3, s9;
	s6 =	sadd.s32 @!p0 $0x88, s6;
	s7 =	simm.s32 @p2 $0x1082  }
0x22: {  	[simem:s7], [sflag:s8] =	dma.local @!p0 [hbm:s6], $0xF7A  }
0x23: {  	s9 =	sor.u32 $0xD0000000, s2;
	s6 =	simm.s32 $0x108;
	_ =	swait.ge @!p0 [sflag:s8], $0x0  }
0x24: {  	s3 =	sadd.s32 $0x88, s3;
	s6 =	simm.s32 @!p1 $0x1082;
	[sflag:s4] =	ssyncset.s32 $0xFFFFF086  }
0x25: {  	[simem:s6], [sflag:s4] =	dma.local [hbm:s3], $0xF7A  }
0x26: {  	[smem:$0x3F92] =	sst s1;
	(tag) =	ssettag s2;
	_ =	strace s9  }
0x27: {  	s1 =	sld [smem:$0x3FA2]  }
0x28: {  	s2 =	sld [smem:$0x3FA3]  }
0x29: {  	s4 =	sld [smem:$0x3FA5]  }
0x2a: {  	p0 =	seq.s32 s5, $0x0;
	s5 =	sld [smem:$0x3FA6]  }
0x2b: {  	s6 =	sld [smem:$0x3FA7]  }
0x2c: {  	s7 =	sld [smem:$0x3FA8]  }
0x2d: {  	s3 =	simm.s32 $0x108;
	s8 =	sld [smem:$0x3FA9]  }
0x2e: {  	s3 =	simm.s32 @!p0 $0x1082;
	s9 =	sld [smem:$0x3FAA]  }
0x2f: {  	lr =	sadd.s32 s0, s3;
	s0 =	sld [smem:$0x3FA1]  }
0x30: {  	s3 =	sld [smem:$0x3FA4]  }
0x31: {  	[smem:$0x3FAD] =	sst s10  }
0x32: {  	s10 =	sld [smem:$0x3FAB];
	_ =	sdelay $0x3  }
0x33: {  	p0 =	seq.s32 s10, $0x1;
	s10 =	sld [smem:$0x3FAD];
	_ =	sdelay $0x3  }
0x34: {  	[smem:$0x3FAD] =	sst s10  }
0x35: {  	s10 =	sld [smem:$0x3FAC];
	_ =	sdelay $0x3  }
0x36: {  	p1 =	seq.s32 s10, $0x1;
	s10 =	sld [smem:$0x3FAD];
	_ =	sdelay $0x3  }
0x37: {  	[smem:$0x3FAD] =	sst s10  }
0x38: {  	s10 =	sld [smem:$0x3FAE]  }
0x39: {  	_ = 	snop;
	(pc) =	sbr.ind lr, $3  }
0x3a: {  	_ = 	snop  }
0x3b: {  	_ = 	snop  }
0x3c: {  	p2 =	seq.s32 s10, $0x1;
	s10 =	sld [smem:$0x3FAD]  }
0x3d: {  	_ =	shalt  }
0x3e: {  	_ =	shalt  }
0x3f: {  	_ =	shalt  }
0x40: {  	_ =	shalt  }
0x41: {  	_ =	shalt  }
0x42: {  	_ =	shalt  }
0x43: {  	_ =	shalt  }
0x44: {  	_ =	shalt  }
0x45: {  	_ =	shalt  }
0x46: {  	_ =	shalt  }
0x47: {  	_ =	shalt  }
0x48: {  	_ =	shalt  }
0x49: {  	_ =	shalt  }
0x4a: {  	_ =	shalt  }
0x4b: {  	_ =	shalt  }
0x4c: {  	_ =	shalt  }
0x4d: {  	_ =	shalt  }
0x4e: {  	_ =	shalt  }
0x4f: {  	_ =	shalt  }
0x50: {  	_ =	shalt  }
0x51: {  	_ =	shalt  }
0x52: {  	_ =	shalt  }
0x53: {  	_ =	shalt  }
0x54: {  	_ =	shalt  }
0x55: {  	_ =	shalt  }
0x56: {  	_ =	shalt  }
0x57: {  	_ =	shalt  }
0x58: {  	_ =	shalt  }
0x59: {  	_ =	shalt  }
0x5a: {  	_ =	shalt  }
0x5b: {  	_ =	shalt  }
0x5c: {  	_ =	shalt  }
0x5d: {  	_ =	shalt  }
0x5e: {  	_ =	shalt  }
0x5f: {  	_ =	shalt  }
0x60: {  	_ =	shalt  }
0x61: {  	_ =	shalt  }
0x62: {  	_ =	shalt  }
0x63: {  	_ =	shalt  }
0x64: {  	_ =	shalt  }
0x65: {  	_ =	shalt  }
0x66: {  	_ =	shalt  }
0x67: {  	_ =	shalt  }
0x68: {  	_ =	shalt  }
0x69: {  	_ =	shalt  }
0x6a: {  	_ =	shalt  }
0x6b: {  	_ =	shalt  }
0x6c: {  	_ =	shalt  }
0x6d: {  	_ =	shalt  }
0x6e: {  	_ =	shalt  }
0x6f: {  	_ =	shalt  }
0x70: {  	_ =	shalt  }
0x71: {  	_ =	shalt  }
0x72: {  	_ =	shalt  }
0x73: {  	_ =	shalt  }
0x74: {  	_ =	shalt  }
0x75: {  	_ =	shalt  }
0x76: {  	_ =	shalt  }
0x77: {  	_ =	shalt  }
0x78: {  	_ =	shalt  }
0x79: {  	_ =	shalt  }
0x7a: {  	_ =	shalt  }
0x7b: {  	_ =	shalt  }
0x7c: {  	_ =	shalt  }
0x7d: {  	_ =	shalt  }
0x7e: {  	_ =	shalt  }
0x7f: {  	_ =	shalt  }
0x80: {  	_ =	shalt  }
0x81: {  	_ =	shalt  }
0x82: {  	_ =	shalt  }
0x83: {  	_ =	shalt  }
0x84: {  	_ =	shalt  }
0x85: {  	_ =	shalt  }
0x86: {  	_ =	shalt  }
0x87: {  	_ =	shalt  }
.Lfunc_end0:
.L_simem_size_0:
called_computation.2_lowered:
.L_overlay_start_0:
0x88: {  	s2 =	sld [smem:$0x3FD9]  }
0x89: {  	s3 =	sld [smem:$0x3FFE];
	_ =	sdelay $0x1  }
0x8a: {  	s1 =	srdreg.scid  }
0x8b: {  	s0 =	sand.u32 $0x1, s1  }
0x8c: {  	s17 =	sshll.u32 s0, $0xA;
	s2 =	sadd.s32 s3, s2  }
0x8d: {  	s2 =	sadd.s32 s2, s17  }
0x8e: {  	[smem:$0x3FB9] =	sst s2  }
0x8f: {  	_ = 	snop  }
0x90: {  	s18 =	sld [smem:$0x3FD0];
	(tm) =	ssettm $0x1  }
0x91: {  	s19 =	sld [smem:$0x3FFB];
	_ =	sdelay $0x3  }
0x92: {  	_ =	strace s19  }
0x93: {  	s2 =	sld [smem:$0x3FFC];
	_ =	sdelay $0x3  }
0x94: {  	_ =	strace s2  }
0x95: {  	s2 =	sld [smem:$0x3FFD];
	_ =	sdelay $0x3  }
0x96: {  	_ =	strace s2  }
0x97: {  	_ =	strace $0x8FFFFFFF  }
0x98: {  	s20 =	sld [smem:$0x3FDB];
	_ =	sdelay $0x1  }
0x99: {  	s4 =	simm.s32 $_scs_section_size  }
0x9a: {  	s5 =	simm.s32 $_size__tile_overlayer_lowered;
	s6 =	simm.s32 $_tile_overlayer_lowered  }
0x9b: {  	s7 =	simm.s32 $0x1BFF;
	s21 =	sshll.u32 s6, $0x1;
	s4 =	sadd.s32 s4, s20  }
0x9c: {  	s22 =	simm.s32 $0x0;
	s5 =	sshll.u32 s5, $0x1;
	s6 =	sadd.s32 s21, s4  }
0x9d: {  	[timem:s22], [sflag:s7] =	dma.local [hbm:s6], s5  }
0x9e: {  	_ =	swait.ge [sflag:s7], s5  }
0x9f: {  	s5 =	ssub.s32 $0x0, s5;
	[sflag:s7] =	ssyncset.done $0x0  }
0xa0: {  	[sflag:s7] =	ssyncadd.s32 s5;
	_ =	sdelay $0x1  }
0xa1: {  	s23 =	simm.s32 $0x1B8B  }
0xa2: {  	_ =	swait.ge [sflag:s23], $0x1  }
0xa3: {  	[sflag:s23] =	ssyncset.done $0x0  }
0xa4: {  	[sflag:s23] =	ssyncadd.s32 $0xFFFFFFFF  }
0xa5: {  	s5 =	sld [smem:$0x0]  }
0xa6: {  	s6 =	sand.u32 $0xFFFFFFFE, s1  }
0xa7: {  	p0 =	sne.s32 s1, s6  }
0xa8: {  	s6 =	sshll.u32 @p0 s6, $0xE  }
0xa9: {  	s6 =	sadd.s32 @p0 $0x11B8D, s6;
	s7 =	sshll.u32 @p0 s5, $0x11  }
0xaa: {  	s6 =	sor.u32 @p0 s7, s6  }
0xab: {  	[sflag:s6] =	ssyncadd.remote.s32 @p0 $0x1;
	_ =	sdelay $0x1  }
0xac: {  	s6 =	simm.s32 @p0 $0x1B8D  }
0xad: {  	_ =	swait.eq @p0 [sflag:s6], $0x1  }
0xae: {  	[sflag:s6] =	ssyncadd.s32 @p0 $0xFFFFFFFF  }
0xaf: {  	s7 =	sshll.u32 @!p0 s1, $0xE  }
0xb0: {  	s7 =	sor.u32 @!p0 $0x4000, s7;
	s6 =	simm.s32 @!p0 $0x1B8D  }
0xb1: {  	s5 =	sshll.u32 @!p0 s5, $0x11;
	s7 =	sadd.s32 @!p0 $0x11B8D, s7;
	_ =	swait.eq @!p0 [sflag:s6], $0x1  }
0xb2: {  	s5 =	sor.u32 @!p0 s5, s7;
	[sflag:s6] =	ssyncadd.s32 @!p0 $0xFFFFFFFF  }
0xb3: {  	s25 =	simm.s32 $0x1B8E;
	s24 =	sld [smem:$0x3FFE];
	[sflag:s5] =	ssyncadd.remote.s32 @!p0 $0x1  }
0xb4: {  	s26 =	simm.s32 $execute0_lowered;
	[smem:$0x3FD2] =	sst s25  }
0xb5: {  	s6 =	sshll.u32 s26, $0x1;
	_ =	strace $0x8000004C;
	[dreg:$0x1] =	wrdreg $0xFFFFFFFF  }
0xb6: {  	s28 =	simm.s32 $_size_execute0_lowered;
	s4 =	sadd.s32 s4, s6;
	[dreg:$0x0] =	wrdreg $0x0  }
0xb7: {  	s6 =	sshll.u32 s28, $0x1;
	[dreg:$0x2] =	wrdreg s4  }
0xb8: {  	[dreg:$0x3] =	wrdreg s6  }
0xb9: {  	[dreg:$0x4] =	wrdreg $0xC0  }
0xba: {  	_ =	task [dreg:s22], $0x5FFFF  }
0xbb: {  	[dreg:$0x1] =	wrdreg $0xFFFFFFFF  }
0xbc: {  	[dreg:$0x0] =	wrdreg $0x60  }
0xbd: {  	[dreg:$0x2] =	wrdreg s24  }
0xbe: {  	[dreg:$0x3] =	wrdreg s18  }
0xbf: {  	[dreg:$0x4] =	wrdreg $0xB0000  }
0xc0: {  	[dreg:$0x5] =	wrdreg $0xA  }
0xc1: {  	_ =	task.clear_ibuf [dreg:s22], $0x6FFFF;
	_ =	strace $0x9000004C  }
0xc2: {  	s29 =	simm.s32 $0xA;
	_ =	strace $0x8000004E  }
0xc3: {  	_ =	swait.ge [sflag:s29], $0x1  }
0xc4: {  	[sflag:s29] =	ssyncadd.s32 $0xFFFFFFFF  }
0xc5: {  	_ =	strace $0x9000004E  }
0xc6: {  	_ =	sfence  }
0xc7: {  	s30 =	sld [smem:$0x0];
	_ =	sdelay $0x2  }
0xc8: {  	s31 =	sshll.u32 s1, $0xD;
	s1 =	sshrl.u32 s1, $0x2  }
0xc9: {  	s4 =	sand.u32 $0x4000, s31;
	s1 =	sadd.s32 s1, s30  }
0xca: {  	s0 =	sor.u32 s4, s0;
	s1 =	sshll.u32 s1, $0x11  }
0xcb: {  	s0 =	sor.u32 s1, s0  }
0xcc: {  	s0 =	sadd.s32 $0x8F2B, s0  }
0xcd: {  	[sflag:s0] =	ssyncadd.remote.s32 $0x1  }
0xce: {  	_ =	sfence.sel $0xFFFF  }
0xcf: {  	[dreg:$0x0] =	wrdreg $0xFFFFFFFF;
	(pc) =	sbr.abs _section_cstart, $3  }
0xd0: {  	[dreg:$0x1] =	wrdreg $0xFFFFFFFF  }
0xd1: {  	_ =	task.clear_ibuf [dreg:s22], $0x2FFFF;
	_ =	strace $0x9FFFFFFF  }
0xd2: {  	(tm) =	ssettm $0x7FFFFFFF  }
0xd3: {  	_ =	shalt  }
tec
execute0_lowered:
.L_overlay_start_1:
0x0: {  	(tag) =	ssettag $0x1  }
0x1: {  	s6 =	rddreg [dreg:$0x0]  }
0x2: {  	s2 =	rddreg [dreg:$0x1]  }
0x3: {  	s0 =	srdreg.scid;
	s3 =	rddreg [dreg:$0x2];
	s4 =	simm.s32 $0x0  }
0x4: {  	s23 =	simm.s32 $0x2880;
	s24 =	simm.s32 $0x2900;
	s5 =	sand.u32 $0x1, s0  }
0x5: {  	s25 =	simm.s32 $0x2980;
	s0 =	stileid.u32;
	s1 =	sshll.u32 s5, $0x4  }
0x6: {  	s26 =	simm.s32 $0x2A00;
	[smem:$0x7FF] =	sst s4;
	s1 =	sor.u32 s0, s1  }
0x7: {  	s28 =	simm.s32 $0x2A80;
	s7 =	smul.u32 $0x2800, s1;
	s1 =	rddreg [dreg:$0x3]  }
0x8: {  	s15 =	simm.s32 $0x2B00;
	_ =	strace $0x8000004D;
	[dreg:$0x4] =	wrdreg s23  }
0x9: {  	s29 =	simm.s32 $0x2B80;
	s30 =	simm.s32 $0x2C00;
	[dreg:$0x5] =	wrdreg s24  }
0xa: {  	s31 =	simm.s32 $0x2C80;
	s8 =	smul.u32 $0x28000, s5;
	[dreg:$0x6] =	wrdreg s25  }
0xb: {  	s16 =	simm.s32 $0x2D00;
	s9 =	smul.u32 $0x2800, s0;
	[dreg:$0x7] =	wrdreg s26  }
0xc: {  	s17 =	simm.s32 $0x2D80;
	s10 =	smul.u32 $0x140000, s5;
	[dreg:$0x8] =	wrdreg s28  }
0xd: {  	s18 =	simm.s32 $0x2E00;
	s11 =	smul.u32 $0x14000, s0;
	[dreg:$0x9] =	wrdreg s15  }
0xe: {  	s5 =	ssub.s32 $0x2, s5;
	s21 =	smul.u32 $0x50000, s0;
	[dreg:$0xa] =	wrdreg s29  }
0xf: {  	s20 =	sshrl.u32 s5, $0x1;
	s8 =	sadd.s32 s9, s8;
	[dreg:$0xb] =	wrdreg s30  }
0x10: {  	s19 =	sadd.s32 s11, s10;
	s14 =	ssub.s32 s5, s20;
	[dreg:$0xc] =	wrdreg s31  }
0x11: {  	s22 =	sshrl.u32 s21, $0x2;
	s15 =	simm.s32 $0x3000;
	[dreg:$0xd] =	wrdreg s16  }
0x12: {  	s16 =	simm.s32 $0x80;
	[dreg:$0xe] =	wrdreg s17;
	s17 =	simm.s32 $0x2800  }
0x13: {  	[dreg:$0xf] =	wrdreg s18;
	s18 =	simm.s32 $0x7000;
	s20 =	simm.s32 $0x2F00  }
0x14: {  	s21 =	simm.s32 $0x2F80;
	s8 =	sshrl.u32 s8, $0x3;
	s9 =	sshrl.u32 s19, $0x3  }
0x15: {  	s19 =	simm.s32 $0x2E80;
	[dreg:$0x11] =	wrdreg s20;
	s20 =	simm.s32 $0x2  }
0x16: {  	[dreg:$0x12] =	wrdreg s21;
	s21 =	simm.s32 $0x0;
	s7 =	sshrl.u32 s7, $0x3  }
0x17: {  	s13 =	sadd.s32 s8, s6;
	s12 =	sadd.s32 s9, s6;
	[dreg:$0x10] =	wrdreg s19  }
0x18: {  	s19 =	simm.s32 $0x1;
	s7 =	sadd.s32 s7, s6;
	s6 =	sadd.s32 s22, s3  }
0x19: {  	s11 =	sadd.s32 $0x87800, s12;
	s12 =	smax.u32 s14, $0x1;
	s13 =	sadd.s32 $0x5200, s13  }
0x1a: {  	s14 =	simm.s32 $0x3;
	s5 =	sadd.s32 $0x541200, s7;
	s7 =	sadd.s32 $0x4000, s6  }
0x1b: {  	v0 =	vimm.f32 $0.0e+00;
	s8 =	sadd.s32 $0x8000, s6;
	s9 =	sadd.s32 $0xC000, s6;
	s10 =	sadd.s32 $0x10000, s6  }
.LBB2_1:
0x1c: {  	[tilespmem:s4], [sflag:$0x3] =	stream.linear.gather [hbm4b:s5+s4], $0x2800, $0x38;
	[tilespmem:$0x1F000] =	vst v63  }
0x1d: {  	_ =	swait.ge [sflag:s14], $0x2800  }
0x1e: {  	[sflag:s14] =	ssyncset.done $0x0  }
0x1f: {  	s22 =	simm.s32 $0x0;
	s23 =	simm.s32 $0x200;
	[sflag:s14] =	ssyncadd.s32 $0xFFFFD800  }
.LBB2_2:
0x20: {  	p0 =	sne.s32 s23, $0xFE00;
	[tilespmem:s22+$0x3070] =	vst v0  }
0x21: {  	[tilespmem:s22+$0x3000] =	vst v0  }
0x22: {  	[tilespmem:s22+$0x3010] =	vst v0  }
.Ltmp0:
0x23: {  	[tilespmem:s22+$0x3020] =	vst v0;
	(pc) =	sbr.rel @p0 .LBB2_2-.Ltmp0, $4  }
0x24: {  	[tilespmem:s22+$0x3030] =	vst v0  }
0x25: {  	[tilespmem:s22+$0x3040] =	vst v0  }
0x26: {  	[tilespmem:s22+$0x3050] =	vst v0  }
0x27: {  	[tilespmem:s22+$0x3060] =	vst v0;
	s22 =	sshra.s32 s23, $0x2;
	s23 =	sadd.s32 $0x200, s23  }
0x28: {  	[tilespmem:s22+$0x3070] =	vst v0  }
0x29: {  	[tilespmem:s22+$0x3000] =	vst v0  }
0x2a: {  	[tilespmem:s22+$0x3010] =	vst v0  }
0x2b: {  	[tilespmem:s22+$0x3020] =	vst v0  }
0x2c: {  	[tilespmem:s22+$0x3030] =	vst v0  }
0x2d: {  	[tilespmem:s22+$0x3040] =	vst v0  }
0x2e: {  	[tilespmem:s22+$0x3050] =	vst v0  }
0x2f: {  	[tilespmem:s22+$0x3060] =	vst v0  }
0x30: {  	[spmem:s6] =	stream.linear.scatter [tilespmem:s15], [sflag:$0x3], $0x4000, $0x38;
	[tilespmem:$0x1F000] =	vst v63  }
0x31: {  	_ =	swait.ge [sflag:s14], $0x4000  }
0x32: {  	[sflag:s14] =	ssyncset.done $0x0  }
0x33: {  	[sflag:s14] =	ssyncadd.s32 $0xFFFFC000  }
0x34: {  	[spmem:s7] =	stream.linear.scatter [tilespmem:s15], [sflag:$0x3], $0x4000, $0x38;
	[tilespmem:$0x1F000] =	vst v63  }
0x35: {  	_ =	swait.ge [sflag:s14], $0x4000  }
0x36: {  	[sflag:s14] =	ssyncset.done $0x0  }
0x37: {  	[sflag:s14] =	ssyncadd.s32 $0xFFFFC000  }
0x38: {  	[spmem:s8] =	stream.linear.scatter [tilespmem:s15], [sflag:$0x3], $0x4000, $0x38;
	[tilespmem:$0x1F000] =	vst v63  }
0x39: {  	_ =	swait.ge [sflag:s14], $0x4000  }
0x3a: {  	[sflag:s14] =	ssyncset.done $0x0  }
0x3b: {  	[sflag:s14] =	ssyncadd.s32 $0xFFFFC000  }
0x3c: {  	[spmem:s9] =	stream.linear.scatter [tilespmem:s15], [sflag:$0x3], $0x4000, $0x38;
	[tilespmem:$0x1F000] =	vst v63  }
0x3d: {  	_ =	swait.ge [sflag:s14], $0x4000  }
0x3e: {  	[sflag:s14] =	ssyncset.done $0x0  }
0x3f: {  	[sflag:s14] =	ssyncadd.s32 $0xFFFFC000  }
0x40: {  	[spmem:s10] =	stream.linear.scatter [tilespmem:s15], [sflag:$0x3], $0x4000, $0x38;
	[tilespmem:$0x1F000] =	vst v63  }
0x41: {  	_ =	swait.ge [sflag:s14], $0x4000  }
0x42: {  	[sflag:s14] =	ssyncset.done $0x0  }
0x43: {  	[sflag:s14] =	ssyncadd.s32 $0xFFFFC000  }
0x44: {  	s23 =	simm.s32 $0x0;
	[bflag:$0x0] =	sbarrier.arrive $0xFFFF  }
0x45: {  	[tilespmem:s15], [sflag:$0x1] =	stream.indirect.gather [hbm4b:s2+s16], $0x80, s23, s16, $0xb8;
	[tilespmem:$0x1F000] =	vst v63  }
0x46: {  	_ = 	snop  }
0x47: {  	[tilespmem:s17], [sflag:$0x3] =	stream.linear.gather [hbm4b:s13+s4], $0x800, $0x38;
	[tilespmem:$0x1F000] =	vst v63  }
0x48: {  	_ =	swait.ge [sflag:s14], $0x800  }
0x49: {  	[sflag:s14] =	ssyncset.done $0x0  }
0x4a: {  	s24 =	simm.s32 $0x80;
	[sflag:s14] =	ssyncadd.s32 $0xFFFFF800  }
0x4b: {  	[tilespmem:s18], [sflag:$0x2] =	stream.indirect.gather [hbm4b:s2+s16], $0x80, s24, s16, $0xb8;
	[tilespmem:$0x1F000] =	vst v63  }
0x4c: {  	_ =	swait.ge [sflag:s19], $0x4000  }
0x4d: {  	[sflag:s19] =	ssyncset.done $0x0  }
0x4e: {  	[sflag:s19] =	ssyncadd.s32 $0xFFFFC000  }
0x4f: {  	[spmem:s3] =	stream.indirect.scatter.add.f32 [tilespmem:s15], [sflag:$0x3], $0x80, s17, s16, $0xb8;
	[tilespmem:$0x1F000] =	vst v63  }
0x50: {  	_ =	swait.ge [sflag:s14], $0x4000  }
0x51: {  	[sflag:s14] =	ssyncset.done $0x0  }
0x52: {  	s25 =	simm.s32 $0x100;
	[sflag:s14] =	ssyncadd.s32 $0xFFFFC000  }
0x53: {  	[tilespmem:s15], [sflag:$0x1] =	stream.indirect.gather [hbm4b:s2+s16], $0x80, s25, s16, $0xb8;
	[tilespmem:$0x1F000] =	vst v63  }
0x54: {  	_ =	swait.ge [sflag:s20], $0x4000  }
0x55: {  	[sflag:s20] =	ssyncset.done $0x0  }
0x56: {  	s26 =	rddreg [dreg:$0x4];
	[sflag:s20] =	ssyncadd.s32 $0xFFFFC000  }
0x57: {  	[spmem:s3] =	stream.indirect.scatter.add.f32 [tilespmem:s18], [sflag:$0x3], $0x80, s26, s16, $0xb8;
	[tilespmem:$0x1F000] =	vst v63  }
0x58: {  	_ =	swait.ge [sflag:s14], $0x4000  }
0x59: {  	[sflag:s14] =	ssyncset.done $0x0  }
0x5a: {  	s28 =	simm.s32 $0x180;
	[sflag:s14] =	ssyncadd.s32 $0xFFFFC000  }
0x5b: {  	[tilespmem:s18], [sflag:$0x2] =	stream.indirect.gather [hbm4b:s2+s16], $0x80, s28, s16, $0xb8;
	[tilespmem:$0x1F000] =	vst v63  }
0x5c: {  	_ =	swait.ge [sflag:s19], $0x4000  }
0x5d: {  	[sflag:s19] =	ssyncset.done $0x0  }
0x5e: {  	s29 =	rddreg [dreg:$0x5];
	[sflag:s19] =	ssyncadd.s32 $0xFFFFC000  }
0x5f: {  	[spmem:s3] =	stream.indirect.scatter.add.f32 [tilespmem:s15], [sflag:$0x3], $0x80, s29, s16, $0xb8;
	[tilespmem:$0x1F000] =	vst v63  }
0x60: {  	_ =	swait.ge [sflag:s14], $0x4000  }
0x61: {  	[sflag:s14] =	ssyncset.done $0x0  }
0x62: {  	s30 =	simm.s32 $0x200;
	[sflag:s14] =	ssyncadd.s32 $0xFFFFC000  }
0x63: {  	[tilespmem:s15], [sflag:$0x1] =	stream.indirect.gather [hbm4b:s2+s16], $0x80, s30, s16, $0xb8;
	[tilespmem:$0x1F000] =	vst v63  }
0x64: {  	_ =	swait.ge [sflag:s20], $0x4000  }
0x65: {  	[sflag:s20] =	ssyncset.done $0x0  }
0x66: {  	s31 =	rddreg [dreg:$0x6];
	[sflag:s20] =	ssyncadd.s32 $0xFFFFC000  }
0x67: {  	[spmem:s3] =	stream.indirect.scatter.add.f32 [tilespmem:s18], [sflag:$0x3], $0x80, s31, s16, $0xb8;
	[tilespmem:$0x1F000] =	vst v63  }
0x68: {  	_ =	swait.ge [sflag:s14], $0x4000  }
0x69: {  	[sflag:s14] =	ssyncset.done $0x0  }
0x6a: {  	s23 =	simm.s32 $0x280;
	[sflag:s14] =	ssyncadd.s32 $0xFFFFC000  }
0x6b: {  	[tilespmem:s18], [sflag:$0x2] =	stream.indirect.gather [hbm4b:s2+s16], $0x80, s23, s16, $0xb8;
	[tilespmem:$0x1F000] =	vst v63  }
0x6c: {  	_ =	swait.ge [sflag:s19], $0x4000  }
0x6d: {  	[sflag:s19] =	ssyncset.done $0x0  }
0x6e: {  	s24 =	rddreg [dreg:$0x7];
	[sflag:s19] =	ssyncadd.s32 $0xFFFFC000  }
0x6f: {  	[spmem:s3] =	stream.indirect.scatter.add.f32 [tilespmem:s15], [sflag:$0x3], $0x80, s24, s16, $0xb8;
	[tilespmem:$0x1F000] =	vst v63  }
0x70: {  	_ =	swait.ge [sflag:s14], $0x4000  }
0x71: {  	[sflag:s14] =	ssyncset.done $0x0  }
0x72: {  	s25 =	simm.s32 $0x300;
	[sflag:s14] =	ssyncadd.s32 $0xFFFFC000  }
0x73: {  	[tilespmem:s15], [sflag:$0x1] =	stream.indirect.gather [hbm4b:s2+s16], $0x80, s25, s16, $0xb8;
	[tilespmem:$0x1F000] =	vst v63  }
0x74: {  	_ =	swait.ge [sflag:s20], $0x4000  }
0x75: {  	[sflag:s20] =	ssyncset.done $0x0  }
0x76: {  	s26 =	rddreg [dreg:$0x8];
	[sflag:s20] =	ssyncadd.s32 $0xFFFFC000  }
0x77: {  	[spmem:s3] =	stream.indirect.scatter.add.f32 [tilespmem:s18], [sflag:$0x3], $0x80, s26, s16, $0xb8;
	[tilespmem:$0x1F000] =	vst v63  }
0x78: {  	_ =	swait.ge [sflag:s14], $0x4000  }
0x79: {  	[sflag:s14] =	ssyncset.done $0x0  }
0x7a: {  	s28 =	simm.s32 $0x380;
	[sflag:s14] =	ssyncadd.s32 $0xFFFFC000  }
0x7b: {  	[tilespmem:s18], [sflag:$0x2] =	stream.indirect.gather [hbm4b:s2+s16], $0x80, s28, s16, $0xb8;
	[tilespmem:$0x1F000] =	vst v63  }
0x7c: {  	_ =	swait.ge [sflag:s19], $0x4000  }
0x7d: {  	[sflag:s19] =	ssyncset.done $0x0  }
0x7e: {  	s29 =	rddreg [dreg:$0x9];
	[sflag:s19] =	ssyncadd.s32 $0xFFFFC000  }
0x7f: {  	[spmem:s3] =	stream.indirect.scatter.add.f32 [tilespmem:s15], [sflag:$0x3], $0x80, s29, s16, $0xb8;
	[tilespmem:$0x1F000] =	vst v63  }
0x80: {  	_ =	swait.ge [sflag:s14], $0x4000  }
0x81: {  	[sflag:s14] =	ssyncset.done $0x0  }
0x82: {  	s30 =	simm.s32 $0x400;
	[sflag:s14] =	ssyncadd.s32 $0xFFFFC000  }
0x83: {  	[tilespmem:s15], [sflag:$0x1] =	stream.indirect.gather [hbm4b:s2+s16], $0x80, s30, s16, $0xb8;
	[tilespmem:$0x1F000] =	vst v63  }
0x84: {  	_ =	swait.ge [sflag:s20], $0x4000  }
0x85: {  	[sflag:s20] =	ssyncset.done $0x0  }
0x86: {  	s31 =	rddreg [dreg:$0xa];
	[sflag:s20] =	ssyncadd.s32 $0xFFFFC000  }
0x87: {  	[spmem:s3] =	stream.indirect.scatter.add.f32 [tilespmem:s18], [sflag:$0x3], $0x80, s31, s16, $0xb8;
	[tilespmem:$0x1F000] =	vst v63  }
0x88: {  	_ =	swait.ge [sflag:s14], $0x4000  }
0x89: {  	[sflag:s14] =	ssyncset.done $0x0  }
0x8a: {  	s23 =	simm.s32 $0x480;
	[sflag:s14] =	ssyncadd.s32 $0xFFFFC000  }
0x8b: {  	[tilespmem:s18], [sflag:$0x2] =	stream.indirect.gather [hbm4b:s2+s16], $0x80, s23, s16, $0xb8;
	[tilespmem:$0x1F000] =	vst v63  }
0x8c: {  	_ =	swait.ge [sflag:s19], $0x4000  }
0x8d: {  	[sflag:s19] =	ssyncset.done $0x0  }
0x8e: {  	s24 =	rddreg [dreg:$0xb];
	[sflag:s19] =	ssyncadd.s32 $0xFFFFC000  }
0x8f: {  	[spmem:s3] =	stream.indirect.scatter.add.f32 [tilespmem:s15], [sflag:$0x3], $0x80, s24, s16, $0xb8;
	[tilespmem:$0x1F000] =	vst v63  }
0x90: {  	_ =	swait.ge [sflag:s14], $0x4000  }
0x91: {  	[sflag:s14] =	ssyncset.done $0x0  }
0x92: {  	s25 =	simm.s32 $0x500;
	[sflag:s14] =	ssyncadd.s32 $0xFFFFC000  }
0x93: {  	[tilespmem:s15], [sflag:$0x1] =	stream.indirect.gather [hbm4b:s2+s16], $0x80, s25, s16, $0xb8;
	[tilespmem:$0x1F000] =	vst v63  }
0x94: {  	_ =	swait.ge [sflag:s20], $0x4000  }
0x95: {  	[sflag:s20] =	ssyncset.done $0x0  }
0x96: {  	s26 =	rddreg [dreg:$0xc];
	[sflag:s20] =	ssyncadd.s32 $0xFFFFC000  }
0x97: {  	[spmem:s3] =	stream.indirect.scatter.add.f32 [tilespmem:s18], [sflag:$0x3], $0x80, s26, s16, $0xb8;
	[tilespmem:$0x1F000] =	vst v63  }
0x98: {  	_ =	swait.ge [sflag:s14], $0x4000  }
0x99: {  	[sflag:s14] =	ssyncset.done $0x0  }
0x9a: {  	s28 =	simm.s32 $0x580;
	[sflag:s14] =	ssyncadd.s32 $0xFFFFC000  }
0x9b: {  	[tilespmem:s18], [sflag:$0x2] =	stream.indirect.gather [hbm4b:s2+s16], $0x80, s28, s16, $0xb8;
	[tilespmem:$0x1F000] =	vst v63  }
0x9c: {  	_ =	swait.ge [sflag:s19], $0x4000  }
0x9d: {  	[sflag:s19] =	ssyncset.done $0x0  }
0x9e: {  	s29 =	rddreg [dreg:$0xd];
	[sflag:s19] =	ssyncadd.s32 $0xFFFFC000  }
0x9f: {  	[spmem:s3] =	stream.indirect.scatter.add.f32 [tilespmem:s15], [sflag:$0x3], $0x80, s29, s16, $0xb8;
	[tilespmem:$0x1F000] =	vst v63  }
0xa0: {  	_ =	swait.ge [sflag:s14], $0x4000  }
0xa1: {  	[sflag:s14] =	ssyncset.done $0x0  }
0xa2: {  	s30 =	simm.s32 $0x600;
	[sflag:s14] =	ssyncadd.s32 $0xFFFFC000  }
0xa3: {  	[tilespmem:s15], [sflag:$0x1] =	stream.indirect.gather [hbm4b:s2+s16], $0x80, s30, s16, $0xb8;
	[tilespmem:$0x1F000] =	vst v63  }
0xa4: {  	_ =	swait.ge [sflag:s20], $0x4000  }
0xa5: {  	[sflag:s20] =	ssyncset.done $0x0  }
0xa6: {  	s31 =	rddreg [dreg:$0xe];
	[sflag:s20] =	ssyncadd.s32 $0xFFFFC000  }
0xa7: {  	[spmem:s3] =	stream.indirect.scatter.add.f32 [tilespmem:s18], [sflag:$0x3], $0x80, s31, s16, $0xb8;
	[tilespmem:$0x1F000] =	vst v63  }
0xa8: {  	_ =	swait.ge [sflag:s14], $0x4000  }
0xa9: {  	[sflag:s14] =	ssyncset.done $0x0  }
0xaa: {  	s23 =	simm.s32 $0x680;
	[sflag:s14] =	ssyncadd.s32 $0xFFFFC000  }
0xab: {  	[tilespmem:s18], [sflag:$0x2] =	stream.indirect.gather [hbm4b:s2+s16], $0x80, s23, s16, $0xb8;
	[tilespmem:$0x1F000] =	vst v63  }
0xac: {  	_ =	swait.ge [sflag:s19], $0x4000  }
0xad: {  	[sflag:s19] =	ssyncset.done $0x0  }
0xae: {  	s24 =	rddreg [dreg:$0xf];
	[sflag:s19] =	ssyncadd.s32 $0xFFFFC000  }
0xaf: {  	[spmem:s3] =	stream.indirect.scatter.add.f32 [tilespmem:s15], [sflag:$0x3], $0x80, s24, s16, $0xb8;
	[tilespmem:$0x1F000] =	vst v63  }
0xb0: {  	_ =	swait.ge [sflag:s14], $0x4000  }
0xb1: {  	[sflag:s14] =	ssyncset.done $0x0  }
0xb2: {  	s25 =	simm.s32 $0x700;
	[sflag:s14] =	ssyncadd.s32 $0xFFFFC000  }
0xb3: {  	[tilespmem:s15], [sflag:$0x1] =	stream.indirect.gather [hbm4b:s2+s16], $0x80, s25, s16, $0xb8;
	[tilespmem:$0x1F000] =	vst v63  }
0xb4: {  	_ =	swait.ge [sflag:s20], $0x4000  }
0xb5: {  	[sflag:s20] =	ssyncset.done $0x0  }
0xb6: {  	s26 =	rddreg [dreg:$0x10];
	[sflag:s20] =	ssyncadd.s32 $0xFFFFC000  }
0xb7: {  	[spmem:s3] =	stream.indirect.scatter.add.f32 [tilespmem:s18], [sflag:$0x3], $0x80, s26, s16, $0xb8;
	[tilespmem:$0x1F000] =	vst v63  }
0xb8: {  	_ =	swait.ge [sflag:s14], $0x4000  }
0xb9: {  	[sflag:s14] =	ssyncset.done $0x0  }
0xba: {  	s28 =	simm.s32 $0x780;
	[sflag:s14] =	ssyncadd.s32 $0xFFFFC000  }
0xbb: {  	[tilespmem:s18], [sflag:$0x2] =	stream.indirect.gather [hbm4b:s2+s16], $0x80, s28, s16, $0xb8;
	[tilespmem:$0x1F000] =	vst v63  }
0xbc: {  	_ =	swait.ge [sflag:s19], $0x4000  }
0xbd: {  	p0 =	por $0x1, $0x1;
	s23 =	simm.s32 $0xE;
	[sflag:s19] =	ssyncset.done $0x0  }
0xbe: {  	s23 =	simm.s32 @!p0 $0x4D;
	s29 =	rddreg [dreg:$0x11];
	[sflag:s19] =	ssyncadd.s32 $0xFFFFC000  }
0xbf: {  	[spmem:s3] =	stream.indirect.scatter.add.f32 [tilespmem:s15], [sflag:$0x3], $0x80, s29, s16, $0xb8;
	[tilespmem:$0x1F000] =	vst v63  }
0xc0: {  	s30 =	sshll.u32 s23, $0x7;
	_ =	swait.ge [sflag:s14], $0x4000  }
0xc1: {  	s22 =	sand.u32 $0x3FFFFF80, s30;
	[sflag:s14] =	ssyncset.done $0x0  }
0xc2: {  	s22 =	sadd.s32 $0x100, s22;
	[sflag:s14] =	ssyncadd.s32 $0xFFFFC000  }
0xc3: {  	[tilespmem:s15], [sflag:$0x1] =	stream.indirect.gather [hbm4b:s2+s16], $0x80, s22, s16, $0xb8;
	[tilespmem:$0x1F000] =	vst v63  }
0xc4: {  	_ =	swait.ge [sflag:s20], $0x4000  }
0xc5: {  	[sflag:s20] =	ssyncset.done $0x0  }
0xc6: {  	s23 =	simm.s32 $0x2000;
	s31 =	rddreg [dreg:$0x12];
	[sflag:s20] =	ssyncadd.s32 $0xFFFFC000  }
0xc7: {  	[spmem:s3] =	stream.indirect.scatter.add.f32 [tilespmem:s18], [sflag:$0x3], $0x80, s31, s16, $0xb8;
	[tilespmem:$0x1F000] =	vst v63  }
0xc8: {  	s24 =	smov.u32 s13;
	s22 =	simm.s32 $0xE;
	_ =	swait.ge [sflag:s14], $0x4000  }
.LBB2_4:
0xc9: {  	[sflag:s14] =	ssyncset.done $0x0  }
0xca: {  	s24 =	sadd.s32 $0x100, s24;
	[sflag:s14] =	ssyncadd.s32 $0xFFFFC000  }
0xcb: {  	[tilespmem:s17], [sflag:$0x3] =	stream.linear.gather [hbm4b:s24+s4], $0x800, $0x38;
	[tilespmem:$0x1F000] =	vst v63  }
0xcc: {  	s25 =	smov.u32 s23;
	_ =	swait.ge [sflag:s14], $0x800  }
0xcd: {  	s25 =	sshra.s32 s25, $0x2;
	[sflag:s14] =	ssyncset.done $0x0  }
0xce: {  	s26 =	sadd.s32 $0x80, s25;
	[sflag:s14] =	ssyncadd.s32 $0xFFFFF800  }
0xcf: {  	[tilespmem:s18], [sflag:$0x2] =	stream.indirect.gather [hbm4b:s2+s16], $0x80, s26, s16, $0xb8;
	[tilespmem:$0x1F000] =	vst v63  }
0xd0: {  	_ =	swait.ge [sflag:s19], $0x4000  }
0xd1: {  	[sflag:s19] =	ssyncset.done $0x0  }
0xd2: {  	[sflag:s19] =	ssyncadd.s32 $0xFFFFC000  }
0xd3: {  	[spmem:s3] =	stream.indirect.scatter.add.f32 [tilespmem:s15], [sflag:$0x3], $0x80, s17, s16, $0xb8;
	[tilespmem:$0x1F000] =	vst v63  }
0xd4: {  	_ =	swait.ge [sflag:s14], $0x4000  }
0xd5: {  	[sflag:s14] =	ssyncset.done $0x0  }
0xd6: {  	s31 =	sadd.s32 $0x100, s25;
	[sflag:s14] =	ssyncadd.s32 $0xFFFFC000  }
0xd7: {  	[tilespmem:s15], [sflag:$0x1] =	stream.indirect.gather [hbm4b:s2+s16], $0x80, s31, s16, $0xb8;
	[tilespmem:$0x1F000] =	vst v63  }
0xd8: {  	_ =	swait.ge [sflag:s20], $0x4000  }
0xd9: {  	[sflag:s20] =	ssyncset.done $0x0  }
0xda: {  	s28 =	rddreg [dreg:$0x4];
	[sflag:s20] =	ssyncadd.s32 $0xFFFFC000  }
0xdb: {  	[spmem:s3] =	stream.indirect.scatter.add.f32 [tilespmem:s18], [sflag:$0x3], $0x80, s28, s16, $0xb8;
	[tilespmem:$0x1F000] =	vst v63  }
0xdc: {  	_ =	swait.ge [sflag:s14], $0x4000  }
0xdd: {  	[sflag:s14] =	ssyncset.done $0x0  }
0xde: {  	s29 =	sadd.s32 $0x180, s25;
	[sflag:s14] =	ssyncadd.s32 $0xFFFFC000  }
0xdf: {  	[tilespmem:s18], [sflag:$0x2] =	stream.indirect.gather [hbm4b:s2+s16], $0x80, s29, s16, $0xb8;
	[tilespmem:$0x1F000] =	vst v63  }
0xe0: {  	_ =	swait.ge [sflag:s19], $0x4000  }
0xe1: {  	[sflag:s19] =	ssyncset.done $0x0  }
0xe2: {  	s30 =	rddreg [dreg:$0x5];
	[sflag:s19] =	ssyncadd.s32 $0xFFFFC000  }
0xe3: {  	[spmem:s3] =	stream.indirect.scatter.add.f32 [tilespmem:s15], [sflag:$0x3], $0x80, s30, s16, $0xb8;
	[tilespmem:$0x1F000] =	vst v63  }
0xe4: {  	_ =	swait.ge [sflag:s14], $0x4000  }
0xe5: {  	[sflag:s14] =	ssyncset.done $0x0  }
0xe6: {  	s31 =	sadd.s32 $0x200, s25;
	[sflag:s14] =	ssyncadd.s32 $0xFFFFC000  }
0xe7: {  	[tilespmem:s15], [sflag:$0x1] =	stream.indirect.gather [hbm4b:s2+s16], $0x80, s31, s16, $0xb8;
	[tilespmem:$0x1F000] =	vst v63  }
0xe8: {  	_ =	swait.ge [sflag:s20], $0x4000  }
0xe9: {  	[sflag:s20] =	ssyncset.done $0x0  }
0xea: {  	s28 =	rddreg [dreg:$0x6];
	[sflag:s20] =	ssyncadd.s32 $0xFFFFC000  }
0xeb: {  	[spmem:s3] =	stream.indirect.scatter.add.f32 [tilespmem:s18], [sflag:$0x3], $0x80, s28, s16, $0xb8;
	[tilespmem:$0x1F000] =	vst v63  }
0xec: {  	_ =	swait.ge [sflag:s14], $0x4000  }
0xed: {  	[sflag:s14] =	ssyncset.done $0x0  }
0xee: {  	s29 =	sadd.s32 $0x280, s25;
	[sflag:s14] =	ssyncadd.s32 $0xFFFFC000  }
0xef: {  	[tilespmem:s18], [sflag:$0x2] =	stream.indirect.gather [hbm4b:s2+s16], $0x80, s29, s16, $0xb8;
	[tilespmem:$0x1F000] =	vst v63  }
0xf0: {  	_ =	swait.ge [sflag:s19], $0x4000  }
0xf1: {  	[sflag:s19] =	ssyncset.done $0x0  }
0xf2: {  	s30 =	rddreg [dreg:$0x7];
	[sflag:s19] =	ssyncadd.s32 $0xFFFFC000  }
0xf3: {  	[spmem:s3] =	stream.indirect.scatter.add.f32 [tilespmem:s15], [sflag:$0x3], $0x80, s30, s16, $0xb8;
	[tilespmem:$0x1F000] =	vst v63  }
0xf4: {  	_ =	swait.ge [sflag:s14], $0x4000  }
0xf5: {  	[sflag:s14] =	ssyncset.done $0x0  }
0xf6: {  	s31 =	sadd.s32 $0x300, s25;
	[sflag:s14] =	ssyncadd.s32 $0xFFFFC000  }
0xf7: {  	[tilespmem:s15], [sflag:$0x1] =	stream.indirect.gather [hbm4b:s2+s16], $0x80, s31, s16, $0xb8;
	[tilespmem:$0x1F000] =	vst v63  }
0xf8: {  	_ =	swait.ge [sflag:s20], $0x4000  }
0xf9: {  	[sflag:s20] =	ssyncset.done $0x0  }
0xfa: {  	s28 =	rddreg [dreg:$0x8];
	[sflag:s20] =	ssyncadd.s32 $0xFFFFC000  }
0xfb: {  	[spmem:s3] =	stream.indirect.scatter.add.f32 [tilespmem:s18], [sflag:$0x3], $0x80, s28, s16, $0xb8;
	[tilespmem:$0x1F000] =	vst v63  }
0xfc: {  	_ =	swait.ge [sflag:s14], $0x4000  }
0xfd: {  	[sflag:s14] =	ssyncset.done $0x0  }
0xfe: {  	s29 =	sadd.s32 $0x380, s25;
	[sflag:s14] =	ssyncadd.s32 $0xFFFFC000  }
0xff: {  	[tilespmem:s18], [sflag:$0x2] =	stream.indirect.gather [hbm4b:s2+s16], $0x80, s29, s16, $0xb8;
	[tilespmem:$0x1F000] =	vst v63  }
0x100: {  	_ =	swait.ge [sflag:s19], $0x4000  }
0x101: {  	[sflag:s19] =	ssyncset.done $0x0  }
0x102: {  	s30 =	rddreg [dreg:$0x9];
	[sflag:s19] =	ssyncadd.s32 $0xFFFFC000  }
0x103: {  	[spmem:s3] =	stream.indirect.scatter.add.f32 [tilespmem:s15], [sflag:$0x3], $0x80, s30, s16, $0xb8;
	[tilespmem:$0x1F000] =	vst v63  }
0x104: {  	_ =	swait.ge [sflag:s14], $0x4000  }
0x105: {  	[sflag:s14] =	ssyncset.done $0x0  }
0x106: {  	s31 =	sadd.s32 $0x400, s25;
	[sflag:s14] =	ssyncadd.s32 $0xFFFFC000  }
0x107: {  	[tilespmem:s15], [sflag:$0x1] =	stream.indirect.gather [hbm4b:s2+s16], $0x80, s31, s16, $0xb8;
	[tilespmem:$0x1F000] =	vst v63  }
0x108: {  	_ =	swait.ge [sflag:s20], $0x4000  }
0x109: {  	[sflag:s20] =	ssyncset.done $0x0  }
0x10a: {  	s28 =	rddreg [dreg:$0xa];
	[sflag:s20] =	ssyncadd.s32 $0xFFFFC000  }
0x10b: {  	[spmem:s3] =	stream.indirect.scatter.add.f32 [tilespmem:s18], [sflag:$0x3], $0x80, s28, s16, $0xb8;
	[tilespmem:$0x1F000] =	vst v63  }
0x10c: {  	_ =	swait.ge [sflag:s14], $0x4000  }
0x10d: {  	[sflag:s14] =	ssyncset.done $0x0  }
0x10e: {  	s29 =	sadd.s32 $0x480, s25;
	[sflag:s14] =	ssyncadd.s32 $0xFFFFC000  }
0x10f: {  	[tilespmem:s18], [sflag:$0x2] =	stream.indirect.gather [hbm4b:s2+s16], $0x80, s29, s16, $0xb8;
	[tilespmem:$0x1F000] =	vst v63  }
0x110: {  	_ =	swait.ge [sflag:s19], $0x4000  }
0x111: {  	[sflag:s19] =	ssyncset.done $0x0  }
0x112: {  	s30 =	rddreg [dreg:$0xb];
	[sflag:s19] =	ssyncadd.s32 $0xFFFFC000  }
0x113: {  	[spmem:s3] =	stream.indirect.scatter.add.f32 [tilespmem:s15], [sflag:$0x3], $0x80, s30, s16, $0xb8;
	[tilespmem:$0x1F000] =	vst v63  }
0x114: {  	_ =	swait.ge [sflag:s14], $0x4000  }
0x115: {  	[sflag:s14] =	ssyncset.done $0x0  }
0x116: {  	s31 =	sadd.s32 $0x500, s25;
	[sflag:s14] =	ssyncadd.s32 $0xFFFFC000  }
0x117: {  	[tilespmem:s15], [sflag:$0x1] =	stream.indirect.gather [hbm4b:s2+s16], $0x80, s31, s16, $0xb8;
	[tilespmem:$0x1F000] =	vst v63  }
0x118: {  	_ =	swait.ge [sflag:s20], $0x4000  }
0x119: {  	[sflag:s20] =	ssyncset.done $0x0  }
0x11a: {  	s28 =	rddreg [dreg:$0xc];
	[sflag:s20] =	ssyncadd.s32 $0xFFFFC000  }
0x11b: {  	[spmem:s3] =	stream.indirect.scatter.add.f32 [tilespmem:s18], [sflag:$0x3], $0x80, s28, s16, $0xb8;
	[tilespmem:$0x1F000] =	vst v63  }
0x11c: {  	_ =	swait.ge [sflag:s14], $0x4000  }
0x11d: {  	[sflag:s14] =	ssyncset.done $0x0  }
0x11e: {  	s29 =	sadd.s32 $0x580, s25;
	[sflag:s14] =	ssyncadd.s32 $0xFFFFC000  }
0x11f: {  	[tilespmem:s18], [sflag:$0x2] =	stream.indirect.gather [hbm4b:s2+s16], $0x80, s29, s16, $0xb8;
	[tilespmem:$0x1F000] =	vst v63  }
0x120: {  	_ =	swait.ge [sflag:s19], $0x4000  }
0x121: {  	[sflag:s19] =	ssyncset.done $0x0  }
0x122: {  	s30 =	rddreg [dreg:$0xd];
	[sflag:s19] =	ssyncadd.s32 $0xFFFFC000  }
0x123: {  	[spmem:s3] =	stream.indirect.scatter.add.f32 [tilespmem:s15], [sflag:$0x3], $0x80, s30, s16, $0xb8;
	[tilespmem:$0x1F000] =	vst v63  }
0x124: {  	_ =	swait.ge [sflag:s14], $0x4000  }
0x125: {  	[sflag:s14] =	ssyncset.done $0x0  }
0x126: {  	s31 =	sadd.s32 $0x600, s25;
	[sflag:s14] =	ssyncadd.s32 $0xFFFFC000  }
0x127: {  	[tilespmem:s15], [sflag:$0x1] =	stream.indirect.gather [hbm4b:s2+s16], $0x80, s31, s16, $0xb8;
	[tilespmem:$0x1F000] =	vst v63  }
0x128: {  	_ =	swait.ge [sflag:s20], $0x4000  }
0x129: {  	[sflag:s20] =	ssyncset.done $0x0  }
0x12a: {  	s28 =	rddreg [dreg:$0xe];
	[sflag:s20] =	ssyncadd.s32 $0xFFFFC000  }
0x12b: {  	[spmem:s3] =	stream.indirect.scatter.add.f32 [tilespmem:s18], [sflag:$0x3], $0x80, s28, s16, $0xb8;
	[tilespmem:$0x1F000] =	vst v63  }
0x12c: {  	_ =	swait.ge [sflag:s14], $0x4000  }
0x12d: {  	[sflag:s14] =	ssyncset.done $0x0  }
0x12e: {  	s29 =	sadd.s32 $0x680, s25;
	[sflag:s14] =	ssyncadd.s32 $0xFFFFC000  }
0x12f: {  	[tilespmem:s18], [sflag:$0x2] =	stream.indirect.gather [hbm4b:s2+s16], $0x80, s29, s16, $0xb8;
	[tilespmem:$0x1F000] =	vst v63  }
0x130: {  	_ =	swait.ge [sflag:s19], $0x4000  }
0x131: {  	[sflag:s19] =	ssyncset.done $0x0  }
0x132: {  	s30 =	rddreg [dreg:$0xf];
	[sflag:s19] =	ssyncadd.s32 $0xFFFFC000  }
0x133: {  	[spmem:s3] =	stream.indirect.scatter.add.f32 [tilespmem:s15], [sflag:$0x3], $0x80, s30, s16, $0xb8;
	[tilespmem:$0x1F000] =	vst v63  }
0x134: {  	_ =	swait.ge [sflag:s14], $0x4000  }
0x135: {  	[sflag:s14] =	ssyncset.done $0x0  }
0x136: {  	s31 =	sadd.s32 $0x700, s25;
	[sflag:s14] =	ssyncadd.s32 $0xFFFFC000  }
0x137: {  	[tilespmem:s15], [sflag:$0x1] =	stream.indirect.gather [hbm4b:s2+s16], $0x80, s31, s16, $0xb8;
	[tilespmem:$0x1F000] =	vst v63  }
0x138: {  	_ =	swait.ge [sflag:s20], $0x4000  }
0x139: {  	[sflag:s20] =	ssyncset.done $0x0  }
0x13a: {  	s28 =	rddreg [dreg:$0x10];
	[sflag:s20] =	ssyncadd.s32 $0xFFFFC000  }
0x13b: {  	[spmem:s3] =	stream.indirect.scatter.add.f32 [tilespmem:s18], [sflag:$0x3], $0x80, s28, s16, $0xb8;
	[tilespmem:$0x1F000] =	vst v63  }
0x13c: {  	_ =	swait.ge [sflag:s14], $0x4000  }
0x13d: {  	[sflag:s14] =	ssyncset.done $0x0  }
0x13e: {  	s25 =	sadd.s32 $0x780, s25;
	[sflag:s14] =	ssyncadd.s32 $0xFFFFC000  }
0x13f: {  	[tilespmem:s18], [sflag:$0x2] =	stream.indirect.gather [hbm4b:s2+s16], $0x80, s25, s16, $0xb8;
	[tilespmem:$0x1F000] =	vst v63  }
0x140: {  	s22 =	sadd.s32 $0x10, s22;
	_ =	swait.ge [sflag:s19], $0x4000  }
0x141: {  	p1 =	slt.s32 s22, $0x4D;
	s26 =	smov.u32 s22;
	[sflag:s19] =	ssyncset.done $0x0  }
0x142: {  	s26 =	simm.s32 @!p1 $0x4D;
	s29 =	rddreg [dreg:$0x11];
	[sflag:s19] =	ssyncadd.s32 $0xFFFFC000  }
0x143: {  	[spmem:s3] =	stream.indirect.scatter.add.f32 [tilespmem:s15], [sflag:$0x3], $0x80, s29, s16, $0xb8;
	[tilespmem:$0x1F000] =	vst v63  }
0x144: {  	s30 =	sshll.u32 s26, $0x7;
	_ =	swait.ge [sflag:s14], $0x4000  }
0x145: {  	s25 =	sand.u32 $0x3FFFFF80, s30;
	[sflag:s14] =	ssyncset.done $0x0  }
0x146: {  	p0 =	sne.s32 s23, $0x8000;
	s25 =	sadd.s32 $0x100, s25;
	[sflag:s14] =	ssyncadd.s32 $0xFFFFC000  }
0x147: {  	[tilespmem:s15], [sflag:$0x1] =	stream.indirect.gather [hbm4b:s2+s16], $0x80, s25, s16, $0xb8;
	[tilespmem:$0x1F000] =	vst v63  }
.Ltmp1:
0x148: {  	_ =	swait.ge [sflag:s20], $0x4000;
	(pc) =	sbr.rel @p0 .LBB2_4-.Ltmp1, $4  }
0x149: {  	[sflag:s20] =	ssyncset.done $0x0  }
0x14a: {  	s31 =	rddreg [dreg:$0x12];
	[sflag:s20] =	ssyncadd.s32 $0xFFFFC000  }
0x14b: {  	[spmem:s3] =	stream.indirect.scatter.add.f32 [tilespmem:s18], [sflag:$0x3], $0x80, s31, s16, $0xb8;
	[tilespmem:$0x1F000] =	vst v63  }
0x14c: {  	s23 =	sadd.s32 $0x2000, s23;
	_ =	swait.ge [sflag:s14], $0x4000  }
0x14d: {  	[sflag:s14] =	ssyncset.done $0x0  }
0x14e: {  	[sflag:s14] =	ssyncadd.s32 $0xFFFFC000  }
0x14f: {  	_ =	swait.ge [sflag:s19], $0x4000  }
0x150: {  	s22 =	sshll.u32 s0, $0x6;
	s21 =	sadd.s32 $0x1, s21;
	[sflag:s19] =	ssyncset.done $0x0  }
0x151: {  	s23 =	sshrl.u32 s6, $0x3;
	p0 =	sne.s32 s21, s12;
	[sflag:s19] =	ssyncadd.s32 $0xFFFFC000  }
.Ltmp2:
0x152: {  	s22 =	sor.u32 $0x1C03, s22;
	[bflag:$0x0] =	sbarrier.arrive $0xFFFF;
	(pc) =	sbr.rel @p0 .LBB2_1-.Ltmp2, $4  }
0x153: {  	[hbm:s11], [sflag:s22] =	dma.local [spmem:s23], $0x2800  }
0x154: {  	_ =	swait.ge [sflag:s14], $0x2800  }
0x155: {  	[sflag:s14] =	ssyncset.done $0x0  }
0x156: {  	[sflag:s14] =	ssyncadd.s32 $0xFFFFD800  }
0x157: {  	_ =	sfence.sel $0x180000  }
0x158: {  	[bflag:$0x0] =	sbarrier.arrive $0xFFFF  }
0x159: {  	p0 =	sne.s32 s0, $0x0;
	_ =	strace $0x9000004D  }
0x15a: {  	s0 =	sadd.s32 @!p0 $0x100000, s1;
	[bflag:$0x2] =	sbarrier.arrive $0xFFFF  }
0x15b: {  	[sflag:s0] =	ssyncadd.tile.s32 @!p0 $0x1;
	_ =	shalt  }
.Lfunc_end2:
_tile_overlayer_lowered:
.L_overlay_start_2:
0x15c: {  	(tag) =	ssettag $0x2  }
0x15d: {  	s0 =	rddreg [dreg:$0x0];
	s2 =	stileid.u32  }
0x15e: {  	s1 =	rddreg [dreg:$0x1];
	p0 =	sne.s32 s2, $0x0  }
0x15f: {  	s3 =	rddreg [dreg:$0x2];
	[bflag:$0x3] =	sbarrier.arrive $0xFFFF;
	s2 =	simm.s32 @!p0 $0x1C03  }
0x160: {  	[timem:s3], [sflag:s2] =	dma.local @!p0 [hbm:s0], s1  }
0x161: {  	s0 =	simm.s32 @!p0 $0x3  }
0x162: {  	_ =	swait.ge @!p0 [sflag:s0], s1  }
0x163: {  	s1 =	ssub.s32 @!p0 $0x0, s1;
	[sflag:s0] =	ssyncset.done @!p0 $0x0  }
0x164: {  	[sflag:s0] =	ssyncadd.s32 @!p0 s1  }
0x165: {  	[bflag:$0x3] =	sbarrier.arrive $0xFFFF  }
0x166: {  	_ =	shalt  }

// kernel: kernel.20.cloned.1.call-start
scs
__scs_entry_jumppad:
0x0: {  	(pc) =	sbr.rel $0x88, $3  }
0x1: {  	(tag) =	ssettag $0x0;
	lr =	simm.s32 $0x1  }
0x2: {  	[smem:$0x3F92] =	sst lr;
	_ =	strace $0xD0000000  }
0x3: {  	_ = 	snop  }
0x4: {  	_ = 	snop  }
0x5: {  	_ = 	snop  }
0x6: {  	_ = 	snop  }
0x7: {  	_ = 	snop  }
__scs_overlays_trampoline_lowered:
0x8: {  	[smem:$0x3FA1] =	sst s0  }
0x9: {  	[smem:$0x3FA2] =	sst s1  }
0xa: {  	[smem:$0x3FA3] =	sst s2  }
0xb: {  	[smem:$0x3FA4] =	sst s3  }
0xc: {  	[smem:$0x3FA5] =	sst s4  }
0xd: {  	[smem:$0x3FA6] =	sst s5  }
0xe: {  	[smem:$0x3FA7] =	sst s6  }
0xf: {  	[smem:$0x3FA8] =	sst s7  }
0x10: {  	[smem:$0x3FA9] =	sst s8  }
0x11: {  	[smem:$0x3FAA] =	sst s9;
	s0 =	simm.s32 @!p0 $0x0  }
0x12: {  	s1 =	sld [smem:$0x3F90];
	s0 =	simm.s32 @p0 $0x1  }
0x13: {  	[smem:$0x3FAB] =	sst s0;
	s0 =	simm.s32 @!p1 $0x0  }
0x14: {  	s2 =	sld [smem:$0x3F8F];
	s0 =	simm.s32 @p1 $0x1  }
0x15: {  	[smem:$0x3FAC] =	sst s0;
	s0 =	simm.s32 @!p2 $0x0  }
0x16: {  	s3 =	sld [smem:$0x3FDB];
	s0 =	simm.s32 @p2 $0x1  }
0x17: {  	s4 =	simm.s32 $0x1BF5;
	[smem:$0x3FAE] =	sst s0  }
0x18: {  	s0 =	sld [smem:$0x3F91];
	_ =	swait.ge [sflag:s4], $0x0  }
0x19: {  	s7 =	sld [smem:$0x3F92]  }
0x1a: {  	s8 =	sadd.s32 $0xFFFFE003, lr  }
0x1b: {  	s9 =	sadd.s32 $0xFFFFFEF7, lr;
	s5 =	simm.s32 $0xFFFFFFFF;
	p2 =	slt.u32 s8, $0xFFFFF086  }
0x1c: {  	p1 =	slt.u32 s9, $0xF7A;
	s5 =	simm.s32 @!p2 $0x0  }
0x1d: {  	s5 =	simm.s32 @p1 $0x1;
	p0 =	seq.s32 s7, s2  }
0x1e: {  	s7 =	smul.u32 @!p0 $0xF7A, s2;
	p2 =	seq.s32 @!p0 s5, $0x0  }
0x1f: {  	s9 =	smul.u32 $0xF7A, s1;
	s8 =	simm.s32 @!p0 $0x1BF5;
	p2 =	por !p2, p0  }
0x20: {  	[sflag:s8] =	ssyncset.s32 @!p0 $0xFFFFF086;
	s6 =	sadd.s32 @!p0 s3, s7;
	s7 =	simm.s32 @!p0 $0x108  }
0x21: {  	s3 =	sadd.s32 s3, s9;
	s6 =	sadd.s32 @!p0 $0x88, s6;
	s7 =	simm.s32 @p2 $0x1082  }
0x22: {  	[simem:s7], [sflag:s8] =	dma.local @!p0 [hbm:s6], $0xF7A  }
0x23: {  	s9 =	sor.u32 $0xD0000000, s2;
	s6 =	simm.s32 $0x108;
	_ =	swait.ge @!p0 [sflag:s8], $0x0  }
0x24: {  	s3 =	sadd.s32 $0x88, s3;
	s6 =	simm.s32 @!p1 $0x1082;
	[sflag:s4] =	ssyncset.s32 $0xFFFFF086  }
0x25: {  	[simem:s6], [sflag:s4] =	dma.local [hbm:s3], $0xF7A  }
0x26: {  	[smem:$0x3F92] =	sst s1;
	(tag) =	ssettag s2;
	_ =	strace s9  }
0x27: {  	s1 =	sld [smem:$0x3FA2]  }
0x28: {  	s2 =	sld [smem:$0x3FA3]  }
0x29: {  	s4 =	sld [smem:$0x3FA5]  }
0x2a: {  	p0 =	seq.s32 s5, $0x0;
	s5 =	sld [smem:$0x3FA6]  }
0x2b: {  	s6 =	sld [smem:$0x3FA7]  }
0x2c: {  	s7 =	sld [smem:$0x3FA8]  }
0x2d: {  	s3 =	simm.s32 $0x108;
	s8 =	sld [smem:$0x3FA9]  }
0x2e: {  	s3 =	simm.s32 @!p0 $0x1082;
	s9 =	sld [smem:$0x3FAA]  }
0x2f: {  	lr =	sadd.s32 s0, s3;
	s0 =	sld [smem:$0x3FA1]  }
0x30: {  	s3 =	sld [smem:$0x3FA4]  }
0x31: {  	[smem:$0x3FAD] =	sst s10  }
0x32: {  	s10 =	sld [smem:$0x3FAB];
	_ =	sdelay $0x3  }
0x33: {  	p0 =	seq.s32 s10, $0x1;
	s10 =	sld [smem:$0x3FAD];
	_ =	sdelay $0x3  }
0x34: {  	[smem:$0x3FAD] =	sst s10  }
0x35: {  	s10 =	sld [smem:$0x3FAC];
	_ =	sdelay $0x3  }
0x36: {  	p1 =	seq.s32 s10, $0x1;
	s10 =	sld [smem:$0x3FAD];
	_ =	sdelay $0x3  }
0x37: {  	[smem:$0x3FAD] =	sst s10  }
0x38: {  	s10 =	sld [smem:$0x3FAE]  }
0x39: {  	_ = 	snop;
	(pc) =	sbr.ind lr, $3  }
0x3a: {  	_ = 	snop  }
0x3b: {  	_ = 	snop  }
0x3c: {  	p2 =	seq.s32 s10, $0x1;
	s10 =	sld [smem:$0x3FAD]  }
0x3d: {  	_ =	shalt  }
0x3e: {  	_ =	shalt  }
0x3f: {  	_ =	shalt  }
0x40: {  	_ =	shalt  }
0x41: {  	_ =	shalt  }
0x42: {  	_ =	shalt  }
0x43: {  	_ =	shalt  }
0x44: {  	_ =	shalt  }
0x45: {  	_ =	shalt  }
0x46: {  	_ =	shalt  }
0x47: {  	_ =	shalt  }
0x48: {  	_ =	shalt  }
0x49: {  	_ =	shalt  }
0x4a: {  	_ =	shalt  }
0x4b: {  	_ =	shalt  }
0x4c: {  	_ =	shalt  }
0x4d: {  	_ =	shalt  }
0x4e: {  	_ =	shalt  }
0x4f: {  	_ =	shalt  }
0x50: {  	_ =	shalt  }
0x51: {  	_ =	shalt  }
0x52: {  	_ =	shalt  }
0x53: {  	_ =	shalt  }
0x54: {  	_ =	shalt  }
0x55: {  	_ =	shalt  }
0x56: {  	_ =	shalt  }
0x57: {  	_ =	shalt  }
0x58: {  	_ =	shalt  }
0x59: {  	_ =	shalt  }
0x5a: {  	_ =	shalt  }
0x5b: {  	_ =	shalt  }
0x5c: {  	_ =	shalt  }
0x5d: {  	_ =	shalt  }
0x5e: {  	_ =	shalt  }
0x5f: {  	_ =	shalt  }
0x60: {  	_ =	shalt  }
0x61: {  	_ =	shalt  }
0x62: {  	_ =	shalt  }
0x63: {  	_ =	shalt  }
0x64: {  	_ =	shalt  }
0x65: {  	_ =	shalt  }
0x66: {  	_ =	shalt  }
0x67: {  	_ =	shalt  }
0x68: {  	_ =	shalt  }
0x69: {  	_ =	shalt  }
0x6a: {  	_ =	shalt  }
0x6b: {  	_ =	shalt  }
0x6c: {  	_ =	shalt  }
0x6d: {  	_ =	shalt  }
0x6e: {  	_ =	shalt  }
0x6f: {  	_ =	shalt  }
0x70: {  	_ =	shalt  }
0x71: {  	_ =	shalt  }
0x72: {  	_ =	shalt  }
0x73: {  	_ =	shalt  }
0x74: {  	_ =	shalt  }
0x75: {  	_ =	shalt  }
0x76: {  	_ =	shalt  }
0x77: {  	_ =	shalt  }
0x78: {  	_ =	shalt  }
0x79: {  	_ =	shalt  }
0x7a: {  	_ =	shalt  }
0x7b: {  	_ =	shalt  }
0x7c: {  	_ =	shalt  }
0x7d: {  	_ =	shalt  }
0x7e: {  	_ =	shalt  }
0x7f: {  	_ =	shalt  }
0x80: {  	_ =	shalt  }
0x81: {  	_ =	shalt  }
0x82: {  	_ =	shalt  }
0x83: {  	_ =	shalt  }
0x84: {  	_ =	shalt  }
0x85: {  	_ =	shalt  }
0x86: {  	_ =	shalt  }
0x87: {  	_ =	shalt  }
.Lfunc_end0:
.L_simem_size_0:
called_computation.3_lowered:
.L_overlay_start_0:
0x88: {  	s2 =	sld [smem:$0x3FD9]  }
0x89: {  	s3 =	sld [smem:$0x3FFE];
	_ =	sdelay $0x1  }
0x8a: {  	s1 =	srdreg.scid  }
0x8b: {  	s0 =	sand.u32 $0x1, s1  }
0x8c: {  	s17 =	sshll.u32 s0, $0xA;
	s2 =	sadd.s32 s3, s2  }
0x8d: {  	s2 =	sadd.s32 s2, s17  }
0x8e: {  	[smem:$0x3FB9] =	sst s2  }
0x8f: {  	_ = 	snop  }
0x90: {  	s2 =	sld [smem:$0x3FD0];
	(tm) =	ssettm $0x1  }
0x91: {  	s18 =	sld [smem:$0x3FFB];
	_ =	sdelay $0x3  }
0x92: {  	_ =	strace s18  }
0x93: {  	s3 =	sld [smem:$0x3FFC];
	_ =	sdelay $0x3  }
0x94: {  	_ =	strace s3  }
0x95: {  	s3 =	sld [smem:$0x3FFD];
	_ =	sdelay $0x3  }
0x96: {  	_ =	strace s3  }
0x97: {  	_ =	strace $0x8FFFFFFF  }
0x98: {  	s19 =	sld [smem:$0x3FDB];
	_ =	sdelay $0x1  }
0x99: {  	s4 =	simm.s32 $_scs_section_size  }
0x9a: {  	s5 =	simm.s32 $_size__tile_overlayer_lowered;
	s6 =	simm.s32 $_tile_overlayer_lowered  }
0x9b: {  	s22 =	simm.s32 $0x1BFF;
	s21 =	sshll.u32 s6, $0x1;
	s3 =	sadd.s32 s4, s19  }
0x9c: {  	s7 =	simm.s32 $0x0;
	s20 =	sshll.u32 s5, $0x1;
	s5 =	sadd.s32 s21, s3  }
0x9d: {  	[timem:s7], [sflag:s22] =	dma.local [hbm:s5], s20  }
0x9e: {  	_ =	swait.ge [sflag:s22], s20  }
0x9f: {  	s4 =	ssub.s32 $0x0, s20;
	[sflag:s22] =	ssyncset.done $0x0  }
0xa0: {  	[sflag:s22] =	ssyncadd.s32 s4;
	_ =	sdelay $0x1  }
0xa1: {  	s23 =	simm.s32 $0x1B8B  }
0xa2: {  	_ =	swait.ge [sflag:s23], $0x1  }
0xa3: {  	[sflag:s23] =	ssyncset.done $0x0  }
0xa4: {  	s25 =	simm.s32 $0x1B8E;
	s24 =	sld [smem:$0x3FFE];
	[sflag:s23] =	ssyncadd.s32 $0xFFFFFFFF  }
0xa5: {  	s26 =	simm.s32 $execute0_lowered;
	[smem:$0x3FD2] =	sst s25  }
0xa6: {  	s5 =	sshll.u32 s26, $0x1;
	_ =	strace $0x8000004F;
	[dreg:$0x1] =	wrdreg $0xFFFFFFFF  }
0xa7: {  	s28 =	simm.s32 $_size_execute0_lowered;
	s3 =	sadd.s32 s3, s5;
	[dreg:$0x0] =	wrdreg $0x0  }
0xa8: {  	s5 =	sshll.u32 s28, $0x1;
	[dreg:$0x2] =	wrdreg s3  }
0xa9: {  	[dreg:$0x3] =	wrdreg s5  }
0xaa: {  	[dreg:$0x4] =	wrdreg $0xC0  }
0xab: {  	_ =	task [dreg:s7], $0x5FFFF  }
0xac: {  	[dreg:$0x1] =	wrdreg $0xFFFFFFFF  }
0xad: {  	[dreg:$0x0] =	wrdreg $0x60  }
0xae: {  	[dreg:$0x2] =	wrdreg s24  }
0xaf: {  	[dreg:$0x3] =	wrdreg s2  }
0xb0: {  	[dreg:$0x4] =	wrdreg $0xB0000  }
0xb1: {  	[dreg:$0x5] =	wrdreg $0x9  }
0xb2: {  	_ =	task.clear_ibuf [dreg:s7], $0x6FFFF;
	_ =	strace $0x9000004F  }
0xb3: {  	s29 =	simm.s32 $0x9;
	_ =	strace $0x80000051  }
0xb4: {  	_ =	swait.ge [sflag:s29], $0x1  }
0xb5: {  	[sflag:s29] =	ssyncadd.s32 $0xFFFFFFFF  }
0xb6: {  	_ =	strace $0x90000051  }
0xb7: {  	_ =	sfence  }
0xb8: {  	s30 =	sld [smem:$0x0];
	_ =	sdelay $0x2  }
0xb9: {  	s31 =	sshll.u32 s1, $0xD;
	s1 =	sshrl.u32 s1, $0x2  }
0xba: {  	s3 =	sand.u32 $0x4000, s31;
	s1 =	sadd.s32 s1, s30  }
0xbb: {  	s0 =	sor.u32 s3, s0;
	s1 =	sshll.u32 s1, $0x11  }
0xbc: {  	s0 =	sor.u32 s1, s0  }
0xbd: {  	s0 =	sadd.s32 $0x8F2B, s0  }
0xbe: {  	[sflag:s0] =	ssyncadd.remote.s32 $0x1  }
0xbf: {  	_ =	sfence.sel $0xFFFF  }
0xc0: {  	[dreg:$0x0] =	wrdreg $0xFFFFFFFF;
	(pc) =	sbr.abs _section_cstart, $3  }
0xc1: {  	[dreg:$0x1] =	wrdreg $0xFFFFFFFF  }
0xc2: {  	_ =	task.clear_ibuf [dreg:s7], $0x2FFFF;
	_ =	strace $0x9FFFFFFF  }
0xc3: {  	(tm) =	ssettm $0x7FFFFFFF  }
tec
execute0_lowered:
.L_overlay_start_1:
0x0: {  	(tag) =	ssettag $0x1  }
0x1: {  	s6 =	rddreg [dreg:$0x0]  }
0x2: {  	s2 =	rddreg [dreg:$0x1]  }
0x3: {  	s0 =	srdreg.scid;
	s3 =	rddreg [dreg:$0x2];
	s4 =	simm.s32 $0x0  }
0x4: {  	s23 =	simm.s32 $0x2880;
	s24 =	simm.s32 $0x2900;
	s5 =	sand.u32 $0x1, s0  }
0x5: {  	s25 =	simm.s32 $0x2980;
	s0 =	stileid.u32;
	s1 =	sshll.u32 s5, $0x4  }
0x6: {  	s26 =	simm.s32 $0x2A00;
	[smem:$0x7FF] =	sst s4;
	s1 =	sor.u32 s0, s1  }
0x7: {  	s28 =	simm.s32 $0x2A80;
	s7 =	smul.u32 $0x2800, s1;
	s1 =	rddreg [dreg:$0x3]  }
0x8: {  	s15 =	simm.s32 $0x2B00;
	_ =	strace $0x80000050;
	[dreg:$0x4] =	wrdreg s23  }
0x9: {  	s29 =	simm.s32 $0x2B80;
	s30 =	simm.s32 $0x2C00;
	[dreg:$0x5] =	wrdreg s24  }
0xa: {  	s31 =	simm.s32 $0x2C80;
	s8 =	smul.u32 $0x28000, s5;
	[dreg:$0x6] =	wrdreg s25  }
0xb: {  	s16 =	simm.s32 $0x2D00;
	s9 =	smul.u32 $0x2800, s0;
	[dreg:$0x7] =	wrdreg s26  }
0xc: {  	s17 =	simm.s32 $0x2D80;
	s10 =	smul.u32 $0x140000, s5;
	[dreg:$0x8] =	wrdreg s28  }
0xd: {  	s18 =	simm.s32 $0x2E00;
	s11 =	smul.u32 $0x14000, s0;
	[dreg:$0x9] =	wrdreg s15  }
0xe: {  	s5 =	ssub.s32 $0x2, s5;
	s21 =	smul.u32 $0x50000, s0;
	[dreg:$0xa] =	wrdreg s29  }
0xf: {  	s20 =	sshrl.u32 s5, $0x1;
	s8 =	sadd.s32 s9, s8;
	[dreg:$0xb] =	wrdreg s30  }
0x10: {  	s19 =	sadd.s32 s11, s10;
	s14 =	ssub.s32 s5, s20;
	[dreg:$0xc] =	wrdreg s31  }
0x11: {  	s22 =	sshrl.u32 s21, $0x2;
	s15 =	simm.s32 $0x3000;
	[dreg:$0xd] =	wrdreg s16  }
0x12: {  	s16 =	simm.s32 $0x80;
	[dreg:$0xe] =	wrdreg s17;
	s17 =	simm.s32 $0x2800  }
0x13: {  	[dreg:$0xf] =	wrdreg s18;
	s18 =	simm.s32 $0x7000;
	s20 =	simm.s32 $0x2F00  }
0x14: {  	s21 =	simm.s32 $0x2F80;
	s8 =	sshrl.u32 s8, $0x3;
	s9 =	sshrl.u32 s19, $0x3  }
0x15: {  	s19 =	simm.s32 $0x2E80;
	[dreg:$0x11] =	wrdreg s20;
	s20 =	simm.s32 $0x2  }
0x16: {  	[dreg:$0x12] =	wrdreg s21;
	s21 =	simm.s32 $0x0;
	s7 =	sshrl.u32 s7, $0x3  }
0x17: {  	s13 =	sadd.s32 s8, s6;
	s12 =	sadd.s32 s9, s6;
	[dreg:$0x10] =	wrdreg s19  }
0x18: {  	s19 =	simm.s32 $0x1;
	s7 =	sadd.s32 s7, s6;
	s6 =	sadd.s32 s22, s3  }
0x19: {  	s11 =	sadd.s32 $0xF200, s12;
	s12 =	smax.u32 s14, $0x1;
	s13 =	sadd.s32 $0x5200, s13  }
0x1a: {  	s14 =	simm.s32 $0x3;
	s5 =	sadd.s32 $0x541200, s7;
	s7 =	sadd.s32 $0x4000, s6  }
0x1b: {  	v0 =	vimm.f32 $0.0e+00;
	s8 =	sadd.s32 $0x8000, s6;
	s9 =	sadd.s32 $0xC000, s6;
	s10 =	sadd.s32 $0x10000, s6  }
.LBB2_1:
0x1c: {  	[tilespmem:s4], [sflag:$0x3] =	stream.linear.gather [hbm4b:s5+s4], $0x2800, $0x38;
	[tilespmem:$0x1F000] =	vst v63  }
0x1d: {  	_ =	swait.ge [sflag:s14], $0x2800  }
0x1e: {  	[sflag:s14] =	ssyncset.done $0x0  }
0x1f: {  	s22 =	simm.s32 $0x0;
	s23 =	simm.s32 $0x200;
	[sflag:s14] =	ssyncadd.s32 $0xFFFFD800  }
.LBB2_2:
0x20: {  	p0 =	sne.s32 s23, $0xFE00;
	[tilespmem:s22+$0x3070] =	vst v0  }
0x21: {  	[tilespmem:s22+$0x3000] =	vst v0  }
0x22: {  	[tilespmem:s22+$0x3010] =	vst v0  }
.Ltmp0:
0x23: {  	[tilespmem:s22+$0x3020] =	vst v0;
	(pc) =	sbr.rel @p0 .LBB2_2-.Ltmp0, $4  }
0x24: {  	[tilespmem:s22+$0x3030] =	vst v0  }
0x25: {  	[tilespmem:s22+$0x3040] =	vst v0  }
0x26: {  	[tilespmem:s22+$0x3050] =	vst v0  }
0x27: {  	[tilespmem:s22+$0x3060] =	vst v0;
	s22 =	sshra.s32 s23, $0x2;
	s23 =	sadd.s32 $0x200, s23  }
0x28: {  	[tilespmem:s22+$0x3070] =	vst v0  }
0x29: {  	[tilespmem:s22+$0x3000] =	vst v0  }
0x2a: {  	[tilespmem:s22+$0x3010] =	vst v0  }
0x2b: {  	[tilespmem:s22+$0x3020] =	vst v0  }
0x2c: {  	[tilespmem:s22+$0x3030] =	vst v0  }
0x2d: {  	[tilespmem:s22+$0x3040] =	vst v0  }
0x2e: {  	[tilespmem:s22+$0x3050] =	vst v0  }
0x2f: {  	[tilespmem:s22+$0x3060] =	vst v0  }
0x30: {  	[spmem:s6] =	stream.linear.scatter [tilespmem:s15], [sflag:$0x3], $0x4000, $0x38;
	[tilespmem:$0x1F000] =	vst v63  }
0x31: {  	_ =	swait.ge [sflag:s14], $0x4000  }
0x32: {  	[sflag:s14] =	ssyncset.done $0x0  }
0x33: {  	[sflag:s14] =	ssyncadd.s32 $0xFFFFC000  }
0x34: {  	[spmem:s7] =	stream.linear.scatter [tilespmem:s15], [sflag:$0x3], $0x4000, $0x38;
	[tilespmem:$0x1F000] =	vst v63  }
0x35: {  	_ =	swait.ge [sflag:s14], $0x4000  }
0x36: {  	[sflag:s14] =	ssyncset.done $0x0  }
0x37: {  	[sflag:s14] =	ssyncadd.s32 $0xFFFFC000  }
0x38: {  	[spmem:s8] =	stream.linear.scatter [tilespmem:s15], [sflag:$0x3], $0x4000, $0x38;
	[tilespmem:$0x1F000] =	vst v63  }
0x39: {  	_ =	swait.ge [sflag:s14], $0x4000  }
0x3a: {  	[sflag:s14] =	ssyncset.done $0x0  }
0x3b: {  	[sflag:s14] =	ssyncadd.s32 $0xFFFFC000  }
0x3c: {  	[spmem:s9] =	stream.linear.scatter [tilespmem:s15], [sflag:$0x3], $0x4000, $0x38;
	[tilespmem:$0x1F000] =	vst v63  }
0x3d: {  	_ =	swait.ge [sflag:s14], $0x4000  }
0x3e: {  	[sflag:s14] =	ssyncset.done $0x0  }
0x3f: {  	[sflag:s14] =	ssyncadd.s32 $0xFFFFC000  }
0x40: {  	[spmem:s10] =	stream.linear.scatter [tilespmem:s15], [sflag:$0x3], $0x4000, $0x38;
	[tilespmem:$0x1F000] =	vst v63  }
0x41: {  	_ =	swait.ge [sflag:s14], $0x4000  }
0x42: {  	[sflag:s14] =	ssyncset.done $0x0  }
0x43: {  	[sflag:s14] =	ssyncadd.s32 $0xFFFFC000  }
0x44: {  	s23 =	simm.s32 $0x0;
	[bflag:$0x0] =	sbarrier.arrive $0xFFFF  }
0x45: {  	[tilespmem:s15], [sflag:$0x1] =	stream.indirect.gather [hbm4b:s2+s16], $0x80, s23, s16, $0xb8;
	[tilespmem:$0x1F000] =	vst v63  }
0x46: {  	_ = 	snop  }
0x47: {  	[tilespmem:s17], [sflag:$0x3] =	stream.linear.gather [hbm4b:s13+s4], $0x800, $0x38;
	[tilespmem:$0x1F000] =	vst v63  }
0x48: {  	_ =	swait.ge [sflag:s14], $0x800  }
0x49: {  	[sflag:s14] =	ssyncset.done $0x0  }
0x4a: {  	s24 =	simm.s32 $0x80;
	[sflag:s14] =	ssyncadd.s32 $0xFFFFF800  }
0x4b: {  	[tilespmem:s18], [sflag:$0x2] =	stream.indirect.gather [hbm4b:s2+s16], $0x80, s24, s16, $0xb8;
	[tilespmem:$0x1F000] =	vst v63  }
0x4c: {  	_ =	swait.ge [sflag:s19], $0x4000  }
0x4d: {  	[sflag:s19] =	ssyncset.done $0x0  }
0x4e: {  	[sflag:s19] =	ssyncadd.s32 $0xFFFFC000  }
0x4f: {  	[spmem:s3] =	stream.indirect.scatter.add.f32 [tilespmem:s15], [sflag:$0x3], $0x80, s17, s16, $0xb8;
	[tilespmem:$0x1F000] =	vst v63  }
0x50: {  	_ =	swait.ge [sflag:s14], $0x4000  }
0x51: {  	[sflag:s14] =	ssyncset.done $0x0  }
0x52: {  	s25 =	simm.s32 $0x100;
	[sflag:s14] =	ssyncadd.s32 $0xFFFFC000  }
0x53: {  	[tilespmem:s15], [sflag:$0x1] =	stream.indirect.gather [hbm4b:s2+s16], $0x80, s25, s16, $0xb8;
	[tilespmem:$0x1F000] =	vst v63  }
0x54: {  	_ =	swait.ge [sflag:s20], $0x4000  }
0x55: {  	[sflag:s20] =	ssyncset.done $0x0  }
0x56: {  	s26 =	rddreg [dreg:$0x4];
	[sflag:s20] =	ssyncadd.s32 $0xFFFFC000  }
0x57: {  	[spmem:s3] =	stream.indirect.scatter.add.f32 [tilespmem:s18], [sflag:$0x3], $0x80, s26, s16, $0xb8;
	[tilespmem:$0x1F000] =	vst v63  }
0x58: {  	_ =	swait.ge [sflag:s14], $0x4000  }
0x59: {  	[sflag:s14] =	ssyncset.done $0x0  }
0x5a: {  	s28 =	simm.s32 $0x180;
	[sflag:s14] =	ssyncadd.s32 $0xFFFFC000  }
0x5b: {  	[tilespmem:s18], [sflag:$0x2] =	stream.indirect.gather [hbm4b:s2+s16], $0x80, s28, s16, $0xb8;
	[tilespmem:$0x1F000] =	vst v63  }
0x5c: {  	_ =	swait.ge [sflag:s19], $0x4000  }
0x5d: {  	[sflag:s19] =	ssyncset.done $0x0  }
0x5e: {  	s29 =	rddreg [dreg:$0x5];
	[sflag:s19] =	ssyncadd.s32 $0xFFFFC000  }
0x5f: {  	[spmem:s3] =	stream.indirect.scatter.add.f32 [tilespmem:s15], [sflag:$0x3], $0x80, s29, s16, $0xb8;
	[tilespmem:$0x1F000] =	vst v63  }
0x60: {  	_ =	swait.ge [sflag:s14], $0x4000  }
0x61: {  	[sflag:s14] =	ssyncset.done $0x0  }
0x62: {  	s30 =	simm.s32 $0x200;
	[sflag:s14] =	ssyncadd.s32 $0xFFFFC000  }
0x63: {  	[tilespmem:s15], [sflag:$0x1] =	stream.indirect.gather [hbm4b:s2+s16], $0x80, s30, s16, $0xb8;
	[tilespmem:$0x1F000] =	vst v63  }
0x64: {  	_ =	swait.ge [sflag:s20], $0x4000  }
0x65: {  	[sflag:s20] =	ssyncset.done $0x0  }
0x66: {  	s31 =	rddreg [dreg:$0x6];
	[sflag:s20] =	ssyncadd.s32 $0xFFFFC000  }
0x67: {  	[spmem:s3] =	stream.indirect.scatter.add.f32 [tilespmem:s18], [sflag:$0x3], $0x80, s31, s16, $0xb8;
	[tilespmem:$0x1F000] =	vst v63  }
0x68: {  	_ =	swait.ge [sflag:s14], $0x4000  }
0x69: {  	[sflag:s14] =	ssyncset.done $0x0  }
0x6a: {  	s23 =	simm.s32 $0x280;
	[sflag:s14] =	ssyncadd.s32 $0xFFFFC000  }
0x6b: {  	[tilespmem:s18], [sflag:$0x2] =	stream.indirect.gather [hbm4b:s2+s16], $0x80, s23, s16, $0xb8;
	[tilespmem:$0x1F000] =	vst v63  }
0x6c: {  	_ =	swait.ge [sflag:s19], $0x4000  }
0x6d: {  	[sflag:s19] =	ssyncset.done $0x0  }
0x6e: {  	s24 =	rddreg [dreg:$0x7];
	[sflag:s19] =	ssyncadd.s32 $0xFFFFC000  }
0x6f: {  	[spmem:s3] =	stream.indirect.scatter.add.f32 [tilespmem:s15], [sflag:$0x3], $0x80, s24, s16, $0xb8;
	[tilespmem:$0x1F000] =	vst v63  }
0x70: {  	_ =	swait.ge [sflag:s14], $0x4000  }
0x71: {  	[sflag:s14] =	ssyncset.done $0x0  }
0x72: {  	s25 =	simm.s32 $0x300;
	[sflag:s14] =	ssyncadd.s32 $0xFFFFC000  }
0x73: {  	[tilespmem:s15], [sflag:$0x1] =	stream.indirect.gather [hbm4b:s2+s16], $0x80, s25, s16, $0xb8;
	[tilespmem:$0x1F000] =	vst v63  }
0x74: {  	_ =	swait.ge [sflag:s20], $0x4000  }
0x75: {  	[sflag:s20] =	ssyncset.done $0x0  }
0x76: {  	s26 =	rddreg [dreg:$0x8];
	[sflag:s20] =	ssyncadd.s32 $0xFFFFC000  }
0x77: {  	[spmem:s3] =	stream.indirect.scatter.add.f32 [tilespmem:s18], [sflag:$0x3], $0x80, s26, s16, $0xb8;
	[tilespmem:$0x1F000] =	vst v63  }
0x78: {  	_ =	swait.ge [sflag:s14], $0x4000  }
0x79: {  	[sflag:s14] =	ssyncset.done $0x0  }
0x7a: {  	s28 =	simm.s32 $0x380;
	[sflag:s14] =	ssyncadd.s32 $0xFFFFC000  }
0x7b: {  	[tilespmem:s18], [sflag:$0x2] =	stream.indirect.gather [hbm4b:s2+s16], $0x80, s28, s16, $0xb8;
	[tilespmem:$0x1F000] =	vst v63  }
0x7c: {  	_ =	swait.ge [sflag:s19], $0x4000  }
0x7d: {  	[sflag:s19] =	ssyncset.done $0x0  }
0x7e: {  	s29 =	rddreg [dreg:$0x9];
	[sflag:s19] =	ssyncadd.s32 $0xFFFFC000  }
0x7f: {  	[spmem:s3] =	stream.indirect.scatter.add.f32 [tilespmem:s15], [sflag:$0x3], $0x80, s29, s16, $0xb8;
	[tilespmem:$0x1F000] =	vst v63  }
0x80: {  	_ =	swait.ge [sflag:s14], $0x4000  }
0x81: {  	[sflag:s14] =	ssyncset.done $0x0  }
0x82: {  	s30 =	simm.s32 $0x400;
	[sflag:s14] =	ssyncadd.s32 $0xFFFFC000  }
0x83: {  	[tilespmem:s15], [sflag:$0x1] =	stream.indirect.gather [hbm4b:s2+s16], $0x80, s30, s16, $0xb8;
	[tilespmem:$0x1F000] =	vst v63  }
0x84: {  	_ =	swait.ge [sflag:s20], $0x4000  }
0x85: {  	[sflag:s20] =	ssyncset.done $0x0  }
0x86: {  	s31 =	rddreg [dreg:$0xa];
	[sflag:s20] =	ssyncadd.s32 $0xFFFFC000  }
0x87: {  	[spmem:s3] =	stream.indirect.scatter.add.f32 [tilespmem:s18], [sflag:$0x3], $0x80, s31, s16, $0xb8;
	[tilespmem:$0x1F000] =	vst v63  }
0x88: {  	_ =	swait.ge [sflag:s14], $0x4000  }
0x89: {  	[sflag:s14] =	ssyncset.done $0x0  }
0x8a: {  	s23 =	simm.s32 $0x480;
	[sflag:s14] =	ssyncadd.s32 $0xFFFFC000  }
0x8b: {  	[tilespmem:s18], [sflag:$0x2] =	stream.indirect.gather [hbm4b:s2+s16], $0x80, s23, s16, $0xb8;
	[tilespmem:$0x1F000] =	vst v63  }
0x8c: {  	_ =	swait.ge [sflag:s19], $0x4000  }
0x8d: {  	[sflag:s19] =	ssyncset.done $0x0  }
0x8e: {  	s24 =	rddreg [dreg:$0xb];
	[sflag:s19] =	ssyncadd.s32 $0xFFFFC000  }
0x8f: {  	[spmem:s3] =	stream.indirect.scatter.add.f32 [tilespmem:s15], [sflag:$0x3], $0x80, s24, s16, $0xb8;
	[tilespmem:$0x1F000] =	vst v63  }
0x90: {  	_ =	swait.ge [sflag:s14], $0x4000  }
0x91: {  	[sflag:s14] =	ssyncset.done $0x0  }
0x92: {  	s25 =	simm.s32 $0x500;
	[sflag:s14] =	ssyncadd.s32 $0xFFFFC000  }
0x93: {  	[tilespmem:s15], [sflag:$0x1] =	stream.indirect.gather [hbm4b:s2+s16], $0x80, s25, s16, $0xb8;
	[tilespmem:$0x1F000] =	vst v63  }
0x94: {  	_ =	swait.ge [sflag:s20], $0x4000  }
0x95: {  	[sflag:s20] =	ssyncset.done $0x0  }
0x96: {  	s26 =	rddreg [dreg:$0xc];
	[sflag:s20] =	ssyncadd.s32 $0xFFFFC000  }
0x97: {  	[spmem:s3] =	stream.indirect.scatter.add.f32 [tilespmem:s18], [sflag:$0x3], $0x80, s26, s16, $0xb8;
	[tilespmem:$0x1F000] =	vst v63  }
0x98: {  	_ =	swait.ge [sflag:s14], $0x4000  }
0x99: {  	[sflag:s14] =	ssyncset.done $0x0  }
0x9a: {  	s28 =	simm.s32 $0x580;
	[sflag:s14] =	ssyncadd.s32 $0xFFFFC000  }
0x9b: {  	[tilespmem:s18], [sflag:$0x2] =	stream.indirect.gather [hbm4b:s2+s16], $0x80, s28, s16, $0xb8;
	[tilespmem:$0x1F000] =	vst v63  }
0x9c: {  	_ =	swait.ge [sflag:s19], $0x4000  }
0x9d: {  	[sflag:s19] =	ssyncset.done $0x0  }
0x9e: {  	s29 =	rddreg [dreg:$0xd];
	[sflag:s19] =	ssyncadd.s32 $0xFFFFC000  }
0x9f: {  	[spmem:s3] =	stream.indirect.scatter.add.f32 [tilespmem:s15], [sflag:$0x3], $0x80, s29, s16, $0xb8;
	[tilespmem:$0x1F000] =	vst v63  }
0xa0: {  	_ =	swait.ge [sflag:s14], $0x4000  }
0xa1: {  	[sflag:s14] =	ssyncset.done $0x0  }
0xa2: {  	s30 =	simm.s32 $0x600;
	[sflag:s14] =	ssyncadd.s32 $0xFFFFC000  }
0xa3: {  	[tilespmem:s15], [sflag:$0x1] =	stream.indirect.gather [hbm4b:s2+s16], $0x80, s30, s16, $0xb8;
	[tilespmem:$0x1F000] =	vst v63  }
0xa4: {  	_ =	swait.ge [sflag:s20], $0x4000  }
0xa5: {  	[sflag:s20] =	ssyncset.done $0x0  }
0xa6: {  	s31 =	rddreg [dreg:$0xe];
	[sflag:s20] =	ssyncadd.s32 $0xFFFFC000  }
0xa7: {  	[spmem:s3] =	stream.indirect.scatter.add.f32 [tilespmem:s18], [sflag:$0x3], $0x80, s31, s16, $0xb8;
	[tilespmem:$0x1F000] =	vst v63  }
0xa8: {  	_ =	swait.ge [sflag:s14], $0x4000  }
0xa9: {  	[sflag:s14] =	ssyncset.done $0x0  }
0xaa: {  	s23 =	simm.s32 $0x680;
	[sflag:s14] =	ssyncadd.s32 $0xFFFFC000  }
0xab: {  	[tilespmem:s18], [sflag:$0x2] =	stream.indirect.gather [hbm4b:s2+s16], $0x80, s23, s16, $0xb8;
	[tilespmem:$0x1F000] =	vst v63  }
0xac: {  	_ =	swait.ge [sflag:s19], $0x4000  }
0xad: {  	[sflag:s19] =	ssyncset.done $0x0  }
0xae: {  	s24 =	rddreg [dreg:$0xf];
	[sflag:s19] =	ssyncadd.s32 $0xFFFFC000  }
0xaf: {  	[spmem:s3] =	stream.indirect.scatter.add.f32 [tilespmem:s15], [sflag:$0x3], $0x80, s24, s16, $0xb8;
	[tilespmem:$0x1F000] =	vst v63  }
0xb0: {  	_ =	swait.ge [sflag:s14], $0x4000  }
0xb1: {  	[sflag:s14] =	ssyncset.done $0x0  }
0xb2: {  	s25 =	simm.s32 $0x700;
	[sflag:s14] =	ssyncadd.s32 $0xFFFFC000  }
0xb3: {  	[tilespmem:s15], [sflag:$0x1] =	stream.indirect.gather [hbm4b:s2+s16], $0x80, s25, s16, $0xb8;
	[tilespmem:$0x1F000] =	vst v63  }
0xb4: {  	_ =	swait.ge [sflag:s20], $0x4000  }
0xb5: {  	[sflag:s20] =	ssyncset.done $0x0  }
0xb6: {  	s26 =	rddreg [dreg:$0x10];
	[sflag:s20] =	ssyncadd.s32 $0xFFFFC000  }
0xb7: {  	[spmem:s3] =	stream.indirect.scatter.add.f32 [tilespmem:s18], [sflag:$0x3], $0x80, s26, s16, $0xb8;
	[tilespmem:$0x1F000] =	vst v63  }
0xb8: {  	_ =	swait.ge [sflag:s14], $0x4000  }
0xb9: {  	[sflag:s14] =	ssyncset.done $0x0  }
0xba: {  	s28 =	simm.s32 $0x780;
	[sflag:s14] =	ssyncadd.s32 $0xFFFFC000  }
0xbb: {  	[tilespmem:s18], [sflag:$0x2] =	stream.indirect.gather [hbm4b:s2+s16], $0x80, s28, s16, $0xb8;
	[tilespmem:$0x1F000] =	vst v63  }
0xbc: {  	_ =	swait.ge [sflag:s19], $0x4000  }
0xbd: {  	p0 =	por $0x1, $0x1;
	s23 =	simm.s32 $0xE;
	[sflag:s19] =	ssyncset.done $0x0  }
0xbe: {  	s23 =	simm.s32 @!p0 $0x4D;
	s29 =	rddreg [dreg:$0x11];
	[sflag:s19] =	ssyncadd.s32 $0xFFFFC000  }
0xbf: {  	[spmem:s3] =	stream.indirect.scatter.add.f32 [tilespmem:s15], [sflag:$0x3], $0x80, s29, s16, $0xb8;
	[tilespmem:$0x1F000] =	vst v63  }
0xc0: {  	s30 =	sshll.u32 s23, $0x7;
	_ =	swait.ge [sflag:s14], $0x4000  }
0xc1: {  	s22 =	sand.u32 $0x3FFFFF80, s30;
	[sflag:s14] =	ssyncset.done $0x0  }
0xc2: {  	s22 =	sadd.s32 $0x100, s22;
	[sflag:s14] =	ssyncadd.s32 $0xFFFFC000  }
0xc3: {  	[tilespmem:s15], [sflag:$0x1] =	stream.indirect.gather [hbm4b:s2+s16], $0x80, s22, s16, $0xb8;
	[tilespmem:$0x1F000] =	vst v63  }
0xc4: {  	_ =	swait.ge [sflag:s20], $0x4000  }
0xc5: {  	[sflag:s20] =	ssyncset.done $0x0  }
0xc6: {  	s23 =	simm.s32 $0x2000;
	s31 =	rddreg [dreg:$0x12];
	[sflag:s20] =	ssyncadd.s32 $0xFFFFC000  }
0xc7: {  	[spmem:s3] =	stream.indirect.scatter.add.f32 [tilespmem:s18], [sflag:$0x3], $0x80, s31, s16, $0xb8;
	[tilespmem:$0x1F000] =	vst v63  }
0xc8: {  	s24 =	smov.u32 s13;
	s22 =	simm.s32 $0xE;
	_ =	swait.ge [sflag:s14], $0x4000  }
.LBB2_4:
0xc9: {  	[sflag:s14] =	ssyncset.done $0x0  }
0xca: {  	s24 =	sadd.s32 $0x100, s24;
	[sflag:s14] =	ssyncadd.s32 $0xFFFFC000  }
0xcb: {  	[tilespmem:s17], [sflag:$0x3] =	stream.linear.gather [hbm4b:s24+s4], $0x800, $0x38;
	[tilespmem:$0x1F000] =	vst v63  }
0xcc: {  	s25 =	smov.u32 s23;
	_ =	swait.ge [sflag:s14], $0x800  }
0xcd: {  	s25 =	sshra.s32 s25, $0x2;
	[sflag:s14] =	ssyncset.done $0x0  }
0xce: {  	s26 =	sadd.s32 $0x80, s25;
	[sflag:s14] =	ssyncadd.s32 $0xFFFFF800  }
0xcf: {  	[tilespmem:s18], [sflag:$0x2] =	stream.indirect.gather [hbm4b:s2+s16], $0x80, s26, s16, $0xb8;
	[tilespmem:$0x1F000] =	vst v63  }
0xd0: {  	_ =	swait.ge [sflag:s19], $0x4000  }
0xd1: {  	[sflag:s19] =	ssyncset.done $0x0  }
0xd2: {  	[sflag:s19] =	ssyncadd.s32 $0xFFFFC000  }
0xd3: {  	[spmem:s3] =	stream.indirect.scatter.add.f32 [tilespmem:s15], [sflag:$0x3], $0x80, s17, s16, $0xb8;
	[tilespmem:$0x1F000] =	vst v63  }
0xd4: {  	_ =	swait.ge [sflag:s14], $0x4000  }
0xd5: {  	[sflag:s14] =	ssyncset.done $0x0  }
0xd6: {  	s31 =	sadd.s32 $0x100, s25;
	[sflag:s14] =	ssyncadd.s32 $0xFFFFC000  }
0xd7: {  	[tilespmem:s15], [sflag:$0x1] =	stream.indirect.gather [hbm4b:s2+s16], $0x80, s31, s16, $0xb8;
	[tilespmem:$0x1F000] =	vst v63  }
0xd8: {  	_ =	swait.ge [sflag:s20], $0x4000  }
0xd9: {  	[sflag:s20] =	ssyncset.done $0x0  }
0xda: {  	s28 =	rddreg [dreg:$0x4];
	[sflag:s20] =	ssyncadd.s32 $0xFFFFC000  }
0xdb: {  	[spmem:s3] =	stream.indirect.scatter.add.f32 [tilespmem:s18], [sflag:$0x3], $0x80, s28, s16, $0xb8;
	[tilespmem:$0x1F000] =	vst v63  }
0xdc: {  	_ =	swait.ge [sflag:s14], $0x4000  }
0xdd: {  	[sflag:s14] =	ssyncset.done $0x0  }
0xde: {  	s29 =	sadd.s32 $0x180, s25;
	[sflag:s14] =	ssyncadd.s32 $0xFFFFC000  }
0xdf: {  	[tilespmem:s18], [sflag:$0x2] =	stream.indirect.gather [hbm4b:s2+s16], $0x80, s29, s16, $0xb8;
	[tilespmem:$0x1F000] =	vst v63  }
0xe0: {  	_ =	swait.ge [sflag:s19], $0x4000  }
0xe1: {  	[sflag:s19] =	ssyncset.done $0x0  }
0xe2: {  	s30 =	rddreg [dreg:$0x5];
	[sflag:s19] =	ssyncadd.s32 $0xFFFFC000  }
0xe3: {  	[spmem:s3] =	stream.indirect.scatter.add.f32 [tilespmem:s15], [sflag:$0x3], $0x80, s30, s16, $0xb8;
	[tilespmem:$0x1F000] =	vst v63  }
0xe4: {  	_ =	swait.ge [sflag:s14], $0x4000  }
0xe5: {  	[sflag:s14] =	ssyncset.done $0x0  }
0xe6: {  	s31 =	sadd.s32 $0x200, s25;
	[sflag:s14] =	ssyncadd.s32 $0xFFFFC000  }
0xe7: {  	[tilespmem:s15], [sflag:$0x1] =	stream.indirect.gather [hbm4b:s2+s16], $0x80, s31, s16, $0xb8;
	[tilespmem:$0x1F000] =	vst v63  }
0xe8: {  	_ =	swait.ge [sflag:s20], $0x4000  }
0xe9: {  	[sflag:s20] =	ssyncset.done $0x0  }
0xea: {  	s28 =	rddreg [dreg:$0x6];
	[sflag:s20] =	ssyncadd.s32 $0xFFFFC000  }
0xeb: {  	[spmem:s3] =	stream.indirect.scatter.add.f32 [tilespmem:s18], [sflag:$0x3], $0x80, s28, s16, $0xb8;
	[tilespmem:$0x1F000] =	vst v63  }
0xec: {  	_ =	swait.ge [sflag:s14], $0x4000  }
0xed: {  	[sflag:s14] =	ssyncset.done $0x0  }
0xee: {  	s29 =	sadd.s32 $0x280, s25;
	[sflag:s14] =	ssyncadd.s32 $0xFFFFC000  }
0xef: {  	[tilespmem:s18], [sflag:$0x2] =	stream.indirect.gather [hbm4b:s2+s16], $0x80, s29, s16, $0xb8;
	[tilespmem:$0x1F000] =	vst v63  }
0xf0: {  	_ =	swait.ge [sflag:s19], $0x4000  }
0xf1: {  	[sflag:s19] =	ssyncset.done $0x0  }
0xf2: {  	s30 =	rddreg [dreg:$0x7];
	[sflag:s19] =	ssyncadd.s32 $0xFFFFC000  }
0xf3: {  	[spmem:s3] =	stream.indirect.scatter.add.f32 [tilespmem:s15], [sflag:$0x3], $0x80, s30, s16, $0xb8;
	[tilespmem:$0x1F000] =	vst v63  }
0xf4: {  	_ =	swait.ge [sflag:s14], $0x4000  }
0xf5: {  	[sflag:s14] =	ssyncset.done $0x0  }
0xf6: {  	s31 =	sadd.s32 $0x300, s25;
	[sflag:s14] =	ssyncadd.s32 $0xFFFFC000  }
0xf7: {  	[tilespmem:s15], [sflag:$0x1] =	stream.indirect.gather [hbm4b:s2+s16], $0x80, s31, s16, $0xb8;
	[tilespmem:$0x1F000] =	vst v63  }
0xf8: {  	_ =	swait.ge [sflag:s20], $0x4000  }
0xf9: {  	[sflag:s20] =	ssyncset.done $0x0  }
0xfa: {  	s28 =	rddreg [dreg:$0x8];
	[sflag:s20] =	ssyncadd.s32 $0xFFFFC000  }
0xfb: {  	[spmem:s3] =	stream.indirect.scatter.add.f32 [tilespmem:s18], [sflag:$0x3], $0x80, s28, s16, $0xb8;
	[tilespmem:$0x1F000] =	vst v63  }
0xfc: {  	_ =	swait.ge [sflag:s14], $0x4000  }
0xfd: {  	[sflag:s14] =	ssyncset.done $0x0  }
0xfe: {  	s29 =	sadd.s32 $0x380, s25;
	[sflag:s14] =	ssyncadd.s32 $0xFFFFC000  }
0xff: {  	[tilespmem:s18], [sflag:$0x2] =	stream.indirect.gather [hbm4b:s2+s16], $0x80, s29, s16, $0xb8;
	[tilespmem:$0x1F000] =	vst v63  }
0x100: {  	_ =	swait.ge [sflag:s19], $0x4000  }
0x101: {  	[sflag:s19] =	ssyncset.done $0x0  }
0x102: {  	s30 =	rddreg [dreg:$0x9];
	[sflag:s19] =	ssyncadd.s32 $0xFFFFC000  }
0x103: {  	[spmem:s3] =	stream.indirect.scatter.add.f32 [tilespmem:s15], [sflag:$0x3], $0x80, s30, s16, $0xb8;
	[tilespmem:$0x1F000] =	vst v63  }
0x104: {  	_ =	swait.ge [sflag:s14], $0x4000  }
0x105: {  	[sflag:s14] =	ssyncset.done $0x0  }
0x106: {  	s31 =	sadd.s32 $0x400, s25;
	[sflag:s14] =	ssyncadd.s32 $0xFFFFC000  }
0x107: {  	[tilespmem:s15], [sflag:$0x1] =	stream.indirect.gather [hbm4b:s2+s16], $0x80, s31, s16, $0xb8;
	[tilespmem:$0x1F000] =	vst v63  }
0x108: {  	_ =	swait.ge [sflag:s20], $0x4000  }
0x109: {  	[sflag:s20] =	ssyncset.done $0x0  }
0x10a: {  	s28 =	rddreg [dreg:$0xa];
	[sflag:s20] =	ssyncadd.s32 $0xFFFFC000  }
0x10b: {  	[spmem:s3] =	stream.indirect.scatter.add.f32 [tilespmem:s18], [sflag:$0x3], $0x80, s28, s16, $0xb8;
	[tilespmem:$0x1F000] =	vst v63  }
0x10c: {  	_ =	swait.ge [sflag:s14], $0x4000  }
0x10d: {  	[sflag:s14] =	ssyncset.done $0x0  }
0x10e: {  	s29 =	sadd.s32 $0x480, s25;
	[sflag:s14] =	ssyncadd.s32 $0xFFFFC000  }
0x10f: {  	[tilespmem:s18], [sflag:$0x2] =	stream.indirect.gather [hbm4b:s2+s16], $0x80, s29, s16, $0xb8;
	[tilespmem:$0x1F000] =	vst v63  }
0x110: {  	_ =	swait.ge [sflag:s19], $0x4000  }
0x111: {  	[sflag:s19] =	ssyncset.done $0x0  }
0x112: {  	s30 =	rddreg [dreg:$0xb];
	[sflag:s19] =	ssyncadd.s32 $0xFFFFC000  }
0x113: {  	[spmem:s3] =	stream.indirect.scatter.add.f32 [tilespmem:s15], [sflag:$0x3], $0x80, s30, s16, $0xb8;
	[tilespmem:$0x1F000] =	vst v63  }
0x114: {  	_ =	swait.ge [sflag:s14], $0x4000  }
0x115: {  	[sflag:s14] =	ssyncset.done $0x0  }
0x116: {  	s31 =	sadd.s32 $0x500, s25;
	[sflag:s14] =	ssyncadd.s32 $0xFFFFC000  }
0x117: {  	[tilespmem:s15], [sflag:$0x1] =	stream.indirect.gather [hbm4b:s2+s16], $0x80, s31, s16, $0xb8;
	[tilespmem:$0x1F000] =	vst v63  }
0x118: {  	_ =	swait.ge [sflag:s20], $0x4000  }
0x119: {  	[sflag:s20] =	ssyncset.done $0x0  }
0x11a: {  	s28 =	rddreg [dreg:$0xc];
	[sflag:s20] =	ssyncadd.s32 $0xFFFFC000  }
0x11b: {  	[spmem:s3] =	stream.indirect.scatter.add.f32 [tilespmem:s18], [sflag:$0x3], $0x80, s28, s16, $0xb8;
	[tilespmem:$0x1F000] =	vst v63  }
0x11c: {  	_ =	swait.ge [sflag:s14], $0x4000  }
0x11d: {  	[sflag:s14] =	ssyncset.done $0x0  }
0x11e: {  	s29 =	sadd.s32 $0x580, s25;
	[sflag:s14] =	ssyncadd.s32 $0xFFFFC000  }
0x11f: {  	[tilespmem:s18], [sflag:$0x2] =	stream.indirect.gather [hbm4b:s2+s16], $0x80, s29, s16, $0xb8;
	[tilespmem:$0x1F000] =	vst v63  }
0x120: {  	_ =	swait.ge [sflag:s19], $0x4000  }
0x121: {  	[sflag:s19] =	ssyncset.done $0x0  }
0x122: {  	s30 =	rddreg [dreg:$0xd];
	[sflag:s19] =	ssyncadd.s32 $0xFFFFC000  }
0x123: {  	[spmem:s3] =	stream.indirect.scatter.add.f32 [tilespmem:s15], [sflag:$0x3], $0x80, s30, s16, $0xb8;
	[tilespmem:$0x1F000] =	vst v63  }
0x124: {  	_ =	swait.ge [sflag:s14], $0x4000  }
0x125: {  	[sflag:s14] =	ssyncset.done $0x0  }
0x126: {  	s31 =	sadd.s32 $0x600, s25;
	[sflag:s14] =	ssyncadd.s32 $0xFFFFC000  }
0x127: {  	[tilespmem:s15], [sflag:$0x1] =	stream.indirect.gather [hbm4b:s2+s16], $0x80, s31, s16, $0xb8;
	[tilespmem:$0x1F000] =	vst v63  }
0x128: {  	_ =	swait.ge [sflag:s20], $0x4000  }
0x129: {  	[sflag:s20] =	ssyncset.done $0x0  }
0x12a: {  	s28 =	rddreg [dreg:$0xe];
	[sflag:s20] =	ssyncadd.s32 $0xFFFFC000  }
0x12b: {  	[spmem:s3] =	stream.indirect.scatter.add.f32 [tilespmem:s18], [sflag:$0x3], $0x80, s28, s16, $0xb8;
	[tilespmem:$0x1F000] =	vst v63  }
0x12c: {  	_ =	swait.ge [sflag:s14], $0x4000  }
0x12d: {  	[sflag:s14] =	ssyncset.done $0x0  }
0x12e: {  	s29 =	sadd.s32 $0x680, s25;
	[sflag:s14] =	ssyncadd.s32 $0xFFFFC000  }
0x12f: {  	[tilespmem:s18], [sflag:$0x2] =	stream.indirect.gather [hbm4b:s2+s16], $0x80, s29, s16, $0xb8;
	[tilespmem:$0x1F000] =	vst v63  }
0x130: {  	_ =	swait.ge [sflag:s19], $0x4000  }
0x131: {  	[sflag:s19] =	ssyncset.done $0x0  }
0x132: {  	s30 =	rddreg [dreg:$0xf];
	[sflag:s19] =	ssyncadd.s32 $0xFFFFC000  }
0x133: {  	[spmem:s3] =	stream.indirect.scatter.add.f32 [tilespmem:s15], [sflag:$0x3], $0x80, s30, s16, $0xb8;
	[tilespmem:$0x1F000] =	vst v63  }
0x134: {  	_ =	swait.ge [sflag:s14], $0x4000  }
0x135: {  	[sflag:s14] =	ssyncset.done $0x0  }
0x136: {  	s31 =	sadd.s32 $0x700, s25;
	[sflag:s14] =	ssyncadd.s32 $0xFFFFC000  }
0x137: {  	[tilespmem:s15], [sflag:$0x1] =	stream.indirect.gather [hbm4b:s2+s16], $0x80, s31, s16, $0xb8;
	[tilespmem:$0x1F000] =	vst v63  }
0x138: {  	_ =	swait.ge [sflag:s20], $0x4000  }
0x139: {  	[sflag:s20] =	ssyncset.done $0x0  }
0x13a: {  	s28 =	rddreg [dreg:$0x10];
	[sflag:s20] =	ssyncadd.s32 $0xFFFFC000  }
0x13b: {  	[spmem:s3] =	stream.indirect.scatter.add.f32 [tilespmem:s18], [sflag:$0x3], $0x80, s28, s16, $0xb8;
	[tilespmem:$0x1F000] =	vst v63  }
0x13c: {  	_ =	swait.ge [sflag:s14], $0x4000  }
0x13d: {  	[sflag:s14] =	ssyncset.done $0x0  }
0x13e: {  	s25 =	sadd.s32 $0x780, s25;
	[sflag:s14] =	ssyncadd.s32 $0xFFFFC000  }
0x13f: {  	[tilespmem:s18], [sflag:$0x2] =	stream.indirect.gather [hbm4b:s2+s16], $0x80, s25, s16, $0xb8;
	[tilespmem:$0x1F000] =	vst v63  }
0x140: {  	s22 =	sadd.s32 $0x10, s22;
	_ =	swait.ge [sflag:s19], $0x4000  }
0x141: {  	p1 =	slt.s32 s22, $0x4D;
	s26 =	smov.u32 s22;
	[sflag:s19] =	ssyncset.done $0x0  }
0x142: {  	s26 =	simm.s32 @!p1 $0x4D;
	s29 =	rddreg [dreg:$0x11];
	[sflag:s19] =	ssyncadd.s32 $0xFFFFC000  }
0x143: {  	[spmem:s3] =	stream.indirect.scatter.add.f32 [tilespmem:s15], [sflag:$0x3], $0x80, s29, s16, $0xb8;
	[tilespmem:$0x1F000] =	vst v63  }
0x144: {  	s30 =	sshll.u32 s26, $0x7;
	_ =	swait.ge [sflag:s14], $0x4000  }
0x145: {  	s25 =	sand.u32 $0x3FFFFF80, s30;
	[sflag:s14] =	ssyncset.done $0x0  }
0x146: {  	p0 =	sne.s32 s23, $0x8000;
	s25 =	sadd.s32 $0x100, s25;
	[sflag:s14] =	ssyncadd.s32 $0xFFFFC000  }
0x147: {  	[tilespmem:s15], [sflag:$0x1] =	stream.indirect.gather [hbm4b:s2+s16], $0x80, s25, s16, $0xb8;
	[tilespmem:$0x1F000] =	vst v63  }
.Ltmp1:
0x148: {  	_ =	swait.ge [sflag:s20], $0x4000;
	(pc) =	sbr.rel @p0 .LBB2_4-.Ltmp1, $4  }
0x149: {  	[sflag:s20] =	ssyncset.done $0x0  }
0x14a: {  	s31 =	rddreg [dreg:$0x12];
	[sflag:s20] =	ssyncadd.s32 $0xFFFFC000  }
0x14b: {  	[spmem:s3] =	stream.indirect.scatter.add.f32 [tilespmem:s18], [sflag:$0x3], $0x80, s31, s16, $0xb8;
	[tilespmem:$0x1F000] =	vst v63  }
0x14c: {  	s23 =	sadd.s32 $0x2000, s23;
	_ =	swait.ge [sflag:s14], $0x4000  }
0x14d: {  	[sflag:s14] =	ssyncset.done $0x0  }
0x14e: {  	[sflag:s14] =	ssyncadd.s32 $0xFFFFC000  }
0x14f: {  	_ =	swait.ge [sflag:s19], $0x4000  }
0x150: {  	s22 =	sshll.u32 s0, $0x6;
	s21 =	sadd.s32 $0x1, s21;
	[sflag:s19] =	ssyncset.done $0x0  }
0x151: {  	s23 =	sshrl.u32 s6, $0x3;
	p0 =	sne.s32 s21, s12;
	[sflag:s19] =	ssyncadd.s32 $0xFFFFC000  }
.Ltmp2:
0x152: {  	s22 =	sor.u32 $0x1C03, s22;
	[bflag:$0x0] =	sbarrier.arrive $0xFFFF;
	(pc) =	sbr.rel @p0 .LBB2_1-.Ltmp2, $4  }
0x153: {  	[hbm:s11], [sflag:s22] =	dma.local [spmem:s23], $0x2800  }
0x154: {  	_ =	swait.ge [sflag:s14], $0x2800  }
0x155: {  	[sflag:s14] =	ssyncset.done $0x0  }
0x156: {  	[sflag:s14] =	ssyncadd.s32 $0xFFFFD800  }
0x157: {  	_ =	sfence.sel $0x180000  }
0x158: {  	[bflag:$0x0] =	sbarrier.arrive $0xFFFF  }
0x159: {  	p0 =	sne.s32 s0, $0x0;
	_ =	strace $0x90000050  }
0x15a: {  	s0 =	sadd.s32 @!p0 $0x100000, s1;
	[bflag:$0x2] =	sbarrier.arrive $0xFFFF  }
0x15b: {  	[sflag:s0] =	ssyncadd.tile.s32 @!p0 $0x1;
	_ =	shalt  }
.Lfunc_end2:
_tile_overlayer_lowered:
.L_overlay_start_2:
0x15c: {  	(tag) =	ssettag $0x2  }
0x15d: {  	s0 =	rddreg [dreg:$0x0];
	s2 =	stileid.u32  }
0x15e: {  	s1 =	rddreg [dreg:$0x1];
	p0 =	sne.s32 s2, $0x0  }
0x15f: {  	s3 =	rddreg [dreg:$0x2];
	[bflag:$0x3] =	sbarrier.arrive $0xFFFF;
	s2 =	simm.s32 @!p0 $0x1C03  }
0x160: {  	[timem:s3], [sflag:s2] =	dma.local @!p0 [hbm:s0], s1  }
0x161: {  	s0 =	simm.s32 @!p0 $0x3  }
0x162: {  	_ =	swait.ge @!p0 [sflag:s0], s1  }
0x163: {  	s1 =	ssub.s32 @!p0 $0x0, s1;
	[sflag:s0] =	ssyncset.done @!p0 $0x0  }
0x164: {  	[sflag:s0] =	ssyncadd.s32 @!p0 s1  }
0x165: {  	[bflag:$0x3] =	sbarrier.arrive $0xFFFF  }
0x166: {  	_ =	shalt  }

</sc_bundles>
